<compile_context>
chip_gen: v7x
topology: tpu7x:2x2x1
jax: 0.10.2.dev20260603
libtpu: 0.0.44.dev20260713+nightly
codegen_flags: <defaults>
</compile_context>

<pallas_src>
import functools

import jax
import jax.numpy as jnp
from jax import lax
from jax.experimental import pallas as pl
from jax.experimental.pallas import tpu as pltpu
from jax.experimental.pallas import tpu_sc as plsc

N = 10000
E = 160000
D_IN = 256
H1, H2, H3 = 100, 32, 40
HP = 128
NV = HP // 16

BN = 1000
C = 96
NTILES = 32
ROUNDS = -(-(E + N) // (C * NTILES))
EPAD = ROUNDS * C * NTILES
PADN = 112
NACC = N + PADN
ZROWS = NACC // 16
OROWS = 632
OLAST = N - 15 * OROWS



def _tc_first_body(x_ref, w_ref, att_ref, hw_ref, ed_ref, *, h):
    i = pl.program_id(0)
    hh = jnp.dot(x_ref[...], w_ref[...], preferred_element_type=jnp.float32)
    col = lax.broadcasted_iota(jnp.int32, (BN, HP), 1)
    esrc = jnp.sum(hh * att_ref[0:1, :], axis=1, keepdims=True)
    hw_ref[...] = (hh + (col == h).astype(jnp.float32)
                   + esrc * (col == h + 1).astype(jnp.float32))
    ed_ref[i, :] = jnp.sum(hh * att_ref[1:2, :], axis=1)


def _tc_mid_body(acc_ref, b_ref, w_ref, att_ref, hw_ref, ed_ref, *, hprev, h):
    i = pl.program_id(0)
    s = acc_ref[0] + acc_ref[1]
    col = lax.broadcasted_iota(jnp.int32, (BN, HP), 1)
    den = jnp.sum(jnp.where(col == hprev, s, 0.0), axis=1, keepdims=True)
    z = s / (den + 1e-16) + b_ref[0:1, :]
    f = jnp.where(z > 0, z, jnp.exp(jnp.minimum(z, 0.0)) - 1.0)
    f = jnp.where(col < hprev, f, 0.0)
    hh = jnp.dot(f, w_ref[...], preferred_element_type=jnp.float32)
    esrc = jnp.sum(hh * att_ref[0:1, :], axis=1, keepdims=True)
    hw_ref[...] = (hh + (col == h).astype(jnp.float32)
                   + esrc * (col == h + 1).astype(jnp.float32))
    ed_ref[i, :] = jnp.sum(hh * att_ref[1:2, :], axis=1)


def _tc_final_body(acc_ref, b_ref, out_ref, *, hprev):
    s = acc_ref[0] + acc_ref[1]
    col = lax.broadcasted_iota(jnp.int32, (BN, HP), 1)
    den = jnp.sum(jnp.where(col == hprev, s, 0.0), axis=1, keepdims=True)
    z = s / (den + 1e-16) + b_ref[0:1, :]
    zm = jnp.where(col < hprev, z, -3e38)
    m = jnp.max(zm, axis=1, keepdims=True)
    e = jnp.exp(zm - m)
    out_ref[...] = (e / jnp.sum(e, axis=1, keepdims=True))[:, :hprev]


def _call_tc_first(x, w, att, h):
    return pl.pallas_call(
        functools.partial(_tc_first_body, h=h),
        grid=(N // BN,),
        in_specs=[
            pl.BlockSpec((BN, D_IN), lambda i: (i, 0)),
            pl.BlockSpec((D_IN, HP), lambda i: (0, 0)),
            pl.BlockSpec((8, HP), lambda i: (0, 0)),
        ],
        out_specs=[
            pl.BlockSpec((BN, HP), lambda i: (i, 0)),
            pl.BlockSpec((N // BN, BN), lambda i: (0, 0)),
        ],
        out_shape=[
            jax.ShapeDtypeStruct((N, HP), jnp.float32),
            jax.ShapeDtypeStruct((N // BN, BN), jnp.float32),
        ],
    )(x, w, att)


def _call_tc_mid(acc, b, w, att, hprev, h):
    return pl.pallas_call(
        functools.partial(_tc_mid_body, hprev=hprev, h=h),
        grid=(N // BN,),
        in_specs=[
            pl.BlockSpec((2, BN, HP), lambda i: (0, i, 0)),
            pl.BlockSpec((8, HP), lambda i: (0, 0)),
            pl.BlockSpec((HP, HP), lambda i: (0, 0)),
            pl.BlockSpec((8, HP), lambda i: (0, 0)),
        ],
        out_specs=[
            pl.BlockSpec((BN, HP), lambda i: (i, 0)),
            pl.BlockSpec((N // BN, BN), lambda i: (0, 0)),
        ],
        out_shape=[
            jax.ShapeDtypeStruct((N, HP), jnp.float32),
            jax.ShapeDtypeStruct((N // BN, BN), jnp.float32),
        ],
    )(acc, b, w, att)


def _call_tc_final(acc, b, hprev):
    return pl.pallas_call(
        functools.partial(_tc_final_body, hprev=hprev),
        grid=(N // BN,),
        in_specs=[
            pl.BlockSpec((2, BN, HP), lambda i: (0, i, 0)),
            pl.BlockSpec((8, HP), lambda i: (0, 0)),
        ],
        out_specs=pl.BlockSpec((BN, hprev), lambda i: (i, 0)),
        out_shape=jax.ShapeDtypeStruct((N, hprev), jnp.float32),
    )(acc, b)



def _make_edge_kernel(ecol):
    mesh = plsc.VectorSubcoreMesh(core_axis_name="c", subcore_axis_name="s")
    nsl = -(-ecol // 16)

    @functools.partial(
        pl.kernel,
        mesh=mesh,
        compiler_params=pltpu.CompilerParams(needs_layout_passes=False),
        out_type=jax.ShapeDtypeStruct((2, N, HP), jnp.float32),
        scratch_types=[
            pltpu.VMEM((ROUNDS, C), jnp.int32),
            pltpu.VMEM((ROUNDS, C), jnp.int32),
            pltpu.VMEM((NACC,), jnp.float32),
            pltpu.VMEM((C, HP), jnp.float32),
            pltpu.VMEM((C, HP), jnp.float32),
            pltpu.VMEM((C,), jnp.float32),
            pltpu.VMEM_SHARED((NACC, HP), jnp.float32),
            pltpu.SemaphoreType.DMA,
            pltpu.SemaphoreType.DMA,
        ],
    )
    def edge_kernel(hw_hbm, ed_hbm, src_hbm, dst_hbm, out_hbm,
                    src_v, dst_v, ed_v, rows0, rows1, w_v, acc,
                    sem0, sem1):
        cid = lax.axis_index("c")
        sid = lax.axis_index("s")
        gw = cid * 16 + sid

        cp_src = pltpu.async_copy(src_hbm.at[gw], src_v, sem0)
        cp_dst = pltpu.async_copy(dst_hbm.at[gw], dst_v, sem1)

        zero16 = jnp.zeros((16,), jnp.float32)

        @pl.loop(0, C)
        def _(i):
            for j in range(NV):
                rows0[i, pl.ds(j * 16, 16)] = zero16

        zbase = sid * ZROWS
        nfull, zrem = ZROWS // C, ZROWS % C
        for k in range(nfull):
            pltpu.sync_copy(rows0.at[pl.ds(0, C)],
                            acc.at[pl.ds(zbase + k * C, C)])
        if zrem:
            pltpu.sync_copy(rows0.at[pl.ds(0, zrem)],
                            acc.at[pl.ds(zbase + nfull * C, zrem)])

        pltpu.sync_copy(ed_hbm, ed_v.at[pl.ds(0, N)])
        for j in range(PADN // 16):
            ed_v[pl.ds(N + j * 16, 16)] = zero16

        cp_src.wait()
        cp_dst.wait()
        plsc.subcore_barrier()

        def compute_scatter(r, buf):
            for g in range(C // 16):
                riv = jnp.arange(16, dtype=jnp.int32) + (g * 16)
                civ = jnp.full((16,), ecol, jnp.int32)
                es = plsc.load_gather(buf, [riv, civ])
                dv = dst_v[r, pl.ds(g * 16, 16)]
                ed = plsc.load_gather(ed_v, [dv])
                t = es + ed
                t = jnp.where(t > 0, t, 0.2 * t)
                w_v[pl.ds(g * 16, 16)] = jnp.exp(t)

            @pl.loop(0, C)
            def _(i):
                wv = plsc.load_gather(w_v, [jnp.zeros((16,), jnp.int32) + i])
                for j in range(nsl):
                    sl = pl.ds(j * 16, 16)
                    buf[i, sl] = buf[i, sl] * wv

            pltpu.sync_copy(buf, acc.at[dst_v.at[r]], add=True)

        pltpu.async_copy(hw_hbm.at[src_v.at[0]], rows0, sem0)

        @pl.loop(0, ROUNDS, step=2)
        def _(r):
            cp1 = pltpu.async_copy(hw_hbm.at[src_v.at[r + 1]], rows1, sem1)
            pltpu.make_async_copy(hw_hbm.at[src_v.at[r]], rows0, sem0).wait()
            compute_scatter(r, rows0)

            @pl.when(r + 2 < ROUNDS)
            def _():
                pltpu.async_copy(hw_hbm.at[src_v.at[r + 2]], rows0, sem0)

            cp1.wait()
            compute_scatter(r + 1, rows1)

        plsc.subcore_barrier()
        ob = sid * OROWS

        @pl.when(sid < 15)
        def _():
            pltpu.sync_copy(acc.at[pl.ds(ob, OROWS)],
                            out_hbm.at[cid, pl.ds(ob, OROWS)])

        @pl.when(sid == 15)
        def _():
            pltpu.sync_copy(acc.at[pl.ds(15 * OROWS, OLAST)],
                            out_hbm.at[cid, pl.ds(15 * OROWS, OLAST)])

    return edge_kernel


_edge_cache = {}


def _edge_k(ecol):
    k = _edge_cache.get(ecol)
    if k is None:
        k = _make_edge_kernel(ecol)
        _edge_cache[ecol] = k
    return k


def _pad2(a, r, c):
    return jnp.pad(a, ((0, r - a.shape[0]), (0, c - a.shape[1])))


def _att8(a_s, a_d):
    z = jnp.zeros((8, HP), jnp.float32)
    z = z.at[0, : a_s.shape[0]].set(a_s)
    return z.at[1, : a_d.shape[0]].set(a_d)


def _b8(b):
    return jnp.zeros((8, HP), jnp.float32).at[0, : b.shape[0]].set(b)


def kernel(x, edge_index, W1, as1, ad1, b1, W2, as2, ad2, b2, W3, as3, ad3, b3):
    ei = edge_index.astype(jnp.int32)
    loop_idx = jnp.arange(N, dtype=jnp.int32)
    npad = EPAD - (E + N)
    pad_src = jnp.arange(npad, dtype=jnp.int32) % 32
    pad_dst = N + (jnp.arange(npad, dtype=jnp.int32) % PADN)
    srcp = jnp.concatenate([ei[0], loop_idx, pad_src]).reshape(NTILES, ROUNDS, C)
    dstp = jnp.concatenate([ei[1], loop_idx, pad_dst]).reshape(NTILES, ROUNDS, C)

    w1p = _pad2(W1, D_IN, HP)
    w2p = _pad2(W2, HP, HP)
    w3p = _pad2(W3, HP, HP)

    hw1, ed1 = _call_tc_first(x, w1p, _att8(as1, ad1), H1)
    acc1 = _edge_k(H1 + 1)(hw1, ed1.reshape(N), srcp, dstp)
    hw2, ed2 = _call_tc_mid(acc1, _b8(b1), w2p, _att8(as2, ad2), H1, H2)
    acc2 = _edge_k(H2 + 1)(hw2, ed2.reshape(N), srcp, dstp)
    hw3, ed3 = _call_tc_mid(acc2, _b8(b2), w3p, _att8(as3, ad3), H2, H3)
    acc3 = _edge_k(H3 + 1)(hw3, ed3.reshape(N), srcp, dstp)
    return _call_tc_final(acc3, _b8(b3), H3)

# --- scband reference (transcript-rebuilt; emitter-appended) ---
"""Pipeline reference for scband-net-13683765805593 (READ-ONLY COPY).

The authoritative reference and input builder live on the scoring server;
editing this copy changes nothing except your own understanding.
"""

import jax, jax.numpy as jnp
import numpy as np

N = 10000
E = 160000
D_IN = 256
H1 = 100
H2 = 32
D_OUT = 40


def setup_inputs(seed: int = 0) -> dict:
    key = jax.random.key(seed)
    ks = jax.random.split(key, 14)
    x = jax.random.normal(ks[0], (N, D_IN), dtype=jnp.float32)
    edge_index = jax.random.randint(ks[1], (2, E), 0, N, dtype=jnp.int64)

    def lin(k, fan_in, fan_out):
        return jax.random.normal(k, (fan_in, fan_out), dtype=jnp.float32) * (1.0 / np.sqrt(fan_in))

    def att(k, d):
        return jax.random.normal(k, (d,), dtype=jnp.float32) * (1.0 / np.sqrt(d))

    return {
        "x": x,
        "edge_index": edge_index,
        "W1": lin(ks[2], D_IN, H1), "as1": att(ks[3], H1), "ad1": att(ks[4], H1), "b1": jnp.zeros((H1,), jnp.float32),
        "W2": lin(ks[5], H1, H2), "as2": att(ks[6], H2), "ad2": att(ks[7], H2), "b2": jnp.zeros((H2,), jnp.float32),
        "W3": lin(ks[8], H2, D_OUT), "as3": att(ks[9], D_OUT), "ad3": att(ks[10], D_OUT), "b3": jnp.zeros((D_OUT,), jnp.float32),
    }


def _gat_conv(x, ei, W, a_src, a_dst, b):
    # PyG GATConv, heads=1, eval mode (dropout inactive)
    src, dst = ei[0], ei[1]
    h = x @ W  # [N, out]
    e_src = (h * a_src).sum(-1)  # [N]
    e_dst = (h * a_dst).sum(-1)  # [N]
    e = jax.nn.leaky_relu(e_src[src] + e_dst[dst], negative_slope=0.2)  # [E']
    # softmax over incoming edges per destination node
    e_max = jax.ops.segment_max(e, dst, num_segments=N)
    ex = jnp.exp(e - e_max[dst])
    denom = jax.ops.segment_sum(ex, dst, num_segments=N)
    alpha = ex / (denom[dst] + 1e-16)
    out = jax.ops.segment_sum(h[src] * alpha[:, None], dst, num_segments=N)
    return out + b


def reference(x, edge_index, W1, as1, ad1, b1, W2, as2, ad2, b2, W3, as3, ad3, b3):
    # add self loops (GATConv default add_self_loops=True)
    loop = jnp.arange(N, dtype=edge_index.dtype)
    ei = jnp.concatenate([edge_index, jnp.stack([loop, loop])], axis=1)
    h = jax.nn.elu(_gat_conv(x, ei, W1, as1, ad1, b1))
    h = jax.nn.elu(_gat_conv(h, ei, W2, as2, ad2, b2))
    h = _gat_conv(h, ei, W3, as3, ad3, b3)
    return jax.nn.softmax(h, axis=-1)

if __name__ == "__main__":
    import jax
    _d = setup_inputs()
    print(jax.jit(kernel)(*tuple(_d.values())))

</pallas_src>

<mosaic_0001>
#map = affine_map<(d0, d1) -> (0, 0)>
#map1 = affine_map<(d0, d1) -> (0)>
#map2 = affine_map<(d0, d1) -> (0, 0, 0)>
module attributes {stable_mosaic.version = 14 : i64} {
  func.func @edge_kernel(%arg0: i32, %arg1: i32, %arg2: memref<10000x128xf32, #tpu.memory_space<hbm>>, %arg3: memref<10000xf32, #tpu.memory_space<hbm>>, %arg4: memref<32x56x96xi32, #tpu.memory_space<hbm>>, %arg5: memref<32x56x96xi32, #tpu.memory_space<hbm>>, %arg6: memref<2x10000x128xf32, #tpu.memory_space<hbm>>, %arg7: memref<56x96xi32, #tpu.memory_space<vmem>>, %arg8: memref<56x96xi32, #tpu.memory_space<vmem>>, %arg9: memref<10112xf32, #tpu.memory_space<vmem>>, %arg10: memref<96x128xf32, #tpu.memory_space<vmem>>, %arg11: memref<96x128xf32, #tpu.memory_space<vmem>>, %arg12: memref<96xf32, #tpu.memory_space<vmem>>, %arg13: memref<10112x128xf32, #tpu.memory_space<vmem_shared>>, %arg14: memref<!tpu.dma_semaphore, #tpu.memory_space<semaphore_mem>>, %arg15: memref<!tpu.dma_semaphore, #tpu.memory_space<semaphore_mem>>) attributes {dimension_semantics = [#tpu.dimension_semantics<core_parallel>, #tpu.dimension_semantics<subcore_parallel>], iteration_bounds = array<i64: 2, 16>, scalar_prefetch = 0 : i64, scratch_operands = 9 : i64, tpu.core_type = #tpu.core_type<sc_vector_subcore>, window_params = [{transform_indices = #map}, {transform_indices = #map1}, {transform_indices = #map2}, {transform_indices = #map2}, {transform_indices = #map2}]} {
    %mul3A = arith.constant 16 : i32
    %mul3A_0 = arith.muli %arg0, %mul3A : i32
    %add3A = arith.addi %mul3A_0, %arg1 : i32
    %dma_start3A = arith.constant 0 : i32
    %dma_start3A_1 = arith.constant 0 : i32
    %dma_start3A_2 = tpu.memref_slice %arg4[%add3A, %dma_start3A, %dma_start3A_1] : memref<32x56x96xi32, #tpu.memory_space<hbm>> -> memref<1x56x96xi32, #tpu.memory_space<hbm>>
    %dma_start3A_3 = tpu.memref_squeeze %dma_start3A_2 : memref<1x56x96xi32, #tpu.memory_space<hbm>> -> memref<56x96xi32, #tpu.memory_space<hbm>>
    %dma_start3A_4 = arith.constant 0 : i32
    %dma_start3A_5 = arith.constant 0 : i32
    %dma_start3A_6 = tpu.memref_slice %arg4[%add3A, %dma_start3A_4, %dma_start3A_5] : memref<32x56x96xi32, #tpu.memory_space<hbm>> -> memref<1x56x96xi32, #tpu.memory_space<hbm>>
    %dma_start3A_7 = tpu.memref_squeeze %dma_start3A_6 : memref<1x56x96xi32, #tpu.memory_space<hbm>> -> memref<56x96xi32, #tpu.memory_space<hbm>>
    tpu.enqueue_dma source(%dma_start3A_7 : memref<56x96xi32, #tpu.memory_space<hbm>>) target(%arg7 : memref<56x96xi32, #tpu.memory_space<vmem>>) target_semaphore(%arg14 : memref<!tpu.dma_semaphore, #tpu.memory_space<semaphore_mem>>)
    %dma_start3A_8 = arith.constant 0 : i32
    %dma_start3A_9 = arith.constant 0 : i32
    %dma_start3A_10 = tpu.memref_slice %arg5[%add3A, %dma_start3A_8, %dma_start3A_9] : memref<32x56x96xi32, #tpu.memory_space<hbm>> -> memref<1x56x96xi32, #tpu.memory_space<hbm>>
    %dma_start3A_11 = tpu.memref_squeeze %dma_start3A_10 : memref<1x56x96xi32, #tpu.memory_space<hbm>> -> memref<56x96xi32, #tpu.memory_space<hbm>>
    %dma_start3A_12 = arith.constant 0 : i32
    %dma_start3A_13 = arith.constant 0 : i32
    %dma_start3A_14 = tpu.memref_slice %arg5[%add3A, %dma_start3A_12, %dma_start3A_13] : memref<32x56x96xi32, #tpu.memory_space<hbm>> -> memref<1x56x96xi32, #tpu.memory_space<hbm>>
    %dma_start3A_15 = tpu.memref_squeeze %dma_start3A_14 : memref<1x56x96xi32, #tpu.memory_space<hbm>> -> memref<56x96xi32, #tpu.memory_space<hbm>>
    tpu.enqueue_dma source(%dma_start3A_15 : memref<56x96xi32, #tpu.memory_space<hbm>>) target(%arg8 : memref<56x96xi32, #tpu.memory_space<vmem>>) target_semaphore(%arg15 : memref<!tpu.dma_semaphore, #tpu.memory_space<semaphore_mem>>)
    %broadcast_in_dim3A = arith.constant 0.000000e+00 : f32
    %broadcast_in_dim3A_16 = vector.broadcast %broadcast_in_dim3A : f32 to vector<16xf32>
    %scan3A = arith.constant 0 : i32
    %scan3A_17 = arith.constant 96 : i32
    %scan3A_18 = arith.addi %scan3A, %scan3A_17 : i32
    %scan3A_19 = arith.constant 1 : i32
    scf.for %scan3A_86 = %scan3A to %scan3A_18 step %scan3A_19  : i32 {
      %mul3A_87 = arith.constant 1 : i32
      %mul3A_88 = arith.muli %scan3A_86, %mul3A_87 : i32
      %add3A_89 = arith.constant 0 : i32
      %add3A_90 = arith.addi %add3A_89, %mul3A_88 : i32
      %swap3A_91 = arith.index_cast %add3A_90 : i32 to index
      %swap3A_92 = arith.constant 0 : index
      %swap3A_93 = tpu.vector_load %arg10[%swap3A_91, %swap3A_92] {strides = array<i32>} : memref<96x128xf32, #tpu.memory_space<vmem>>, vector<16xf32>,
      tpu.vector_store %arg10[%swap3A_91, %swap3A_92], %broadcast_in_dim3A_16 {strides = array<i32>} : memref<96x128xf32, #tpu.memory_space<vmem>>, vector<16xf32>,
      %swap3A_94 = arith.index_cast %add3A_90 : i32 to index
      %swap3A_95 = arith.constant 16 : index
      %swap3A_96 = tpu.vector_load %arg10[%swap3A_94, %swap3A_95] {strides = array<i32>} : memref<96x128xf32, #tpu.memory_space<vmem>>, vector<16xf32>,
      tpu.vector_store %arg10[%swap3A_94, %swap3A_95], %broadcast_in_dim3A_16 {strides = array<i32>} : memref<96x128xf32, #tpu.memory_space<vmem>>, vector<16xf32>,
      %swap3A_97 = arith.index_cast %add3A_90 : i32 to index
      %swap3A_98 = arith.constant 32 : index
      %swap3A_99 = tpu.vector_load %arg10[%swap3A_97, %swap3A_98] {strides = array<i32>} : memref<96x128xf32, #tpu.memory_space<vmem>>, vector<16xf32>,
      tpu.vector_store %arg10[%swap3A_97, %swap3A_98], %broadcast_in_dim3A_16 {strides = array<i32>} : memref<96x128xf32, #tpu.memory_space<vmem>>, vector<16xf32>,
      %swap3A_100 = arith.index_cast %add3A_90 : i32 to index
      %swap3A_101 = arith.constant 48 : index
      %swap3A_102 = tpu.vector_load %arg10[%swap3A_100, %swap3A_101] {strides = array<i32>} : memref<96x128xf32, #tpu.memory_space<vmem>>, vector<16xf32>,
      tpu.vector_store %arg10[%swap3A_100, %swap3A_101], %broadcast_in_dim3A_16 {strides = array<i32>} : memref<96x128xf32, #tpu.memory_space<vmem>>, vector<16xf32>,
      %swap3A_103 = arith.index_cast %add3A_90 : i32 to index
      %swap3A_104 = arith.constant 64 : index
      %swap3A_105 = tpu.vector_load %arg10[%swap3A_103, %swap3A_104] {strides = array<i32>} : memref<96x128xf32, #tpu.memory_space<vmem>>, vector<16xf32>,
      tpu.vector_store %arg10[%swap3A_103, %swap3A_104], %broadcast_in_dim3A_16 {strides = array<i32>} : memref<96x128xf32, #tpu.memory_space<vmem>>, vector<16xf32>,
      %swap3A_106 = arith.index_cast %add3A_90 : i32 to index
      %swap3A_107 = arith.constant 80 : index
      %swap3A_108 = tpu.vector_load %arg10[%swap3A_106, %swap3A_107] {strides = array<i32>} : memref<96x128xf32, #tpu.memory_space<vmem>>, vector<16xf32>,
      tpu.vector_store %arg10[%swap3A_106, %swap3A_107], %broadcast_in_dim3A_16 {strides = array<i32>} : memref<96x128xf32, #tpu.memory_space<vmem>>, vector<16xf32>,
      %swap3A_109 = arith.index_cast %add3A_90 : i32 to index
      %swap3A_110 = arith.constant 96 : index
      %swap3A_111 = tpu.vector_load %arg10[%swap3A_109, %swap3A_110] {strides = array<i32>} : memref<96x128xf32, #tpu.memory_space<vmem>>, vector<16xf32>,
      tpu.vector_store %arg10[%swap3A_109, %swap3A_110], %broadcast_in_dim3A_16 {strides = array<i32>} : memref<96x128xf32, #tpu.memory_space<vmem>>, vector<16xf32>,
      %swap3A_112 = arith.index_cast %add3A_90 : i32 to index
      %swap3A_113 = arith.constant 112 : index
      %swap3A_114 = tpu.vector_load %arg10[%swap3A_112, %swap3A_113] {strides = array<i32>} : memref<96x128xf32, #tpu.memory_space<vmem>>, vector<16xf32>,
      tpu.vector_store %arg10[%swap3A_112, %swap3A_113], %broadcast_in_dim3A_16 {strides = array<i32>} : memref<96x128xf32, #tpu.memory_space<vmem>>, vector<16xf32>,
    }
    %scan3A_20 = arith.constant 96 : i32
    %mul3A_21 = arith.constant 632 : i32
    %mul3A_22 = arith.muli %arg1, %mul3A_21 : i32
    %add3A_23 = arith.constant 0 : i32
    %add3A_24 = arith.addi %mul3A_22, %add3A_23 : i32
    "tpu.region"() ({
      %run_scoped3A = tpu.sem_alloc : memref<!tpu.dma_semaphore, #tpu.memory_space<semaphore_mem>>
      %dma_start3A_86 = arith.constant 0 : i32
      %dma_start3A_87 = arith.constant 0 : i32
      %dma_start3A_88 = tpu.memref_slice %arg10[%dma_start3A_86, %dma_start3A_87] : memref<96x128xf32, #tpu.memory_space<vmem>> -> memref<96x128xf32, #tpu.memory_space<vmem>>
      %dma_start3A_89 = arith.constant 0 : i32
      %dma_start3A_90 = tpu.memref_slice %arg13[%add3A_24, %dma_start3A_89] : memref<10112x128xf32, #tpu.memory_space<vmem_shared>> -> memref<96x128xf32, #tpu.memory_space<vmem_shared>>
      %dma_start3A_91 = arith.constant 0 : i32
      %dma_start3A_92 = tpu.memref_slice %arg13[%add3A_24, %dma_start3A_91] : memref<10112x128xf32, #tpu.memory_space<vmem_shared>> -> memref<96x128xf32, #tpu.memory_space<vmem_shared>>
      %dma_start3A_93 = arith.constant 0 : i32
      %dma_start3A_94 = arith.constant 0 : i32
      %dma_start3A_95 = tpu.memref_slice %arg10[%dma_start3A_93, %dma_start3A_94] : memref<96x128xf32, #tpu.memory_space<vmem>> -> memref<96x128xf32, #tpu.memory_space<vmem>>
      tpu.enqueue_dma source(%dma_start3A_95 : memref<96x128xf32, #tpu.memory_space<vmem>>) target(%dma_start3A_92 : memref<96x128xf32, #tpu.memory_space<vmem_shared>>) target_semaphore(%run_scoped3A : memref<!tpu.dma_semaphore, #tpu.memory_space<semaphore_mem>>)
      %dma_wait3A_96 = arith.constant 0 : i32
      %dma_wait3A_97 = arith.constant 0 : i32
      %dma_wait3A_98 = tpu.memref_slice %arg10[%dma_wait3A_96, %dma_wait3A_97] : memref<96x128xf32, #tpu.memory_space<vmem>> -> memref<96x128xf32, #tpu.memory_space<vmem>>
      %dma_wait3A_99 = arith.constant 0 : i32
      %dma_wait3A_100 = tpu.memref_slice %arg13[%add3A_24, %dma_wait3A_99] : memref<10112x128xf32, #tpu.memory_space<vmem_shared>> -> memref<96x128xf32, #tpu.memory_space<vmem_shared>>
      %dma_wait3A_101 = arith.constant 0 : i32
      %dma_wait3A_102 = tpu.memref_slice %arg13[%add3A_24, %dma_wait3A_101] : memref<10112x128xf32, #tpu.memory_space<vmem_shared>> -> memref<96x128xf32, #tpu.memory_space<vmem_shared>>
      %dma_wait3A_103 = arith.constant 0 : i32
      %dma_wait3A_104 = arith.constant 0 : i32
      %dma_wait3A_105 = tpu.memref_slice %arg10[%dma_wait3A_103, %dma_wait3A_104] : memref<96x128xf32, #tpu.memory_space<vmem>> -> memref<96x128xf32, #tpu.memory_space<vmem>>
      tpu.wait_dma2 semaphore(%run_scoped3A : memref<!tpu.dma_semaphore, #tpu.memory_space<semaphore_mem>>) src(%dma_wait3A_105 : memref<96x128xf32, #tpu.memory_space<vmem>>) dst(%dma_wait3A_102 : memref<96x128xf32, #tpu.memory_space<vmem_shared>>)
      tpu.yield
    }) : () -> ()
    %add3A_25 = arith.constant 96 : i32
    %add3A_26 = arith.addi %mul3A_22, %add3A_25 : i32
    "tpu.region"() ({
      %run_scoped3A = tpu.sem_alloc : memref<!tpu.dma_semaphore, #tpu.memory_space<semaphore_mem>>
      %dma_start3A_86 = arith.constant 0 : i32
      %dma_start3A_87 = arith.constant 0 : i32
      %dma_start3A_88 = tpu.memref_slice %arg10[%dma_start3A_86, %dma_start3A_87] : memref<96x128xf32, #tpu.memory_space<vmem>> -> memref<96x128xf32, #tpu.memory_space<vmem>>
      %dma_start3A_89 = arith.constant 0 : i32
      %dma_start3A_90 = tpu.memref_slice %arg13[%add3A_26, %dma_start3A_89] : memref<10112x128xf32, #tpu.memory_space<vmem_shared>> -> memref<96x128xf32, #tpu.memory_space<vmem_shared>>
      %dma_start3A_91 = arith.constant 0 : i32
      %dma_start3A_92 = tpu.memref_slice %arg13[%add3A_26, %dma_start3A_91] : memref<10112x128xf32, #tpu.memory_space<vmem_shared>> -> memref<96x128xf32, #tpu.memory_space<vmem_shared>>
      %dma_start3A_93 = arith.constant 0 : i32
      %dma_start3A_94 = arith.constant 0 : i32
      %dma_start3A_95 = tpu.memref_slice %arg10[%dma_start3A_93, %dma_start3A_94] : memref<96x128xf32, #tpu.memory_space<vmem>> -> memref<96x128xf32, #tpu.memory_space<vmem>>
      tpu.enqueue_dma source(%dma_start3A_95 : memref<96x128xf32, #tpu.memory_space<vmem>>) target(%dma_start3A_92 : memref<96x128xf32, #tpu.memory_space<vmem_shared>>) target_semaphore(%run_scoped3A : memref<!tpu.dma_semaphore, #tpu.memory_space<semaphore_mem>>)
      %dma_wait3A_96 = arith.constant 0 : i32
      %dma_wait3A_97 = arith.constant 0 : i32
      %dma_wait3A_98 = tpu.memref_slice %arg10[%dma_wait3A_96, %dma_wait3A_97] : memref<96x128xf32, #tpu.memory_space<vmem>> -> memref<96x128xf32, #tpu.memory_space<vmem>>
      %dma_wait3A_99 = arith.constant 0 : i32
      %dma_wait3A_100 = tpu.memref_slice %arg13[%add3A_26, %dma_wait3A_99] : memref<10112x128xf32, #tpu.memory_space<vmem_shared>> -> memref<96x128xf32, #tpu.memory_space<vmem_shared>>
      %dma_wait3A_101 = arith.constant 0 : i32
      %dma_wait3A_102 = tpu.memref_slice %arg13[%add3A_26, %dma_wait3A_101] : memref<10112x128xf32, #tpu.memory_space<vmem_shared>> -> memref<96x128xf32, #tpu.memory_space<vmem_shared>>
      %dma_wait3A_103 = arith.constant 0 : i32
      %dma_wait3A_104 = arith.constant 0 : i32
      %dma_wait3A_105 = tpu.memref_slice %arg10[%dma_wait3A_103, %dma_wait3A_104] : memref<96x128xf32, #tpu.memory_space<vmem>> -> memref<96x128xf32, #tpu.memory_space<vmem>>
      tpu.wait_dma2 semaphore(%run_scoped3A : memref<!tpu.dma_semaphore, #tpu.memory_space<semaphore_mem>>) src(%dma_wait3A_105 : memref<96x128xf32, #tpu.memory_space<vmem>>) dst(%dma_wait3A_102 : memref<96x128xf32, #tpu.memory_space<vmem_shared>>)
      tpu.yield
    }) : () -> ()
    %add3A_27 = arith.constant 192 : i32
    %add3A_28 = arith.addi %mul3A_22, %add3A_27 : i32
    "tpu.region"() ({
      %run_scoped3A = tpu.sem_alloc : memref<!tpu.dma_semaphore, #tpu.memory_space<semaphore_mem>>
      %dma_start3A_86 = arith.constant 0 : i32
      %dma_start3A_87 = arith.constant 0 : i32
      %dma_start3A_88 = tpu.memref_slice %arg10[%dma_start3A_86, %dma_start3A_87] : memref<96x128xf32, #tpu.memory_space<vmem>> -> memref<96x128xf32, #tpu.memory_space<vmem>>
      %dma_start3A_89 = arith.constant 0 : i32
      %dma_start3A_90 = tpu.memref_slice %arg13[%add3A_28, %dma_start3A_89] : memref<10112x128xf32, #tpu.memory_space<vmem_shared>> -> memref<96x128xf32, #tpu.memory_space<vmem_shared>>
      %dma_start3A_91 = arith.constant 0 : i32
      %dma_start3A_92 = tpu.memref_slice %arg13[%add3A_28, %dma_start3A_91] : memref<10112x128xf32, #tpu.memory_space<vmem_shared>> -> memref<96x128xf32, #tpu.memory_space<vmem_shared>>
      %dma_start3A_93 = arith.constant 0 : i32
      %dma_start3A_94 = arith.constant 0 : i32
      %dma_start3A_95 = tpu.memref_slice %arg10[%dma_start3A_93, %dma_start3A_94] : memref<96x128xf32, #tpu.memory_space<vmem>> -> memref<96x128xf32, #tpu.memory_space<vmem>>
      tpu.enqueue_dma source(%dma_start3A_95 : memref<96x128xf32, #tpu.memory_space<vmem>>) target(%dma_start3A_92 : memref<96x128xf32, #tpu.memory_space<vmem_shared>>) target_semaphore(%run_scoped3A : memref<!tpu.dma_semaphore, #tpu.memory_space<semaphore_mem>>)
      %dma_wait3A_96 = arith.constant 0 : i32
      %dma_wait3A_97 = arith.constant 0 : i32
      %dma_wait3A_98 = tpu.memref_slice %arg10[%dma_wait3A_96, %dma_wait3A_97] : memref<96x128xf32, #tpu.memory_space<vmem>> -> memref<96x128xf32, #tpu.memory_space<vmem>>
      %dma_wait3A_99 = arith.constant 0 : i32
      %dma_wait3A_100 = tpu.memref_slice %arg13[%add3A_28, %dma_wait3A_99] : memref<10112x128xf32, #tpu.memory_space<vmem_shared>> -> memref<96x128xf32, #tpu.memory_space<vmem_shared>>
      %dma_wait3A_101 = arith.constant 0 : i32
      %dma_wait3A_102 = tpu.memref_slice %arg13[%add3A_28, %dma_wait3A_101] : memref<10112x128xf32, #tpu.memory_space<vmem_shared>> -> memref<96x128xf32, #tpu.memory_space<vmem_shared>>
      %dma_wait3A_103 = arith.constant 0 : i32
      %dma_wait3A_104 = arith.constant 0 : i32
      %dma_wait3A_105 = tpu.memref_slice %arg10[%dma_wait3A_103, %dma_wait3A_104] : memref<96x128xf32, #tpu.memory_space<vmem>> -> memref<96x128xf32, #tpu.memory_space<vmem>>
      tpu.wait_dma2 semaphore(%run_scoped3A : memref<!tpu.dma_semaphore, #tpu.memory_space<semaphore_mem>>) src(%dma_wait3A_105 : memref<96x128xf32, #tpu.memory_space<vmem>>) dst(%dma_wait3A_102 : memref<96x128xf32, #tpu.memory_space<vmem_shared>>)
      tpu.yield
    }) : () -> ()
    %add3A_29 = arith.constant 288 : i32
    %add3A_30 = arith.addi %mul3A_22, %add3A_29 : i32
    "tpu.region"() ({
      %run_scoped3A = tpu.sem_alloc : memref<!tpu.dma_semaphore, #tpu.memory_space<semaphore_mem>>
      %dma_start3A_86 = arith.constant 0 : i32
      %dma_start3A_87 = arith.constant 0 : i32
      %dma_start3A_88 = tpu.memref_slice %arg10[%dma_start3A_86, %dma_start3A_87] : memref<96x128xf32, #tpu.memory_space<vmem>> -> memref<96x128xf32, #tpu.memory_space<vmem>>
      %dma_start3A_89 = arith.constant 0 : i32
      %dma_start3A_90 = tpu.memref_slice %arg13[%add3A_30, %dma_start3A_89] : memref<10112x128xf32, #tpu.memory_space<vmem_shared>> -> memref<96x128xf32, #tpu.memory_space<vmem_shared>>
      %dma_start3A_91 = arith.constant 0 : i32
      %dma_start3A_92 = tpu.memref_slice %arg13[%add3A_30, %dma_start3A_91] : memref<10112x128xf32, #tpu.memory_space<vmem_shared>> -> memref<96x128xf32, #tpu.memory_space<vmem_shared>>
      %dma_start3A_93 = arith.constant 0 : i32
      %dma_start3A_94 = arith.constant 0 : i32
      %dma_start3A_95 = tpu.memref_slice %arg10[%dma_start3A_93, %dma_start3A_94] : memref<96x128xf32, #tpu.memory_space<vmem>> -> memref<96x128xf32, #tpu.memory_space<vmem>>
      tpu.enqueue_dma source(%dma_start3A_95 : memref<96x128xf32, #tpu.memory_space<vmem>>) target(%dma_start3A_92 : memref<96x128xf32, #tpu.memory_space<vmem_shared>>) target_semaphore(%run_scoped3A : memref<!tpu.dma_semaphore, #tpu.memory_space<semaphore_mem>>)
      %dma_wait3A_96 = arith.constant 0 : i32
      %dma_wait3A_97 = arith.constant 0 : i32
      %dma_wait3A_98 = tpu.memref_slice %arg10[%dma_wait3A_96, %dma_wait3A_97] : memref<96x128xf32, #tpu.memory_space<vmem>> -> memref<96x128xf32, #tpu.memory_space<vmem>>
      %dma_wait3A_99 = arith.constant 0 : i32
      %dma_wait3A_100 = tpu.memref_slice %arg13[%add3A_30, %dma_wait3A_99] : memref<10112x128xf32, #tpu.memory_space<vmem_shared>> -> memref<96x128xf32, #tpu.memory_space<vmem_shared>>
      %dma_wait3A_101 = arith.constant 0 : i32
      %dma_wait3A_102 = tpu.memref_slice %arg13[%add3A_30, %dma_wait3A_101] : memref<10112x128xf32, #tpu.memory_space<vmem_shared>> -> memref<96x128xf32, #tpu.memory_space<vmem_shared>>
      %dma_wait3A_103 = arith.constant 0 : i32
      %dma_wait3A_104 = arith.constant 0 : i32
      %dma_wait3A_105 = tpu.memref_slice %arg10[%dma_wait3A_103, %dma_wait3A_104] : memref<96x128xf32, #tpu.memory_space<vmem>> -> memref<96x128xf32, #tpu.memory_space<vmem>>
      tpu.wait_dma2 semaphore(%run_scoped3A : memref<!tpu.dma_semaphore, #tpu.memory_space<semaphore_mem>>) src(%dma_wait3A_105 : memref<96x128xf32, #tpu.memory_space<vmem>>) dst(%dma_wait3A_102 : memref<96x128xf32, #tpu.memory_space<vmem_shared>>)
      tpu.yield
    }) : () -> ()
    %add3A_31 = arith.constant 384 : i32
    %add3A_32 = arith.addi %mul3A_22, %add3A_31 : i32
    "tpu.region"() ({
      %run_scoped3A = tpu.sem_alloc : memref<!tpu.dma_semaphore, #tpu.memory_space<semaphore_mem>>
      %dma_start3A_86 = arith.constant 0 : i32
      %dma_start3A_87 = arith.constant 0 : i32
      %dma_start3A_88 = tpu.memref_slice %arg10[%dma_start3A_86, %dma_start3A_87] : memref<96x128xf32, #tpu.memory_space<vmem>> -> memref<96x128xf32, #tpu.memory_space<vmem>>
      %dma_start3A_89 = arith.constant 0 : i32
      %dma_start3A_90 = tpu.memref_slice %arg13[%add3A_32, %dma_start3A_89] : memref<10112x128xf32, #tpu.memory_space<vmem_shared>> -> memref<96x128xf32, #tpu.memory_space<vmem_shared>>
      %dma_start3A_91 = arith.constant 0 : i32
      %dma_start3A_92 = tpu.memref_slice %arg13[%add3A_32, %dma_start3A_91] : memref<10112x128xf32, #tpu.memory_space<vmem_shared>> -> memref<96x128xf32, #tpu.memory_space<vmem_shared>>
      %dma_start3A_93 = arith.constant 0 : i32
      %dma_start3A_94 = arith.constant 0 : i32
      %dma_start3A_95 = tpu.memref_slice %arg10[%dma_start3A_93, %dma_start3A_94] : memref<96x128xf32, #tpu.memory_space<vmem>> -> memref<96x128xf32, #tpu.memory_space<vmem>>
      tpu.enqueue_dma source(%dma_start3A_95 : memref<96x128xf32, #tpu.memory_space<vmem>>) target(%dma_start3A_92 : memref<96x128xf32, #tpu.memory_space<vmem_shared>>) target_semaphore(%run_scoped3A : memref<!tpu.dma_semaphore, #tpu.memory_space<semaphore_mem>>)
      %dma_wait3A_96 = arith.constant 0 : i32
      %dma_wait3A_97 = arith.constant 0 : i32
      %dma_wait3A_98 = tpu.memref_slice %arg10[%dma_wait3A_96, %dma_wait3A_97] : memref<96x128xf32, #tpu.memory_space<vmem>> -> memref<96x128xf32, #tpu.memory_space<vmem>>
      %dma_wait3A_99 = arith.constant 0 : i32
      %dma_wait3A_100 = tpu.memref_slice %arg13[%add3A_32, %dma_wait3A_99] : memref<10112x128xf32, #tpu.memory_space<vmem_shared>> -> memref<96x128xf32, #tpu.memory_space<vmem_shared>>
      %dma_wait3A_101 = arith.constant 0 : i32
      %dma_wait3A_102 = tpu.memref_slice %arg13[%add3A_32, %dma_wait3A_101] : memref<10112x128xf32, #tpu.memory_space<vmem_shared>> -> memref<96x128xf32, #tpu.memory_space<vmem_shared>>
      %dma_wait3A_103 = arith.constant 0 : i32
      %dma_wait3A_104 = arith.constant 0 : i32
      %dma_wait3A_105 = tpu.memref_slice %arg10[%dma_wait3A_103, %dma_wait3A_104] : memref<96x128xf32, #tpu.memory_space<vmem>> -> memref<96x128xf32, #tpu.memory_space<vmem>>
      tpu.wait_dma2 semaphore(%run_scoped3A : memref<!tpu.dma_semaphore, #tpu.memory_space<semaphore_mem>>) src(%dma_wait3A_105 : memref<96x128xf32, #tpu.memory_space<vmem>>) dst(%dma_wait3A_102 : memref<96x128xf32, #tpu.memory_space<vmem_shared>>)
      tpu.yield
    }) : () -> ()
    %add3A_33 = arith.constant 480 : i32
    %add3A_34 = arith.addi %mul3A_22, %add3A_33 : i32
    "tpu.region"() ({
      %run_scoped3A = tpu.sem_alloc : memref<!tpu.dma_semaphore, #tpu.memory_space<semaphore_mem>>
      %dma_start3A_86 = arith.constant 0 : i32
      %dma_start3A_87 = arith.constant 0 : i32
      %dma_start3A_88 = tpu.memref_slice %arg10[%dma_start3A_86, %dma_start3A_87] : memref<96x128xf32, #tpu.memory_space<vmem>> -> memref<96x128xf32, #tpu.memory_space<vmem>>
      %dma_start3A_89 = arith.constant 0 : i32
      %dma_start3A_90 = tpu.memref_slice %arg13[%add3A_34, %dma_start3A_89] : memref<10112x128xf32, #tpu.memory_space<vmem_shared>> -> memref<96x128xf32, #tpu.memory_space<vmem_shared>>
      %dma_start3A_91 = arith.constant 0 : i32
      %dma_start3A_92 = tpu.memref_slice %arg13[%add3A_34, %dma_start3A_91] : memref<10112x128xf32, #tpu.memory_space<vmem_shared>> -> memref<96x128xf32, #tpu.memory_space<vmem_shared>>
      %dma_start3A_93 = arith.constant 0 : i32
      %dma_start3A_94 = arith.constant 0 : i32
      %dma_start3A_95 = tpu.memref_slice %arg10[%dma_start3A_93, %dma_start3A_94] : memref<96x128xf32, #tpu.memory_space<vmem>> -> memref<96x128xf32, #tpu.memory_space<vmem>>
      tpu.enqueue_dma source(%dma_start3A_95 : memref<96x128xf32, #tpu.memory_space<vmem>>) target(%dma_start3A_92 : memref<96x128xf32, #tpu.memory_space<vmem_shared>>) target_semaphore(%run_scoped3A : memref<!tpu.dma_semaphore, #tpu.memory_space<semaphore_mem>>)
      %dma_wait3A_96 = arith.constant 0 : i32
      %dma_wait3A_97 = arith.constant 0 : i32
      %dma_wait3A_98 = tpu.memref_slice %arg10[%dma_wait3A_96, %dma_wait3A_97] : memref<96x128xf32, #tpu.memory_space<vmem>> -> memref<96x128xf32, #tpu.memory_space<vmem>>
      %dma_wait3A_99 = arith.constant 0 : i32
      %dma_wait3A_100 = tpu.memref_slice %arg13[%add3A_34, %dma_wait3A_99] : memref<10112x128xf32, #tpu.memory_space<vmem_shared>> -> memref<96x128xf32, #tpu.memory_space<vmem_shared>>
      %dma_wait3A_101 = arith.constant 0 : i32
      %dma_wait3A_102 = tpu.memref_slice %arg13[%add3A_34, %dma_wait3A_101] : memref<10112x128xf32, #tpu.memory_space<vmem_shared>> -> memref<96x128xf32, #tpu.memory_space<vmem_shared>>
      %dma_wait3A_103 = arith.constant 0 : i32
      %dma_wait3A_104 = arith.constant 0 : i32
      %dma_wait3A_105 = tpu.memref_slice %arg10[%dma_wait3A_103, %dma_wait3A_104] : memref<96x128xf32, #tpu.memory_space<vmem>> -> memref<96x128xf32, #tpu.memory_space<vmem>>
      tpu.wait_dma2 semaphore(%run_scoped3A : memref<!tpu.dma_semaphore, #tpu.memory_space<semaphore_mem>>) src(%dma_wait3A_105 : memref<96x128xf32, #tpu.memory_space<vmem>>) dst(%dma_wait3A_102 : memref<96x128xf32, #tpu.memory_space<vmem_shared>>)
      tpu.yield
    }) : () -> ()
    %add3A_35 = arith.constant 576 : i32
    %add3A_36 = arith.addi %mul3A_22, %add3A_35 : i32
    "tpu.region"() ({
      %run_scoped3A = tpu.sem_alloc : memref<!tpu.dma_semaphore, #tpu.memory_space<semaphore_mem>>
      %dma_start3A_86 = arith.constant 0 : i32
      %dma_start3A_87 = arith.constant 0 : i32
      %dma_start3A_88 = tpu.memref_slice %arg10[%dma_start3A_86, %dma_start3A_87] : memref<96x128xf32, #tpu.memory_space<vmem>> -> memref<56x128xf32, #tpu.memory_space<vmem>>
      %dma_start3A_89 = arith.constant 0 : i32
      %dma_start3A_90 = tpu.memref_slice %arg13[%add3A_36, %dma_start3A_89] : memref<10112x128xf32, #tpu.memory_space<vmem_shared>> -> memref<56x128xf32, #tpu.memory_space<vmem_shared>>
      %dma_start3A_91 = arith.constant 0 : i32
      %dma_start3A_92 = tpu.memref_slice %arg13[%add3A_36, %dma_start3A_91] : memref<10112x128xf32, #tpu.memory_space<vmem_shared>> -> memref<56x128xf32, #tpu.memory_space<vmem_shared>>
      %dma_start3A_93 = arith.constant 0 : i32
      %dma_start3A_94 = arith.constant 0 : i32
      %dma_start3A_95 = tpu.memref_slice %arg10[%dma_start3A_93, %dma_start3A_94] : memref<96x128xf32, #tpu.memory_space<vmem>> -> memref<56x128xf32, #tpu.memory_space<vmem>>
      tpu.enqueue_dma source(%dma_start3A_95 : memref<56x128xf32, #tpu.memory_space<vmem>>) target(%dma_start3A_92 : memref<56x128xf32, #tpu.memory_space<vmem_shared>>) target_semaphore(%run_scoped3A : memref<!tpu.dma_semaphore, #tpu.memory_space<semaphore_mem>>)
      %dma_wait3A_96 = arith.constant 0 : i32
      %dma_wait3A_97 = arith.constant 0 : i32
      %dma_wait3A_98 = tpu.memref_slice %arg10[%dma_wait3A_96, %dma_wait3A_97] : memref<96x128xf32, #tpu.memory_space<vmem>> -> memref<56x128xf32, #tpu.memory_space<vmem>>
      %dma_wait3A_99 = arith.constant 0 : i32
      %dma_wait3A_100 = tpu.memref_slice %arg13[%add3A_36, %dma_wait3A_99] : memref<10112x128xf32, #tpu.memory_space<vmem_shared>> -> memref<56x128xf32, #tpu.memory_space<vmem_shared>>
      %dma_wait3A_101 = arith.constant 0 : i32
      %dma_wait3A_102 = tpu.memref_slice %arg13[%add3A_36, %dma_wait3A_101] : memref<10112x128xf32, #tpu.memory_space<vmem_shared>> -> memref<56x128xf32, #tpu.memory_space<vmem_shared>>
      %dma_wait3A_103 = arith.constant 0 : i32
      %dma_wait3A_104 = arith.constant 0 : i32
      %dma_wait3A_105 = tpu.memref_slice %arg10[%dma_wait3A_103, %dma_wait3A_104] : memref<96x128xf32, #tpu.memory_space<vmem>> -> memref<56x128xf32, #tpu.memory_space<vmem>>
      tpu.wait_dma2 semaphore(%run_scoped3A : memref<!tpu.dma_semaphore, #tpu.memory_space<semaphore_mem>>) src(%dma_wait3A_105 : memref<56x128xf32, #tpu.memory_space<vmem>>) dst(%dma_wait3A_102 : memref<56x128xf32, #tpu.memory_space<vmem_shared>>)
      tpu.yield
    }) : () -> ()
    "tpu.region"() ({
      %run_scoped3A = tpu.sem_alloc : memref<!tpu.dma_semaphore, #tpu.memory_space<semaphore_mem>>
      %dma_start3A_86 = arith.constant 0 : i32
      %dma_start3A_87 = tpu.memref_slice %arg9[%dma_start3A_86] : memref<10112xf32, #tpu.memory_space<vmem>> -> memref<10000xf32, #tpu.memory_space<vmem>>
      %dma_start3A_88 = arith.constant 0 : i32
      %dma_start3A_89 = tpu.memref_slice %arg9[%dma_start3A_88] : memref<10112xf32, #tpu.memory_space<vmem>> -> memref<10000xf32, #tpu.memory_space<vmem>>
      tpu.enqueue_dma source(%arg3 : memref<10000xf32, #tpu.memory_space<hbm>>) target(%dma_start3A_89 : memref<10000xf32, #tpu.memory_space<vmem>>) target_semaphore(%run_scoped3A : memref<!tpu.dma_semaphore, #tpu.memory_space<semaphore_mem>>)
      %dma_wait3A_90 = arith.constant 0 : i32
      %dma_wait3A_91 = tpu.memref_slice %arg9[%dma_wait3A_90] : memref<10112xf32, #tpu.memory_space<vmem>> -> memref<10000xf32, #tpu.memory_space<vmem>>
      %dma_wait3A_92 = arith.constant 0 : i32
      %dma_wait3A_93 = tpu.memref_slice %arg9[%dma_wait3A_92] : memref<10112xf32, #tpu.memory_space<vmem>> -> memref<10000xf32, #tpu.memory_space<vmem>>
      tpu.wait_dma2 semaphore(%run_scoped3A : memref<!tpu.dma_semaphore, #tpu.memory_space<semaphore_mem>>) src(%arg3 : memref<10000xf32, #tpu.memory_space<hbm>>) dst(%dma_wait3A_93 : memref<10000xf32, #tpu.memory_space<vmem>>)
      tpu.yield
    }) : () -> ()
    %swap3A = arith.constant 10000 : index
    %swap3A_37 = tpu.vector_load %arg9[%swap3A] {strides = array<i32>} : memref<10112xf32, #tpu.memory_space<vmem>>, vector<16xf32>,
    tpu.vector_store %arg9[%swap3A], %broadcast_in_dim3A_16 {strides = array<i32>} : memref<10112xf32, #tpu.memory_space<vmem>>, vector<16xf32>,
    %swap3A_38 = arith.constant 10016 : index
    %swap3A_39 = tpu.vector_load %arg9[%swap3A_38] {strides = array<i32>} : memref<10112xf32, #tpu.memory_space<vmem>>, vector<16xf32>,
    tpu.vector_store %arg9[%swap3A_38], %broadcast_in_dim3A_16 {strides = array<i32>} : memref<10112xf32, #tpu.memory_space<vmem>>, vector<16xf32>,
    %swap3A_40 = arith.constant 10032 : index
    %swap3A_41 = tpu.vector_load %arg9[%swap3A_40] {strides = array<i32>} : memref<10112xf32, #tpu.memory_space<vmem>>, vector<16xf32>,
    tpu.vector_store %arg9[%swap3A_40], %broadcast_in_dim3A_16 {strides = array<i32>} : memref<10112xf32, #tpu.memory_space<vmem>>, vector<16xf32>,
    %swap3A_42 = arith.constant 10048 : index
    %swap3A_43 = tpu.vector_load %arg9[%swap3A_42] {strides = array<i32>} : memref<10112xf32, #tpu.memory_space<vmem>>, vector<16xf32>,
    tpu.vector_store %arg9[%swap3A_42], %broadcast_in_dim3A_16 {strides = array<i32>} : memref<10112xf32, #tpu.memory_space<vmem>>, vector<16xf32>,
    %swap3A_44 = arith.constant 10064 : index
    %swap3A_45 = tpu.vector_load %arg9[%swap3A_44] {strides = array<i32>} : memref<10112xf32, #tpu.memory_space<vmem>>, vector<16xf32>,
    tpu.vector_store %arg9[%swap3A_44], %broadcast_in_dim3A_16 {strides = array<i32>} : memref<10112xf32, #tpu.memory_space<vmem>>, vector<16xf32>,
    %swap3A_46 = arith.constant 10080 : index
    %swap3A_47 = tpu.vector_load %arg9[%swap3A_46] {strides = array<i32>} : memref<10112xf32, #tpu.memory_space<vmem>>, vector<16xf32>,
    tpu.vector_store %arg9[%swap3A_46], %broadcast_in_dim3A_16 {strides = array<i32>} : memref<10112xf32, #tpu.memory_space<vmem>>, vector<16xf32>,
    %swap3A_48 = arith.constant 10096 : index
    %swap3A_49 = tpu.vector_load %arg9[%swap3A_48] {strides = array<i32>} : memref<10112xf32, #tpu.memory_space<vmem>>, vector<16xf32>,
    tpu.vector_store %arg9[%swap3A_48], %broadcast_in_dim3A_16 {strides = array<i32>} : memref<10112xf32, #tpu.memory_space<vmem>>, vector<16xf32>,
    %dma_wait3A = arith.constant 0 : i32
    %dma_wait3A_50 = arith.constant 0 : i32
    %dma_wait3A_51 = tpu.memref_slice %arg4[%add3A, %dma_wait3A, %dma_wait3A_50] : memref<32x56x96xi32, #tpu.memory_space<hbm>> -> memref<1x56x96xi32, #tpu.memory_space<hbm>>
    %dma_wait3A_52 = tpu.memref_squeeze %dma_wait3A_51 : memref<1x56x96xi32, #tpu.memory_space<hbm>> -> memref<56x96xi32, #tpu.memory_space<hbm>>
    %dma_wait3A_53 = arith.constant 0 : i32
    %dma_wait3A_54 = arith.constant 0 : i32
    %dma_wait3A_55 = tpu.memref_slice %arg4[%add3A, %dma_wait3A_53, %dma_wait3A_54] : memref<32x56x96xi32, #tpu.memory_space<hbm>> -> memref<1x56x96xi32, #tpu.memory_space<hbm>>
    %dma_wait3A_56 = tpu.memref_squeeze %dma_wait3A_55 : memref<1x56x96xi32, #tpu.memory_space<hbm>> -> memref<56x96xi32, #tpu.memory_space<hbm>>
    tpu.wait_dma2 semaphore(%arg14 : memref<!tpu.dma_semaphore, #tpu.memory_space<semaphore_mem>>) src(%dma_wait3A_56 : memref<56x96xi32, #tpu.memory_space<hbm>>) dst(%arg7 : memref<56x96xi32, #tpu.memory_space<vmem>>)
    %dma_wait3A_57 = arith.constant 0 : i32
    %dma_wait3A_58 = arith.constant 0 : i32
    %dma_wait3A_59 = tpu.memref_slice %arg5[%add3A, %dma_wait3A_57, %dma_wait3A_58] : memref<32x56x96xi32, #tpu.memory_space<hbm>> -> memref<1x56x96xi32, #tpu.memory_space<hbm>>
    %dma_wait3A_60 = tpu.memref_squeeze %dma_wait3A_59 : memref<1x56x96xi32, #tpu.memory_space<hbm>> -> memref<56x96xi32, #tpu.memory_space<hbm>>
    %dma_wait3A_61 = arith.constant 0 : i32
    %dma_wait3A_62 = arith.constant 0 : i32
    %dma_wait3A_63 = tpu.memref_slice %arg5[%add3A, %dma_wait3A_61, %dma_wait3A_62] : memref<32x56x96xi32, #tpu.memory_space<hbm>> -> memref<1x56x96xi32, #tpu.memory_space<hbm>>
    %dma_wait3A_64 = tpu.memref_squeeze %dma_wait3A_63 : memref<1x56x96xi32, #tpu.memory_space<hbm>> -> memref<56x96xi32, #tpu.memory_space<hbm>>
    tpu.wait_dma2 semaphore(%arg15 : memref<!tpu.dma_semaphore, #tpu.memory_space<semaphore_mem>>) src(%dma_wait3A_64 : memref<56x96xi32, #tpu.memory_space<hbm>>) dst(%arg8 : memref<56x96xi32, #tpu.memory_space<vmem>>)
    %barrier3A = arith.constant 0 : index
    tpu.barrier barrier_id(%barrier3A)
    %dma_start3A_65 = arith.constant 0 : i32
    %dma_start3A_66 = arith.constant 0 : i32
    %dma_start3A_67 = tpu.memref_slice %arg7[%dma_start3A_65, %dma_start3A_66] : memref<56x96xi32, #tpu.memory_space<vmem>> -> memref<1x96xi32, #tpu.memory_space<vmem>>
    %dma_start3A_68 = tpu.memref_squeeze %dma_start3A_67 : memref<1x96xi32, #tpu.memory_space<vmem>> -> memref<96xi32, #tpu.memory_space<vmem>>
    %dma_start3A_69 = arith.constant 0 : i32
    %dma_start3A_70 = arith.constant 0 : i32
    %dma_start3A_71 = tpu.memref_slice %arg2[%dma_start3A_69, %dma_start3A_70] : memref<10000x128xf32, #tpu.memory_space<hbm>> -> memref<10000x128xf32, #tpu.memory_space<hbm>>
    tpu.enqueue_indirect_dma source(%dma_start3A_71 : memref<10000x128xf32, #tpu.memory_space<hbm>>) target(%arg10 : memref<96x128xf32, #tpu.memory_space<vmem>>) offsets(%dma_start3A_68 : memref<96xi32, #tpu.memory_space<vmem>>) semaphore(%arg14 : memref<!tpu.dma_semaphore, #tpu.memory_space<semaphore_mem>>)
    %scan3A_72 = arith.constant 0 : i32
    %scan3A_73 = arith.constant 28 : i32
    %scan3A_74 = arith.addi %scan3A_72, %scan3A_73 : i32
    %scan3A_75 = arith.constant 1 : i32
    scf.for %scan3A_86 = %scan3A_72 to %scan3A_74 step %scan3A_75  : i32 {
      %mul3A_87 = arith.constant 2 : i32
      %mul3A_88 = arith.muli %scan3A_86, %mul3A_87 : i32
      %add3A_89 = arith.constant 0 : i32
      %add3A_90 = arith.addi %add3A_89, %mul3A_88 : i32
      %add3A_91 = arith.constant 1 : i32
      %add3A_92 = arith.addi %add3A_90, %add3A_91 : i32
      %dma_start3A_93 = arith.constant 0 : i32
      %dma_start3A_94 = tpu.memref_slice %arg7[%add3A_92, %dma_start3A_93] : memref<56x96xi32, #tpu.memory_space<vmem>> -> memref<1x96xi32, #tpu.memory_space<vmem>>
      %dma_start3A_95 = tpu.memref_squeeze %dma_start3A_94 : memref<1x96xi32, #tpu.memory_space<vmem>> -> memref<96xi32, #tpu.memory_space<vmem>>
      %dma_start3A_96 = arith.constant 0 : i32
      %dma_start3A_97 = arith.constant 0 : i32
      %dma_start3A_98 = tpu.memref_slice %arg2[%dma_start3A_96, %dma_start3A_97] : memref<10000x128xf32, #tpu.memory_space<hbm>> -> memref<10000x128xf32, #tpu.memory_space<hbm>>
      tpu.enqueue_indirect_dma source(%dma_start3A_98 : memref<10000x128xf32, #tpu.memory_space<hbm>>) target(%arg11 : memref<96x128xf32, #tpu.memory_space<vmem>>) offsets(%dma_start3A_95 : memref<96xi32, #tpu.memory_space<vmem>>) semaphore(%arg15 : memref<!tpu.dma_semaphore, #tpu.memory_space<semaphore_mem>>)
      %dma_wait3A_99 = arith.constant 0 : i32
      %dma_wait3A_100 = tpu.memref_slice %arg7[%add3A_90, %dma_wait3A_99] : memref<56x96xi32, #tpu.memory_space<vmem>> -> memref<1x96xi32, #tpu.memory_space<vmem>>
      %dma_wait3A_101 = tpu.memref_squeeze %dma_wait3A_100 : memref<1x96xi32, #tpu.memory_space<vmem>> -> memref<96xi32, #tpu.memory_space<vmem>>
      %dma_wait3A_102 = arith.constant 0 : i32
      %dma_wait3A_103 = arith.constant 0 : i32
      %dma_wait3A_104 = tpu.memref_slice %arg2[%dma_wait3A_102, %dma_wait3A_103] : memref<10000x128xf32, #tpu.memory_space<hbm>> -> memref<10000x128xf32, #tpu.memory_space<hbm>>
      tpu.wait_indirect_dma semaphore(%arg14 : memref<!tpu.dma_semaphore, #tpu.memory_space<semaphore_mem>>) src(%dma_wait3A_104 : memref<10000x128xf32, #tpu.memory_space<hbm>>) dst(%arg10 : memref<96x128xf32, #tpu.memory_space<vmem>>)
      %iota3A = tpu.iota {dimensions = array<i32: 0>} : vector<16xi32>
      %add3A_105 = arith.constant 0 : i32
      %add3A_106 = vector.broadcast %add3A_105 : i32 to vector<16xi32>
      %add3A_107 = arith.addi %iota3A, %add3A_106 : vector<16xi32>
      %broadcast_in_dim3A_108 = arith.constant 101 : i32
      %broadcast_in_dim3A_109 = vector.broadcast %broadcast_in_dim3A_108 : i32 to vector<16xi32>
      %gather3A = tpu.vector_load_idx %arg10[%add3A_107, %broadcast_in_dim3A_109] : memref<96x128xf32, #tpu.memory_space<vmem>>[vector<16xi32>, vector<16xi32>], vector<16xf32>,
      %get3A = arith.index_cast %add3A_90 : i32 to index
      %get3A_110 = arith.constant 0 : index
      %get3A_111 = tpu.vector_load %arg8[%get3A, %get3A_110] {strides = array<i32>} : memref<56x96xi32, #tpu.memory_space<vmem>>, vector<16xi32>,
      %gather3A_112 = tpu.vector_load_idx %arg9[%get3A_111] : memref<10112xf32, #tpu.memory_space<vmem>>[vector<16xi32>], vector<16xf32>,
      %add3A_113 = arith.addf %gather3A, %gather3A_112 : vector<16xf32>
      %gt3A = arith.constant 0.000000e+00 : f32
      %gt3A_114 = vector.broadcast %gt3A : f32 to vector<16xf32>
      %gt3A_115 = arith.cmpf ogt, %add3A_113, %gt3A_114 : vector<16xf32>
      %mul3A_116 = arith.constant 2.000000e-01 : f32
      %mul3A_117 = vector.broadcast %mul3A_116 : f32 to vector<16xf32>
      %mul3A_118 = arith.mulf %mul3A_117, %add3A_113 : vector<16xf32>
      %select_n3A = arith.select %gt3A_115, %add3A_113, %mul3A_118 : vector<16xi1>, vector<16xf32>
      %exp3A = math.exp %select_n3A : vector<16xf32>
      %swap3A_119 = arith.constant 0 : index
      %swap3A_120 = tpu.vector_load %arg12[%swap3A_119] {strides = array<i32>} : memref<96xf32, #tpu.memory_space<vmem>>, vector<16xf32>,
      tpu.vector_store %arg12[%swap3A_119], %exp3A {strides = array<i32>} : memref<96xf32, #tpu.memory_space<vmem>>, vector<16xf32>,
      %iota3A_121 = tpu.iota {dimensions = array<i32: 0>} : vector<16xi32>
      %add3A_122 = arith.constant 16 : i32
      %add3A_123 = vector.broadcast %add3A_122 : i32 to vector<16xi32>
      %add3A_124 = arith.addi %iota3A_121, %add3A_123 : vector<16xi32>
      %broadcast_in_dim3A_125 = arith.constant 101 : i32
      %broadcast_in_dim3A_126 = vector.broadcast %broadcast_in_dim3A_125 : i32 to vector<16xi32>
      %gather3A_127 = tpu.vector_load_idx %arg10[%add3A_124, %broadcast_in_dim3A_126] : memref<96x128xf32, #tpu.memory_space<vmem>>[vector<16xi32>, vector<16xi32>], vector<16xf32>,
      %get3A_128 = arith.index_cast %add3A_90 : i32 to index
      %get3A_129 = arith.constant 16 : index
      %get3A_130 = tpu.vector_load %arg8[%get3A_128, %get3A_129] {strides = array<i32>} : memref<56x96xi32, #tpu.memory_space<vmem>>, vector<16xi32>,
      %gather3A_131 = tpu.vector_load_idx %arg9[%get3A_130] : memref<10112xf32, #tpu.memory_space<vmem>>[vector<16xi32>], vector<16xf32>,
      %add3A_132 = arith.addf %gather3A_127, %gather3A_131 : vector<16xf32>
      %gt3A_133 = arith.constant 0.000000e+00 : f32
      %gt3A_134 = vector.broadcast %gt3A_133 : f32 to vector<16xf32>
      %gt3A_135 = arith.cmpf ogt, %add3A_132, %gt3A_134 : vector<16xf32>
      %mul3A_136 = arith.constant 2.000000e-01 : f32
      %mul3A_137 = vector.broadcast %mul3A_136 : f32 to vector<16xf32>
      %mul3A_138 = arith.mulf %mul3A_137, %add3A_132 : vector<16xf32>
      %select_n3A_139 = arith.select %gt3A_135, %add3A_132, %mul3A_138 : vector<16xi1>, vector<16xf32>
      %exp3A_140 = math.exp %select_n3A_139 : vector<16xf32>
      %swap3A_141 = arith.constant 16 : index
      %swap3A_142 = tpu.vector_load %arg12[%swap3A_141] {strides = array<i32>} : memref<96xf32, #tpu.memory_space<vmem>>, vector<16xf32>,
      tpu.vector_store %arg12[%swap3A_141], %exp3A_140 {strides = array<i32>} : memref<96xf32, #tpu.memory_space<vmem>>, vector<16xf32>,
      %iota3A_143 = tpu.iota {dimensions = array<i32: 0>} : vector<16xi32>
      %add3A_144 = arith.constant 32 : i32
      %add3A_145 = vector.broadcast %add3A_144 : i32 to vector<16xi32>
      %add3A_146 = arith.addi %iota3A_143, %add3A_145 : vector<16xi32>
      %broadcast_in_dim3A_147 = arith.constant 101 : i32
      %broadcast_in_dim3A_148 = vector.broadcast %broadcast_in_dim3A_147 : i32 to vector<16xi32>
      %gather3A_149 = tpu.vector_load_idx %arg10[%add3A_146, %broadcast_in_dim3A_148] : memref<96x128xf32, #tpu.memory_space<vmem>>[vector<16xi32>, vector<16xi32>], vector<16xf32>,
      %get3A_150 = arith.index_cast %add3A_90 : i32 to index
      %get3A_151 = arith.constant 32 : index
      %get3A_152 = tpu.vector_load %arg8[%get3A_150, %get3A_151] {strides = array<i32>} : memref<56x96xi32, #tpu.memory_space<vmem>>, vector<16xi32>,
      %gather3A_153 = tpu.vector_load_idx %arg9[%get3A_152] : memref<10112xf32, #tpu.memory_space<vmem>>[vector<16xi32>], vector<16xf32>,
      %add3A_154 = arith.addf %gather3A_149, %gather3A_153 : vector<16xf32>
      %gt3A_155 = arith.constant 0.000000e+00 : f32
      %gt3A_156 = vector.broadcast %gt3A_155 : f32 to vector<16xf32>
      %gt3A_157 = arith.cmpf ogt, %add3A_154, %gt3A_156 : vector<16xf32>
      %mul3A_158 = arith.constant 2.000000e-01 : f32
      %mul3A_159 = vector.broadcast %mul3A_158 : f32 to vector<16xf32>
      %mul3A_160 = arith.mulf %mul3A_159, %add3A_154 : vector<16xf32>
      %select_n3A_161 = arith.select %gt3A_157, %add3A_154, %mul3A_160 : vector<16xi1>, vector<16xf32>
      %exp3A_162 = math.exp %select_n3A_161 : vector<16xf32>
      %swap3A_163 = arith.constant 32 : index
      %swap3A_164 = tpu.vector_load %arg12[%swap3A_163] {strides = array<i32>} : memref<96xf32, #tpu.memory_space<vmem>>, vector<16xf32>,
      tpu.vector_store %arg12[%swap3A_163], %exp3A_162 {strides = array<i32>} : memref<96xf32, #tpu.memory_space<vmem>>, vector<16xf32>,
      %iota3A_165 = tpu.iota {dimensions = array<i32: 0>} : vector<16xi32>
      %add3A_166 = arith.constant 48 : i32
      %add3A_167 = vector.broadcast %add3A_166 : i32 to vector<16xi32>
      %add3A_168 = arith.addi %iota3A_165, %add3A_167 : vector<16xi32>
      %broadcast_in_dim3A_169 = arith.constant 101 : i32
      %broadcast_in_dim3A_170 = vector.broadcast %broadcast_in_dim3A_169 : i32 to vector<16xi32>
      %gather3A_171 = tpu.vector_load_idx %arg10[%add3A_168, %broadcast_in_dim3A_170] : memref<96x128xf32, #tpu.memory_space<vmem>>[vector<16xi32>, vector<16xi32>], vector<16xf32>,
      %get3A_172 = arith.index_cast %add3A_90 : i32 to index
      %get3A_173 = arith.constant 48 : index
      %get3A_174 = tpu.vector_load %arg8[%get3A_172, %get3A_173] {strides = array<i32>} : memref<56x96xi32, #tpu.memory_space<vmem>>, vector<16xi32>,
      %gather3A_175 = tpu.vector_load_idx %arg9[%get3A_174] : memref<10112xf32, #tpu.memory_space<vmem>>[vector<16xi32>], vector<16xf32>,
      %add3A_176 = arith.addf %gather3A_171, %gather3A_175 : vector<16xf32>
      %gt3A_177 = arith.constant 0.000000e+00 : f32
      %gt3A_178 = vector.broadcast %gt3A_177 : f32 to vector<16xf32>
      %gt3A_179 = arith.cmpf ogt, %add3A_176, %gt3A_178 : vector<16xf32>
      %mul3A_180 = arith.constant 2.000000e-01 : f32
      %mul3A_181 = vector.broadcast %mul3A_180 : f32 to vector<16xf32>
      %mul3A_182 = arith.mulf %mul3A_181, %add3A_176 : vector<16xf32>
      %select_n3A_183 = arith.select %gt3A_179, %add3A_176, %mul3A_182 : vector<16xi1>, vector<16xf32>
      %exp3A_184 = math.exp %select_n3A_183 : vector<16xf32>
      %swap3A_185 = arith.constant 48 : index
      %swap3A_186 = tpu.vector_load %arg12[%swap3A_185] {strides = array<i32>} : memref<96xf32, #tpu.memory_space<vmem>>, vector<16xf32>,
      tpu.vector_store %arg12[%swap3A_185], %exp3A_184 {strides = array<i32>} : memref<96xf32, #tpu.memory_space<vmem>>, vector<16xf32>,
      %iota3A_187 = tpu.iota {dimensions = array<i32: 0>} : vector<16xi32>
      %add3A_188 = arith.constant 64 : i32
      %add3A_189 = vector.broadcast %add3A_188 : i32 to vector<16xi32>
      %add3A_190 = arith.addi %iota3A_187, %add3A_189 : vector<16xi32>
      %broadcast_in_dim3A_191 = arith.constant 101 : i32
      %broadcast_in_dim3A_192 = vector.broadcast %broadcast_in_dim3A_191 : i32 to vector<16xi32>
      %gather3A_193 = tpu.vector_load_idx %arg10[%add3A_190, %broadcast_in_dim3A_192] : memref<96x128xf32, #tpu.memory_space<vmem>>[vector<16xi32>, vector<16xi32>], vector<16xf32>,
      %get3A_194 = arith.index_cast %add3A_90 : i32 to index
      %get3A_195 = arith.constant 64 : index
      %get3A_196 = tpu.vector_load %arg8[%get3A_194, %get3A_195] {strides = array<i32>} : memref<56x96xi32, #tpu.memory_space<vmem>>, vector<16xi32>,
      %gather3A_197 = tpu.vector_load_idx %arg9[%get3A_196] : memref<10112xf32, #tpu.memory_space<vmem>>[vector<16xi32>], vector<16xf32>,
      %add3A_198 = arith.addf %gather3A_193, %gather3A_197 : vector<16xf32>
      %gt3A_199 = arith.constant 0.000000e+00 : f32
      %gt3A_200 = vector.broadcast %gt3A_199 : f32 to vector<16xf32>
      %gt3A_201 = arith.cmpf ogt, %add3A_198, %gt3A_200 : vector<16xf32>
      %mul3A_202 = arith.constant 2.000000e-01 : f32
      %mul3A_203 = vector.broadcast %mul3A_202 : f32 to vector<16xf32>
      %mul3A_204 = arith.mulf %mul3A_203, %add3A_198 : vector<16xf32>
      %select_n3A_205 = arith.select %gt3A_201, %add3A_198, %mul3A_204 : vector<16xi1>, vector<16xf32>
      %exp3A_206 = math.exp %select_n3A_205 : vector<16xf32>
      %swap3A_207 = arith.constant 64 : index
      %swap3A_208 = tpu.vector_load %arg12[%swap3A_207] {strides = array<i32>} : memref<96xf32, #tpu.memory_space<vmem>>, vector<16xf32>,
      tpu.vector_store %arg12[%swap3A_207], %exp3A_206 {strides = array<i32>} : memref<96xf32, #tpu.memory_space<vmem>>, vector<16xf32>,
      %iota3A_209 = tpu.iota {dimensions = array<i32: 0>} : vector<16xi32>
      %add3A_210 = arith.constant 80 : i32
      %add3A_211 = vector.broadcast %add3A_210 : i32 to vector<16xi32>
      %add3A_212 = arith.addi %iota3A_209, %add3A_211 : vector<16xi32>
      %broadcast_in_dim3A_213 = arith.constant 101 : i32
      %broadcast_in_dim3A_214 = vector.broadcast %broadcast_in_dim3A_213 : i32 to vector<16xi32>
      %gather3A_215 = tpu.vector_load_idx %arg10[%add3A_212, %broadcast_in_dim3A_214] : memref<96x128xf32, #tpu.memory_space<vmem>>[vector<16xi32>, vector<16xi32>], vector<16xf32>,
      %get3A_216 = arith.index_cast %add3A_90 : i32 to index
      %get3A_217 = arith.constant 80 : index
      %get3A_218 = tpu.vector_load %arg8[%get3A_216, %get3A_217] {strides = array<i32>} : memref<56x96xi32, #tpu.memory_space<vmem>>, vector<16xi32>,
      %gather3A_219 = tpu.vector_load_idx %arg9[%get3A_218] : memref<10112xf32, #tpu.memory_space<vmem>>[vector<16xi32>], vector<16xf32>,
      %add3A_220 = arith.addf %gather3A_215, %gather3A_219 : vector<16xf32>
      %gt3A_221 = arith.constant 0.000000e+00 : f32
      %gt3A_222 = vector.broadcast %gt3A_221 : f32 to vector<16xf32>
      %gt3A_223 = arith.cmpf ogt, %add3A_220, %gt3A_222 : vector<16xf32>
      %mul3A_224 = arith.constant 2.000000e-01 : f32
      %mul3A_225 = vector.broadcast %mul3A_224 : f32 to vector<16xf32>
      %mul3A_226 = arith.mulf %mul3A_225, %add3A_220 : vector<16xf32>
      %select_n3A_227 = arith.select %gt3A_223, %add3A_220, %mul3A_226 : vector<16xi1>, vector<16xf32>
      %exp3A_228 = math.exp %select_n3A_227 : vector<16xf32>
      %swap3A_229 = arith.constant 80 : index
      %swap3A_230 = tpu.vector_load %arg12[%swap3A_229] {strides = array<i32>} : memref<96xf32, #tpu.memory_space<vmem>>, vector<16xf32>,
      tpu.vector_store %arg12[%swap3A_229], %exp3A_228 {strides = array<i32>} : memref<96xf32, #tpu.memory_space<vmem>>, vector<16xf32>,
      %scan3A_231 = arith.constant 0 : i32
      %scan3A_232 = arith.constant 96 : i32
      %scan3A_233 = arith.addi %scan3A_231, %scan3A_232 : i32
      %scan3A_234 = arith.constant 1 : i32
      scf.for %scan3A_388 = %scan3A_231 to %scan3A_233 step %scan3A_234  : i32 {
        %mul3A_389 = arith.constant 1 : i32
        %mul3A_390 = arith.muli %scan3A_388, %mul3A_389 : i32
        %add3A_391 = arith.constant 0 : i32
        %add3A_392 = arith.addi %add3A_391, %mul3A_390 : i32
        %broadcast_in_dim3A_393 = arith.constant 0 : i32
        %broadcast_in_dim3A_394 = vector.broadcast %broadcast_in_dim3A_393 : i32 to vector<16xi32>
        %add3A_395 = vector.broadcast %add3A_392 : i32 to vector<16xi32>
        %add3A_396 = arith.addi %broadcast_in_dim3A_394, %add3A_395 : vector<16xi32>
        %gather3A_397 = tpu.vector_load_idx %arg12[%add3A_396] : memref<96xf32, #tpu.memory_space<vmem>>[vector<16xi32>], vector<16xf32>,
        %get3A_398 = arith.index_cast %add3A_392 : i32 to index
        %get3A_399 = arith.constant 0 : index
        %get3A_400 = tpu.vector_load %arg10[%get3A_398, %get3A_399] {strides = array<i32>} : memref<96x128xf32, #tpu.memory_space<vmem>>, vector<16xf32>,
        %mul3A_401 = arith.mulf %get3A_400, %gather3A_397 : vector<16xf32>
        %swap3A_402 = arith.index_cast %add3A_392 : i32 to index
        %swap3A_403 = arith.constant 0 : index
        %swap3A_404 = tpu.vector_load %arg10[%swap3A_402, %swap3A_403] {strides = array<i32>} : memref<96x128xf32, #tpu.memory_space<vmem>>, vector<16xf32>,
        tpu.vector_store %arg10[%swap3A_402, %swap3A_403], %mul3A_401 {strides = array<i32>} : memref<96x128xf32, #tpu.memory_space<vmem>>, vector<16xf32>,
        %get3A_405 = arith.index_cast %add3A_392 : i32 to index
        %get3A_406 = arith.constant 16 : index
        %get3A_407 = tpu.vector_load %arg10[%get3A_405, %get3A_406] {strides = array<i32>} : memref<96x128xf32, #tpu.memory_space<vmem>>, vector<16xf32>,
        %mul3A_408 = arith.mulf %get3A_407, %gather3A_397 : vector<16xf32>
        %swap3A_409 = arith.index_cast %add3A_392 : i32 to index
        %swap3A_410 = arith.constant 16 : index
        %swap3A_411 = tpu.vector_load %arg10[%swap3A_409, %swap3A_410] {strides = array<i32>} : memref<96x128xf32, #tpu.memory_space<vmem>>, vector<16xf32>,
        tpu.vector_store %arg10[%swap3A_409, %swap3A_410], %mul3A_408 {strides = array<i32>} : memref<96x128xf32, #tpu.memory_space<vmem>>, vector<16xf32>,
        %get3A_412 = arith.index_cast %add3A_392 : i32 to index
        %get3A_413 = arith.constant 32 : index
        %get3A_414 = tpu.vector_load %arg10[%get3A_412, %get3A_413] {strides = array<i32>} : memref<96x128xf32, #tpu.memory_space<vmem>>, vector<16xf32>,
        %mul3A_415 = arith.mulf %get3A_414, %gather3A_397 : vector<16xf32>
        %swap3A_416 = arith.index_cast %add3A_392 : i32 to index
        %swap3A_417 = arith.constant 32 : index
        %swap3A_418 = tpu.vector_load %arg10[%swap3A_416, %swap3A_417] {strides = array<i32>} : memref<96x128xf32, #tpu.memory_space<vmem>>, vector<16xf32>,
        tpu.vector_store %arg10[%swap3A_416, %swap3A_417], %mul3A_415 {strides = array<i32>} : memref<96x128xf32, #tpu.memory_space<vmem>>, vector<16xf32>,
        %get3A_419 = arith.index_cast %add3A_392 : i32 to index
        %get3A_420 = arith.constant 48 : index
        %get3A_421 = tpu.vector_load %arg10[%get3A_419, %get3A_420] {strides = array<i32>} : memref<96x128xf32, #tpu.memory_space<vmem>>, vector<16xf32>,
        %mul3A_422 = arith.mulf %get3A_421, %gather3A_397 : vector<16xf32>
        %swap3A_423 = arith.index_cast %add3A_392 : i32 to index
        %swap3A_424 = arith.constant 48 : index
        %swap3A_425 = tpu.vector_load %arg10[%swap3A_423, %swap3A_424] {strides = array<i32>} : memref<96x128xf32, #tpu.memory_space<vmem>>, vector<16xf32>,
        tpu.vector_store %arg10[%swap3A_423, %swap3A_424], %mul3A_422 {strides = array<i32>} : memref<96x128xf32, #tpu.memory_space<vmem>>, vector<16xf32>,
        %get3A_426 = arith.index_cast %add3A_392 : i32 to index
        %get3A_427 = arith.constant 64 : index
        %get3A_428 = tpu.vector_load %arg10[%get3A_426, %get3A_427] {strides = array<i32>} : memref<96x128xf32, #tpu.memory_space<vmem>>, vector<16xf32>,
        %mul3A_429 = arith.mulf %get3A_428, %gather3A_397 : vector<16xf32>
        %swap3A_430 = arith.index_cast %add3A_392 : i32 to index
        %swap3A_431 = arith.constant 64 : index
        %swap3A_432 = tpu.vector_load %arg10[%swap3A_430, %swap3A_431] {strides = array<i32>} : memref<96x128xf32, #tpu.memory_space<vmem>>, vector<16xf32>,
        tpu.vector_store %arg10[%swap3A_430, %swap3A_431], %mul3A_429 {strides = array<i32>} : memref<96x128xf32, #tpu.memory_space<vmem>>, vector<16xf32>,
        %get3A_433 = arith.index_cast %add3A_392 : i32 to index
        %get3A_434 = arith.constant 80 : index
        %get3A_435 = tpu.vector_load %arg10[%get3A_433, %get3A_434] {strides = array<i32>} : memref<96x128xf32, #tpu.memory_space<vmem>>, vector<16xf32>,
        %mul3A_436 = arith.mulf %get3A_435, %gather3A_397 : vector<16xf32>
        %swap3A_437 = arith.index_cast %add3A_392 : i32 to index
        %swap3A_438 = arith.constant 80 : index
        %swap3A_439 = tpu.vector_load %arg10[%swap3A_437, %swap3A_438] {strides = array<i32>} : memref<96x128xf32, #tpu.memory_space<vmem>>, vector<16xf32>,
        tpu.vector_store %arg10[%swap3A_437, %swap3A_438], %mul3A_436 {strides = array<i32>} : memref<96x128xf32, #tpu.memory_space<vmem>>, vector<16xf32>,
        %get3A_440 = arith.index_cast %add3A_392 : i32 to index
        %get3A_441 = arith.constant 96 : index
        %get3A_442 = tpu.vector_load %arg10[%get3A_440, %get3A_441] {strides = array<i32>} : memref<96x128xf32, #tpu.memory_space<vmem>>, vector<16xf32>,
        %mul3A_443 = arith.mulf %get3A_442, %gather3A_397 : vector<16xf32>
        %swap3A_444 = arith.index_cast %add3A_392 : i32 to index
        %swap3A_445 = arith.constant 96 : index
        %swap3A_446 = tpu.vector_load %arg10[%swap3A_444, %swap3A_445] {strides = array<i32>} : memref<96x128xf32, #tpu.memory_space<vmem>>, vector<16xf32>,
        tpu.vector_store %arg10[%swap3A_444, %swap3A_445], %mul3A_443 {strides = array<i32>} : memref<96x128xf32, #tpu.memory_space<vmem>>, vector<16xf32>,
      }
      %scan3A_235 = arith.constant 96 : i32
      "tpu.region"() ({
        %run_scoped3A = tpu.sem_alloc : memref<!tpu.dma_semaphore, #tpu.memory_space<semaphore_mem>>
        %dma_start3A_388 = arith.constant 0 : i32
        %dma_start3A_389 = tpu.memref_slice %arg8[%add3A_90, %dma_start3A_388] : memref<56x96xi32, #tpu.memory_space<vmem>> -> memref<1x96xi32, #tpu.memory_space<vmem>>
        %dma_start3A_390 = tpu.memref_squeeze %dma_start3A_389 : memref<1x96xi32, #tpu.memory_space<vmem>> -> memref<96xi32, #tpu.memory_space<vmem>>
        %dma_start3A_391 = arith.constant 0 : i32
        %dma_start3A_392 = arith.constant 0 : i32
        %dma_start3A_393 = tpu.memref_slice %arg13[%dma_start3A_391, %dma_start3A_392] : memref<10112x128xf32, #tpu.memory_space<vmem_shared>> -> memref<10112x128xf32, #tpu.memory_space<vmem_shared>>
        tpu.enqueue_indirect_dma source(%arg10 : memref<96x128xf32, #tpu.memory_space<vmem>>) target(%dma_start3A_393 : memref<10112x128xf32, #tpu.memory_space<vmem_shared>>) offsets(%dma_start3A_390 : memref<96xi32, #tpu.memory_space<vmem>>) semaphore(%run_scoped3A : memref<!tpu.dma_semaphore, #tpu.memory_space<semaphore_mem>>) {add = true}
        %dma_wait3A_394 = arith.constant 0 : i32
        %dma_wait3A_395 = tpu.memref_slice %arg8[%add3A_90, %dma_wait3A_394] : memref<56x96xi32, #tpu.memory_space<vmem>> -> memref<1x96xi32, #tpu.memory_space<vmem>>
        %dma_wait3A_396 = tpu.memref_squeeze %dma_wait3A_395 : memref<1x96xi32, #tpu.memory_space<vmem>> -> memref<96xi32, #tpu.memory_space<vmem>>
        %dma_wait3A_397 = arith.constant 0 : i32
        %dma_wait3A_398 = arith.constant 0 : i32
        %dma_wait3A_399 = tpu.memref_slice %arg13[%dma_wait3A_397, %dma_wait3A_398] : memref<10112x128xf32, #tpu.memory_space<vmem_shared>> -> memref<10112x128xf32, #tpu.memory_space<vmem_shared>>
        tpu.wait_indirect_dma semaphore(%run_scoped3A : memref<!tpu.dma_semaphore, #tpu.memory_space<semaphore_mem>>) src(%arg10 : memref<96x128xf32, #tpu.memory_space<vmem>>) dst(%dma_wait3A_399 : memref<10112x128xf32, #tpu.memory_space<vmem_shared>>)
        tpu.yield
      }) : () -> ()
      %add3A_236 = arith.constant 2 : i32
      %add3A_237 = arith.addi %add3A_90, %add3A_236 : i32
      %lt3A_238 = arith.constant 56 : i32
      %lt3A_239 = arith.cmpi slt, %add3A_237, %lt3A_238 : i32
      %convert_element_type3A_240 = arith.extui %lt3A_239 : i1 to i32
      %cond3A_241 = arith.constant 0 : i32
      %cond3A_242 = arith.cmpi ne, %convert_element_type3A_240, %cond3A_241 : i32
      scf.if %cond3A_242 {
        %add3A_388 = arith.constant 2 : i32
        %add3A_389 = arith.addi %add3A_90, %add3A_388 : i32
        %dma_start3A_390 = arith.constant 0 : i32
        %dma_start3A_391 = tpu.memref_slice %arg7[%add3A_389, %dma_start3A_390] : memref<56x96xi32, #tpu.memory_space<vmem>> -> memref<1x96xi32, #tpu.memory_space<vmem>>
        %dma_start3A_392 = tpu.memref_squeeze %dma_start3A_391 : memref<1x96xi32, #tpu.memory_space<vmem>> -> memref<96xi32, #tpu.memory_space<vmem>>
        %dma_start3A_393 = arith.constant 0 : i32
        %dma_start3A_394 = arith.constant 0 : i32
        %dma_start3A_395 = tpu.memref_slice %arg2[%dma_start3A_393, %dma_start3A_394] : memref<10000x128xf32, #tpu.memory_space<hbm>> -> memref<10000x128xf32, #tpu.memory_space<hbm>>
        tpu.enqueue_indirect_dma source(%dma_start3A_395 : memref<10000x128xf32, #tpu.memory_space<hbm>>) target(%arg10 : memref<96x128xf32, #tpu.memory_space<vmem>>) offsets(%dma_start3A_392 : memref<96xi32, #tpu.memory_space<vmem>>) semaphore(%arg14 : memref<!tpu.dma_semaphore, #tpu.memory_space<semaphore_mem>>)
      } else {
      }
      %dma_wait3A_243 = arith.constant 0 : i32
      %dma_wait3A_244 = tpu.memref_slice %arg7[%add3A_92, %dma_wait3A_243] : memref<56x96xi32, #tpu.memory_space<vmem>> -> memref<1x96xi32, #tpu.memory_space<vmem>>
      %dma_wait3A_245 = tpu.memref_squeeze %dma_wait3A_244 : memref<1x96xi32, #tpu.memory_space<vmem>> -> memref<96xi32, #tpu.memory_space<vmem>>
      %dma_wait3A_246 = arith.constant 0 : i32
      %dma_wait3A_247 = arith.constant 0 : i32
      %dma_wait3A_248 = tpu.memref_slice %arg2[%dma_wait3A_246, %dma_wait3A_247] : memref<10000x128xf32, #tpu.memory_space<hbm>> -> memref<10000x128xf32, #tpu.memory_space<hbm>>
      tpu.wait_indirect_dma semaphore(%arg15 : memref<!tpu.dma_semaphore, #tpu.memory_space<semaphore_mem>>) src(%dma_wait3A_248 : memref<10000x128xf32, #tpu.memory_space<hbm>>) dst(%arg11 : memref<96x128xf32, #tpu.memory_space<vmem>>)
      %add3A_249 = arith.constant 1 : i32
      %add3A_250 = arith.addi %add3A_90, %add3A_249 : i32
      %iota3A_251 = tpu.iota {dimensions = array<i32: 0>} : vector<16xi32>
      %add3A_252 = arith.constant 0 : i32
      %add3A_253 = vector.broadcast %add3A_252 : i32 to vector<16xi32>
      %add3A_254 = arith.addi %iota3A_251, %add3A_253 : vector<16xi32>
      %broadcast_in_dim3A_255 = arith.constant 101 : i32
      %broadcast_in_dim3A_256 = vector.broadcast %broadcast_in_dim3A_255 : i32 to vector<16xi32>
      %gather3A_257 = tpu.vector_load_idx %arg11[%add3A_254, %broadcast_in_dim3A_256] : memref<96x128xf32, #tpu.memory_space<vmem>>[vector<16xi32>, vector<16xi32>], vector<16xf32>,
      %get3A_258 = arith.index_cast %add3A_250 : i32 to index
      %get3A_259 = arith.constant 0 : index
      %get3A_260 = tpu.vector_load %arg8[%get3A_258, %get3A_259] {strides = array<i32>} : memref<56x96xi32, #tpu.memory_space<vmem>>, vector<16xi32>,
      %gather3A_261 = tpu.vector_load_idx %arg9[%get3A_260] : memref<10112xf32, #tpu.memory_space<vmem>>[vector<16xi32>], vector<16xf32>,
      %add3A_262 = arith.addf %gather3A_257, %gather3A_261 : vector<16xf32>
      %gt3A_263 = arith.constant 0.000000e+00 : f32
      %gt3A_264 = vector.broadcast %gt3A_263 : f32 to vector<16xf32>
      %gt3A_265 = arith.cmpf ogt, %add3A_262, %gt3A_264 : vector<16xf32>
      %mul3A_266 = arith.constant 2.000000e-01 : f32
      %mul3A_267 = vector.broadcast %mul3A_266 : f32 to vector<16xf32>
      %mul3A_268 = arith.mulf %mul3A_267, %add3A_262 : vector<16xf32>
      %select_n3A_269 = arith.select %gt3A_265, %add3A_262, %mul3A_268 : vector<16xi1>, vector<16xf32>
      %exp3A_270 = math.exp %select_n3A_269 : vector<16xf32>
      %swap3A_271 = arith.constant 0 : index
      %swap3A_272 = tpu.vector_load %arg12[%swap3A_271] {strides = array<i32>} : memref<96xf32, #tpu.memory_space<vmem>>, vector<16xf32>,
      tpu.vector_store %arg12[%swap3A_271], %exp3A_270 {strides = array<i32>} : memref<96xf32, #tpu.memory_space<vmem>>, vector<16xf32>,
      %iota3A_273 = tpu.iota {dimensions = array<i32: 0>} : vector<16xi32>
      %add3A_274 = arith.constant 16 : i32
      %add3A_275 = vector.broadcast %add3A_274 : i32 to vector<16xi32>
      %add3A_276 = arith.addi %iota3A_273, %add3A_275 : vector<16xi32>
      %broadcast_in_dim3A_277 = arith.constant 101 : i32
      %broadcast_in_dim3A_278 = vector.broadcast %broadcast_in_dim3A_277 : i32 to vector<16xi32>
      %gather3A_279 = tpu.vector_load_idx %arg11[%add3A_276, %broadcast_in_dim3A_278] : memref<96x128xf32, #tpu.memory_space<vmem>>[vector<16xi32>, vector<16xi32>], vector<16xf32>,
      %get3A_280 = arith.index_cast %add3A_250 : i32 to index
      %get3A_281 = arith.constant 16 : index
      %get3A_282 = tpu.vector_load %arg8[%get3A_280, %get3A_281] {strides = array<i32>} : memref<56x96xi32, #tpu.memory_space<vmem>>, vector<16xi32>,
      %gather3A_283 = tpu.vector_load_idx %arg9[%get3A_282] : memref<10112xf32, #tpu.memory_space<vmem>>[vector<16xi32>], vector<16xf32>,
      %add3A_284 = arith.addf %gather3A_279, %gather3A_283 : vector<16xf32>
      %gt3A_285 = arith.constant 0.000000e+00 : f32
      %gt3A_286 = vector.broadcast %gt3A_285 : f32 to vector<16xf32>
      %gt3A_287 = arith.cmpf ogt, %add3A_284, %gt3A_286 : vector<16xf32>
      %mul3A_288 = arith.constant 2.000000e-01 : f32
      %mul3A_289 = vector.broadcast %mul3A_288 : f32 to vector<16xf32>
      %mul3A_290 = arith.mulf %mul3A_289, %add3A_284 : vector<16xf32>
      %select_n3A_291 = arith.select %gt3A_287, %add3A_284, %mul3A_290 : vector<16xi1>, vector<16xf32>
      %exp3A_292 = math.exp %select_n3A_291 : vector<16xf32>
      %swap3A_293 = arith.constant 16 : index
      %swap3A_294 = tpu.vector_load %arg12[%swap3A_293] {strides = array<i32>} : memref<96xf32, #tpu.memory_space<vmem>>, vector<16xf32>,
      tpu.vector_store %arg12[%swap3A_293], %exp3A_292 {strides = array<i32>} : memref<96xf32, #tpu.memory_space<vmem>>, vector<16xf32>,
      %iota3A_295 = tpu.iota {dimensions = array<i32: 0>} : vector<16xi32>
      %add3A_296 = arith.constant 32 : i32
      %add3A_297 = vector.broadcast %add3A_296 : i32 to vector<16xi32>
      %add3A_298 = arith.addi %iota3A_295, %add3A_297 : vector<16xi32>
      %broadcast_in_dim3A_299 = arith.constant 101 : i32
      %broadcast_in_dim3A_300 = vector.broadcast %broadcast_in_dim3A_299 : i32 to vector<16xi32>
      %gather3A_301 = tpu.vector_load_idx %arg11[%add3A_298, %broadcast_in_dim3A_300] : memref<96x128xf32, #tpu.memory_space<vmem>>[vector<16xi32>, vector<16xi32>], vector<16xf32>,
      %get3A_302 = arith.index_cast %add3A_250 : i32 to index
      %get3A_303 = arith.constant 32 : index
      %get3A_304 = tpu.vector_load %arg8[%get3A_302, %get3A_303] {strides = array<i32>} : memref<56x96xi32, #tpu.memory_space<vmem>>, vector<16xi32>,
      %gather3A_305 = tpu.vector_load_idx %arg9[%get3A_304] : memref<10112xf32, #tpu.memory_space<vmem>>[vector<16xi32>], vector<16xf32>,
      %add3A_306 = arith.addf %gather3A_301, %gather3A_305 : vector<16xf32>
      %gt3A_307 = arith.constant 0.000000e+00 : f32
      %gt3A_308 = vector.broadcast %gt3A_307 : f32 to vector<16xf32>
      %gt3A_309 = arith.cmpf ogt, %add3A_306, %gt3A_308 : vector<16xf32>
      %mul3A_310 = arith.constant 2.000000e-01 : f32
      %mul3A_311 = vector.broadcast %mul3A_310 : f32 to vector<16xf32>
      %mul3A_312 = arith.mulf %mul3A_311, %add3A_306 : vector<16xf32>
      %select_n3A_313 = arith.select %gt3A_309, %add3A_306, %mul3A_312 : vector<16xi1>, vector<16xf32>
      %exp3A_314 = math.exp %select_n3A_313 : vector<16xf32>
      %swap3A_315 = arith.constant 32 : index
      %swap3A_316 = tpu.vector_load %arg12[%swap3A_315] {strides = array<i32>} : memref<96xf32, #tpu.memory_space<vmem>>, vector<16xf32>,
      tpu.vector_store %arg12[%swap3A_315], %exp3A_314 {strides = array<i32>} : memref<96xf32, #tpu.memory_space<vmem>>, vector<16xf32>,
      %iota3A_317 = tpu.iota {dimensions = array<i32: 0>} : vector<16xi32>
      %add3A_318 = arith.constant 48 : i32
      %add3A_319 = vector.broadcast %add3A_318 : i32 to vector<16xi32>
      %add3A_320 = arith.addi %iota3A_317, %add3A_319 : vector<16xi32>
      %broadcast_in_dim3A_321 = arith.constant 101 : i32
      %broadcast_in_dim3A_322 = vector.broadcast %broadcast_in_dim3A_321 : i32 to vector<16xi32>
      %gather3A_323 = tpu.vector_load_idx %arg11[%add3A_320, %broadcast_in_dim3A_322] : memref<96x128xf32, #tpu.memory_space<vmem>>[vector<16xi32>, vector<16xi32>], vector<16xf32>,
      %get3A_324 = arith.index_cast %add3A_250 : i32 to index
      %get3A_325 = arith.constant 48 : index
      %get3A_326 = tpu.vector_load %arg8[%get3A_324, %get3A_325] {strides = array<i32>} : memref<56x96xi32, #tpu.memory_space<vmem>>, vector<16xi32>,
      %gather3A_327 = tpu.vector_load_idx %arg9[%get3A_326] : memref<10112xf32, #tpu.memory_space<vmem>>[vector<16xi32>], vector<16xf32>,
      %add3A_328 = arith.addf %gather3A_323, %gather3A_327 : vector<16xf32>
      %gt3A_329 = arith.constant 0.000000e+00 : f32
      %gt3A_330 = vector.broadcast %gt3A_329 : f32 to vector<16xf32>
      %gt3A_331 = arith.cmpf ogt, %add3A_328, %gt3A_330 : vector<16xf32>
      %mul3A_332 = arith.constant 2.000000e-01 : f32
      %mul3A_333 = vector.broadcast %mul3A_332 : f32 to vector<16xf32>
      %mul3A_334 = arith.mulf %mul3A_333, %add3A_328 : vector<16xf32>
      %select_n3A_335 = arith.select %gt3A_331, %add3A_328, %mul3A_334 : vector<16xi1>, vector<16xf32>
      %exp3A_336 = math.exp %select_n3A_335 : vector<16xf32>
      %swap3A_337 = arith.constant 48 : index
      %swap3A_338 = tpu.vector_load %arg12[%swap3A_337] {strides = array<i32>} : memref<96xf32, #tpu.memory_space<vmem>>, vector<16xf32>,
      tpu.vector_store %arg12[%swap3A_337], %exp3A_336 {strides = array<i32>} : memref<96xf32, #tpu.memory_space<vmem>>, vector<16xf32>,
      %iota3A_339 = tpu.iota {dimensions = array<i32: 0>} : vector<16xi32>
      %add3A_340 = arith.constant 64 : i32
      %add3A_341 = vector.broadcast %add3A_340 : i32 to vector<16xi32>
      %add3A_342 = arith.addi %iota3A_339, %add3A_341 : vector<16xi32>
      %broadcast_in_dim3A_343 = arith.constant 101 : i32
      %broadcast_in_dim3A_344 = vector.broadcast %broadcast_in_dim3A_343 : i32 to vector<16xi32>
      %gather3A_345 = tpu.vector_load_idx %arg11[%add3A_342, %broadcast_in_dim3A_344] : memref<96x128xf32, #tpu.memory_space<vmem>>[vector<16xi32>, vector<16xi32>], vector<16xf32>,
      %get3A_346 = arith.index_cast %add3A_250 : i32 to index
      %get3A_347 = arith.constant 64 : index
      %get3A_348 = tpu.vector_load %arg8[%get3A_346, %get3A_347] {strides = array<i32>} : memref<56x96xi32, #tpu.memory_space<vmem>>, vector<16xi32>,
      %gather3A_349 = tpu.vector_load_idx %arg9[%get3A_348] : memref<10112xf32, #tpu.memory_space<vmem>>[vector<16xi32>], vector<16xf32>,
      %add3A_350 = arith.addf %gather3A_345, %gather3A_349 : vector<16xf32>
      %gt3A_351 = arith.constant 0.000000e+00 : f32
      %gt3A_352 = vector.broadcast %gt3A_351 : f32 to vector<16xf32>
      %gt3A_353 = arith.cmpf ogt, %add3A_350, %gt3A_352 : vector<16xf32>
      %mul3A_354 = arith.constant 2.000000e-01 : f32
      %mul3A_355 = vector.broadcast %mul3A_354 : f32 to vector<16xf32>
      %mul3A_356 = arith.mulf %mul3A_355, %add3A_350 : vector<16xf32>
      %select_n3A_357 = arith.select %gt3A_353, %add3A_350, %mul3A_356 : vector<16xi1>, vector<16xf32>
      %exp3A_358 = math.exp %select_n3A_357 : vector<16xf32>
      %swap3A_359 = arith.constant 64 : index
      %swap3A_360 = tpu.vector_load %arg12[%swap3A_359] {strides = array<i32>} : memref<96xf32, #tpu.memory_space<vmem>>, vector<16xf32>,
      tpu.vector_store %arg12[%swap3A_359], %exp3A_358 {strides = array<i32>} : memref<96xf32, #tpu.memory_space<vmem>>, vector<16xf32>,
      %iota3A_361 = tpu.iota {dimensions = array<i32: 0>} : vector<16xi32>
      %add3A_362 = arith.constant 80 : i32
      %add3A_363 = vector.broadcast %add3A_362 : i32 to vector<16xi32>
      %add3A_364 = arith.addi %iota3A_361, %add3A_363 : vector<16xi32>
      %broadcast_in_dim3A_365 = arith.constant 101 : i32
      %broadcast_in_dim3A_366 = vector.broadcast %broadcast_in_dim3A_365 : i32 to vector<16xi32>
      %gather3A_367 = tpu.vector_load_idx %arg11[%add3A_364, %broadcast_in_dim3A_366] : memref<96x128xf32, #tpu.memory_space<vmem>>[vector<16xi32>, vector<16xi32>], vector<16xf32>,
      %get3A_368 = arith.index_cast %add3A_250 : i32 to index
      %get3A_369 = arith.constant 80 : index
      %get3A_370 = tpu.vector_load %arg8[%get3A_368, %get3A_369] {strides = array<i32>} : memref<56x96xi32, #tpu.memory_space<vmem>>, vector<16xi32>,
      %gather3A_371 = tpu.vector_load_idx %arg9[%get3A_370] : memref<10112xf32, #tpu.memory_space<vmem>>[vector<16xi32>], vector<16xf32>,
      %add3A_372 = arith.addf %gather3A_367, %gather3A_371 : vector<16xf32>
      %gt3A_373 = arith.constant 0.000000e+00 : f32
      %gt3A_374 = vector.broadcast %gt3A_373 : f32 to vector<16xf32>
      %gt3A_375 = arith.cmpf ogt, %add3A_372, %gt3A_374 : vector<16xf32>
      %mul3A_376 = arith.constant 2.000000e-01 : f32
      %mul3A_377 = vector.broadcast %mul3A_376 : f32 to vector<16xf32>
      %mul3A_378 = arith.mulf %mul3A_377, %add3A_372 : vector<16xf32>
      %select_n3A_379 = arith.select %gt3A_375, %add3A_372, %mul3A_378 : vector<16xi1>, vector<16xf32>
      %exp3A_380 = math.exp %select_n3A_379 : vector<16xf32>
      %swap3A_381 = arith.constant 80 : index
      %swap3A_382 = tpu.vector_load %arg12[%swap3A_381] {strides = array<i32>} : memref<96xf32, #tpu.memory_space<vmem>>, vector<16xf32>,
      tpu.vector_store %arg12[%swap3A_381], %exp3A_380 {strides = array<i32>} : memref<96xf32, #tpu.memory_space<vmem>>, vector<16xf32>,
      %scan3A_383 = arith.constant 0 : i32
      %scan3A_384 = arith.constant 96 : i32
      %scan3A_385 = arith.addi %scan3A_383, %scan3A_384 : i32
      %scan3A_386 = arith.constant 1 : i32
      scf.for %scan3A_388 = %scan3A_383 to %scan3A_385 step %scan3A_386  : i32 {
        %mul3A_389 = arith.constant 1 : i32
        %mul3A_390 = arith.muli %scan3A_388, %mul3A_389 : i32
        %add3A_391 = arith.constant 0 : i32
        %add3A_392 = arith.addi %add3A_391, %mul3A_390 : i32
        %broadcast_in_dim3A_393 = arith.constant 0 : i32
        %broadcast_in_dim3A_394 = vector.broadcast %broadcast_in_dim3A_393 : i32 to vector<16xi32>
        %add3A_395 = vector.broadcast %add3A_392 : i32 to vector<16xi32>
        %add3A_396 = arith.addi %broadcast_in_dim3A_394, %add3A_395 : vector<16xi32>
        %gather3A_397 = tpu.vector_load_idx %arg12[%add3A_396] : memref<96xf32, #tpu.memory_space<vmem>>[vector<16xi32>], vector<16xf32>,
        %get3A_398 = arith.index_cast %add3A_392 : i32 to index
        %get3A_399 = arith.constant 0 : index
        %get3A_400 = tpu.vector_load %arg11[%get3A_398, %get3A_399] {strides = array<i32>} : memref<96x128xf32, #tpu.memory_space<vmem>>, vector<16xf32>,
        %mul3A_401 = arith.mulf %get3A_400, %gather3A_397 : vector<16xf32>
        %swap3A_402 = arith.index_cast %add3A_392 : i32 to index
        %swap3A_403 = arith.constant 0 : index
        %swap3A_404 = tpu.vector_load %arg11[%swap3A_402, %swap3A_403] {strides = array<i32>} : memref<96x128xf32, #tpu.memory_space<vmem>>, vector<16xf32>,
        tpu.vector_store %arg11[%swap3A_402, %swap3A_403], %mul3A_401 {strides = array<i32>} : memref<96x128xf32, #tpu.memory_space<vmem>>, vector<16xf32>,
        %get3A_405 = arith.index_cast %add3A_392 : i32 to index
        %get3A_406 = arith.constant 16 : index
        %get3A_407 = tpu.vector_load %arg11[%get3A_405, %get3A_406] {strides = array<i32>} : memref<96x128xf32, #tpu.memory_space<vmem>>, vector<16xf32>,
        %mul3A_408 = arith.mulf %get3A_407, %gather3A_397 : vector<16xf32>
        %swap3A_409 = arith.index_cast %add3A_392 : i32 to index
        %swap3A_410 = arith.constant 16 : index
        %swap3A_411 = tpu.vector_load %arg11[%swap3A_409, %swap3A_410] {strides = array<i32>} : memref<96x128xf32, #tpu.memory_space<vmem>>, vector<16xf32>,
        tpu.vector_store %arg11[%swap3A_409, %swap3A_410], %mul3A_408 {strides = array<i32>} : memref<96x128xf32, #tpu.memory_space<vmem>>, vector<16xf32>,
        %get3A_412 = arith.index_cast %add3A_392 : i32 to index
        %get3A_413 = arith.constant 32 : index
        %get3A_414 = tpu.vector_load %arg11[%get3A_412, %get3A_413] {strides = array<i32>} : memref<96x128xf32, #tpu.memory_space<vmem>>, vector<16xf32>,
        %mul3A_415 = arith.mulf %get3A_414, %gather3A_397 : vector<16xf32>
        %swap3A_416 = arith.index_cast %add3A_392 : i32 to index
        %swap3A_417 = arith.constant 32 : index
        %swap3A_418 = tpu.vector_load %arg11[%swap3A_416, %swap3A_417] {strides = array<i32>} : memref<96x128xf32, #tpu.memory_space<vmem>>, vector<16xf32>,
        tpu.vector_store %arg11[%swap3A_416, %swap3A_417], %mul3A_415 {strides = array<i32>} : memref<96x128xf32, #tpu.memory_space<vmem>>, vector<16xf32>,
        %get3A_419 = arith.index_cast %add3A_392 : i32 to index
        %get3A_420 = arith.constant 48 : index
        %get3A_421 = tpu.vector_load %arg11[%get3A_419, %get3A_420] {strides = array<i32>} : memref<96x128xf32, #tpu.memory_space<vmem>>, vector<16xf32>,
        %mul3A_422 = arith.mulf %get3A_421, %gather3A_397 : vector<16xf32>
        %swap3A_423 = arith.index_cast %add3A_392 : i32 to index
        %swap3A_424 = arith.constant 48 : index
        %swap3A_425 = tpu.vector_load %arg11[%swap3A_423, %swap3A_424] {strides = array<i32>} : memref<96x128xf32, #tpu.memory_space<vmem>>, vector<16xf32>,
        tpu.vector_store %arg11[%swap3A_423, %swap3A_424], %mul3A_422 {strides = array<i32>} : memref<96x128xf32, #tpu.memory_space<vmem>>, vector<16xf32>,
        %get3A_426 = arith.index_cast %add3A_392 : i32 to index
        %get3A_427 = arith.constant 64 : index
        %get3A_428 = tpu.vector_load %arg11[%get3A_426, %get3A_427] {strides = array<i32>} : memref<96x128xf32, #tpu.memory_space<vmem>>, vector<16xf32>,
        %mul3A_429 = arith.mulf %get3A_428, %gather3A_397 : vector<16xf32>
        %swap3A_430 = arith.index_cast %add3A_392 : i32 to index
        %swap3A_431 = arith.constant 64 : index
        %swap3A_432 = tpu.vector_load %arg11[%swap3A_430, %swap3A_431] {strides = array<i32>} : memref<96x128xf32, #tpu.memory_space<vmem>>, vector<16xf32>,
        tpu.vector_store %arg11[%swap3A_430, %swap3A_431], %mul3A_429 {strides = array<i32>} : memref<96x128xf32, #tpu.memory_space<vmem>>, vector<16xf32>,
        %get3A_433 = arith.index_cast %add3A_392 : i32 to index
        %get3A_434 = arith.constant 80 : index
        %get3A_435 = tpu.vector_load %arg11[%get3A_433, %get3A_434] {strides = array<i32>} : memref<96x128xf32, #tpu.memory_space<vmem>>, vector<16xf32>,
        %mul3A_436 = arith.mulf %get3A_435, %gather3A_397 : vector<16xf32>
        %swap3A_437 = arith.index_cast %add3A_392 : i32 to index
        %swap3A_438 = arith.constant 80 : index
        %swap3A_439 = tpu.vector_load %arg11[%swap3A_437, %swap3A_438] {strides = array<i32>} : memref<96x128xf32, #tpu.memory_space<vmem>>, vector<16xf32>,
        tpu.vector_store %arg11[%swap3A_437, %swap3A_438], %mul3A_436 {strides = array<i32>} : memref<96x128xf32, #tpu.memory_space<vmem>>, vector<16xf32>,
        %get3A_440 = arith.index_cast %add3A_392 : i32 to index
        %get3A_441 = arith.constant 96 : index
        %get3A_442 = tpu.vector_load %arg11[%get3A_440, %get3A_441] {strides = array<i32>} : memref<96x128xf32, #tpu.memory_space<vmem>>, vector<16xf32>,
        %mul3A_443 = arith.mulf %get3A_442, %gather3A_397 : vector<16xf32>
        %swap3A_444 = arith.index_cast %add3A_392 : i32 to index
        %swap3A_445 = arith.constant 96 : index
        %swap3A_446 = tpu.vector_load %arg11[%swap3A_444, %swap3A_445] {strides = array<i32>} : memref<96x128xf32, #tpu.memory_space<vmem>>, vector<16xf32>,
        tpu.vector_store %arg11[%swap3A_444, %swap3A_445], %mul3A_443 {strides = array<i32>} : memref<96x128xf32, #tpu.memory_space<vmem>>, vector<16xf32>,
      }
      %scan3A_387 = arith.constant 96 : i32
      "tpu.region"() ({
        %run_scoped3A = tpu.sem_alloc : memref<!tpu.dma_semaphore, #tpu.memory_space<semaphore_mem>>
        %dma_start3A_388 = arith.constant 0 : i32
        %dma_start3A_389 = tpu.memref_slice %arg8[%add3A_250, %dma_start3A_388] : memref<56x96xi32, #tpu.memory_space<vmem>> -> memref<1x96xi32, #tpu.memory_space<vmem>>
        %dma_start3A_390 = tpu.memref_squeeze %dma_start3A_389 : memref<1x96xi32, #tpu.memory_space<vmem>> -> memref<96xi32, #tpu.memory_space<vmem>>
        %dma_start3A_391 = arith.constant 0 : i32
        %dma_start3A_392 = arith.constant 0 : i32
        %dma_start3A_393 = tpu.memref_slice %arg13[%dma_start3A_391, %dma_start3A_392] : memref<10112x128xf32, #tpu.memory_space<vmem_shared>> -> memref<10112x128xf32, #tpu.memory_space<vmem_shared>>
        tpu.enqueue_indirect_dma source(%arg11 : memref<96x128xf32, #tpu.memory_space<vmem>>) target(%dma_start3A_393 : memref<10112x128xf32, #tpu.memory_space<vmem_shared>>) offsets(%dma_start3A_390 : memref<96xi32, #tpu.memory_space<vmem>>) semaphore(%run_scoped3A : memref<!tpu.dma_semaphore, #tpu.memory_space<semaphore_mem>>) {add = true}
        %dma_wait3A_394 = arith.constant 0 : i32
        %dma_wait3A_395 = tpu.memref_slice %arg8[%add3A_250, %dma_wait3A_394] : memref<56x96xi32, #tpu.memory_space<vmem>> -> memref<1x96xi32, #tpu.memory_space<vmem>>
        %dma_wait3A_396 = tpu.memref_squeeze %dma_wait3A_395 : memref<1x96xi32, #tpu.memory_space<vmem>> -> memref<96xi32, #tpu.memory_space<vmem>>
        %dma_wait3A_397 = arith.constant 0 : i32
        %dma_wait3A_398 = arith.constant 0 : i32
        %dma_wait3A_399 = tpu.memref_slice %arg13[%dma_wait3A_397, %dma_wait3A_398] : memref<10112x128xf32, #tpu.memory_space<vmem_shared>> -> memref<10112x128xf32, #tpu.memory_space<vmem_shared>>
        tpu.wait_indirect_dma semaphore(%run_scoped3A : memref<!tpu.dma_semaphore, #tpu.memory_space<semaphore_mem>>) src(%arg11 : memref<96x128xf32, #tpu.memory_space<vmem>>) dst(%dma_wait3A_399 : memref<10112x128xf32, #tpu.memory_space<vmem_shared>>)
        tpu.yield
      }) : () -> ()
    }
    %scan3A_76 = arith.constant 28 : i32
    %barrier3A_77 = arith.constant 0 : index
    tpu.barrier barrier_id(%barrier3A_77)
    %mul3A_78 = arith.constant 632 : i32
    %mul3A_79 = arith.muli %arg1, %mul3A_78 : i32
    %lt3A = arith.constant 15 : i32
    %lt3A_80 = arith.cmpi slt, %arg1, %lt3A : i32
    %convert_element_type3A = arith.extui %lt3A_80 : i1 to i32
    %cond3A = arith.constant 0 : i32
    %cond3A_81 = arith.cmpi ne, %convert_element_type3A, %cond3A : i32
    scf.if %cond3A_81 {
      "tpu.region"() ({
        %run_scoped3A = tpu.sem_alloc : memref<!tpu.dma_semaphore, #tpu.memory_space<semaphore_mem>>
        %dma_start3A_86 = arith.constant 0 : i32
        %dma_start3A_87 = tpu.memref_slice %arg6[%arg0, %mul3A_79, %dma_start3A_86] : memref<2x10000x128xf32, #tpu.memory_space<hbm>> -> memref<1x632x128xf32, #tpu.memory_space<hbm>>
        %dma_start3A_88 = tpu.memref_squeeze %dma_start3A_87 : memref<1x632x128xf32, #tpu.memory_space<hbm>> -> memref<632x128xf32, #tpu.memory_space<hbm>>
        %dma_start3A_89 = arith.constant 0 : i32
        %dma_start3A_90 = tpu.memref_slice %arg13[%mul3A_79, %dma_start3A_89] : memref<10112x128xf32, #tpu.memory_space<vmem_shared>> -> memref<632x128xf32, #tpu.memory_space<vmem_shared>>
        tpu.enqueue_dma source(%dma_start3A_90 : memref<632x128xf32, #tpu.memory_space<vmem_shared>>) target(%dma_start3A_88 : memref<632x128xf32, #tpu.memory_space<hbm>>) target_semaphore(%run_scoped3A : memref<!tpu.dma_semaphore, #tpu.memory_space<semaphore_mem>>)
        %dma_wait3A_91 = arith.constant 0 : i32
        %dma_wait3A_92 = tpu.memref_slice %arg6[%arg0, %mul3A_79, %dma_wait3A_91] : memref<2x10000x128xf32, #tpu.memory_space<hbm>> -> memref<1x632x128xf32, #tpu.memory_space<hbm>>
        %dma_wait3A_93 = tpu.memref_squeeze %dma_wait3A_92 : memref<1x632x128xf32, #tpu.memory_space<hbm>> -> memref<632x128xf32, #tpu.memory_space<hbm>>
        %dma_wait3A_94 = arith.constant 0 : i32
        %dma_wait3A_95 = tpu.memref_slice %arg13[%mul3A_79, %dma_wait3A_94] : memref<10112x128xf32, #tpu.memory_space<vmem_shared>> -> memref<632x128xf32, #tpu.memory_space<vmem_shared>>
        tpu.wait_dma2 semaphore(%run_scoped3A : memref<!tpu.dma_semaphore, #tpu.memory_space<semaphore_mem>>) src(%dma_wait3A_95 : memref<632x128xf32, #tpu.memory_space<vmem_shared>>) dst(%dma_wait3A_93 : memref<632x128xf32, #tpu.memory_space<hbm>>)
        tpu.yield
      }) : () -> ()
    } else {
    }
    %eq3A = arith.constant 15 : i32
    %eq3A_82 = arith.cmpi eq, %arg1, %eq3A : i32
    %convert_element_type3A_83 = arith.extui %eq3A_82 : i1 to i32
    %cond3A_84 = arith.constant 0 : i32
    %cond3A_85 = arith.cmpi ne, %convert_element_type3A_83, %cond3A_84 : i32
    scf.if %cond3A_85 {
      "tpu.region"() ({
        %run_scoped3A = tpu.sem_alloc : memref<!tpu.dma_semaphore, #tpu.memory_space<semaphore_mem>>
        %dma_start3A_86 = arith.constant 9480 : i32
        %dma_start3A_87 = arith.constant 0 : i32
        %dma_start3A_88 = tpu.memref_slice %arg6[%arg0, %dma_start3A_86, %dma_start3A_87] : memref<2x10000x128xf32, #tpu.memory_space<hbm>> -> memref<1x520x128xf32, #tpu.memory_space<hbm>>
        %dma_start3A_89 = tpu.memref_squeeze %dma_start3A_88 : memref<1x520x128xf32, #tpu.memory_space<hbm>> -> memref<520x128xf32, #tpu.memory_space<hbm>>
        %dma_start3A_90 = arith.constant 9480 : i32
        %dma_start3A_91 = arith.constant 0 : i32
        %dma_start3A_92 = tpu.memref_slice %arg13[%dma_start3A_90, %dma_start3A_91] : memref<10112x128xf32, #tpu.memory_space<vmem_shared>> -> memref<520x128xf32, #tpu.memory_space<vmem_shared>>
        tpu.enqueue_dma source(%dma_start3A_92 : memref<520x128xf32, #tpu.memory_space<vmem_shared>>) target(%dma_start3A_89 : memref<520x128xf32, #tpu.memory_space<hbm>>) target_semaphore(%run_scoped3A : memref<!tpu.dma_semaphore, #tpu.memory_space<semaphore_mem>>)
        %dma_wait3A_93 = arith.constant 9480 : i32
        %dma_wait3A_94 = arith.constant 0 : i32
        %dma_wait3A_95 = tpu.memref_slice %arg6[%arg0, %dma_wait3A_93, %dma_wait3A_94] : memref<2x10000x128xf32, #tpu.memory_space<hbm>> -> memref<1x520x128xf32, #tpu.memory_space<hbm>>
        %dma_wait3A_96 = tpu.memref_squeeze %dma_wait3A_95 : memref<1x520x128xf32, #tpu.memory_space<hbm>> -> memref<520x128xf32, #tpu.memory_space<hbm>>
        %dma_wait3A_97 = arith.constant 9480 : i32
        %dma_wait3A_98 = arith.constant 0 : i32
        %dma_wait3A_99 = tpu.memref_slice %arg13[%dma_wait3A_97, %dma_wait3A_98] : memref<10112x128xf32, #tpu.memory_space<vmem_shared>> -> memref<520x128xf32, #tpu.memory_space<vmem_shared>>
        tpu.wait_dma2 semaphore(%run_scoped3A : memref<!tpu.dma_semaphore, #tpu.memory_space<semaphore_mem>>) src(%dma_wait3A_99 : memref<520x128xf32, #tpu.memory_space<vmem_shared>>) dst(%dma_wait3A_96 : memref<520x128xf32, #tpu.memory_space<hbm>>)
        tpu.yield
      }) : () -> ()
    } else {
    }
    return
  }
}

#map = affine_map<(d0, d1) -> (0, 0)>
#map1 = affine_map<(d0, d1) -> (0)>
#map2 = affine_map<(d0, d1) -> (0, 0, 0)>
module attributes {stable_mosaic.version = 14 : i64} {
  func.func @edge_kernel(%arg0: i32, %arg1: i32, %arg2: memref<10000x128xf32, #tpu.memory_space<hbm>>, %arg3: memref<10000xf32, #tpu.memory_space<hbm>>, %arg4: memref<32x56x96xi32, #tpu.memory_space<hbm>>, %arg5: memref<32x56x96xi32, #tpu.memory_space<hbm>>, %arg6: memref<2x10000x128xf32, #tpu.memory_space<hbm>>, %arg7: memref<56x96xi32, #tpu.memory_space<vmem>>, %arg8: memref<56x96xi32, #tpu.memory_space<vmem>>, %arg9: memref<10112xf32, #tpu.memory_space<vmem>>, %arg10: memref<96x128xf32, #tpu.memory_space<vmem>>, %arg11: memref<96x128xf32, #tpu.memory_space<vmem>>, %arg12: memref<96xf32, #tpu.memory_space<vmem>>, %arg13: memref<10112x128xf32, #tpu.memory_space<vmem_shared>>, %arg14: memref<!tpu.dma_semaphore, #tpu.memory_space<semaphore_mem>>, %arg15: memref<!tpu.dma_semaphore, #tpu.memory_space<semaphore_mem>>) attributes {dimension_semantics = [#tpu.dimension_semantics<core_parallel>, #tpu.dimension_semantics<subcore_parallel>], iteration_bounds = array<i64: 2, 16>, scalar_prefetch = 0 : i64, scratch_operands = 9 : i64, tpu.core_type = #tpu.core_type<sc_vector_subcore>, window_params = [{transform_indices = #map}, {transform_indices = #map1}, {transform_indices = #map2}, {transform_indices = #map2}, {transform_indices = #map2}]} {
    %mul3A = arith.constant 16 : i32
    %mul3A_0 = arith.muli %arg0, %mul3A : i32
    %add3A = arith.addi %mul3A_0, %arg1 : i32
    %dma_start3A = arith.constant 0 : i32
    %dma_start3A_1 = arith.constant 0 : i32
    %dma_start3A_2 = tpu.memref_slice %arg4[%add3A, %dma_start3A, %dma_start3A_1] : memref<32x56x96xi32, #tpu.memory_space<hbm>> -> memref<1x56x96xi32, #tpu.memory_space<hbm>>
    %dma_start3A_3 = tpu.memref_squeeze %dma_start3A_2 : memref<1x56x96xi32, #tpu.memory_space<hbm>> -> memref<56x96xi32, #tpu.memory_space<hbm>>
    %dma_start3A_4 = arith.constant 0 : i32
    %dma_start3A_5 = arith.constant 0 : i32
    %dma_start3A_6 = tpu.memref_slice %arg4[%add3A, %dma_start3A_4, %dma_start3A_5] : memref<32x56x96xi32, #tpu.memory_space<hbm>> -> memref<1x56x96xi32, #tpu.memory_space<hbm>>
    %dma_start3A_7 = tpu.memref_squeeze %dma_start3A_6 : memref<1x56x96xi32, #tpu.memory_space<hbm>> -> memref<56x96xi32, #tpu.memory_space<hbm>>
    tpu.enqueue_dma source(%dma_start3A_7 : memref<56x96xi32, #tpu.memory_space<hbm>>) target(%arg7 : memref<56x96xi32, #tpu.memory_space<vmem>>) target_semaphore(%arg14 : memref<!tpu.dma_semaphore, #tpu.memory_space<semaphore_mem>>)
    %dma_start3A_8 = arith.constant 0 : i32
    %dma_start3A_9 = arith.constant 0 : i32
    %dma_start3A_10 = tpu.memref_slice %arg5[%add3A, %dma_start3A_8, %dma_start3A_9] : memref<32x56x96xi32, #tpu.memory_space<hbm>> -> memref<1x56x96xi32, #tpu.memory_space<hbm>>
    %dma_start3A_11 = tpu.memref_squeeze %dma_start3A_10 : memref<1x56x96xi32, #tpu.memory_space<hbm>> -> memref<56x96xi32, #tpu.memory_space<hbm>>
    %dma_start3A_12 = arith.constant 0 : i32
    %dma_start3A_13 = arith.constant 0 : i32
    %dma_start3A_14 = tpu.memref_slice %arg5[%add3A, %dma_start3A_12, %dma_start3A_13] : memref<32x56x96xi32, #tpu.memory_space<hbm>> -> memref<1x56x96xi32, #tpu.memory_space<hbm>>
    %dma_start3A_15 = tpu.memref_squeeze %dma_start3A_14 : memref<1x56x96xi32, #tpu.memory_space<hbm>> -> memref<56x96xi32, #tpu.memory_space<hbm>>
    tpu.enqueue_dma source(%dma_start3A_15 : memref<56x96xi32, #tpu.memory_space<hbm>>) target(%arg8 : memref<56x96xi32, #tpu.memory_space<vmem>>) target_semaphore(%arg15 : memref<!tpu.dma_semaphore, #tpu.memory_space<semaphore_mem>>)
    %broadcast_in_dim3A = arith.constant 0.000000e+00 : f32
    %broadcast_in_dim3A_16 = vector.broadcast %broadcast_in_dim3A : f32 to vector<16xf32>
    %scan3A = arith.constant 0 : i32
    %scan3A_17 = arith.constant 96 : i32
    %scan3A_18 = arith.addi %scan3A, %scan3A_17 : i32
    %scan3A_19 = arith.constant 1 : i32
    scf.for %scan3A_86 = %scan3A to %scan3A_18 step %scan3A_19  : i32 {
      %mul3A_87 = arith.constant 1 : i32
      %mul3A_88 = arith.muli %scan3A_86, %mul3A_87 : i32
      %add3A_89 = arith.constant 0 : i32
      %add3A_90 = arith.addi %add3A_89, %mul3A_88 : i32
      %swap3A_91 = arith.index_cast %add3A_90 : i32 to index
      %swap3A_92 = arith.constant 0 : index
      %swap3A_93 = tpu.vector_load %arg10[%swap3A_91, %swap3A_92] {strides = array<i32>} : memref<96x128xf32, #tpu.memory_space<vmem>>, vector<16xf32>,
      tpu.vector_store %arg10[%swap3A_91, %swap3A_92], %broadcast_in_dim3A_16 {strides = array<i32>} : memref<96x128xf32, #tpu.memory_space<vmem>>, vector<16xf32>,
      %swap3A_94 = arith.index_cast %add3A_90 : i32 to index
      %swap3A_95 = arith.constant 16 : index
      %swap3A_96 = tpu.vector_load %arg10[%swap3A_94, %swap3A_95] {strides = array<i32>} : memref<96x128xf32, #tpu.memory_space<vmem>>, vector<16xf32>,
      tpu.vector_store %arg10[%swap3A_94, %swap3A_95], %broadcast_in_dim3A_16 {strides = array<i32>} : memref<96x128xf32, #tpu.memory_space<vmem>>, vector<16xf32>,
      %swap3A_97 = arith.index_cast %add3A_90 : i32 to index
      %swap3A_98 = arith.constant 32 : index
      %swap3A_99 = tpu.vector_load %arg10[%swap3A_97, %swap3A_98] {strides = array<i32>} : memref<96x128xf32, #tpu.memory_space<vmem>>, vector<16xf32>,
      tpu.vector_store %arg10[%swap3A_97, %swap3A_98], %broadcast_in_dim3A_16 {strides = array<i32>} : memref<96x128xf32, #tpu.memory_space<vmem>>, vector<16xf32>,
      %swap3A_100 = arith.index_cast %add3A_90 : i32 to index
      %swap3A_101 = arith.constant 48 : index
      %swap3A_102 = tpu.vector_load %arg10[%swap3A_100, %swap3A_101] {strides = array<i32>} : memref<96x128xf32, #tpu.memory_space<vmem>>, vector<16xf32>,
      tpu.vector_store %arg10[%swap3A_100, %swap3A_101], %broadcast_in_dim3A_16 {strides = array<i32>} : memref<96x128xf32, #tpu.memory_space<vmem>>, vector<16xf32>,
      %swap3A_103 = arith.index_cast %add3A_90 : i32 to index
      %swap3A_104 = arith.constant 64 : index
      %swap3A_105 = tpu.vector_load %arg10[%swap3A_103, %swap3A_104] {strides = array<i32>} : memref<96x128xf32, #tpu.memory_space<vmem>>, vector<16xf32>,
      tpu.vector_store %arg10[%swap3A_103, %swap3A_104], %broadcast_in_dim3A_16 {strides = array<i32>} : memref<96x128xf32, #tpu.memory_space<vmem>>, vector<16xf32>,
      %swap3A_106 = arith.index_cast %add3A_90 : i32 to index
      %swap3A_107 = arith.constant 80 : index
      %swap3A_108 = tpu.vector_load %arg10[%swap3A_106, %swap3A_107] {strides = array<i32>} : memref<96x128xf32, #tpu.memory_space<vmem>>, vector<16xf32>,
      tpu.vector_store %arg10[%swap3A_106, %swap3A_107], %broadcast_in_dim3A_16 {strides = array<i32>} : memref<96x128xf32, #tpu.memory_space<vmem>>, vector<16xf32>,
      %swap3A_109 = arith.index_cast %add3A_90 : i32 to index
      %swap3A_110 = arith.constant 96 : index
      %swap3A_111 = tpu.vector_load %arg10[%swap3A_109, %swap3A_110] {strides = array<i32>} : memref<96x128xf32, #tpu.memory_space<vmem>>, vector<16xf32>,
      tpu.vector_store %arg10[%swap3A_109, %swap3A_110], %broadcast_in_dim3A_16 {strides = array<i32>} : memref<96x128xf32, #tpu.memory_space<vmem>>, vector<16xf32>,
      %swap3A_112 = arith.index_cast %add3A_90 : i32 to index
      %swap3A_113 = arith.constant 112 : index
      %swap3A_114 = tpu.vector_load %arg10[%swap3A_112, %swap3A_113] {strides = array<i32>} : memref<96x128xf32, #tpu.memory_space<vmem>>, vector<16xf32>,
      tpu.vector_store %arg10[%swap3A_112, %swap3A_113], %broadcast_in_dim3A_16 {strides = array<i32>} : memref<96x128xf32, #tpu.memory_space<vmem>>, vector<16xf32>,
    }
    %scan3A_20 = arith.constant 96 : i32
    %mul3A_21 = arith.constant 632 : i32
    %mul3A_22 = arith.muli %arg1, %mul3A_21 : i32
    %add3A_23 = arith.constant 0 : i32
    %add3A_24 = arith.addi %mul3A_22, %add3A_23 : i32
    "tpu.region"() ({
      %run_scoped3A = tpu.sem_alloc : memref<!tpu.dma_semaphore, #tpu.memory_space<semaphore_mem>>
      %dma_start3A_86 = arith.constant 0 : i32
      %dma_start3A_87 = arith.constant 0 : i32
      %dma_start3A_88 = tpu.memref_slice %arg10[%dma_start3A_86, %dma_start3A_87] : memref<96x128xf32, #tpu.memory_space<vmem>> -> memref<96x128xf32, #tpu.memory_space<vmem>>
      %dma_start3A_89 = arith.constant 0 : i32
      %dma_start3A_90 = tpu.memref_slice %arg13[%add3A_24, %dma_start3A_89] : memref<10112x128xf32, #tpu.memory_space<vmem_shared>> -> memref<96x128xf32, #tpu.memory_space<vmem_shared>>
      %dma_start3A_91 = arith.constant 0 : i32
      %dma_start3A_92 = tpu.memref_slice %arg13[%add3A_24, %dma_start3A_91] : memref<10112x128xf32, #tpu.memory_space<vmem_shared>> -> memref<96x128xf32, #tpu.memory_space<vmem_shared>>
      %dma_start3A_93 = arith.constant 0 : i32
      %dma_start3A_94 = arith.constant 0 : i32
      %dma_start3A_95 = tpu.memref_slice %arg10[%dma_start3A_93, %dma_start3A_94] : memref<96x128xf32, #tpu.memory_space<vmem>> -> memref<96x128xf32, #tpu.memory_space<vmem>>
      tpu.enqueue_dma source(%dma_start3A_95 : memref<96x128xf32, #tpu.memory_space<vmem>>) target(%dma_start3A_92 : memref<96x128xf32, #tpu.memory_space<vmem_shared>>) target_semaphore(%run_scoped3A : memref<!tpu.dma_semaphore, #tpu.memory_space<semaphore_mem>>)
      %dma_wait3A_96 = arith.constant 0 : i32
      %dma_wait3A_97 = arith.constant 0 : i32
      %dma_wait3A_98 = tpu.memref_slice %arg10[%dma_wait3A_96, %dma_wait3A_97] : memref<96x128xf32, #tpu.memory_space<vmem>> -> memref<96x128xf32, #tpu.memory_space<vmem>>
      %dma_wait3A_99 = arith.constant 0 : i32
      %dma_wait3A_100 = tpu.memref_slice %arg13[%add3A_24, %dma_wait3A_99] : memref<10112x128xf32, #tpu.memory_space<vmem_shared>> -> memref<96x128xf32, #tpu.memory_space<vmem_shared>>
      %dma_wait3A_101 = arith.constant 0 : i32
      %dma_wait3A_102 = tpu.memref_slice %arg13[%add3A_24, %dma_wait3A_101] : memref<10112x128xf32, #tpu.memory_space<vmem_shared>> -> memref<96x128xf32, #tpu.memory_space<vmem_shared>>
      %dma_wait3A_103 = arith.constant 0 : i32
      %dma_wait3A_104 = arith.constant 0 : i32
      %dma_wait3A_105 = tpu.memref_slice %arg10[%dma_wait3A_103, %dma_wait3A_104] : memref<96x128xf32, #tpu.memory_space<vmem>> -> memref<96x128xf32, #tpu.memory_space<vmem>>
      tpu.wait_dma2 semaphore(%run_scoped3A : memref<!tpu.dma_semaphore, #tpu.memory_space<semaphore_mem>>) src(%dma_wait3A_105 : memref<96x128xf32, #tpu.memory_space<vmem>>) dst(%dma_wait3A_102 : memref<96x128xf32, #tpu.memory_space<vmem_shared>>)
      tpu.yield
    }) : () -> ()
    %add3A_25 = arith.constant 96 : i32
    %add3A_26 = arith.addi %mul3A_22, %add3A_25 : i32
    "tpu.region"() ({
      %run_scoped3A = tpu.sem_alloc : memref<!tpu.dma_semaphore, #tpu.memory_space<semaphore_mem>>
      %dma_start3A_86 = arith.constant 0 : i32
      %dma_start3A_87 = arith.constant 0 : i32
      %dma_start3A_88 = tpu.memref_slice %arg10[%dma_start3A_86, %dma_start3A_87] : memref<96x128xf32, #tpu.memory_space<vmem>> -> memref<96x128xf32, #tpu.memory_space<vmem>>
      %dma_start3A_89 = arith.constant 0 : i32
      %dma_start3A_90 = tpu.memref_slice %arg13[%add3A_26, %dma_start3A_89] : memref<10112x128xf32, #tpu.memory_space<vmem_shared>> -> memref<96x128xf32, #tpu.memory_space<vmem_shared>>
      %dma_start3A_91 = arith.constant 0 : i32
      %dma_start3A_92 = tpu.memref_slice %arg13[%add3A_26, %dma_start3A_91] : memref<10112x128xf32, #tpu.memory_space<vmem_shared>> -> memref<96x128xf32, #tpu.memory_space<vmem_shared>>
      %dma_start3A_93 = arith.constant 0 : i32
      %dma_start3A_94 = arith.constant 0 : i32
      %dma_start3A_95 = tpu.memref_slice %arg10[%dma_start3A_93, %dma_start3A_94] : memref<96x128xf32, #tpu.memory_space<vmem>> -> memref<96x128xf32, #tpu.memory_space<vmem>>
      tpu.enqueue_dma source(%dma_start3A_95 : memref<96x128xf32, #tpu.memory_space<vmem>>) target(%dma_start3A_92 : memref<96x128xf32, #tpu.memory_space<vmem_shared>>) target_semaphore(%run_scoped3A : memref<!tpu.dma_semaphore, #tpu.memory_space<semaphore_mem>>)
      %dma_wait3A_96 = arith.constant 0 : i32
      %dma_wait3A_97 = arith.constant 0 : i32
      %dma_wait3A_98 = tpu.memref_slice %arg10[%dma_wait3A_96, %dma_wait3A_97] : memref<96x128xf32, #tpu.memory_space<vmem>> -> memref<96x128xf32, #tpu.memory_space<vmem>>
      %dma_wait3A_99 = arith.constant 0 : i32
      %dma_wait3A_100 = tpu.memref_slice %arg13[%add3A_26, %dma_wait3A_99] : memref<10112x128xf32, #tpu.memory_space<vmem_shared>> -> memref<96x128xf32, #tpu.memory_space<vmem_shared>>
      %dma_wait3A_101 = arith.constant 0 : i32
      %dma_wait3A_102 = tpu.memref_slice %arg13[%add3A_26, %dma_wait3A_101] : memref<10112x128xf32, #tpu.memory_space<vmem_shared>> -> memref<96x128xf32, #tpu.memory_space<vmem_shared>>
      %dma_wait3A_103 = arith.constant 0 : i32
      %dma_wait3A_104 = arith.constant 0 : i32
      %dma_wait3A_105 = tpu.memref_slice %arg10[%dma_wait3A_103, %dma_wait3A_104] : memref<96x128xf32, #tpu.memory_space<vmem>> -> memref<96x128xf32, #tpu.memory_space<vmem>>
      tpu.wait_dma2 semaphore(%run_scoped3A : memref<!tpu.dma_semaphore, #tpu.memory_space<semaphore_mem>>) src(%dma_wait3A_105 : memref<96x128xf32, #tpu.memory_space<vmem>>) dst(%dma_wait3A_102 : memref<96x128xf32, #tpu.memory_space<vmem_shared>>)
      tpu.yield
    }) : () -> ()
    %add3A_27 = arith.constant 192 : i32
    %add3A_28 = arith.addi %mul3A_22, %add3A_27 : i32
    "tpu.region"() ({
      %run_scoped3A = tpu.sem_alloc : memref<!tpu.dma_semaphore, #tpu.memory_space<semaphore_mem>>
      %dma_start3A_86 = arith.constant 0 : i32
      %dma_start3A_87 = arith.constant 0 : i32
      %dma_start3A_88 = tpu.memref_slice %arg10[%dma_start3A_86, %dma_start3A_87] : memref<96x128xf32, #tpu.memory_space<vmem>> -> memref<96x128xf32, #tpu.memory_space<vmem>>
      %dma_start3A_89 = arith.constant 0 : i32
      %dma_start3A_90 = tpu.memref_slice %arg13[%add3A_28, %dma_start3A_89] : memref<10112x128xf32, #tpu.memory_space<vmem_shared>> -> memref<96x128xf32, #tpu.memory_space<vmem_shared>>
      %dma_start3A_91 = arith.constant 0 : i32
      %dma_start3A_92 = tpu.memref_slice %arg13[%add3A_28, %dma_start3A_91] : memref<10112x128xf32, #tpu.memory_space<vmem_shared>> -> memref<96x128xf32, #tpu.memory_space<vmem_shared>>
      %dma_start3A_93 = arith.constant 0 : i32
      %dma_start3A_94 = arith.constant 0 : i32
      %dma_start3A_95 = tpu.memref_slice %arg10[%dma_start3A_93, %dma_start3A_94] : memref<96x128xf32, #tpu.memory_space<vmem>> -> memref<96x128xf32, #tpu.memory_space<vmem>>
      tpu.enqueue_dma source(%dma_start3A_95 : memref<96x128xf32, #tpu.memory_space<vmem>>) target(%dma_start3A_92 : memref<96x128xf32, #tpu.memory_space<vmem_shared>>) target_semaphore(%run_scoped3A : memref<!tpu.dma_semaphore, #tpu.memory_space<semaphore_mem>>)
      %dma_wait3A_96 = arith.constant 0 : i32
      %dma_wait3A_97 = arith.constant 0 : i32
      %dma_wait3A_98 = tpu.memref_slice %arg10[%dma_wait3A_96, %dma_wait3A_97] : memref<96x128xf32, #tpu.memory_space<vmem>> -> memref<96x128xf32, #tpu.memory_space<vmem>>
      %dma_wait3A_99 = arith.constant 0 : i32
      %dma_wait3A_100 = tpu.memref_slice %arg13[%add3A_28, %dma_wait3A_99] : memref<10112x128xf32, #tpu.memory_space<vmem_shared>> -> memref<96x128xf32, #tpu.memory_space<vmem_shared>>
      %dma_wait3A_101 = arith.constant 0 : i32
      %dma_wait3A_102 = tpu.memref_slice %arg13[%add3A_28, %dma_wait3A_101] : memref<10112x128xf32, #tpu.memory_space<vmem_shared>> -> memref<96x128xf32, #tpu.memory_space<vmem_shared>>
      %dma_wait3A_103 = arith.constant 0 : i32
      %dma_wait3A_104 = arith.constant 0 : i32
      %dma_wait3A_105 = tpu.memref_slice %arg10[%dma_wait3A_103, %dma_wait3A_104] : memref<96x128xf32, #tpu.memory_space<vmem>> -> memref<96x128xf32, #tpu.memory_space<vmem>>
      tpu.wait_dma2 semaphore(%run_scoped3A : memref<!tpu.dma_semaphore, #tpu.memory_space<semaphore_mem>>) src(%dma_wait3A_105 : memref<96x128xf32, #tpu.memory_space<vmem>>) dst(%dma_wait3A_102 : memref<96x128xf32, #tpu.memory_space<vmem_shared>>)
      tpu.yield
    }) : () -> ()
    %add3A_29 = arith.constant 288 : i32
    %add3A_30 = arith.addi %mul3A_22, %add3A_29 : i32
    "tpu.region"() ({
      %run_scoped3A = tpu.sem_alloc : memref<!tpu.dma_semaphore, #tpu.memory_space<semaphore_mem>>
      %dma_start3A_86 = arith.constant 0 : i32
      %dma_start3A_87 = arith.constant 0 : i32
      %dma_start3A_88 = tpu.memref_slice %arg10[%dma_start3A_86, %dma_start3A_87] : memref<96x128xf32, #tpu.memory_space<vmem>> -> memref<96x128xf32, #tpu.memory_space<vmem>>
      %dma_start3A_89 = arith.constant 0 : i32
      %dma_start3A_90 = tpu.memref_slice %arg13[%add3A_30, %dma_start3A_89] : memref<10112x128xf32, #tpu.memory_space<vmem_shared>> -> memref<96x128xf32, #tpu.memory_space<vmem_shared>>
      %dma_start3A_91 = arith.constant 0 : i32
      %dma_start3A_92 = tpu.memref_slice %arg13[%add3A_30, %dma_start3A_91] : memref<10112x128xf32, #tpu.memory_space<vmem_shared>> -> memref<96x128xf32, #tpu.memory_space<vmem_shared>>
      %dma_start3A_93 = arith.constant 0 : i32
      %dma_start3A_94 = arith.constant 0 : i32
      %dma_start3A_95 = tpu.memref_slice %arg10[%dma_start3A_93, %dma_start3A_94] : memref<96x128xf32, #tpu.memory_space<vmem>> -> memref<96x128xf32, #tpu.memory_space<vmem>>
      tpu.enqueue_dma source(%dma_start3A_95 : memref<96x128xf32, #tpu.memory_space<vmem>>) target(%dma_start3A_92 : memref<96x128xf32, #tpu.memory_space<vmem_shared>>) target_semaphore(%run_scoped3A : memref<!tpu.dma_semaphore, #tpu.memory_space<semaphore_mem>>)
      %dma_wait3A_96 = arith.constant 0 : i32
      %dma_wait3A_97 = arith.constant 0 : i32
      %dma_wait3A_98 = tpu.memref_slice %arg10[%dma_wait3A_96, %dma_wait3A_97] : memref<96x128xf32, #tpu.memory_space<vmem>> -> memref<96x128xf32, #tpu.memory_space<vmem>>
      %dma_wait3A_99 = arith.constant 0 : i32
      %dma_wait3A_100 = tpu.memref_slice %arg13[%add3A_30, %dma_wait3A_99] : memref<10112x128xf32, #tpu.memory_space<vmem_shared>> -> memref<96x128xf32, #tpu.memory_space<vmem_shared>>
      %dma_wait3A_101 = arith.constant 0 : i32
      %dma_wait3A_102 = tpu.memref_slice %arg13[%add3A_30, %dma_wait3A_101] : memref<10112x128xf32, #tpu.memory_space<vmem_shared>> -> memref<96x128xf32, #tpu.memory_space<vmem_shared>>
      %dma_wait3A_103 = arith.constant 0 : i32
      %dma_wait3A_104 = arith.constant 0 : i32
      %dma_wait3A_105 = tpu.memref_slice %arg10[%dma_wait3A_103, %dma_wait3A_104] : memref<96x128xf32, #tpu.memory_space<vmem>> -> memref<96x128xf32, #tpu.memory_space<vmem>>
      tpu.wait_dma2 semaphore(%run_scoped3A : memref<!tpu.dma_semaphore, #tpu.memory_space<semaphore_mem>>) src(%dma_wait3A_105 : memref<96x128xf32, #tpu.memory_space<vmem>>) dst(%dma_wait3A_102 : memref<96x128xf32, #tpu.memory_space<vmem_shared>>)
      tpu.yield
    }) : () -> ()
    %add3A_31 = arith.constant 384 : i32
    %add3A_32 = arith.addi %mul3A_22, %add3A_31 : i32
    "tpu.region"() ({
      %run_scoped3A = tpu.sem_alloc : memref<!tpu.dma_semaphore, #tpu.memory_space<semaphore_mem>>
      %dma_start3A_86 = arith.constant 0 : i32
      %dma_start3A_87 = arith.constant 0 : i32
      %dma_start3A_88 = tpu.memref_slice %arg10[%dma_start3A_86, %dma_start3A_87] : memref<96x128xf32, #tpu.memory_space<vmem>> -> memref<96x128xf32, #tpu.memory_space<vmem>>
      %dma_start3A_89 = arith.constant 0 : i32
      %dma_start3A_90 = tpu.memref_slice %arg13[%add3A_32, %dma_start3A_89] : memref<10112x128xf32, #tpu.memory_space<vmem_shared>> -> memref<96x128xf32, #tpu.memory_space<vmem_shared>>
      %dma_start3A_91 = arith.constant 0 : i32
      %dma_start3A_92 = tpu.memref_slice %arg13[%add3A_32, %dma_start3A_91] : memref<10112x128xf32, #tpu.memory_space<vmem_shared>> -> memref<96x128xf32, #tpu.memory_space<vmem_shared>>
      %dma_start3A_93 = arith.constant 0 : i32
      %dma_start3A_94 = arith.constant 0 : i32
      %dma_start3A_95 = tpu.memref_slice %arg10[%dma_start3A_93, %dma_start3A_94] : memref<96x128xf32, #tpu.memory_space<vmem>> -> memref<96x128xf32, #tpu.memory_space<vmem>>
      tpu.enqueue_dma source(%dma_start3A_95 : memref<96x128xf32, #tpu.memory_space<vmem>>) target(%dma_start3A_92 : memref<96x128xf32, #tpu.memory_space<vmem_shared>>) target_semaphore(%run_scoped3A : memref<!tpu.dma_semaphore, #tpu.memory_space<semaphore_mem>>)
      %dma_wait3A_96 = arith.constant 0 : i32
      %dma_wait3A_97 = arith.constant 0 : i32
      %dma_wait3A_98 = tpu.memref_slice %arg10[%dma_wait3A_96, %dma_wait3A_97] : memref<96x128xf32, #tpu.memory_space<vmem>> -> memref<96x128xf32, #tpu.memory_space<vmem>>
      %dma_wait3A_99 = arith.constant 0 : i32
      %dma_wait3A_100 = tpu.memref_slice %arg13[%add3A_32, %dma_wait3A_99] : memref<10112x128xf32, #tpu.memory_space<vmem_shared>> -> memref<96x128xf32, #tpu.memory_space<vmem_shared>>
      %dma_wait3A_101 = arith.constant 0 : i32
      %dma_wait3A_102 = tpu.memref_slice %arg13[%add3A_32, %dma_wait3A_101] : memref<10112x128xf32, #tpu.memory_space<vmem_shared>> -> memref<96x128xf32, #tpu.memory_space<vmem_shared>>
      %dma_wait3A_103 = arith.constant 0 : i32
      %dma_wait3A_104 = arith.constant 0 : i32
      %dma_wait3A_105 = tpu.memref_slice %arg10[%dma_wait3A_103, %dma_wait3A_104] : memref<96x128xf32, #tpu.memory_space<vmem>> -> memref<96x128xf32, #tpu.memory_space<vmem>>
      tpu.wait_dma2 semaphore(%run_scoped3A : memref<!tpu.dma_semaphore, #tpu.memory_space<semaphore_mem>>) src(%dma_wait3A_105 : memref<96x128xf32, #tpu.memory_space<vmem>>) dst(%dma_wait3A_102 : memref<96x128xf32, #tpu.memory_space<vmem_shared>>)
      tpu.yield
    }) : () -> ()
    %add3A_33 = arith.constant 480 : i32
    %add3A_34 = arith.addi %mul3A_22, %add3A_33 : i32
    "tpu.region"() ({
      %run_scoped3A = tpu.sem_alloc : memref<!tpu.dma_semaphore, #tpu.memory_space<semaphore_mem>>
      %dma_start3A_86 = arith.constant 0 : i32
      %dma_start3A_87 = arith.constant 0 : i32
      %dma_start3A_88 = tpu.memref_slice %arg10[%dma_start3A_86, %dma_start3A_87] : memref<96x128xf32, #tpu.memory_space<vmem>> -> memref<96x128xf32, #tpu.memory_space<vmem>>
      %dma_start3A_89 = arith.constant 0 : i32
      %dma_start3A_90 = tpu.memref_slice %arg13[%add3A_34, %dma_start3A_89] : memref<10112x128xf32, #tpu.memory_space<vmem_shared>> -> memref<96x128xf32, #tpu.memory_space<vmem_shared>>
      %dma_start3A_91 = arith.constant 0 : i32
      %dma_start3A_92 = tpu.memref_slice %arg13[%add3A_34, %dma_start3A_91] : memref<10112x128xf32, #tpu.memory_space<vmem_shared>> -> memref<96x128xf32, #tpu.memory_space<vmem_shared>>
      %dma_start3A_93 = arith.constant 0 : i32
      %dma_start3A_94 = arith.constant 0 : i32
      %dma_start3A_95 = tpu.memref_slice %arg10[%dma_start3A_93, %dma_start3A_94] : memref<96x128xf32, #tpu.memory_space<vmem>> -> memref<96x128xf32, #tpu.memory_space<vmem>>
      tpu.enqueue_dma source(%dma_start3A_95 : memref<96x128xf32, #tpu.memory_space<vmem>>) target(%dma_start3A_92 : memref<96x128xf32, #tpu.memory_space<vmem_shared>>) target_semaphore(%run_scoped3A : memref<!tpu.dma_semaphore, #tpu.memory_space<semaphore_mem>>)
      %dma_wait3A_96 = arith.constant 0 : i32
      %dma_wait3A_97 = arith.constant 0 : i32
      %dma_wait3A_98 = tpu.memref_slice %arg10[%dma_wait3A_96, %dma_wait3A_97] : memref<96x128xf32, #tpu.memory_space<vmem>> -> memref<96x128xf32, #tpu.memory_space<vmem>>
      %dma_wait3A_99 = arith.constant 0 : i32
      %dma_wait3A_100 = tpu.memref_slice %arg13[%add3A_34, %dma_wait3A_99] : memref<10112x128xf32, #tpu.memory_space<vmem_shared>> -> memref<96x128xf32, #tpu.memory_space<vmem_shared>>
      %dma_wait3A_101 = arith.constant 0 : i32
      %dma_wait3A_102 = tpu.memref_slice %arg13[%add3A_34, %dma_wait3A_101] : memref<10112x128xf32, #tpu.memory_space<vmem_shared>> -> memref<96x128xf32, #tpu.memory_space<vmem_shared>>
      %dma_wait3A_103 = arith.constant 0 : i32
      %dma_wait3A_104 = arith.constant 0 : i32
      %dma_wait3A_105 = tpu.memref_slice %arg10[%dma_wait3A_103, %dma_wait3A_104] : memref<96x128xf32, #tpu.memory_space<vmem>> -> memref<96x128xf32, #tpu.memory_space<vmem>>
      tpu.wait_dma2 semaphore(%run_scoped3A : memref<!tpu.dma_semaphore, #tpu.memory_space<semaphore_mem>>) src(%dma_wait3A_105 : memref<96x128xf32, #tpu.memory_space<vmem>>) dst(%dma_wait3A_102 : memref<96x128xf32, #tpu.memory_space<vmem_shared>>)
      tpu.yield
    }) : () -> ()
    %add3A_35 = arith.constant 576 : i32
    %add3A_36 = arith.addi %mul3A_22, %add3A_35 : i32
    "tpu.region"() ({
      %run_scoped3A = tpu.sem_alloc : memref<!tpu.dma_semaphore, #tpu.memory_space<semaphore_mem>>
      %dma_start3A_86 = arith.constant 0 : i32
      %dma_start3A_87 = arith.constant 0 : i32
      %dma_start3A_88 = tpu.memref_slice %arg10[%dma_start3A_86, %dma_start3A_87] : memref<96x128xf32, #tpu.memory_space<vmem>> -> memref<56x128xf32, #tpu.memory_space<vmem>>
      %dma_start3A_89 = arith.constant 0 : i32
      %dma_start3A_90 = tpu.memref_slice %arg13[%add3A_36, %dma_start3A_89] : memref<10112x128xf32, #tpu.memory_space<vmem_shared>> -> memref<56x128xf32, #tpu.memory_space<vmem_shared>>
      %dma_start3A_91 = arith.constant 0 : i32
      %dma_start3A_92 = tpu.memref_slice %arg13[%add3A_36, %dma_start3A_91] : memref<10112x128xf32, #tpu.memory_space<vmem_shared>> -> memref<56x128xf32, #tpu.memory_space<vmem_shared>>
      %dma_start3A_93 = arith.constant 0 : i32
      %dma_start3A_94 = arith.constant 0 : i32
      %dma_start3A_95 = tpu.memref_slice %arg10[%dma_start3A_93, %dma_start3A_94] : memref<96x128xf32, #tpu.memory_space<vmem>> -> memref<56x128xf32, #tpu.memory_space<vmem>>
      tpu.enqueue_dma source(%dma_start3A_95 : memref<56x128xf32, #tpu.memory_space<vmem>>) target(%dma_start3A_92 : memref<56x128xf32, #tpu.memory_space<vmem_shared>>) target_semaphore(%run_scoped3A : memref<!tpu.dma_semaphore, #tpu.memory_space<semaphore_mem>>)
      %dma_wait3A_96 = arith.constant 0 : i32
      %dma_wait3A_97 = arith.constant 0 : i32
      %dma_wait3A_98 = tpu.memref_slice %arg10[%dma_wait3A_96, %dma_wait3A_97] : memref<96x128xf32, #tpu.memory_space<vmem>> -> memref<56x128xf32, #tpu.memory_space<vmem>>
      %dma_wait3A_99 = arith.constant 0 : i32
      %dma_wait3A_100 = tpu.memref_slice %arg13[%add3A_36, %dma_wait3A_99] : memref<10112x128xf32, #tpu.memory_space<vmem_shared>> -> memref<56x128xf32, #tpu.memory_space<vmem_shared>>
      %dma_wait3A_101 = arith.constant 0 : i32
      %dma_wait3A_102 = tpu.memref_slice %arg13[%add3A_36, %dma_wait3A_101] : memref<10112x128xf32, #tpu.memory_space<vmem_shared>> -> memref<56x128xf32, #tpu.memory_space<vmem_shared>>
      %dma_wait3A_103 = arith.constant 0 : i32
      %dma_wait3A_104 = arith.constant 0 : i32
      %dma_wait3A_105 = tpu.memref_slice %arg10[%dma_wait3A_103, %dma_wait3A_104] : memref<96x128xf32, #tpu.memory_space<vmem>> -> memref<56x128xf32, #tpu.memory_space<vmem>>
      tpu.wait_dma2 semaphore(%run_scoped3A : memref<!tpu.dma_semaphore, #tpu.memory_space<semaphore_mem>>) src(%dma_wait3A_105 : memref<56x128xf32, #tpu.memory_space<vmem>>) dst(%dma_wait3A_102 : memref<56x128xf32, #tpu.memory_space<vmem_shared>>)
      tpu.yield
    }) : () -> ()
    "tpu.region"() ({
      %run_scoped3A = tpu.sem_alloc : memref<!tpu.dma_semaphore, #tpu.memory_space<semaphore_mem>>
      %dma_start3A_86 = arith.constant 0 : i32
      %dma_start3A_87 = tpu.memref_slice %arg9[%dma_start3A_86] : memref<10112xf32, #tpu.memory_space<vmem>> -> memref<10000xf32, #tpu.memory_space<vmem>>
      %dma_start3A_88 = arith.constant 0 : i32
      %dma_start3A_89 = tpu.memref_slice %arg9[%dma_start3A_88] : memref<10112xf32, #tpu.memory_space<vmem>> -> memref<10000xf32, #tpu.memory_space<vmem>>
      tpu.enqueue_dma source(%arg3 : memref<10000xf32, #tpu.memory_space<hbm>>) target(%dma_start3A_89 : memref<10000xf32, #tpu.memory_space<vmem>>) target_semaphore(%run_scoped3A : memref<!tpu.dma_semaphore, #tpu.memory_space<semaphore_mem>>)
      %dma_wait3A_90 = arith.constant 0 : i32
      %dma_wait3A_91 = tpu.memref_slice %arg9[%dma_wait3A_90] : memref<10112xf32, #tpu.memory_space<vmem>> -> memref<10000xf32, #tpu.memory_space<vmem>>
      %dma_wait3A_92 = arith.constant 0 : i32
      %dma_wait3A_93 = tpu.memref_slice %arg9[%dma_wait3A_92] : memref<10112xf32, #tpu.memory_space<vmem>> -> memref<10000xf32, #tpu.memory_space<vmem>>
      tpu.wait_dma2 semaphore(%run_scoped3A : memref<!tpu.dma_semaphore, #tpu.memory_space<semaphore_mem>>) src(%arg3 : memref<10000xf32, #tpu.memory_space<hbm>>) dst(%dma_wait3A_93 : memref<10000xf32, #tpu.memory_space<vmem>>)
      tpu.yield
    }) : () -> ()
    %swap3A = arith.constant 10000 : index
    %swap3A_37 = tpu.vector_load %arg9[%swap3A] {strides = array<i32>} : memref<10112xf32, #tpu.memory_space<vmem>>, vector<16xf32>,
    tpu.vector_store %arg9[%swap3A], %broadcast_in_dim3A_16 {strides = array<i32>} : memref<10112xf32, #tpu.memory_space<vmem>>, vector<16xf32>,
    %swap3A_38 = arith.constant 10016 : index
    %swap3A_39 = tpu.vector_load %arg9[%swap3A_38] {strides = array<i32>} : memref<10112xf32, #tpu.memory_space<vmem>>, vector<16xf32>,
    tpu.vector_store %arg9[%swap3A_38], %broadcast_in_dim3A_16 {strides = array<i32>} : memref<10112xf32, #tpu.memory_space<vmem>>, vector<16xf32>,
    %swap3A_40 = arith.constant 10032 : index
    %swap3A_41 = tpu.vector_load %arg9[%swap3A_40] {strides = array<i32>} : memref<10112xf32, #tpu.memory_space<vmem>>, vector<16xf32>,
    tpu.vector_store %arg9[%swap3A_40], %broadcast_in_dim3A_16 {strides = array<i32>} : memref<10112xf32, #tpu.memory_space<vmem>>, vector<16xf32>,
    %swap3A_42 = arith.constant 10048 : index
    %swap3A_43 = tpu.vector_load %arg9[%swap3A_42] {strides = array<i32>} : memref<10112xf32, #tpu.memory_space<vmem>>, vector<16xf32>,
    tpu.vector_store %arg9[%swap3A_42], %broadcast_in_dim3A_16 {strides = array<i32>} : memref<10112xf32, #tpu.memory_space<vmem>>, vector<16xf32>,
    %swap3A_44 = arith.constant 10064 : index
    %swap3A_45 = tpu.vector_load %arg9[%swap3A_44] {strides = array<i32>} : memref<10112xf32, #tpu.memory_space<vmem>>, vector<16xf32>,
    tpu.vector_store %arg9[%swap3A_44], %broadcast_in_dim3A_16 {strides = array<i32>} : memref<10112xf32, #tpu.memory_space<vmem>>, vector<16xf32>,
    %swap3A_46 = arith.constant 10080 : index
    %swap3A_47 = tpu.vector_load %arg9[%swap3A_46] {strides = array<i32>} : memref<10112xf32, #tpu.memory_space<vmem>>, vector<16xf32>,
    tpu.vector_store %arg9[%swap3A_46], %broadcast_in_dim3A_16 {strides = array<i32>} : memref<10112xf32, #tpu.memory_space<vmem>>, vector<16xf32>,
    %swap3A_48 = arith.constant 10096 : index
    %swap3A_49 = tpu.vector_load %arg9[%swap3A_48] {strides = array<i32>} : memref<10112xf32, #tpu.memory_space<vmem>>, vector<16xf32>,
    tpu.vector_store %arg9[%swap3A_48], %broadcast_in_dim3A_16 {strides = array<i32>} : memref<10112xf32, #tpu.memory_space<vmem>>, vector<16xf32>,
    %dma_wait3A = arith.constant 0 : i32
    %dma_wait3A_50 = arith.constant 0 : i32
    %dma_wait3A_51 = tpu.memref_slice %arg4[%add3A, %dma_wait3A, %dma_wait3A_50] : memref<32x56x96xi32, #tpu.memory_space<hbm>> -> memref<1x56x96xi32, #tpu.memory_space<hbm>>
    %dma_wait3A_52 = tpu.memref_squeeze %dma_wait3A_51 : memref<1x56x96xi32, #tpu.memory_space<hbm>> -> memref<56x96xi32, #tpu.memory_space<hbm>>
    %dma_wait3A_53 = arith.constant 0 : i32
    %dma_wait3A_54 = arith.constant 0 : i32
    %dma_wait3A_55 = tpu.memref_slice %arg4[%add3A, %dma_wait3A_53, %dma_wait3A_54] : memref<32x56x96xi32, #tpu.memory_space<hbm>> -> memref<1x56x96xi32, #tpu.memory_space<hbm>>
    %dma_wait3A_56 = tpu.memref_squeeze %dma_wait3A_55 : memref<1x56x96xi32, #tpu.memory_space<hbm>> -> memref<56x96xi32, #tpu.memory_space<hbm>>
    tpu.wait_dma2 semaphore(%arg14 : memref<!tpu.dma_semaphore, #tpu.memory_space<semaphore_mem>>) src(%dma_wait3A_56 : memref<56x96xi32, #tpu.memory_space<hbm>>) dst(%arg7 : memref<56x96xi32, #tpu.memory_space<vmem>>)
    %dma_wait3A_57 = arith.constant 0 : i32
    %dma_wait3A_58 = arith.constant 0 : i32
    %dma_wait3A_59 = tpu.memref_slice %arg5[%add3A, %dma_wait3A_57, %dma_wait3A_58] : memref<32x56x96xi32, #tpu.memory_space<hbm>> -> memref<1x56x96xi32, #tpu.memory_space<hbm>>
    %dma_wait3A_60 = tpu.memref_squeeze %dma_wait3A_59 : memref<1x56x96xi32, #tpu.memory_space<hbm>> -> memref<56x96xi32, #tpu.memory_space<hbm>>
    %dma_wait3A_61 = arith.constant 0 : i32
    %dma_wait3A_62 = arith.constant 0 : i32
    %dma_wait3A_63 = tpu.memref_slice %arg5[%add3A, %dma_wait3A_61, %dma_wait3A_62] : memref<32x56x96xi32, #tpu.memory_space<hbm>> -> memref<1x56x96xi32, #tpu.memory_space<hbm>>
    %dma_wait3A_64 = tpu.memref_squeeze %dma_wait3A_63 : memref<1x56x96xi32, #tpu.memory_space<hbm>> -> memref<56x96xi32, #tpu.memory_space<hbm>>
    tpu.wait_dma2 semaphore(%arg15 : memref<!tpu.dma_semaphore, #tpu.memory_space<semaphore_mem>>) src(%dma_wait3A_64 : memref<56x96xi32, #tpu.memory_space<hbm>>) dst(%arg8 : memref<56x96xi32, #tpu.memory_space<vmem>>)
    %barrier3A = arith.constant 0 : index
    tpu.barrier barrier_id(%barrier3A)
    %dma_start3A_65 = arith.constant 0 : i32
    %dma_start3A_66 = arith.constant 0 : i32
    %dma_start3A_67 = tpu.memref_slice %arg7[%dma_start3A_65, %dma_start3A_66] : memref<56x96xi32, #tpu.memory_space<vmem>> -> memref<1x96xi32, #tpu.memory_space<vmem>>
    %dma_start3A_68 = tpu.memref_squeeze %dma_start3A_67 : memref<1x96xi32, #tpu.memory_space<vmem>> -> memref<96xi32, #tpu.memory_space<vmem>>
    %dma_start3A_69 = arith.constant 0 : i32
    %dma_start3A_70 = arith.constant 0 : i32
    %dma_start3A_71 = tpu.memref_slice %arg2[%dma_start3A_69, %dma_start3A_70] : memref<10000x128xf32, #tpu.memory_space<hbm>> -> memref<10000x128xf32, #tpu.memory_space<hbm>>
    tpu.enqueue_indirect_dma source(%dma_start3A_71 : memref<10000x128xf32, #tpu.memory_space<hbm>>) target(%arg10 : memref<96x128xf32, #tpu.memory_space<vmem>>) offsets(%dma_start3A_68 : memref<96xi32, #tpu.memory_space<vmem>>) semaphore(%arg14 : memref<!tpu.dma_semaphore, #tpu.memory_space<semaphore_mem>>)
    %scan3A_72 = arith.constant 0 : i32
    %scan3A_73 = arith.constant 28 : i32
    %scan3A_74 = arith.addi %scan3A_72, %scan3A_73 : i32
    %scan3A_75 = arith.constant 1 : i32
    scf.for %scan3A_86 = %scan3A_72 to %scan3A_74 step %scan3A_75  : i32 {
      %mul3A_87 = arith.constant 2 : i32
      %mul3A_88 = arith.muli %scan3A_86, %mul3A_87 : i32
      %add3A_89 = arith.constant 0 : i32
      %add3A_90 = arith.addi %add3A_89, %mul3A_88 : i32
      %add3A_91 = arith.constant 1 : i32
      %add3A_92 = arith.addi %add3A_90, %add3A_91 : i32
      %dma_start3A_93 = arith.constant 0 : i32
      %dma_start3A_94 = tpu.memref_slice %arg7[%add3A_92, %dma_start3A_93] : memref<56x96xi32, #tpu.memory_space<vmem>> -> memref<1x96xi32, #tpu.memory_space<vmem>>
      %dma_start3A_95 = tpu.memref_squeeze %dma_start3A_94 : memref<1x96xi32, #tpu.memory_space<vmem>> -> memref<96xi32, #tpu.memory_space<vmem>>
      %dma_start3A_96 = arith.constant 0 : i32
      %dma_start3A_97 = arith.constant 0 : i32
      %dma_start3A_98 = tpu.memref_slice %arg2[%dma_start3A_96, %dma_start3A_97] : memref<10000x128xf32, #tpu.memory_space<hbm>> -> memref<10000x128xf32, #tpu.memory_space<hbm>>
      tpu.enqueue_indirect_dma source(%dma_start3A_98 : memref<10000x128xf32, #tpu.memory_space<hbm>>) target(%arg11 : memref<96x128xf32, #tpu.memory_space<vmem>>) offsets(%dma_start3A_95 : memref<96xi32, #tpu.memory_space<vmem>>) semaphore(%arg15 : memref<!tpu.dma_semaphore, #tpu.memory_space<semaphore_mem>>)
      %dma_wait3A_99 = arith.constant 0 : i32
      %dma_wait3A_100 = tpu.memref_slice %arg7[%add3A_90, %dma_wait3A_99] : memref<56x96xi32, #tpu.memory_space<vmem>> -> memref<1x96xi32, #tpu.memory_space<vmem>>
      %dma_wait3A_101 = tpu.memref_squeeze %dma_wait3A_100 : memref<1x96xi32, #tpu.memory_space<vmem>> -> memref<96xi32, #tpu.memory_space<vmem>>
      %dma_wait3A_102 = arith.constant 0 : i32
      %dma_wait3A_103 = arith.constant 0 : i32
      %dma_wait3A_104 = tpu.memref_slice %arg2[%dma_wait3A_102, %dma_wait3A_103] : memref<10000x128xf32, #tpu.memory_space<hbm>> -> memref<10000x128xf32, #tpu.memory_space<hbm>>
      tpu.wait_indirect_dma semaphore(%arg14 : memref<!tpu.dma_semaphore, #tpu.memory_space<semaphore_mem>>) src(%dma_wait3A_104 : memref<10000x128xf32, #tpu.memory_space<hbm>>) dst(%arg10 : memref<96x128xf32, #tpu.memory_space<vmem>>)
      %iota3A = tpu.iota {dimensions = array<i32: 0>} : vector<16xi32>
      %add3A_105 = arith.constant 0 : i32
      %add3A_106 = vector.broadcast %add3A_105 : i32 to vector<16xi32>
      %add3A_107 = arith.addi %iota3A, %add3A_106 : vector<16xi32>
      %broadcast_in_dim3A_108 = arith.constant 33 : i32
      %broadcast_in_dim3A_109 = vector.broadcast %broadcast_in_dim3A_108 : i32 to vector<16xi32>
      %gather3A = tpu.vector_load_idx %arg10[%add3A_107, %broadcast_in_dim3A_109] : memref<96x128xf32, #tpu.memory_space<vmem>>[vector<16xi32>, vector<16xi32>], vector<16xf32>,
      %get3A = arith.index_cast %add3A_90 : i32 to index
      %get3A_110 = arith.constant 0 : index
      %get3A_111 = tpu.vector_load %arg8[%get3A, %get3A_110] {strides = array<i32>} : memref<56x96xi32, #tpu.memory_space<vmem>>, vector<16xi32>,
      %gather3A_112 = tpu.vector_load_idx %arg9[%get3A_111] : memref<10112xf32, #tpu.memory_space<vmem>>[vector<16xi32>], vector<16xf32>,
      %add3A_113 = arith.addf %gather3A, %gather3A_112 : vector<16xf32>
      %gt3A = arith.constant 0.000000e+00 : f32
      %gt3A_114 = vector.broadcast %gt3A : f32 to vector<16xf32>
      %gt3A_115 = arith.cmpf ogt, %add3A_113, %gt3A_114 : vector<16xf32>
      %mul3A_116 = arith.constant 2.000000e-01 : f32
      %mul3A_117 = vector.broadcast %mul3A_116 : f32 to vector<16xf32>
      %mul3A_118 = arith.mulf %mul3A_117, %add3A_113 : vector<16xf32>
      %select_n3A = arith.select %gt3A_115, %add3A_113, %mul3A_118 : vector<16xi1>, vector<16xf32>
      %exp3A = math.exp %select_n3A : vector<16xf32>
      %swap3A_119 = arith.constant 0 : index
      %swap3A_120 = tpu.vector_load %arg12[%swap3A_119] {strides = array<i32>} : memref<96xf32, #tpu.memory_space<vmem>>, vector<16xf32>,
      tpu.vector_store %arg12[%swap3A_119], %exp3A {strides = array<i32>} : memref<96xf32, #tpu.memory_space<vmem>>, vector<16xf32>,
      %iota3A_121 = tpu.iota {dimensions = array<i32: 0>} : vector<16xi32>
      %add3A_122 = arith.constant 16 : i32
      %add3A_123 = vector.broadcast %add3A_122 : i32 to vector<16xi32>
      %add3A_124 = arith.addi %iota3A_121, %add3A_123 : vector<16xi32>
      %broadcast_in_dim3A_125 = arith.constant 33 : i32
      %broadcast_in_dim3A_126 = vector.broadcast %broadcast_in_dim3A_125 : i32 to vector<16xi32>
      %gather3A_127 = tpu.vector_load_idx %arg10[%add3A_124, %broadcast_in_dim3A_126] : memref<96x128xf32, #tpu.memory_space<vmem>>[vector<16xi32>, vector<16xi32>], vector<16xf32>,
      %get3A_128 = arith.index_cast %add3A_90 : i32 to index
      %get3A_129 = arith.constant 16 : index
      %get3A_130 = tpu.vector_load %arg8[%get3A_128, %get3A_129] {strides = array<i32>} : memref<56x96xi32, #tpu.memory_space<vmem>>, vector<16xi32>,
      %gather3A_131 = tpu.vector_load_idx %arg9[%get3A_130] : memref<10112xf32, #tpu.memory_space<vmem>>[vector<16xi32>], vector<16xf32>,
      %add3A_132 = arith.addf %gather3A_127, %gather3A_131 : vector<16xf32>
      %gt3A_133 = arith.constant 0.000000e+00 : f32
      %gt3A_134 = vector.broadcast %gt3A_133 : f32 to vector<16xf32>
      %gt3A_135 = arith.cmpf ogt, %add3A_132, %gt3A_134 : vector<16xf32>
      %mul3A_136 = arith.constant 2.000000e-01 : f32
      %mul3A_137 = vector.broadcast %mul3A_136 : f32 to vector<16xf32>
      %mul3A_138 = arith.mulf %mul3A_137, %add3A_132 : vector<16xf32>
      %select_n3A_139 = arith.select %gt3A_135, %add3A_132, %mul3A_138 : vector<16xi1>, vector<16xf32>
      %exp3A_140 = math.exp %select_n3A_139 : vector<16xf32>
      %swap3A_141 = arith.constant 16 : index
      %swap3A_142 = tpu.vector_load %arg12[%swap3A_141] {strides = array<i32>} : memref<96xf32, #tpu.memory_space<vmem>>, vector<16xf32>,
      tpu.vector_store %arg12[%swap3A_141], %exp3A_140 {strides = array<i32>} : memref<96xf32, #tpu.memory_space<vmem>>, vector<16xf32>,
      %iota3A_143 = tpu.iota {dimensions = array<i32: 0>} : vector<16xi32>
      %add3A_144 = arith.constant 32 : i32
      %add3A_145 = vector.broadcast %add3A_144 : i32 to vector<16xi32>
      %add3A_146 = arith.addi %iota3A_143, %add3A_145 : vector<16xi32>
      %broadcast_in_dim3A_147 = arith.constant 33 : i32
      %broadcast_in_dim3A_148 = vector.broadcast %broadcast_in_dim3A_147 : i32 to vector<16xi32>
      %gather3A_149 = tpu.vector_load_idx %arg10[%add3A_146, %broadcast_in_dim3A_148] : memref<96x128xf32, #tpu.memory_space<vmem>>[vector<16xi32>, vector<16xi32>], vector<16xf32>,
      %get3A_150 = arith.index_cast %add3A_90 : i32 to index
      %get3A_151 = arith.constant 32 : index
      %get3A_152 = tpu.vector_load %arg8[%get3A_150, %get3A_151] {strides = array<i32>} : memref<56x96xi32, #tpu.memory_space<vmem>>, vector<16xi32>,
      %gather3A_153 = tpu.vector_load_idx %arg9[%get3A_152] : memref<10112xf32, #tpu.memory_space<vmem>>[vector<16xi32>], vector<16xf32>,
      %add3A_154 = arith.addf %gather3A_149, %gather3A_153 : vector<16xf32>
      %gt3A_155 = arith.constant 0.000000e+00 : f32
      %gt3A_156 = vector.broadcast %gt3A_155 : f32 to vector<16xf32>
      %gt3A_157 = arith.cmpf ogt, %add3A_154, %gt3A_156 : vector<16xf32>
      %mul3A_158 = arith.constant 2.000000e-01 : f32
      %mul3A_159 = vector.broadcast %mul3A_158 : f32 to vector<16xf32>
      %mul3A_160 = arith.mulf %mul3A_159, %add3A_154 : vector<16xf32>
      %select_n3A_161 = arith.select %gt3A_157, %add3A_154, %mul3A_160 : vector<16xi1>, vector<16xf32>
      %exp3A_162 = math.exp %select_n3A_161 : vector<16xf32>
      %swap3A_163 = arith.constant 32 : index
      %swap3A_164 = tpu.vector_load %arg12[%swap3A_163] {strides = array<i32>} : memref<96xf32, #tpu.memory_space<vmem>>, vector<16xf32>,
      tpu.vector_store %arg12[%swap3A_163], %exp3A_162 {strides = array<i32>} : memref<96xf32, #tpu.memory_space<vmem>>, vector<16xf32>,
      %iota3A_165 = tpu.iota {dimensions = array<i32: 0>} : vector<16xi32>
      %add3A_166 = arith.constant 48 : i32
      %add3A_167 = vector.broadcast %add3A_166 : i32 to vector<16xi32>
      %add3A_168 = arith.addi %iota3A_165, %add3A_167 : vector<16xi32>
      %broadcast_in_dim3A_169 = arith.constant 33 : i32
      %broadcast_in_dim3A_170 = vector.broadcast %broadcast_in_dim3A_169 : i32 to vector<16xi32>
      %gather3A_171 = tpu.vector_load_idx %arg10[%add3A_168, %broadcast_in_dim3A_170] : memref<96x128xf32, #tpu.memory_space<vmem>>[vector<16xi32>, vector<16xi32>], vector<16xf32>,
      %get3A_172 = arith.index_cast %add3A_90 : i32 to index
      %get3A_173 = arith.constant 48 : index
      %get3A_174 = tpu.vector_load %arg8[%get3A_172, %get3A_173] {strides = array<i32>} : memref<56x96xi32, #tpu.memory_space<vmem>>, vector<16xi32>,
      %gather3A_175 = tpu.vector_load_idx %arg9[%get3A_174] : memref<10112xf32, #tpu.memory_space<vmem>>[vector<16xi32>], vector<16xf32>,
      %add3A_176 = arith.addf %gather3A_171, %gather3A_175 : vector<16xf32>
      %gt3A_177 = arith.constant 0.000000e+00 : f32
      %gt3A_178 = vector.broadcast %gt3A_177 : f32 to vector<16xf32>
      %gt3A_179 = arith.cmpf ogt, %add3A_176, %gt3A_178 : vector<16xf32>
      %mul3A_180 = arith.constant 2.000000e-01 : f32
      %mul3A_181 = vector.broadcast %mul3A_180 : f32 to vector<16xf32>
      %mul3A_182 = arith.mulf %mul3A_181, %add3A_176 : vector<16xf32>
      %select_n3A_183 = arith.select %gt3A_179, %add3A_176, %mul3A_182 : vector<16xi1>, vector<16xf32>
      %exp3A_184 = math.exp %select_n3A_183 : vector<16xf32>
      %swap3A_185 = arith.constant 48 : index
      %swap3A_186 = tpu.vector_load %arg12[%swap3A_185] {strides = array<i32>} : memref<96xf32, #tpu.memory_space<vmem>>, vector<16xf32>,
      tpu.vector_store %arg12[%swap3A_185], %exp3A_184 {strides = array<i32>} : memref<96xf32, #tpu.memory_space<vmem>>, vector<16xf32>,
      %iota3A_187 = tpu.iota {dimensions = array<i32: 0>} : vector<16xi32>
      %add3A_188 = arith.constant 64 : i32
      %add3A_189 = vector.broadcast %add3A_188 : i32 to vector<16xi32>
      %add3A_190 = arith.addi %iota3A_187, %add3A_189 : vector<16xi32>
      %broadcast_in_dim3A_191 = arith.constant 33 : i32
      %broadcast_in_dim3A_192 = vector.broadcast %broadcast_in_dim3A_191 : i32 to vector<16xi32>
      %gather3A_193 = tpu.vector_load_idx %arg10[%add3A_190, %broadcast_in_dim3A_192] : memref<96x128xf32, #tpu.memory_space<vmem>>[vector<16xi32>, vector<16xi32>], vector<16xf32>,
      %get3A_194 = arith.index_cast %add3A_90 : i32 to index
      %get3A_195 = arith.constant 64 : index
      %get3A_196 = tpu.vector_load %arg8[%get3A_194, %get3A_195] {strides = array<i32>} : memref<56x96xi32, #tpu.memory_space<vmem>>, vector<16xi32>,
      %gather3A_197 = tpu.vector_load_idx %arg9[%get3A_196] : memref<10112xf32, #tpu.memory_space<vmem>>[vector<16xi32>], vector<16xf32>,
      %add3A_198 = arith.addf %gather3A_193, %gather3A_197 : vector<16xf32>
      %gt3A_199 = arith.constant 0.000000e+00 : f32
      %gt3A_200 = vector.broadcast %gt3A_199 : f32 to vector<16xf32>
      %gt3A_201 = arith.cmpf ogt, %add3A_198, %gt3A_200 : vector<16xf32>
      %mul3A_202 = arith.constant 2.000000e-01 : f32
      %mul3A_203 = vector.broadcast %mul3A_202 : f32 to vector<16xf32>
      %mul3A_204 = arith.mulf %mul3A_203, %add3A_198 : vector<16xf32>
      %select_n3A_205 = arith.select %gt3A_201, %add3A_198, %mul3A_204 : vector<16xi1>, vector<16xf32>
      %exp3A_206 = math.exp %select_n3A_205 : vector<16xf32>
      %swap3A_207 = arith.constant 64 : index
      %swap3A_208 = tpu.vector_load %arg12[%swap3A_207] {strides = array<i32>} : memref<96xf32, #tpu.memory_space<vmem>>, vector<16xf32>,
      tpu.vector_store %arg12[%swap3A_207], %exp3A_206 {strides = array<i32>} : memref<96xf32, #tpu.memory_space<vmem>>, vector<16xf32>,
      %iota3A_209 = tpu.iota {dimensions = array<i32: 0>} : vector<16xi32>
      %add3A_210 = arith.constant 80 : i32
      %add3A_211 = vector.broadcast %add3A_210 : i32 to vector<16xi32>
      %add3A_212 = arith.addi %iota3A_209, %add3A_211 : vector<16xi32>
      %broadcast_in_dim3A_213 = arith.constant 33 : i32
      %broadcast_in_dim3A_214 = vector.broadcast %broadcast_in_dim3A_213 : i32 to vector<16xi32>
      %gather3A_215 = tpu.vector_load_idx %arg10[%add3A_212, %broadcast_in_dim3A_214] : memref<96x128xf32, #tpu.memory_space<vmem>>[vector<16xi32>, vector<16xi32>], vector<16xf32>,
      %get3A_216 = arith.index_cast %add3A_90 : i32 to index
      %get3A_217 = arith.constant 80 : index
      %get3A_218 = tpu.vector_load %arg8[%get3A_216, %get3A_217] {strides = array<i32>} : memref<56x96xi32, #tpu.memory_space<vmem>>, vector<16xi32>,
      %gather3A_219 = tpu.vector_load_idx %arg9[%get3A_218] : memref<10112xf32, #tpu.memory_space<vmem>>[vector<16xi32>], vector<16xf32>,
      %add3A_220 = arith.addf %gather3A_215, %gather3A_219 : vector<16xf32>
      %gt3A_221 = arith.constant 0.000000e+00 : f32
      %gt3A_222 = vector.broadcast %gt3A_221 : f32 to vector<16xf32>
      %gt3A_223 = arith.cmpf ogt, %add3A_220, %gt3A_222 : vector<16xf32>
      %mul3A_224 = arith.constant 2.000000e-01 : f32
      %mul3A_225 = vector.broadcast %mul3A_224 : f32 to vector<16xf32>
      %mul3A_226 = arith.mulf %mul3A_225, %add3A_220 : vector<16xf32>
      %select_n3A_227 = arith.select %gt3A_223, %add3A_220, %mul3A_226 : vector<16xi1>, vector<16xf32>
      %exp3A_228 = math.exp %select_n3A_227 : vector<16xf32>
      %swap3A_229 = arith.constant 80 : index
      %swap3A_230 = tpu.vector_load %arg12[%swap3A_229] {strides = array<i32>} : memref<96xf32, #tpu.memory_space<vmem>>, vector<16xf32>,
      tpu.vector_store %arg12[%swap3A_229], %exp3A_228 {strides = array<i32>} : memref<96xf32, #tpu.memory_space<vmem>>, vector<16xf32>,
      %scan3A_231 = arith.constant 0 : i32
      %scan3A_232 = arith.constant 96 : i32
      %scan3A_233 = arith.addi %scan3A_231, %scan3A_232 : i32
      %scan3A_234 = arith.constant 1 : i32
      scf.for %scan3A_388 = %scan3A_231 to %scan3A_233 step %scan3A_234  : i32 {
        %mul3A_389 = arith.constant 1 : i32
        %mul3A_390 = arith.muli %scan3A_388, %mul3A_389 : i32
        %add3A_391 = arith.constant 0 : i32
        %add3A_392 = arith.addi %add3A_391, %mul3A_390 : i32
        %broadcast_in_dim3A_393 = arith.constant 0 : i32
        %broadcast_in_dim3A_394 = vector.broadcast %broadcast_in_dim3A_393 : i32 to vector<16xi32>
        %add3A_395 = vector.broadcast %add3A_392 : i32 to vector<16xi32>
        %add3A_396 = arith.addi %broadcast_in_dim3A_394, %add3A_395 : vector<16xi32>
        %gather3A_397 = tpu.vector_load_idx %arg12[%add3A_396] : memref<96xf32, #tpu.memory_space<vmem>>[vector<16xi32>], vector<16xf32>,
        %get3A_398 = arith.index_cast %add3A_392 : i32 to index
        %get3A_399 = arith.constant 0 : index
        %get3A_400 = tpu.vector_load %arg10[%get3A_398, %get3A_399] {strides = array<i32>} : memref<96x128xf32, #tpu.memory_space<vmem>>, vector<16xf32>,
        %mul3A_401 = arith.mulf %get3A_400, %gather3A_397 : vector<16xf32>
        %swap3A_402 = arith.index_cast %add3A_392 : i32 to index
        %swap3A_403 = arith.constant 0 : index
        %swap3A_404 = tpu.vector_load %arg10[%swap3A_402, %swap3A_403] {strides = array<i32>} : memref<96x128xf32, #tpu.memory_space<vmem>>, vector<16xf32>,
        tpu.vector_store %arg10[%swap3A_402, %swap3A_403], %mul3A_401 {strides = array<i32>} : memref<96x128xf32, #tpu.memory_space<vmem>>, vector<16xf32>,
        %get3A_405 = arith.index_cast %add3A_392 : i32 to index
        %get3A_406 = arith.constant 16 : index
        %get3A_407 = tpu.vector_load %arg10[%get3A_405, %get3A_406] {strides = array<i32>} : memref<96x128xf32, #tpu.memory_space<vmem>>, vector<16xf32>,
        %mul3A_408 = arith.mulf %get3A_407, %gather3A_397 : vector<16xf32>
        %swap3A_409 = arith.index_cast %add3A_392 : i32 to index
        %swap3A_410 = arith.constant 16 : index
        %swap3A_411 = tpu.vector_load %arg10[%swap3A_409, %swap3A_410] {strides = array<i32>} : memref<96x128xf32, #tpu.memory_space<vmem>>, vector<16xf32>,
        tpu.vector_store %arg10[%swap3A_409, %swap3A_410], %mul3A_408 {strides = array<i32>} : memref<96x128xf32, #tpu.memory_space<vmem>>, vector<16xf32>,
        %get3A_412 = arith.index_cast %add3A_392 : i32 to index
        %get3A_413 = arith.constant 32 : index
        %get3A_414 = tpu.vector_load %arg10[%get3A_412, %get3A_413] {strides = array<i32>} : memref<96x128xf32, #tpu.memory_space<vmem>>, vector<16xf32>,
        %mul3A_415 = arith.mulf %get3A_414, %gather3A_397 : vector<16xf32>
        %swap3A_416 = arith.index_cast %add3A_392 : i32 to index
        %swap3A_417 = arith.constant 32 : index
        %swap3A_418 = tpu.vector_load %arg10[%swap3A_416, %swap3A_417] {strides = array<i32>} : memref<96x128xf32, #tpu.memory_space<vmem>>, vector<16xf32>,
        tpu.vector_store %arg10[%swap3A_416, %swap3A_417], %mul3A_415 {strides = array<i32>} : memref<96x128xf32, #tpu.memory_space<vmem>>, vector<16xf32>,
      }
      %scan3A_235 = arith.constant 96 : i32
      "tpu.region"() ({
        %run_scoped3A = tpu.sem_alloc : memref<!tpu.dma_semaphore, #tpu.memory_space<semaphore_mem>>
        %dma_start3A_388 = arith.constant 0 : i32
        %dma_start3A_389 = tpu.memref_slice %arg8[%add3A_90, %dma_start3A_388] : memref<56x96xi32, #tpu.memory_space<vmem>> -> memref<1x96xi32, #tpu.memory_space<vmem>>
        %dma_start3A_390 = tpu.memref_squeeze %dma_start3A_389 : memref<1x96xi32, #tpu.memory_space<vmem>> -> memref<96xi32, #tpu.memory_space<vmem>>
        %dma_start3A_391 = arith.constant 0 : i32
        %dma_start3A_392 = arith.constant 0 : i32
        %dma_start3A_393 = tpu.memref_slice %arg13[%dma_start3A_391, %dma_start3A_392] : memref<10112x128xf32, #tpu.memory_space<vmem_shared>> -> memref<10112x128xf32, #tpu.memory_space<vmem_shared>>
        tpu.enqueue_indirect_dma source(%arg10 : memref<96x128xf32, #tpu.memory_space<vmem>>) target(%dma_start3A_393 : memref<10112x128xf32, #tpu.memory_space<vmem_shared>>) offsets(%dma_start3A_390 : memref<96xi32, #tpu.memory_space<vmem>>) semaphore(%run_scoped3A : memref<!tpu.dma_semaphore, #tpu.memory_space<semaphore_mem>>) {add = true}
        %dma_wait3A_394 = arith.constant 0 : i32
        %dma_wait3A_395 = tpu.memref_slice %arg8[%add3A_90, %dma_wait3A_394] : memref<56x96xi32, #tpu.memory_space<vmem>> -> memref<1x96xi32, #tpu.memory_space<vmem>>
        %dma_wait3A_396 = tpu.memref_squeeze %dma_wait3A_395 : memref<1x96xi32, #tpu.memory_space<vmem>> -> memref<96xi32, #tpu.memory_space<vmem>>
        %dma_wait3A_397 = arith.constant 0 : i32
        %dma_wait3A_398 = arith.constant 0 : i32
        %dma_wait3A_399 = tpu.memref_slice %arg13[%dma_wait3A_397, %dma_wait3A_398] : memref<10112x128xf32, #tpu.memory_space<vmem_shared>> -> memref<10112x128xf32, #tpu.memory_space<vmem_shared>>
        tpu.wait_indirect_dma semaphore(%run_scoped3A : memref<!tpu.dma_semaphore, #tpu.memory_space<semaphore_mem>>) src(%arg10 : memref<96x128xf32, #tpu.memory_space<vmem>>) dst(%dma_wait3A_399 : memref<10112x128xf32, #tpu.memory_space<vmem_shared>>)
        tpu.yield
      }) : () -> ()
      %add3A_236 = arith.constant 2 : i32
      %add3A_237 = arith.addi %add3A_90, %add3A_236 : i32
      %lt3A_238 = arith.constant 56 : i32
      %lt3A_239 = arith.cmpi slt, %add3A_237, %lt3A_238 : i32
      %convert_element_type3A_240 = arith.extui %lt3A_239 : i1 to i32
      %cond3A_241 = arith.constant 0 : i32
      %cond3A_242 = arith.cmpi ne, %convert_element_type3A_240, %cond3A_241 : i32
      scf.if %cond3A_242 {
        %add3A_388 = arith.constant 2 : i32
        %add3A_389 = arith.addi %add3A_90, %add3A_388 : i32
        %dma_start3A_390 = arith.constant 0 : i32
        %dma_start3A_391 = tpu.memref_slice %arg7[%add3A_389, %dma_start3A_390] : memref<56x96xi32, #tpu.memory_space<vmem>> -> memref<1x96xi32, #tpu.memory_space<vmem>>
        %dma_start3A_392 = tpu.memref_squeeze %dma_start3A_391 : memref<1x96xi32, #tpu.memory_space<vmem>> -> memref<96xi32, #tpu.memory_space<vmem>>
        %dma_start3A_393 = arith.constant 0 : i32
        %dma_start3A_394 = arith.constant 0 : i32
        %dma_start3A_395 = tpu.memref_slice %arg2[%dma_start3A_393, %dma_start3A_394] : memref<10000x128xf32, #tpu.memory_space<hbm>> -> memref<10000x128xf32, #tpu.memory_space<hbm>>
        tpu.enqueue_indirect_dma source(%dma_start3A_395 : memref<10000x128xf32, #tpu.memory_space<hbm>>) target(%arg10 : memref<96x128xf32, #tpu.memory_space<vmem>>) offsets(%dma_start3A_392 : memref<96xi32, #tpu.memory_space<vmem>>) semaphore(%arg14 : memref<!tpu.dma_semaphore, #tpu.memory_space<semaphore_mem>>)
      } else {
      }
      %dma_wait3A_243 = arith.constant 0 : i32
      %dma_wait3A_244 = tpu.memref_slice %arg7[%add3A_92, %dma_wait3A_243] : memref<56x96xi32, #tpu.memory_space<vmem>> -> memref<1x96xi32, #tpu.memory_space<vmem>>
      %dma_wait3A_245 = tpu.memref_squeeze %dma_wait3A_244 : memref<1x96xi32, #tpu.memory_space<vmem>> -> memref<96xi32, #tpu.memory_space<vmem>>
      %dma_wait3A_246 = arith.constant 0 : i32
      %dma_wait3A_247 = arith.constant 0 : i32
      %dma_wait3A_248 = tpu.memref_slice %arg2[%dma_wait3A_246, %dma_wait3A_247] : memref<10000x128xf32, #tpu.memory_space<hbm>> -> memref<10000x128xf32, #tpu.memory_space<hbm>>
      tpu.wait_indirect_dma semaphore(%arg15 : memref<!tpu.dma_semaphore, #tpu.memory_space<semaphore_mem>>) src(%dma_wait3A_248 : memref<10000x128xf32, #tpu.memory_space<hbm>>) dst(%arg11 : memref<96x128xf32, #tpu.memory_space<vmem>>)
      %add3A_249 = arith.constant 1 : i32
      %add3A_250 = arith.addi %add3A_90, %add3A_249 : i32
      %iota3A_251 = tpu.iota {dimensions = array<i32: 0>} : vector<16xi32>
      %add3A_252 = arith.constant 0 : i32
      %add3A_253 = vector.broadcast %add3A_252 : i32 to vector<16xi32>
      %add3A_254 = arith.addi %iota3A_251, %add3A_253 : vector<16xi32>
      %broadcast_in_dim3A_255 = arith.constant 33 : i32
      %broadcast_in_dim3A_256 = vector.broadcast %broadcast_in_dim3A_255 : i32 to vector<16xi32>
      %gather3A_257 = tpu.vector_load_idx %arg11[%add3A_254, %broadcast_in_dim3A_256] : memref<96x128xf32, #tpu.memory_space<vmem>>[vector<16xi32>, vector<16xi32>], vector<16xf32>,
      %get3A_258 = arith.index_cast %add3A_250 : i32 to index
      %get3A_259 = arith.constant 0 : index
      %get3A_260 = tpu.vector_load %arg8[%get3A_258, %get3A_259] {strides = array<i32>} : memref<56x96xi32, #tpu.memory_space<vmem>>, vector<16xi32>,
      %gather3A_261 = tpu.vector_load_idx %arg9[%get3A_260] : memref<10112xf32, #tpu.memory_space<vmem>>[vector<16xi32>], vector<16xf32>,
      %add3A_262 = arith.addf %gather3A_257, %gather3A_261 : vector<16xf32>
      %gt3A_263 = arith.constant 0.000000e+00 : f32
      %gt3A_264 = vector.broadcast %gt3A_263 : f32 to vector<16xf32>
      %gt3A_265 = arith.cmpf ogt, %add3A_262, %gt3A_264 : vector<16xf32>
      %mul3A_266 = arith.constant 2.000000e-01 : f32
      %mul3A_267 = vector.broadcast %mul3A_266 : f32 to vector<16xf32>
      %mul3A_268 = arith.mulf %mul3A_267, %add3A_262 : vector<16xf32>
      %select_n3A_269 = arith.select %gt3A_265, %add3A_262, %mul3A_268 : vector<16xi1>, vector<16xf32>
      %exp3A_270 = math.exp %select_n3A_269 : vector<16xf32>
      %swap3A_271 = arith.constant 0 : index
      %swap3A_272 = tpu.vector_load %arg12[%swap3A_271] {strides = array<i32>} : memref<96xf32, #tpu.memory_space<vmem>>, vector<16xf32>,
      tpu.vector_store %arg12[%swap3A_271], %exp3A_270 {strides = array<i32>} : memref<96xf32, #tpu.memory_space<vmem>>, vector<16xf32>,
      %iota3A_273 = tpu.iota {dimensions = array<i32: 0>} : vector<16xi32>
      %add3A_274 = arith.constant 16 : i32
      %add3A_275 = vector.broadcast %add3A_274 : i32 to vector<16xi32>
      %add3A_276 = arith.addi %iota3A_273, %add3A_275 : vector<16xi32>
      %broadcast_in_dim3A_277 = arith.constant 33 : i32
      %broadcast_in_dim3A_278 = vector.broadcast %broadcast_in_dim3A_277 : i32 to vector<16xi32>
      %gather3A_279 = tpu.vector_load_idx %arg11[%add3A_276, %broadcast_in_dim3A_278] : memref<96x128xf32, #tpu.memory_space<vmem>>[vector<16xi32>, vector<16xi32>], vector<16xf32>,
      %get3A_280 = arith.index_cast %add3A_250 : i32 to index
      %get3A_281 = arith.constant 16 : index
      %get3A_282 = tpu.vector_load %arg8[%get3A_280, %get3A_281] {strides = array<i32>} : memref<56x96xi32, #tpu.memory_space<vmem>>, vector<16xi32>,
      %gather3A_283 = tpu.vector_load_idx %arg9[%get3A_282] : memref<10112xf32, #tpu.memory_space<vmem>>[vector<16xi32>], vector<16xf32>,
      %add3A_284 = arith.addf %gather3A_279, %gather3A_283 : vector<16xf32>
      %gt3A_285 = arith.constant 0.000000e+00 : f32
      %gt3A_286 = vector.broadcast %gt3A_285 : f32 to vector<16xf32>
      %gt3A_287 = arith.cmpf ogt, %add3A_284, %gt3A_286 : vector<16xf32>
      %mul3A_288 = arith.constant 2.000000e-01 : f32
      %mul3A_289 = vector.broadcast %mul3A_288 : f32 to vector<16xf32>
      %mul3A_290 = arith.mulf %mul3A_289, %add3A_284 : vector<16xf32>
      %select_n3A_291 = arith.select %gt3A_287, %add3A_284, %mul3A_290 : vector<16xi1>, vector<16xf32>
      %exp3A_292 = math.exp %select_n3A_291 : vector<16xf32>
      %swap3A_293 = arith.constant 16 : index
      %swap3A_294 = tpu.vector_load %arg12[%swap3A_293] {strides = array<i32>} : memref<96xf32, #tpu.memory_space<vmem>>, vector<16xf32>,
      tpu.vector_store %arg12[%swap3A_293], %exp3A_292 {strides = array<i32>} : memref<96xf32, #tpu.memory_space<vmem>>, vector<16xf32>,
      %iota3A_295 = tpu.iota {dimensions = array<i32: 0>} : vector<16xi32>
      %add3A_296 = arith.constant 32 : i32
      %add3A_297 = vector.broadcast %add3A_296 : i32 to vector<16xi32>
      %add3A_298 = arith.addi %iota3A_295, %add3A_297 : vector<16xi32>
      %broadcast_in_dim3A_299 = arith.constant 33 : i32
      %broadcast_in_dim3A_300 = vector.broadcast %broadcast_in_dim3A_299 : i32 to vector<16xi32>
      %gather3A_301 = tpu.vector_load_idx %arg11[%add3A_298, %broadcast_in_dim3A_300] : memref<96x128xf32, #tpu.memory_space<vmem>>[vector<16xi32>, vector<16xi32>], vector<16xf32>,
      %get3A_302 = arith.index_cast %add3A_250 : i32 to index
      %get3A_303 = arith.constant 32 : index
      %get3A_304 = tpu.vector_load %arg8[%get3A_302, %get3A_303] {strides = array<i32>} : memref<56x96xi32, #tpu.memory_space<vmem>>, vector<16xi32>,
      %gather3A_305 = tpu.vector_load_idx %arg9[%get3A_304] : memref<10112xf32, #tpu.memory_space<vmem>>[vector<16xi32>], vector<16xf32>,
      %add3A_306 = arith.addf %gather3A_301, %gather3A_305 : vector<16xf32>
      %gt3A_307 = arith.constant 0.000000e+00 : f32
      %gt3A_308 = vector.broadcast %gt3A_307 : f32 to vector<16xf32>
      %gt3A_309 = arith.cmpf ogt, %add3A_306, %gt3A_308 : vector<16xf32>
      %mul3A_310 = arith.constant 2.000000e-01 : f32
      %mul3A_311 = vector.broadcast %mul3A_310 : f32 to vector<16xf32>
      %mul3A_312 = arith.mulf %mul3A_311, %add3A_306 : vector<16xf32>
      %select_n3A_313 = arith.select %gt3A_309, %add3A_306, %mul3A_312 : vector<16xi1>, vector<16xf32>
      %exp3A_314 = math.exp %select_n3A_313 : vector<16xf32>
      %swap3A_315 = arith.constant 32 : index
      %swap3A_316 = tpu.vector_load %arg12[%swap3A_315] {strides = array<i32>} : memref<96xf32, #tpu.memory_space<vmem>>, vector<16xf32>,
      tpu.vector_store %arg12[%swap3A_315], %exp3A_314 {strides = array<i32>} : memref<96xf32, #tpu.memory_space<vmem>>, vector<16xf32>,
      %iota3A_317 = tpu.iota {dimensions = array<i32: 0>} : vector<16xi32>
      %add3A_318 = arith.constant 48 : i32
      %add3A_319 = vector.broadcast %add3A_318 : i32 to vector<16xi32>
      %add3A_320 = arith.addi %iota3A_317, %add3A_319 : vector<16xi32>
      %broadcast_in_dim3A_321 = arith.constant 33 : i32
      %broadcast_in_dim3A_322 = vector.broadcast %broadcast_in_dim3A_321 : i32 to vector<16xi32>
      %gather3A_323 = tpu.vector_load_idx %arg11[%add3A_320, %broadcast_in_dim3A_322] : memref<96x128xf32, #tpu.memory_space<vmem>>[vector<16xi32>, vector<16xi32>], vector<16xf32>,
      %get3A_324 = arith.index_cast %add3A_250 : i32 to index
      %get3A_325 = arith.constant 48 : index
      %get3A_326 = tpu.vector_load %arg8[%get3A_324, %get3A_325] {strides = array<i32>} : memref<56x96xi32, #tpu.memory_space<vmem>>, vector<16xi32>,
      %gather3A_327 = tpu.vector_load_idx %arg9[%get3A_326] : memref<10112xf32, #tpu.memory_space<vmem>>[vector<16xi32>], vector<16xf32>,
      %add3A_328 = arith.addf %gather3A_323, %gather3A_327 : vector<16xf32>
      %gt3A_329 = arith.constant 0.000000e+00 : f32
      %gt3A_330 = vector.broadcast %gt3A_329 : f32 to vector<16xf32>
      %gt3A_331 = arith.cmpf ogt, %add3A_328, %gt3A_330 : vector<16xf32>
      %mul3A_332 = arith.constant 2.000000e-01 : f32
      %mul3A_333 = vector.broadcast %mul3A_332 : f32 to vector<16xf32>
      %mul3A_334 = arith.mulf %mul3A_333, %add3A_328 : vector<16xf32>
      %select_n3A_335 = arith.select %gt3A_331, %add3A_328, %mul3A_334 : vector<16xi1>, vector<16xf32>
      %exp3A_336 = math.exp %select_n3A_335 : vector<16xf32>
      %swap3A_337 = arith.constant 48 : index
      %swap3A_338 = tpu.vector_load %arg12[%swap3A_337] {strides = array<i32>} : memref<96xf32, #tpu.memory_space<vmem>>, vector<16xf32>,
      tpu.vector_store %arg12[%swap3A_337], %exp3A_336 {strides = array<i32>} : memref<96xf32, #tpu.memory_space<vmem>>, vector<16xf32>,
      %iota3A_339 = tpu.iota {dimensions = array<i32: 0>} : vector<16xi32>
      %add3A_340 = arith.constant 64 : i32
      %add3A_341 = vector.broadcast %add3A_340 : i32 to vector<16xi32>
      %add3A_342 = arith.addi %iota3A_339, %add3A_341 : vector<16xi32>
      %broadcast_in_dim3A_343 = arith.constant 33 : i32
      %broadcast_in_dim3A_344 = vector.broadcast %broadcast_in_dim3A_343 : i32 to vector<16xi32>
      %gather3A_345 = tpu.vector_load_idx %arg11[%add3A_342, %broadcast_in_dim3A_344] : memref<96x128xf32, #tpu.memory_space<vmem>>[vector<16xi32>, vector<16xi32>], vector<16xf32>,
      %get3A_346 = arith.index_cast %add3A_250 : i32 to index
      %get3A_347 = arith.constant 64 : index
      %get3A_348 = tpu.vector_load %arg8[%get3A_346, %get3A_347] {strides = array<i32>} : memref<56x96xi32, #tpu.memory_space<vmem>>, vector<16xi32>,
      %gather3A_349 = tpu.vector_load_idx %arg9[%get3A_348] : memref<10112xf32, #tpu.memory_space<vmem>>[vector<16xi32>], vector<16xf32>,
      %add3A_350 = arith.addf %gather3A_345, %gather3A_349 : vector<16xf32>
      %gt3A_351 = arith.constant 0.000000e+00 : f32
      %gt3A_352 = vector.broadcast %gt3A_351 : f32 to vector<16xf32>
      %gt3A_353 = arith.cmpf ogt, %add3A_350, %gt3A_352 : vector<16xf32>
      %mul3A_354 = arith.constant 2.000000e-01 : f32
      %mul3A_355 = vector.broadcast %mul3A_354 : f32 to vector<16xf32>
      %mul3A_356 = arith.mulf %mul3A_355, %add3A_350 : vector<16xf32>
      %select_n3A_357 = arith.select %gt3A_353, %add3A_350, %mul3A_356 : vector<16xi1>, vector<16xf32>
      %exp3A_358 = math.exp %select_n3A_357 : vector<16xf32>
      %swap3A_359 = arith.constant 64 : index
      %swap3A_360 = tpu.vector_load %arg12[%swap3A_359] {strides = array<i32>} : memref<96xf32, #tpu.memory_space<vmem>>, vector<16xf32>,
      tpu.vector_store %arg12[%swap3A_359], %exp3A_358 {strides = array<i32>} : memref<96xf32, #tpu.memory_space<vmem>>, vector<16xf32>,
      %iota3A_361 = tpu.iota {dimensions = array<i32: 0>} : vector<16xi32>
      %add3A_362 = arith.constant 80 : i32
      %add3A_363 = vector.broadcast %add3A_362 : i32 to vector<16xi32>
      %add3A_364 = arith.addi %iota3A_361, %add3A_363 : vector<16xi32>
      %broadcast_in_dim3A_365 = arith.constant 33 : i32
      %broadcast_in_dim3A_366 = vector.broadcast %broadcast_in_dim3A_365 : i32 to vector<16xi32>
      %gather3A_367 = tpu.vector_load_idx %arg11[%add3A_364, %broadcast_in_dim3A_366] : memref<96x128xf32, #tpu.memory_space<vmem>>[vector<16xi32>, vector<16xi32>], vector<16xf32>,
      %get3A_368 = arith.index_cast %add3A_250 : i32 to index
      %get3A_369 = arith.constant 80 : index
      %get3A_370 = tpu.vector_load %arg8[%get3A_368, %get3A_369] {strides = array<i32>} : memref<56x96xi32, #tpu.memory_space<vmem>>, vector<16xi32>,
      %gather3A_371 = tpu.vector_load_idx %arg9[%get3A_370] : memref<10112xf32, #tpu.memory_space<vmem>>[vector<16xi32>], vector<16xf32>,
      %add3A_372 = arith.addf %gather3A_367, %gather3A_371 : vector<16xf32>
      %gt3A_373 = arith.constant 0.000000e+00 : f32
      %gt3A_374 = vector.broadcast %gt3A_373 : f32 to vector<16xf32>
      %gt3A_375 = arith.cmpf ogt, %add3A_372, %gt3A_374 : vector<16xf32>
      %mul3A_376 = arith.constant 2.000000e-01 : f32
      %mul3A_377 = vector.broadcast %mul3A_376 : f32 to vector<16xf32>
      %mul3A_378 = arith.mulf %mul3A_377, %add3A_372 : vector<16xf32>
      %select_n3A_379 = arith.select %gt3A_375, %add3A_372, %mul3A_378 : vector<16xi1>, vector<16xf32>
      %exp3A_380 = math.exp %select_n3A_379 : vector<16xf32>
      %swap3A_381 = arith.constant 80 : index
      %swap3A_382 = tpu.vector_load %arg12[%swap3A_381] {strides = array<i32>} : memref<96xf32, #tpu.memory_space<vmem>>, vector<16xf32>,
      tpu.vector_store %arg12[%swap3A_381], %exp3A_380 {strides = array<i32>} : memref<96xf32, #tpu.memory_space<vmem>>, vector<16xf32>,
      %scan3A_383 = arith.constant 0 : i32
      %scan3A_384 = arith.constant 96 : i32
      %scan3A_385 = arith.addi %scan3A_383, %scan3A_384 : i32
      %scan3A_386 = arith.constant 1 : i32
      scf.for %scan3A_388 = %scan3A_383 to %scan3A_385 step %scan3A_386  : i32 {
        %mul3A_389 = arith.constant 1 : i32
        %mul3A_390 = arith.muli %scan3A_388, %mul3A_389 : i32
        %add3A_391 = arith.constant 0 : i32
        %add3A_392 = arith.addi %add3A_391, %mul3A_390 : i32
        %broadcast_in_dim3A_393 = arith.constant 0 : i32
        %broadcast_in_dim3A_394 = vector.broadcast %broadcast_in_dim3A_393 : i32 to vector<16xi32>
        %add3A_395 = vector.broadcast %add3A_392 : i32 to vector<16xi32>
        %add3A_396 = arith.addi %broadcast_in_dim3A_394, %add3A_395 : vector<16xi32>
        %gather3A_397 = tpu.vector_load_idx %arg12[%add3A_396] : memref<96xf32, #tpu.memory_space<vmem>>[vector<16xi32>], vector<16xf32>,
        %get3A_398 = arith.index_cast %add3A_392 : i32 to index
        %get3A_399 = arith.constant 0 : index
        %get3A_400 = tpu.vector_load %arg11[%get3A_398, %get3A_399] {strides = array<i32>} : memref<96x128xf32, #tpu.memory_space<vmem>>, vector<16xf32>,
        %mul3A_401 = arith.mulf %get3A_400, %gather3A_397 : vector<16xf32>
        %swap3A_402 = arith.index_cast %add3A_392 : i32 to index
        %swap3A_403 = arith.constant 0 : index
        %swap3A_404 = tpu.vector_load %arg11[%swap3A_402, %swap3A_403] {strides = array<i32>} : memref<96x128xf32, #tpu.memory_space<vmem>>, vector<16xf32>,
        tpu.vector_store %arg11[%swap3A_402, %swap3A_403], %mul3A_401 {strides = array<i32>} : memref<96x128xf32, #tpu.memory_space<vmem>>, vector<16xf32>,
        %get3A_405 = arith.index_cast %add3A_392 : i32 to index
        %get3A_406 = arith.constant 16 : index
        %get3A_407 = tpu.vector_load %arg11[%get3A_405, %get3A_406] {strides = array<i32>} : memref<96x128xf32, #tpu.memory_space<vmem>>, vector<16xf32>,
        %mul3A_408 = arith.mulf %get3A_407, %gather3A_397 : vector<16xf32>
        %swap3A_409 = arith.index_cast %add3A_392 : i32 to index
        %swap3A_410 = arith.constant 16 : index
        %swap3A_411 = tpu.vector_load %arg11[%swap3A_409, %swap3A_410] {strides = array<i32>} : memref<96x128xf32, #tpu.memory_space<vmem>>, vector<16xf32>,
        tpu.vector_store %arg11[%swap3A_409, %swap3A_410], %mul3A_408 {strides = array<i32>} : memref<96x128xf32, #tpu.memory_space<vmem>>, vector<16xf32>,
        %get3A_412 = arith.index_cast %add3A_392 : i32 to index
        %get3A_413 = arith.constant 32 : index
        %get3A_414 = tpu.vector_load %arg11[%get3A_412, %get3A_413] {strides = array<i32>} : memref<96x128xf32, #tpu.memory_space<vmem>>, vector<16xf32>,
        %mul3A_415 = arith.mulf %get3A_414, %gather3A_397 : vector<16xf32>
        %swap3A_416 = arith.index_cast %add3A_392 : i32 to index
        %swap3A_417 = arith.constant 32 : index
        %swap3A_418 = tpu.vector_load %arg11[%swap3A_416, %swap3A_417] {strides = array<i32>} : memref<96x128xf32, #tpu.memory_space<vmem>>, vector<16xf32>,
        tpu.vector_store %arg11[%swap3A_416, %swap3A_417], %mul3A_415 {strides = array<i32>} : memref<96x128xf32, #tpu.memory_space<vmem>>, vector<16xf32>,
      }
      %scan3A_387 = arith.constant 96 : i32
      "tpu.region"() ({
        %run_scoped3A = tpu.sem_alloc : memref<!tpu.dma_semaphore, #tpu.memory_space<semaphore_mem>>
        %dma_start3A_388 = arith.constant 0 : i32
        %dma_start3A_389 = tpu.memref_slice %arg8[%add3A_250, %dma_start3A_388] : memref<56x96xi32, #tpu.memory_space<vmem>> -> memref<1x96xi32, #tpu.memory_space<vmem>>
        %dma_start3A_390 = tpu.memref_squeeze %dma_start3A_389 : memref<1x96xi32, #tpu.memory_space<vmem>> -> memref<96xi32, #tpu.memory_space<vmem>>
        %dma_start3A_391 = arith.constant 0 : i32
        %dma_start3A_392 = arith.constant 0 : i32
        %dma_start3A_393 = tpu.memref_slice %arg13[%dma_start3A_391, %dma_start3A_392] : memref<10112x128xf32, #tpu.memory_space<vmem_shared>> -> memref<10112x128xf32, #tpu.memory_space<vmem_shared>>
        tpu.enqueue_indirect_dma source(%arg11 : memref<96x128xf32, #tpu.memory_space<vmem>>) target(%dma_start3A_393 : memref<10112x128xf32, #tpu.memory_space<vmem_shared>>) offsets(%dma_start3A_390 : memref<96xi32, #tpu.memory_space<vmem>>) semaphore(%run_scoped3A : memref<!tpu.dma_semaphore, #tpu.memory_space<semaphore_mem>>) {add = true}
        %dma_wait3A_394 = arith.constant 0 : i32
        %dma_wait3A_395 = tpu.memref_slice %arg8[%add3A_250, %dma_wait3A_394] : memref<56x96xi32, #tpu.memory_space<vmem>> -> memref<1x96xi32, #tpu.memory_space<vmem>>
        %dma_wait3A_396 = tpu.memref_squeeze %dma_wait3A_395 : memref<1x96xi32, #tpu.memory_space<vmem>> -> memref<96xi32, #tpu.memory_space<vmem>>
        %dma_wait3A_397 = arith.constant 0 : i32
        %dma_wait3A_398 = arith.constant 0 : i32
        %dma_wait3A_399 = tpu.memref_slice %arg13[%dma_wait3A_397, %dma_wait3A_398] : memref<10112x128xf32, #tpu.memory_space<vmem_shared>> -> memref<10112x128xf32, #tpu.memory_space<vmem_shared>>
        tpu.wait_indirect_dma semaphore(%run_scoped3A : memref<!tpu.dma_semaphore, #tpu.memory_space<semaphore_mem>>) src(%arg11 : memref<96x128xf32, #tpu.memory_space<vmem>>) dst(%dma_wait3A_399 : memref<10112x128xf32, #tpu.memory_space<vmem_shared>>)
        tpu.yield
      }) : () -> ()
    }
    %scan3A_76 = arith.constant 28 : i32
    %barrier3A_77 = arith.constant 0 : index
    tpu.barrier barrier_id(%barrier3A_77)
    %mul3A_78 = arith.constant 632 : i32
    %mul3A_79 = arith.muli %arg1, %mul3A_78 : i32
    %lt3A = arith.constant 15 : i32
    %lt3A_80 = arith.cmpi slt, %arg1, %lt3A : i32
    %convert_element_type3A = arith.extui %lt3A_80 : i1 to i32
    %cond3A = arith.constant 0 : i32
    %cond3A_81 = arith.cmpi ne, %convert_element_type3A, %cond3A : i32
    scf.if %cond3A_81 {
      "tpu.region"() ({
        %run_scoped3A = tpu.sem_alloc : memref<!tpu.dma_semaphore, #tpu.memory_space<semaphore_mem>>
        %dma_start3A_86 = arith.constant 0 : i32
        %dma_start3A_87 = tpu.memref_slice %arg6[%arg0, %mul3A_79, %dma_start3A_86] : memref<2x10000x128xf32, #tpu.memory_space<hbm>> -> memref<1x632x128xf32, #tpu.memory_space<hbm>>
        %dma_start3A_88 = tpu.memref_squeeze %dma_start3A_87 : memref<1x632x128xf32, #tpu.memory_space<hbm>> -> memref<632x128xf32, #tpu.memory_space<hbm>>
        %dma_start3A_89 = arith.constant 0 : i32
        %dma_start3A_90 = tpu.memref_slice %arg13[%mul3A_79, %dma_start3A_89] : memref<10112x128xf32, #tpu.memory_space<vmem_shared>> -> memref<632x128xf32, #tpu.memory_space<vmem_shared>>
        tpu.enqueue_dma source(%dma_start3A_90 : memref<632x128xf32, #tpu.memory_space<vmem_shared>>) target(%dma_start3A_88 : memref<632x128xf32, #tpu.memory_space<hbm>>) target_semaphore(%run_scoped3A : memref<!tpu.dma_semaphore, #tpu.memory_space<semaphore_mem>>)
        %dma_wait3A_91 = arith.constant 0 : i32
        %dma_wait3A_92 = tpu.memref_slice %arg6[%arg0, %mul3A_79, %dma_wait3A_91] : memref<2x10000x128xf32, #tpu.memory_space<hbm>> -> memref<1x632x128xf32, #tpu.memory_space<hbm>>
        %dma_wait3A_93 = tpu.memref_squeeze %dma_wait3A_92 : memref<1x632x128xf32, #tpu.memory_space<hbm>> -> memref<632x128xf32, #tpu.memory_space<hbm>>
        %dma_wait3A_94 = arith.constant 0 : i32
        %dma_wait3A_95 = tpu.memref_slice %arg13[%mul3A_79, %dma_wait3A_94] : memref<10112x128xf32, #tpu.memory_space<vmem_shared>> -> memref<632x128xf32, #tpu.memory_space<vmem_shared>>
        tpu.wait_dma2 semaphore(%run_scoped3A : memref<!tpu.dma_semaphore, #tpu.memory_space<semaphore_mem>>) src(%dma_wait3A_95 : memref<632x128xf32, #tpu.memory_space<vmem_shared>>) dst(%dma_wait3A_93 : memref<632x128xf32, #tpu.memory_space<hbm>>)
        tpu.yield
      }) : () -> ()
    } else {
    }
    %eq3A = arith.constant 15 : i32
    %eq3A_82 = arith.cmpi eq, %arg1, %eq3A : i32
    %convert_element_type3A_83 = arith.extui %eq3A_82 : i1 to i32
    %cond3A_84 = arith.constant 0 : i32
    %cond3A_85 = arith.cmpi ne, %convert_element_type3A_83, %cond3A_84 : i32
    scf.if %cond3A_85 {
      "tpu.region"() ({
        %run_scoped3A = tpu.sem_alloc : memref<!tpu.dma_semaphore, #tpu.memory_space<semaphore_mem>>
        %dma_start3A_86 = arith.constant 9480 : i32
        %dma_start3A_87 = arith.constant 0 : i32
        %dma_start3A_88 = tpu.memref_slice %arg6[%arg0, %dma_start3A_86, %dma_start3A_87] : memref<2x10000x128xf32, #tpu.memory_space<hbm>> -> memref<1x520x128xf32, #tpu.memory_space<hbm>>
        %dma_start3A_89 = tpu.memref_squeeze %dma_start3A_88 : memref<1x520x128xf32, #tpu.memory_space<hbm>> -> memref<520x128xf32, #tpu.memory_space<hbm>>
        %dma_start3A_90 = arith.constant 9480 : i32
        %dma_start3A_91 = arith.constant 0 : i32
        %dma_start3A_92 = tpu.memref_slice %arg13[%dma_start3A_90, %dma_start3A_91] : memref<10112x128xf32, #tpu.memory_space<vmem_shared>> -> memref<520x128xf32, #tpu.memory_space<vmem_shared>>
        tpu.enqueue_dma source(%dma_start3A_92 : memref<520x128xf32, #tpu.memory_space<vmem_shared>>) target(%dma_start3A_89 : memref<520x128xf32, #tpu.memory_space<hbm>>) target_semaphore(%run_scoped3A : memref<!tpu.dma_semaphore, #tpu.memory_space<semaphore_mem>>)
        %dma_wait3A_93 = arith.constant 9480 : i32
        %dma_wait3A_94 = arith.constant 0 : i32
        %dma_wait3A_95 = tpu.memref_slice %arg6[%arg0, %dma_wait3A_93, %dma_wait3A_94] : memref<2x10000x128xf32, #tpu.memory_space<hbm>> -> memref<1x520x128xf32, #tpu.memory_space<hbm>>
        %dma_wait3A_96 = tpu.memref_squeeze %dma_wait3A_95 : memref<1x520x128xf32, #tpu.memory_space<hbm>> -> memref<520x128xf32, #tpu.memory_space<hbm>>
        %dma_wait3A_97 = arith.constant 9480 : i32
        %dma_wait3A_98 = arith.constant 0 : i32
        %dma_wait3A_99 = tpu.memref_slice %arg13[%dma_wait3A_97, %dma_wait3A_98] : memref<10112x128xf32, #tpu.memory_space<vmem_shared>> -> memref<520x128xf32, #tpu.memory_space<vmem_shared>>
        tpu.wait_dma2 semaphore(%run_scoped3A : memref<!tpu.dma_semaphore, #tpu.memory_space<semaphore_mem>>) src(%dma_wait3A_99 : memref<520x128xf32, #tpu.memory_space<vmem_shared>>) dst(%dma_wait3A_96 : memref<520x128xf32, #tpu.memory_space<hbm>>)
        tpu.yield
      }) : () -> ()
    } else {
    }
    return
  }
}

#map = affine_map<(d0, d1) -> (0, 0)>
#map1 = affine_map<(d0, d1) -> (0)>
#map2 = affine_map<(d0, d1) -> (0, 0, 0)>
module attributes {stable_mosaic.version = 14 : i64} {
  func.func @edge_kernel(%arg0: i32, %arg1: i32, %arg2: memref<10000x128xf32, #tpu.memory_space<hbm>>, %arg3: memref<10000xf32, #tpu.memory_space<hbm>>, %arg4: memref<32x56x96xi32, #tpu.memory_space<hbm>>, %arg5: memref<32x56x96xi32, #tpu.memory_space<hbm>>, %arg6: memref<2x10000x128xf32, #tpu.memory_space<hbm>>, %arg7: memref<56x96xi32, #tpu.memory_space<vmem>>, %arg8: memref<56x96xi32, #tpu.memory_space<vmem>>, %arg9: memref<10112xf32, #tpu.memory_space<vmem>>, %arg10: memref<96x128xf32, #tpu.memory_space<vmem>>, %arg11: memref<96x128xf32, #tpu.memory_space<vmem>>, %arg12: memref<96xf32, #tpu.memory_space<vmem>>, %arg13: memref<10112x128xf32, #tpu.memory_space<vmem_shared>>, %arg14: memref<!tpu.dma_semaphore, #tpu.memory_space<semaphore_mem>>, %arg15: memref<!tpu.dma_semaphore, #tpu.memory_space<semaphore_mem>>) attributes {dimension_semantics = [#tpu.dimension_semantics<core_parallel>, #tpu.dimension_semantics<subcore_parallel>], iteration_bounds = array<i64: 2, 16>, scalar_prefetch = 0 : i64, scratch_operands = 9 : i64, tpu.core_type = #tpu.core_type<sc_vector_subcore>, window_params = [{transform_indices = #map}, {transform_indices = #map1}, {transform_indices = #map2}, {transform_indices = #map2}, {transform_indices = #map2}]} {
    %mul3A = arith.constant 16 : i32
    %mul3A_0 = arith.muli %arg0, %mul3A : i32
    %add3A = arith.addi %mul3A_0, %arg1 : i32
    %dma_start3A = arith.constant 0 : i32
    %dma_start3A_1 = arith.constant 0 : i32
    %dma_start3A_2 = tpu.memref_slice %arg4[%add3A, %dma_start3A, %dma_start3A_1] : memref<32x56x96xi32, #tpu.memory_space<hbm>> -> memref<1x56x96xi32, #tpu.memory_space<hbm>>
    %dma_start3A_3 = tpu.memref_squeeze %dma_start3A_2 : memref<1x56x96xi32, #tpu.memory_space<hbm>> -> memref<56x96xi32, #tpu.memory_space<hbm>>
    %dma_start3A_4 = arith.constant 0 : i32
    %dma_start3A_5 = arith.constant 0 : i32
    %dma_start3A_6 = tpu.memref_slice %arg4[%add3A, %dma_start3A_4, %dma_start3A_5] : memref<32x56x96xi32, #tpu.memory_space<hbm>> -> memref<1x56x96xi32, #tpu.memory_space<hbm>>
    %dma_start3A_7 = tpu.memref_squeeze %dma_start3A_6 : memref<1x56x96xi32, #tpu.memory_space<hbm>> -> memref<56x96xi32, #tpu.memory_space<hbm>>
    tpu.enqueue_dma source(%dma_start3A_7 : memref<56x96xi32, #tpu.memory_space<hbm>>) target(%arg7 : memref<56x96xi32, #tpu.memory_space<vmem>>) target_semaphore(%arg14 : memref<!tpu.dma_semaphore, #tpu.memory_space<semaphore_mem>>)
    %dma_start3A_8 = arith.constant 0 : i32
    %dma_start3A_9 = arith.constant 0 : i32
    %dma_start3A_10 = tpu.memref_slice %arg5[%add3A, %dma_start3A_8, %dma_start3A_9] : memref<32x56x96xi32, #tpu.memory_space<hbm>> -> memref<1x56x96xi32, #tpu.memory_space<hbm>>
    %dma_start3A_11 = tpu.memref_squeeze %dma_start3A_10 : memref<1x56x96xi32, #tpu.memory_space<hbm>> -> memref<56x96xi32, #tpu.memory_space<hbm>>
    %dma_start3A_12 = arith.constant 0 : i32
    %dma_start3A_13 = arith.constant 0 : i32
    %dma_start3A_14 = tpu.memref_slice %arg5[%add3A, %dma_start3A_12, %dma_start3A_13] : memref<32x56x96xi32, #tpu.memory_space<hbm>> -> memref<1x56x96xi32, #tpu.memory_space<hbm>>
    %dma_start3A_15 = tpu.memref_squeeze %dma_start3A_14 : memref<1x56x96xi32, #tpu.memory_space<hbm>> -> memref<56x96xi32, #tpu.memory_space<hbm>>
    tpu.enqueue_dma source(%dma_start3A_15 : memref<56x96xi32, #tpu.memory_space<hbm>>) target(%arg8 : memref<56x96xi32, #tpu.memory_space<vmem>>) target_semaphore(%arg15 : memref<!tpu.dma_semaphore, #tpu.memory_space<semaphore_mem>>)
    %broadcast_in_dim3A = arith.constant 0.000000e+00 : f32
    %broadcast_in_dim3A_16 = vector.broadcast %broadcast_in_dim3A : f32 to vector<16xf32>
    %scan3A = arith.constant 0 : i32
    %scan3A_17 = arith.constant 96 : i32
    %scan3A_18 = arith.addi %scan3A, %scan3A_17 : i32
    %scan3A_19 = arith.constant 1 : i32
    scf.for %scan3A_86 = %scan3A to %scan3A_18 step %scan3A_19  : i32 {
      %mul3A_87 = arith.constant 1 : i32
      %mul3A_88 = arith.muli %scan3A_86, %mul3A_87 : i32
      %add3A_89 = arith.constant 0 : i32
      %add3A_90 = arith.addi %add3A_89, %mul3A_88 : i32
      %swap3A_91 = arith.index_cast %add3A_90 : i32 to index
      %swap3A_92 = arith.constant 0 : index
      %swap3A_93 = tpu.vector_load %arg10[%swap3A_91, %swap3A_92] {strides = array<i32>} : memref<96x128xf32, #tpu.memory_space<vmem>>, vector<16xf32>,
      tpu.vector_store %arg10[%swap3A_91, %swap3A_92], %broadcast_in_dim3A_16 {strides = array<i32>} : memref<96x128xf32, #tpu.memory_space<vmem>>, vector<16xf32>,
      %swap3A_94 = arith.index_cast %add3A_90 : i32 to index
      %swap3A_95 = arith.constant 16 : index
      %swap3A_96 = tpu.vector_load %arg10[%swap3A_94, %swap3A_95] {strides = array<i32>} : memref<96x128xf32, #tpu.memory_space<vmem>>, vector<16xf32>,
      tpu.vector_store %arg10[%swap3A_94, %swap3A_95], %broadcast_in_dim3A_16 {strides = array<i32>} : memref<96x128xf32, #tpu.memory_space<vmem>>, vector<16xf32>,
      %swap3A_97 = arith.index_cast %add3A_90 : i32 to index
      %swap3A_98 = arith.constant 32 : index
      %swap3A_99 = tpu.vector_load %arg10[%swap3A_97, %swap3A_98] {strides = array<i32>} : memref<96x128xf32, #tpu.memory_space<vmem>>, vector<16xf32>,
      tpu.vector_store %arg10[%swap3A_97, %swap3A_98], %broadcast_in_dim3A_16 {strides = array<i32>} : memref<96x128xf32, #tpu.memory_space<vmem>>, vector<16xf32>,
      %swap3A_100 = arith.index_cast %add3A_90 : i32 to index
      %swap3A_101 = arith.constant 48 : index
      %swap3A_102 = tpu.vector_load %arg10[%swap3A_100, %swap3A_101] {strides = array<i32>} : memref<96x128xf32, #tpu.memory_space<vmem>>, vector<16xf32>,
      tpu.vector_store %arg10[%swap3A_100, %swap3A_101], %broadcast_in_dim3A_16 {strides = array<i32>} : memref<96x128xf32, #tpu.memory_space<vmem>>, vector<16xf32>,
      %swap3A_103 = arith.index_cast %add3A_90 : i32 to index
      %swap3A_104 = arith.constant 64 : index
      %swap3A_105 = tpu.vector_load %arg10[%swap3A_103, %swap3A_104] {strides = array<i32>} : memref<96x128xf32, #tpu.memory_space<vmem>>, vector<16xf32>,
      tpu.vector_store %arg10[%swap3A_103, %swap3A_104], %broadcast_in_dim3A_16 {strides = array<i32>} : memref<96x128xf32, #tpu.memory_space<vmem>>, vector<16xf32>,
      %swap3A_106 = arith.index_cast %add3A_90 : i32 to index
      %swap3A_107 = arith.constant 80 : index
      %swap3A_108 = tpu.vector_load %arg10[%swap3A_106, %swap3A_107] {strides = array<i32>} : memref<96x128xf32, #tpu.memory_space<vmem>>, vector<16xf32>,
      tpu.vector_store %arg10[%swap3A_106, %swap3A_107], %broadcast_in_dim3A_16 {strides = array<i32>} : memref<96x128xf32, #tpu.memory_space<vmem>>, vector<16xf32>,
      %swap3A_109 = arith.index_cast %add3A_90 : i32 to index
      %swap3A_110 = arith.constant 96 : index
      %swap3A_111 = tpu.vector_load %arg10[%swap3A_109, %swap3A_110] {strides = array<i32>} : memref<96x128xf32, #tpu.memory_space<vmem>>, vector<16xf32>,
      tpu.vector_store %arg10[%swap3A_109, %swap3A_110], %broadcast_in_dim3A_16 {strides = array<i32>} : memref<96x128xf32, #tpu.memory_space<vmem>>, vector<16xf32>,
      %swap3A_112 = arith.index_cast %add3A_90 : i32 to index
      %swap3A_113 = arith.constant 112 : index
      %swap3A_114 = tpu.vector_load %arg10[%swap3A_112, %swap3A_113] {strides = array<i32>} : memref<96x128xf32, #tpu.memory_space<vmem>>, vector<16xf32>,
      tpu.vector_store %arg10[%swap3A_112, %swap3A_113], %broadcast_in_dim3A_16 {strides = array<i32>} : memref<96x128xf32, #tpu.memory_space<vmem>>, vector<16xf32>,
    }
    %scan3A_20 = arith.constant 96 : i32
    %mul3A_21 = arith.constant 632 : i32
    %mul3A_22 = arith.muli %arg1, %mul3A_21 : i32
    %add3A_23 = arith.constant 0 : i32
    %add3A_24 = arith.addi %mul3A_22, %add3A_23 : i32
    "tpu.region"() ({
      %run_scoped3A = tpu.sem_alloc : memref<!tpu.dma_semaphore, #tpu.memory_space<semaphore_mem>>
      %dma_start3A_86 = arith.constant 0 : i32
      %dma_start3A_87 = arith.constant 0 : i32
      %dma_start3A_88 = tpu.memref_slice %arg10[%dma_start3A_86, %dma_start3A_87] : memref<96x128xf32, #tpu.memory_space<vmem>> -> memref<96x128xf32, #tpu.memory_space<vmem>>
      %dma_start3A_89 = arith.constant 0 : i32
      %dma_start3A_90 = tpu.memref_slice %arg13[%add3A_24, %dma_start3A_89] : memref<10112x128xf32, #tpu.memory_space<vmem_shared>> -> memref<96x128xf32, #tpu.memory_space<vmem_shared>>
      %dma_start3A_91 = arith.constant 0 : i32
      %dma_start3A_92 = tpu.memref_slice %arg13[%add3A_24, %dma_start3A_91] : memref<10112x128xf32, #tpu.memory_space<vmem_shared>> -> memref<96x128xf32, #tpu.memory_space<vmem_shared>>
      %dma_start3A_93 = arith.constant 0 : i32
      %dma_start3A_94 = arith.constant 0 : i32
      %dma_start3A_95 = tpu.memref_slice %arg10[%dma_start3A_93, %dma_start3A_94] : memref<96x128xf32, #tpu.memory_space<vmem>> -> memref<96x128xf32, #tpu.memory_space<vmem>>
      tpu.enqueue_dma source(%dma_start3A_95 : memref<96x128xf32, #tpu.memory_space<vmem>>) target(%dma_start3A_92 : memref<96x128xf32, #tpu.memory_space<vmem_shared>>) target_semaphore(%run_scoped3A : memref<!tpu.dma_semaphore, #tpu.memory_space<semaphore_mem>>)
      %dma_wait3A_96 = arith.constant 0 : i32
      %dma_wait3A_97 = arith.constant 0 : i32
      %dma_wait3A_98 = tpu.memref_slice %arg10[%dma_wait3A_96, %dma_wait3A_97] : memref<96x128xf32, #tpu.memory_space<vmem>> -> memref<96x128xf32, #tpu.memory_space<vmem>>
      %dma_wait3A_99 = arith.constant 0 : i32
      %dma_wait3A_100 = tpu.memref_slice %arg13[%add3A_24, %dma_wait3A_99] : memref<10112x128xf32, #tpu.memory_space<vmem_shared>> -> memref<96x128xf32, #tpu.memory_space<vmem_shared>>
      %dma_wait3A_101 = arith.constant 0 : i32
      %dma_wait3A_102 = tpu.memref_slice %arg13[%add3A_24, %dma_wait3A_101] : memref<10112x128xf32, #tpu.memory_space<vmem_shared>> -> memref<96x128xf32, #tpu.memory_space<vmem_shared>>
      %dma_wait3A_103 = arith.constant 0 : i32
      %dma_wait3A_104 = arith.constant 0 : i32
      %dma_wait3A_105 = tpu.memref_slice %arg10[%dma_wait3A_103, %dma_wait3A_104] : memref<96x128xf32, #tpu.memory_space<vmem>> -> memref<96x128xf32, #tpu.memory_space<vmem>>
      tpu.wait_dma2 semaphore(%run_scoped3A : memref<!tpu.dma_semaphore, #tpu.memory_space<semaphore_mem>>) src(%dma_wait3A_105 : memref<96x128xf32, #tpu.memory_space<vmem>>) dst(%dma_wait3A_102 : memref<96x128xf32, #tpu.memory_space<vmem_shared>>)
      tpu.yield
    }) : () -> ()
    %add3A_25 = arith.constant 96 : i32
    %add3A_26 = arith.addi %mul3A_22, %add3A_25 : i32
    "tpu.region"() ({
      %run_scoped3A = tpu.sem_alloc : memref<!tpu.dma_semaphore, #tpu.memory_space<semaphore_mem>>
      %dma_start3A_86 = arith.constant 0 : i32
      %dma_start3A_87 = arith.constant 0 : i32
      %dma_start3A_88 = tpu.memref_slice %arg10[%dma_start3A_86, %dma_start3A_87] : memref<96x128xf32, #tpu.memory_space<vmem>> -> memref<96x128xf32, #tpu.memory_space<vmem>>
      %dma_start3A_89 = arith.constant 0 : i32
      %dma_start3A_90 = tpu.memref_slice %arg13[%add3A_26, %dma_start3A_89] : memref<10112x128xf32, #tpu.memory_space<vmem_shared>> -> memref<96x128xf32, #tpu.memory_space<vmem_shared>>
      %dma_start3A_91 = arith.constant 0 : i32
      %dma_start3A_92 = tpu.memref_slice %arg13[%add3A_26, %dma_start3A_91] : memref<10112x128xf32, #tpu.memory_space<vmem_shared>> -> memref<96x128xf32, #tpu.memory_space<vmem_shared>>
      %dma_start3A_93 = arith.constant 0 : i32
      %dma_start3A_94 = arith.constant 0 : i32
      %dma_start3A_95 = tpu.memref_slice %arg10[%dma_start3A_93, %dma_start3A_94] : memref<96x128xf32, #tpu.memory_space<vmem>> -> memref<96x128xf32, #tpu.memory_space<vmem>>
      tpu.enqueue_dma source(%dma_start3A_95 : memref<96x128xf32, #tpu.memory_space<vmem>>) target(%dma_start3A_92 : memref<96x128xf32, #tpu.memory_space<vmem_shared>>) target_semaphore(%run_scoped3A : memref<!tpu.dma_semaphore, #tpu.memory_space<semaphore_mem>>)
      %dma_wait3A_96 = arith.constant 0 : i32
      %dma_wait3A_97 = arith.constant 0 : i32
      %dma_wait3A_98 = tpu.memref_slice %arg10[%dma_wait3A_96, %dma_wait3A_97] : memref<96x128xf32, #tpu.memory_space<vmem>> -> memref<96x128xf32, #tpu.memory_space<vmem>>
      %dma_wait3A_99 = arith.constant 0 : i32
      %dma_wait3A_100 = tpu.memref_slice %arg13[%add3A_26, %dma_wait3A_99] : memref<10112x128xf32, #tpu.memory_space<vmem_shared>> -> memref<96x128xf32, #tpu.memory_space<vmem_shared>>
      %dma_wait3A_101 = arith.constant 0 : i32
      %dma_wait3A_102 = tpu.memref_slice %arg13[%add3A_26, %dma_wait3A_101] : memref<10112x128xf32, #tpu.memory_space<vmem_shared>> -> memref<96x128xf32, #tpu.memory_space<vmem_shared>>
      %dma_wait3A_103 = arith.constant 0 : i32
      %dma_wait3A_104 = arith.constant 0 : i32
      %dma_wait3A_105 = tpu.memref_slice %arg10[%dma_wait3A_103, %dma_wait3A_104] : memref<96x128xf32, #tpu.memory_space<vmem>> -> memref<96x128xf32, #tpu.memory_space<vmem>>
      tpu.wait_dma2 semaphore(%run_scoped3A : memref<!tpu.dma_semaphore, #tpu.memory_space<semaphore_mem>>) src(%dma_wait3A_105 : memref<96x128xf32, #tpu.memory_space<vmem>>) dst(%dma_wait3A_102 : memref<96x128xf32, #tpu.memory_space<vmem_shared>>)
      tpu.yield
    }) : () -> ()
    %add3A_27 = arith.constant 192 : i32
    %add3A_28 = arith.addi %mul3A_22, %add3A_27 : i32
    "tpu.region"() ({
      %run_scoped3A = tpu.sem_alloc : memref<!tpu.dma_semaphore, #tpu.memory_space<semaphore_mem>>
      %dma_start3A_86 = arith.constant 0 : i32
      %dma_start3A_87 = arith.constant 0 : i32
      %dma_start3A_88 = tpu.memref_slice %arg10[%dma_start3A_86, %dma_start3A_87] : memref<96x128xf32, #tpu.memory_space<vmem>> -> memref<96x128xf32, #tpu.memory_space<vmem>>
      %dma_start3A_89 = arith.constant 0 : i32
      %dma_start3A_90 = tpu.memref_slice %arg13[%add3A_28, %dma_start3A_89] : memref<10112x128xf32, #tpu.memory_space<vmem_shared>> -> memref<96x128xf32, #tpu.memory_space<vmem_shared>>
      %dma_start3A_91 = arith.constant 0 : i32
      %dma_start3A_92 = tpu.memref_slice %arg13[%add3A_28, %dma_start3A_91] : memref<10112x128xf32, #tpu.memory_space<vmem_shared>> -> memref<96x128xf32, #tpu.memory_space<vmem_shared>>
      %dma_start3A_93 = arith.constant 0 : i32
      %dma_start3A_94 = arith.constant 0 : i32
      %dma_start3A_95 = tpu.memref_slice %arg10[%dma_start3A_93, %dma_start3A_94] : memref<96x128xf32, #tpu.memory_space<vmem>> -> memref<96x128xf32, #tpu.memory_space<vmem>>
      tpu.enqueue_dma source(%dma_start3A_95 : memref<96x128xf32, #tpu.memory_space<vmem>>) target(%dma_start3A_92 : memref<96x128xf32, #tpu.memory_space<vmem_shared>>) target_semaphore(%run_scoped3A : memref<!tpu.dma_semaphore, #tpu.memory_space<semaphore_mem>>)
      %dma_wait3A_96 = arith.constant 0 : i32
      %dma_wait3A_97 = arith.constant 0 : i32
      %dma_wait3A_98 = tpu.memref_slice %arg10[%dma_wait3A_96, %dma_wait3A_97] : memref<96x128xf32, #tpu.memory_space<vmem>> -> memref<96x128xf32, #tpu.memory_space<vmem>>
      %dma_wait3A_99 = arith.constant 0 : i32
      %dma_wait3A_100 = tpu.memref_slice %arg13[%add3A_28, %dma_wait3A_99] : memref<10112x128xf32, #tpu.memory_space<vmem_shared>> -> memref<96x128xf32, #tpu.memory_space<vmem_shared>>
      %dma_wait3A_101 = arith.constant 0 : i32
      %dma_wait3A_102 = tpu.memref_slice %arg13[%add3A_28, %dma_wait3A_101] : memref<10112x128xf32, #tpu.memory_space<vmem_shared>> -> memref<96x128xf32, #tpu.memory_space<vmem_shared>>
      %dma_wait3A_103 = arith.constant 0 : i32
      %dma_wait3A_104 = arith.constant 0 : i32
      %dma_wait3A_105 = tpu.memref_slice %arg10[%dma_wait3A_103, %dma_wait3A_104] : memref<96x128xf32, #tpu.memory_space<vmem>> -> memref<96x128xf32, #tpu.memory_space<vmem>>
      tpu.wait_dma2 semaphore(%run_scoped3A : memref<!tpu.dma_semaphore, #tpu.memory_space<semaphore_mem>>) src(%dma_wait3A_105 : memref<96x128xf32, #tpu.memory_space<vmem>>) dst(%dma_wait3A_102 : memref<96x128xf32, #tpu.memory_space<vmem_shared>>)
      tpu.yield
    }) : () -> ()
    %add3A_29 = arith.constant 288 : i32
    %add3A_30 = arith.addi %mul3A_22, %add3A_29 : i32
    "tpu.region"() ({
      %run_scoped3A = tpu.sem_alloc : memref<!tpu.dma_semaphore, #tpu.memory_space<semaphore_mem>>
      %dma_start3A_86 = arith.constant 0 : i32
      %dma_start3A_87 = arith.constant 0 : i32
      %dma_start3A_88 = tpu.memref_slice %arg10[%dma_start3A_86, %dma_start3A_87] : memref<96x128xf32, #tpu.memory_space<vmem>> -> memref<96x128xf32, #tpu.memory_space<vmem>>
      %dma_start3A_89 = arith.constant 0 : i32
      %dma_start3A_90 = tpu.memref_slice %arg13[%add3A_30, %dma_start3A_89] : memref<10112x128xf32, #tpu.memory_space<vmem_shared>> -> memref<96x128xf32, #tpu.memory_space<vmem_shared>>
      %dma_start3A_91 = arith.constant 0 : i32
      %dma_start3A_92 = tpu.memref_slice %arg13[%add3A_30, %dma_start3A_91] : memref<10112x128xf32, #tpu.memory_space<vmem_shared>> -> memref<96x128xf32, #tpu.memory_space<vmem_shared>>
      %dma_start3A_93 = arith.constant 0 : i32
      %dma_start3A_94 = arith.constant 0 : i32
      %dma_start3A_95 = tpu.memref_slice %arg10[%dma_start3A_93, %dma_start3A_94] : memref<96x128xf32, #tpu.memory_space<vmem>> -> memref<96x128xf32, #tpu.memory_space<vmem>>
      tpu.enqueue_dma source(%dma_start3A_95 : memref<96x128xf32, #tpu.memory_space<vmem>>) target(%dma_start3A_92 : memref<96x128xf32, #tpu.memory_space<vmem_shared>>) target_semaphore(%run_scoped3A : memref<!tpu.dma_semaphore, #tpu.memory_space<semaphore_mem>>)
      %dma_wait3A_96 = arith.constant 0 : i32
      %dma_wait3A_97 = arith.constant 0 : i32
      %dma_wait3A_98 = tpu.memref_slice %arg10[%dma_wait3A_96, %dma_wait3A_97] : memref<96x128xf32, #tpu.memory_space<vmem>> -> memref<96x128xf32, #tpu.memory_space<vmem>>
      %dma_wait3A_99 = arith.constant 0 : i32
      %dma_wait3A_100 = tpu.memref_slice %arg13[%add3A_30, %dma_wait3A_99] : memref<10112x128xf32, #tpu.memory_space<vmem_shared>> -> memref<96x128xf32, #tpu.memory_space<vmem_shared>>
      %dma_wait3A_101 = arith.constant 0 : i32
      %dma_wait3A_102 = tpu.memref_slice %arg13[%add3A_30, %dma_wait3A_101] : memref<10112x128xf32, #tpu.memory_space<vmem_shared>> -> memref<96x128xf32, #tpu.memory_space<vmem_shared>>
      %dma_wait3A_103 = arith.constant 0 : i32
      %dma_wait3A_104 = arith.constant 0 : i32
      %dma_wait3A_105 = tpu.memref_slice %arg10[%dma_wait3A_103, %dma_wait3A_104] : memref<96x128xf32, #tpu.memory_space<vmem>> -> memref<96x128xf32, #tpu.memory_space<vmem>>
      tpu.wait_dma2 semaphore(%run_scoped3A : memref<!tpu.dma_semaphore, #tpu.memory_space<semaphore_mem>>) src(%dma_wait3A_105 : memref<96x128xf32, #tpu.memory_space<vmem>>) dst(%dma_wait3A_102 : memref<96x128xf32, #tpu.memory_space<vmem_shared>>)
      tpu.yield
    }) : () -> ()
    %add3A_31 = arith.constant 384 : i32
    %add3A_32 = arith.addi %mul3A_22, %add3A_31 : i32
    "tpu.region"() ({
      %run_scoped3A = tpu.sem_alloc : memref<!tpu.dma_semaphore, #tpu.memory_space<semaphore_mem>>
      %dma_start3A_86 = arith.constant 0 : i32
      %dma_start3A_87 = arith.constant 0 : i32
      %dma_start3A_88 = tpu.memref_slice %arg10[%dma_start3A_86, %dma_start3A_87] : memref<96x128xf32, #tpu.memory_space<vmem>> -> memref<96x128xf32, #tpu.memory_space<vmem>>
      %dma_start3A_89 = arith.constant 0 : i32
      %dma_start3A_90 = tpu.memref_slice %arg13[%add3A_32, %dma_start3A_89] : memref<10112x128xf32, #tpu.memory_space<vmem_shared>> -> memref<96x128xf32, #tpu.memory_space<vmem_shared>>
      %dma_start3A_91 = arith.constant 0 : i32
      %dma_start3A_92 = tpu.memref_slice %arg13[%add3A_32, %dma_start3A_91] : memref<10112x128xf32, #tpu.memory_space<vmem_shared>> -> memref<96x128xf32, #tpu.memory_space<vmem_shared>>
      %dma_start3A_93 = arith.constant 0 : i32
      %dma_start3A_94 = arith.constant 0 : i32
      %dma_start3A_95 = tpu.memref_slice %arg10[%dma_start3A_93, %dma_start3A_94] : memref<96x128xf32, #tpu.memory_space<vmem>> -> memref<96x128xf32, #tpu.memory_space<vmem>>
      tpu.enqueue_dma source(%dma_start3A_95 : memref<96x128xf32, #tpu.memory_space<vmem>>) target(%dma_start3A_92 : memref<96x128xf32, #tpu.memory_space<vmem_shared>>) target_semaphore(%run_scoped3A : memref<!tpu.dma_semaphore, #tpu.memory_space<semaphore_mem>>)
      %dma_wait3A_96 = arith.constant 0 : i32
      %dma_wait3A_97 = arith.constant 0 : i32
      %dma_wait3A_98 = tpu.memref_slice %arg10[%dma_wait3A_96, %dma_wait3A_97] : memref<96x128xf32, #tpu.memory_space<vmem>> -> memref<96x128xf32, #tpu.memory_space<vmem>>
      %dma_wait3A_99 = arith.constant 0 : i32
      %dma_wait3A_100 = tpu.memref_slice %arg13[%add3A_32, %dma_wait3A_99] : memref<10112x128xf32, #tpu.memory_space<vmem_shared>> -> memref<96x128xf32, #tpu.memory_space<vmem_shared>>
      %dma_wait3A_101 = arith.constant 0 : i32
      %dma_wait3A_102 = tpu.memref_slice %arg13[%add3A_32, %dma_wait3A_101] : memref<10112x128xf32, #tpu.memory_space<vmem_shared>> -> memref<96x128xf32, #tpu.memory_space<vmem_shared>>
      %dma_wait3A_103 = arith.constant 0 : i32
      %dma_wait3A_104 = arith.constant 0 : i32
      %dma_wait3A_105 = tpu.memref_slice %arg10[%dma_wait3A_103, %dma_wait3A_104] : memref<96x128xf32, #tpu.memory_space<vmem>> -> memref<96x128xf32, #tpu.memory_space<vmem>>
      tpu.wait_dma2 semaphore(%run_scoped3A : memref<!tpu.dma_semaphore, #tpu.memory_space<semaphore_mem>>) src(%dma_wait3A_105 : memref<96x128xf32, #tpu.memory_space<vmem>>) dst(%dma_wait3A_102 : memref<96x128xf32, #tpu.memory_space<vmem_shared>>)
      tpu.yield
    }) : () -> ()
    %add3A_33 = arith.constant 480 : i32
    %add3A_34 = arith.addi %mul3A_22, %add3A_33 : i32
    "tpu.region"() ({
      %run_scoped3A = tpu.sem_alloc : memref<!tpu.dma_semaphore, #tpu.memory_space<semaphore_mem>>
      %dma_start3A_86 = arith.constant 0 : i32
      %dma_start3A_87 = arith.constant 0 : i32
      %dma_start3A_88 = tpu.memref_slice %arg10[%dma_start3A_86, %dma_start3A_87] : memref<96x128xf32, #tpu.memory_space<vmem>> -> memref<96x128xf32, #tpu.memory_space<vmem>>
      %dma_start3A_89 = arith.constant 0 : i32
      %dma_start3A_90 = tpu.memref_slice %arg13[%add3A_34, %dma_start3A_89] : memref<10112x128xf32, #tpu.memory_space<vmem_shared>> -> memref<96x128xf32, #tpu.memory_space<vmem_shared>>
      %dma_start3A_91 = arith.constant 0 : i32
      %dma_start3A_92 = tpu.memref_slice %arg13[%add3A_34, %dma_start3A_91] : memref<10112x128xf32, #tpu.memory_space<vmem_shared>> -> memref<96x128xf32, #tpu.memory_space<vmem_shared>>
      %dma_start3A_93 = arith.constant 0 : i32
      %dma_start3A_94 = arith.constant 0 : i32
      %dma_start3A_95 = tpu.memref_slice %arg10[%dma_start3A_93, %dma_start3A_94] : memref<96x128xf32, #tpu.memory_space<vmem>> -> memref<96x128xf32, #tpu.memory_space<vmem>>
      tpu.enqueue_dma source(%dma_start3A_95 : memref<96x128xf32, #tpu.memory_space<vmem>>) target(%dma_start3A_92 : memref<96x128xf32, #tpu.memory_space<vmem_shared>>) target_semaphore(%run_scoped3A : memref<!tpu.dma_semaphore, #tpu.memory_space<semaphore_mem>>)
      %dma_wait3A_96 = arith.constant 0 : i32
      %dma_wait3A_97 = arith.constant 0 : i32
      %dma_wait3A_98 = tpu.memref_slice %arg10[%dma_wait3A_96, %dma_wait3A_97] : memref<96x128xf32, #tpu.memory_space<vmem>> -> memref<96x128xf32, #tpu.memory_space<vmem>>
      %dma_wait3A_99 = arith.constant 0 : i32
      %dma_wait3A_100 = tpu.memref_slice %arg13[%add3A_34, %dma_wait3A_99] : memref<10112x128xf32, #tpu.memory_space<vmem_shared>> -> memref<96x128xf32, #tpu.memory_space<vmem_shared>>
      %dma_wait3A_101 = arith.constant 0 : i32
      %dma_wait3A_102 = tpu.memref_slice %arg13[%add3A_34, %dma_wait3A_101] : memref<10112x128xf32, #tpu.memory_space<vmem_shared>> -> memref<96x128xf32, #tpu.memory_space<vmem_shared>>
      %dma_wait3A_103 = arith.constant 0 : i32
      %dma_wait3A_104 = arith.constant 0 : i32
      %dma_wait3A_105 = tpu.memref_slice %arg10[%dma_wait3A_103, %dma_wait3A_104] : memref<96x128xf32, #tpu.memory_space<vmem>> -> memref<96x128xf32, #tpu.memory_space<vmem>>
      tpu.wait_dma2 semaphore(%run_scoped3A : memref<!tpu.dma_semaphore, #tpu.memory_space<semaphore_mem>>) src(%dma_wait3A_105 : memref<96x128xf32, #tpu.memory_space<vmem>>) dst(%dma_wait3A_102 : memref<96x128xf32, #tpu.memory_space<vmem_shared>>)
      tpu.yield
    }) : () -> ()
    %add3A_35 = arith.constant 576 : i32
    %add3A_36 = arith.addi %mul3A_22, %add3A_35 : i32
    "tpu.region"() ({
      %run_scoped3A = tpu.sem_alloc : memref<!tpu.dma_semaphore, #tpu.memory_space<semaphore_mem>>
      %dma_start3A_86 = arith.constant 0 : i32
      %dma_start3A_87 = arith.constant 0 : i32
      %dma_start3A_88 = tpu.memref_slice %arg10[%dma_start3A_86, %dma_start3A_87] : memref<96x128xf32, #tpu.memory_space<vmem>> -> memref<56x128xf32, #tpu.memory_space<vmem>>
      %dma_start3A_89 = arith.constant 0 : i32
      %dma_start3A_90 = tpu.memref_slice %arg13[%add3A_36, %dma_start3A_89] : memref<10112x128xf32, #tpu.memory_space<vmem_shared>> -> memref<56x128xf32, #tpu.memory_space<vmem_shared>>
      %dma_start3A_91 = arith.constant 0 : i32
      %dma_start3A_92 = tpu.memref_slice %arg13[%add3A_36, %dma_start3A_91] : memref<10112x128xf32, #tpu.memory_space<vmem_shared>> -> memref<56x128xf32, #tpu.memory_space<vmem_shared>>
      %dma_start3A_93 = arith.constant 0 : i32
      %dma_start3A_94 = arith.constant 0 : i32
      %dma_start3A_95 = tpu.memref_slice %arg10[%dma_start3A_93, %dma_start3A_94] : memref<96x128xf32, #tpu.memory_space<vmem>> -> memref<56x128xf32, #tpu.memory_space<vmem>>
      tpu.enqueue_dma source(%dma_start3A_95 : memref<56x128xf32, #tpu.memory_space<vmem>>) target(%dma_start3A_92 : memref<56x128xf32, #tpu.memory_space<vmem_shared>>) target_semaphore(%run_scoped3A : memref<!tpu.dma_semaphore, #tpu.memory_space<semaphore_mem>>)
      %dma_wait3A_96 = arith.constant 0 : i32
      %dma_wait3A_97 = arith.constant 0 : i32
      %dma_wait3A_98 = tpu.memref_slice %arg10[%dma_wait3A_96, %dma_wait3A_97] : memref<96x128xf32, #tpu.memory_space<vmem>> -> memref<56x128xf32, #tpu.memory_space<vmem>>
      %dma_wait3A_99 = arith.constant 0 : i32
      %dma_wait3A_100 = tpu.memref_slice %arg13[%add3A_36, %dma_wait3A_99] : memref<10112x128xf32, #tpu.memory_space<vmem_shared>> -> memref<56x128xf32, #tpu.memory_space<vmem_shared>>
      %dma_wait3A_101 = arith.constant 0 : i32
      %dma_wait3A_102 = tpu.memref_slice %arg13[%add3A_36, %dma_wait3A_101] : memref<10112x128xf32, #tpu.memory_space<vmem_shared>> -> memref<56x128xf32, #tpu.memory_space<vmem_shared>>
      %dma_wait3A_103 = arith.constant 0 : i32
      %dma_wait3A_104 = arith.constant 0 : i32
      %dma_wait3A_105 = tpu.memref_slice %arg10[%dma_wait3A_103, %dma_wait3A_104] : memref<96x128xf32, #tpu.memory_space<vmem>> -> memref<56x128xf32, #tpu.memory_space<vmem>>
      tpu.wait_dma2 semaphore(%run_scoped3A : memref<!tpu.dma_semaphore, #tpu.memory_space<semaphore_mem>>) src(%dma_wait3A_105 : memref<56x128xf32, #tpu.memory_space<vmem>>) dst(%dma_wait3A_102 : memref<56x128xf32, #tpu.memory_space<vmem_shared>>)
      tpu.yield
    }) : () -> ()
    "tpu.region"() ({
      %run_scoped3A = tpu.sem_alloc : memref<!tpu.dma_semaphore, #tpu.memory_space<semaphore_mem>>
      %dma_start3A_86 = arith.constant 0 : i32
      %dma_start3A_87 = tpu.memref_slice %arg9[%dma_start3A_86] : memref<10112xf32, #tpu.memory_space<vmem>> -> memref<10000xf32, #tpu.memory_space<vmem>>
      %dma_start3A_88 = arith.constant 0 : i32
      %dma_start3A_89 = tpu.memref_slice %arg9[%dma_start3A_88] : memref<10112xf32, #tpu.memory_space<vmem>> -> memref<10000xf32, #tpu.memory_space<vmem>>
      tpu.enqueue_dma source(%arg3 : memref<10000xf32, #tpu.memory_space<hbm>>) target(%dma_start3A_89 : memref<10000xf32, #tpu.memory_space<vmem>>) target_semaphore(%run_scoped3A : memref<!tpu.dma_semaphore, #tpu.memory_space<semaphore_mem>>)
      %dma_wait3A_90 = arith.constant 0 : i32
      %dma_wait3A_91 = tpu.memref_slice %arg9[%dma_wait3A_90] : memref<10112xf32, #tpu.memory_space<vmem>> -> memref<10000xf32, #tpu.memory_space<vmem>>
      %dma_wait3A_92 = arith.constant 0 : i32
      %dma_wait3A_93 = tpu.memref_slice %arg9[%dma_wait3A_92] : memref<10112xf32, #tpu.memory_space<vmem>> -> memref<10000xf32, #tpu.memory_space<vmem>>
      tpu.wait_dma2 semaphore(%run_scoped3A : memref<!tpu.dma_semaphore, #tpu.memory_space<semaphore_mem>>) src(%arg3 : memref<10000xf32, #tpu.memory_space<hbm>>) dst(%dma_wait3A_93 : memref<10000xf32, #tpu.memory_space<vmem>>)
      tpu.yield
    }) : () -> ()
    %swap3A = arith.constant 10000 : index
    %swap3A_37 = tpu.vector_load %arg9[%swap3A] {strides = array<i32>} : memref<10112xf32, #tpu.memory_space<vmem>>, vector<16xf32>,
    tpu.vector_store %arg9[%swap3A], %broadcast_in_dim3A_16 {strides = array<i32>} : memref<10112xf32, #tpu.memory_space<vmem>>, vector<16xf32>,
    %swap3A_38 = arith.constant 10016 : index
    %swap3A_39 = tpu.vector_load %arg9[%swap3A_38] {strides = array<i32>} : memref<10112xf32, #tpu.memory_space<vmem>>, vector<16xf32>,
    tpu.vector_store %arg9[%swap3A_38], %broadcast_in_dim3A_16 {strides = array<i32>} : memref<10112xf32, #tpu.memory_space<vmem>>, vector<16xf32>,
    %swap3A_40 = arith.constant 10032 : index
    %swap3A_41 = tpu.vector_load %arg9[%swap3A_40] {strides = array<i32>} : memref<10112xf32, #tpu.memory_space<vmem>>, vector<16xf32>,
    tpu.vector_store %arg9[%swap3A_40], %broadcast_in_dim3A_16 {strides = array<i32>} : memref<10112xf32, #tpu.memory_space<vmem>>, vector<16xf32>,
    %swap3A_42 = arith.constant 10048 : index
    %swap3A_43 = tpu.vector_load %arg9[%swap3A_42] {strides = array<i32>} : memref<10112xf32, #tpu.memory_space<vmem>>, vector<16xf32>,
    tpu.vector_store %arg9[%swap3A_42], %broadcast_in_dim3A_16 {strides = array<i32>} : memref<10112xf32, #tpu.memory_space<vmem>>, vector<16xf32>,
    %swap3A_44 = arith.constant 10064 : index
    %swap3A_45 = tpu.vector_load %arg9[%swap3A_44] {strides = array<i32>} : memref<10112xf32, #tpu.memory_space<vmem>>, vector<16xf32>,
    tpu.vector_store %arg9[%swap3A_44], %broadcast_in_dim3A_16 {strides = array<i32>} : memref<10112xf32, #tpu.memory_space<vmem>>, vector<16xf32>,
    %swap3A_46 = arith.constant 10080 : index
    %swap3A_47 = tpu.vector_load %arg9[%swap3A_46] {strides = array<i32>} : memref<10112xf32, #tpu.memory_space<vmem>>, vector<16xf32>,
    tpu.vector_store %arg9[%swap3A_46], %broadcast_in_dim3A_16 {strides = array<i32>} : memref<10112xf32, #tpu.memory_space<vmem>>, vector<16xf32>,
    %swap3A_48 = arith.constant 10096 : index
    %swap3A_49 = tpu.vector_load %arg9[%swap3A_48] {strides = array<i32>} : memref<10112xf32, #tpu.memory_space<vmem>>, vector<16xf32>,
    tpu.vector_store %arg9[%swap3A_48], %broadcast_in_dim3A_16 {strides = array<i32>} : memref<10112xf32, #tpu.memory_space<vmem>>, vector<16xf32>,
    %dma_wait3A = arith.constant 0 : i32
    %dma_wait3A_50 = arith.constant 0 : i32
    %dma_wait3A_51 = tpu.memref_slice %arg4[%add3A, %dma_wait3A, %dma_wait3A_50] : memref<32x56x96xi32, #tpu.memory_space<hbm>> -> memref<1x56x96xi32, #tpu.memory_space<hbm>>
    %dma_wait3A_52 = tpu.memref_squeeze %dma_wait3A_51 : memref<1x56x96xi32, #tpu.memory_space<hbm>> -> memref<56x96xi32, #tpu.memory_space<hbm>>
    %dma_wait3A_53 = arith.constant 0 : i32
    %dma_wait3A_54 = arith.constant 0 : i32
    %dma_wait3A_55 = tpu.memref_slice %arg4[%add3A, %dma_wait3A_53, %dma_wait3A_54] : memref<32x56x96xi32, #tpu.memory_space<hbm>> -> memref<1x56x96xi32, #tpu.memory_space<hbm>>
    %dma_wait3A_56 = tpu.memref_squeeze %dma_wait3A_55 : memref<1x56x96xi32, #tpu.memory_space<hbm>> -> memref<56x96xi32, #tpu.memory_space<hbm>>
    tpu.wait_dma2 semaphore(%arg14 : memref<!tpu.dma_semaphore, #tpu.memory_space<semaphore_mem>>) src(%dma_wait3A_56 : memref<56x96xi32, #tpu.memory_space<hbm>>) dst(%arg7 : memref<56x96xi32, #tpu.memory_space<vmem>>)
    %dma_wait3A_57 = arith.constant 0 : i32
    %dma_wait3A_58 = arith.constant 0 : i32
    %dma_wait3A_59 = tpu.memref_slice %arg5[%add3A, %dma_wait3A_57, %dma_wait3A_58] : memref<32x56x96xi32, #tpu.memory_space<hbm>> -> memref<1x56x96xi32, #tpu.memory_space<hbm>>
    %dma_wait3A_60 = tpu.memref_squeeze %dma_wait3A_59 : memref<1x56x96xi32, #tpu.memory_space<hbm>> -> memref<56x96xi32, #tpu.memory_space<hbm>>
    %dma_wait3A_61 = arith.constant 0 : i32
    %dma_wait3A_62 = arith.constant 0 : i32
    %dma_wait3A_63 = tpu.memref_slice %arg5[%add3A, %dma_wait3A_61, %dma_wait3A_62] : memref<32x56x96xi32, #tpu.memory_space<hbm>> -> memref<1x56x96xi32, #tpu.memory_space<hbm>>
    %dma_wait3A_64 = tpu.memref_squeeze %dma_wait3A_63 : memref<1x56x96xi32, #tpu.memory_space<hbm>> -> memref<56x96xi32, #tpu.memory_space<hbm>>
    tpu.wait_dma2 semaphore(%arg15 : memref<!tpu.dma_semaphore, #tpu.memory_space<semaphore_mem>>) src(%dma_wait3A_64 : memref<56x96xi32, #tpu.memory_space<hbm>>) dst(%arg8 : memref<56x96xi32, #tpu.memory_space<vmem>>)
    %barrier3A = arith.constant 0 : index
    tpu.barrier barrier_id(%barrier3A)
    %dma_start3A_65 = arith.constant 0 : i32
    %dma_start3A_66 = arith.constant 0 : i32
    %dma_start3A_67 = tpu.memref_slice %arg7[%dma_start3A_65, %dma_start3A_66] : memref<56x96xi32, #tpu.memory_space<vmem>> -> memref<1x96xi32, #tpu.memory_space<vmem>>
    %dma_start3A_68 = tpu.memref_squeeze %dma_start3A_67 : memref<1x96xi32, #tpu.memory_space<vmem>> -> memref<96xi32, #tpu.memory_space<vmem>>
    %dma_start3A_69 = arith.constant 0 : i32
    %dma_start3A_70 = arith.constant 0 : i32
    %dma_start3A_71 = tpu.memref_slice %arg2[%dma_start3A_69, %dma_start3A_70] : memref<10000x128xf32, #tpu.memory_space<hbm>> -> memref<10000x128xf32, #tpu.memory_space<hbm>>
    tpu.enqueue_indirect_dma source(%dma_start3A_71 : memref<10000x128xf32, #tpu.memory_space<hbm>>) target(%arg10 : memref<96x128xf32, #tpu.memory_space<vmem>>) offsets(%dma_start3A_68 : memref<96xi32, #tpu.memory_space<vmem>>) semaphore(%arg14 : memref<!tpu.dma_semaphore, #tpu.memory_space<semaphore_mem>>)
    %scan3A_72 = arith.constant 0 : i32
    %scan3A_73 = arith.constant 28 : i32
    %scan3A_74 = arith.addi %scan3A_72, %scan3A_73 : i32
    %scan3A_75 = arith.constant 1 : i32
    scf.for %scan3A_86 = %scan3A_72 to %scan3A_74 step %scan3A_75  : i32 {
      %mul3A_87 = arith.constant 2 : i32
      %mul3A_88 = arith.muli %scan3A_86, %mul3A_87 : i32
      %add3A_89 = arith.constant 0 : i32
      %add3A_90 = arith.addi %add3A_89, %mul3A_88 : i32
      %add3A_91 = arith.constant 1 : i32
      %add3A_92 = arith.addi %add3A_90, %add3A_91 : i32
      %dma_start3A_93 = arith.constant 0 : i32
      %dma_start3A_94 = tpu.memref_slice %arg7[%add3A_92, %dma_start3A_93] : memref<56x96xi32, #tpu.memory_space<vmem>> -> memref<1x96xi32, #tpu.memory_space<vmem>>
      %dma_start3A_95 = tpu.memref_squeeze %dma_start3A_94 : memref<1x96xi32, #tpu.memory_space<vmem>> -> memref<96xi32, #tpu.memory_space<vmem>>
      %dma_start3A_96 = arith.constant 0 : i32
      %dma_start3A_97 = arith.constant 0 : i32
      %dma_start3A_98 = tpu.memref_slice %arg2[%dma_start3A_96, %dma_start3A_97] : memref<10000x128xf32, #tpu.memory_space<hbm>> -> memref<10000x128xf32, #tpu.memory_space<hbm>>
      tpu.enqueue_indirect_dma source(%dma_start3A_98 : memref<10000x128xf32, #tpu.memory_space<hbm>>) target(%arg11 : memref<96x128xf32, #tpu.memory_space<vmem>>) offsets(%dma_start3A_95 : memref<96xi32, #tpu.memory_space<vmem>>) semaphore(%arg15 : memref<!tpu.dma_semaphore, #tpu.memory_space<semaphore_mem>>)
      %dma_wait3A_99 = arith.constant 0 : i32
      %dma_wait3A_100 = tpu.memref_slice %arg7[%add3A_90, %dma_wait3A_99] : memref<56x96xi32, #tpu.memory_space<vmem>> -> memref<1x96xi32, #tpu.memory_space<vmem>>
      %dma_wait3A_101 = tpu.memref_squeeze %dma_wait3A_100 : memref<1x96xi32, #tpu.memory_space<vmem>> -> memref<96xi32, #tpu.memory_space<vmem>>
      %dma_wait3A_102 = arith.constant 0 : i32
      %dma_wait3A_103 = arith.constant 0 : i32
      %dma_wait3A_104 = tpu.memref_slice %arg2[%dma_wait3A_102, %dma_wait3A_103] : memref<10000x128xf32, #tpu.memory_space<hbm>> -> memref<10000x128xf32, #tpu.memory_space<hbm>>
      tpu.wait_indirect_dma semaphore(%arg14 : memref<!tpu.dma_semaphore, #tpu.memory_space<semaphore_mem>>) src(%dma_wait3A_104 : memref<10000x128xf32, #tpu.memory_space<hbm>>) dst(%arg10 : memref<96x128xf32, #tpu.memory_space<vmem>>)
      %iota3A = tpu.iota {dimensions = array<i32: 0>} : vector<16xi32>
      %add3A_105 = arith.constant 0 : i32
      %add3A_106 = vector.broadcast %add3A_105 : i32 to vector<16xi32>
      %add3A_107 = arith.addi %iota3A, %add3A_106 : vector<16xi32>
      %broadcast_in_dim3A_108 = arith.constant 41 : i32
      %broadcast_in_dim3A_109 = vector.broadcast %broadcast_in_dim3A_108 : i32 to vector<16xi32>
      %gather3A = tpu.vector_load_idx %arg10[%add3A_107, %broadcast_in_dim3A_109] : memref<96x128xf32, #tpu.memory_space<vmem>>[vector<16xi32>, vector<16xi32>], vector<16xf32>,
      %get3A = arith.index_cast %add3A_90 : i32 to index
      %get3A_110 = arith.constant 0 : index
      %get3A_111 = tpu.vector_load %arg8[%get3A, %get3A_110] {strides = array<i32>} : memref<56x96xi32, #tpu.memory_space<vmem>>, vector<16xi32>,
      %gather3A_112 = tpu.vector_load_idx %arg9[%get3A_111] : memref<10112xf32, #tpu.memory_space<vmem>>[vector<16xi32>], vector<16xf32>,
      %add3A_113 = arith.addf %gather3A, %gather3A_112 : vector<16xf32>
      %gt3A = arith.constant 0.000000e+00 : f32
      %gt3A_114 = vector.broadcast %gt3A : f32 to vector<16xf32>
      %gt3A_115 = arith.cmpf ogt, %add3A_113, %gt3A_114 : vector<16xf32>
      %mul3A_116 = arith.constant 2.000000e-01 : f32
      %mul3A_117 = vector.broadcast %mul3A_116 : f32 to vector<16xf32>
      %mul3A_118 = arith.mulf %mul3A_117, %add3A_113 : vector<16xf32>
      %select_n3A = arith.select %gt3A_115, %add3A_113, %mul3A_118 : vector<16xi1>, vector<16xf32>
      %exp3A = math.exp %select_n3A : vector<16xf32>
      %swap3A_119 = arith.constant 0 : index
      %swap3A_120 = tpu.vector_load %arg12[%swap3A_119] {strides = array<i32>} : memref<96xf32, #tpu.memory_space<vmem>>, vector<16xf32>,
      tpu.vector_store %arg12[%swap3A_119], %exp3A {strides = array<i32>} : memref<96xf32, #tpu.memory_space<vmem>>, vector<16xf32>,
      %iota3A_121 = tpu.iota {dimensions = array<i32: 0>} : vector<16xi32>
      %add3A_122 = arith.constant 16 : i32
      %add3A_123 = vector.broadcast %add3A_122 : i32 to vector<16xi32>
      %add3A_124 = arith.addi %iota3A_121, %add3A_123 : vector<16xi32>
      %broadcast_in_dim3A_125 = arith.constant 41 : i32
      %broadcast_in_dim3A_126 = vector.broadcast %broadcast_in_dim3A_125 : i32 to vector<16xi32>
      %gather3A_127 = tpu.vector_load_idx %arg10[%add3A_124, %broadcast_in_dim3A_126] : memref<96x128xf32, #tpu.memory_space<vmem>>[vector<16xi32>, vector<16xi32>], vector<16xf32>,
      %get3A_128 = arith.index_cast %add3A_90 : i32 to index
      %get3A_129 = arith.constant 16 : index
      %get3A_130 = tpu.vector_load %arg8[%get3A_128, %get3A_129] {strides = array<i32>} : memref<56x96xi32, #tpu.memory_space<vmem>>, vector<16xi32>,
      %gather3A_131 = tpu.vector_load_idx %arg9[%get3A_130] : memref<10112xf32, #tpu.memory_space<vmem>>[vector<16xi32>], vector<16xf32>,
      %add3A_132 = arith.addf %gather3A_127, %gather3A_131 : vector<16xf32>
      %gt3A_133 = arith.constant 0.000000e+00 : f32
      %gt3A_134 = vector.broadcast %gt3A_133 : f32 to vector<16xf32>
      %gt3A_135 = arith.cmpf ogt, %add3A_132, %gt3A_134 : vector<16xf32>
      %mul3A_136 = arith.constant 2.000000e-01 : f32
      %mul3A_137 = vector.broadcast %mul3A_136 : f32 to vector<16xf32>
      %mul3A_138 = arith.mulf %mul3A_137, %add3A_132 : vector<16xf32>
      %select_n3A_139 = arith.select %gt3A_135, %add3A_132, %mul3A_138 : vector<16xi1>, vector<16xf32>
      %exp3A_140 = math.exp %select_n3A_139 : vector<16xf32>
      %swap3A_141 = arith.constant 16 : index
      %swap3A_142 = tpu.vector_load %arg12[%swap3A_141] {strides = array<i32>} : memref<96xf32, #tpu.memory_space<vmem>>, vector<16xf32>,
      tpu.vector_store %arg12[%swap3A_141], %exp3A_140 {strides = array<i32>} : memref<96xf32, #tpu.memory_space<vmem>>, vector<16xf32>,
      %iota3A_143 = tpu.iota {dimensions = array<i32: 0>} : vector<16xi32>
      %add3A_144 = arith.constant 32 : i32
      %add3A_145 = vector.broadcast %add3A_144 : i32 to vector<16xi32>
      %add3A_146 = arith.addi %iota3A_143, %add3A_145 : vector<16xi32>
      %broadcast_in_dim3A_147 = arith.constant 41 : i32
      %broadcast_in_dim3A_148 = vector.broadcast %broadcast_in_dim3A_147 : i32 to vector<16xi32>
      %gather3A_149 = tpu.vector_load_idx %arg10[%add3A_146, %broadcast_in_dim3A_148] : memref<96x128xf32, #tpu.memory_space<vmem>>[vector<16xi32>, vector<16xi32>], vector<16xf32>,
      %get3A_150 = arith.index_cast %add3A_90 : i32 to index
      %get3A_151 = arith.constant 32 : index
      %get3A_152 = tpu.vector_load %arg8[%get3A_150, %get3A_151] {strides = array<i32>} : memref<56x96xi32, #tpu.memory_space<vmem>>, vector<16xi32>,
      %gather3A_153 = tpu.vector_load_idx %arg9[%get3A_152] : memref<10112xf32, #tpu.memory_space<vmem>>[vector<16xi32>], vector<16xf32>,
      %add3A_154 = arith.addf %gather3A_149, %gather3A_153 : vector<16xf32>
      %gt3A_155 = arith.constant 0.000000e+00 : f32
      %gt3A_156 = vector.broadcast %gt3A_155 : f32 to vector<16xf32>
      %gt3A_157 = arith.cmpf ogt, %add3A_154, %gt3A_156 : vector<16xf32>
      %mul3A_158 = arith.constant 2.000000e-01 : f32
      %mul3A_159 = vector.broadcast %mul3A_158 : f32 to vector<16xf32>
      %mul3A_160 = arith.mulf %mul3A_159, %add3A_154 : vector<16xf32>
      %select_n3A_161 = arith.select %gt3A_157, %add3A_154, %mul3A_160 : vector<16xi1>, vector<16xf32>
      %exp3A_162 = math.exp %select_n3A_161 : vector<16xf32>
      %swap3A_163 = arith.constant 32 : index
      %swap3A_164 = tpu.vector_load %arg12[%swap3A_163] {strides = array<i32>} : memref<96xf32, #tpu.memory_space<vmem>>, vector<16xf32>,
      tpu.vector_store %arg12[%swap3A_163], %exp3A_162 {strides = array<i32>} : memref<96xf32, #tpu.memory_space<vmem>>, vector<16xf32>,
      %iota3A_165 = tpu.iota {dimensions = array<i32: 0>} : vector<16xi32>
      %add3A_166 = arith.constant 48 : i32
      %add3A_167 = vector.broadcast %add3A_166 : i32 to vector<16xi32>
      %add3A_168 = arith.addi %iota3A_165, %add3A_167 : vector<16xi32>
      %broadcast_in_dim3A_169 = arith.constant 41 : i32
      %broadcast_in_dim3A_170 = vector.broadcast %broadcast_in_dim3A_169 : i32 to vector<16xi32>
      %gather3A_171 = tpu.vector_load_idx %arg10[%add3A_168, %broadcast_in_dim3A_170] : memref<96x128xf32, #tpu.memory_space<vmem>>[vector<16xi32>, vector<16xi32>], vector<16xf32>,
      %get3A_172 = arith.index_cast %add3A_90 : i32 to index
      %get3A_173 = arith.constant 48 : index
      %get3A_174 = tpu.vector_load %arg8[%get3A_172, %get3A_173] {strides = array<i32>} : memref<56x96xi32, #tpu.memory_space<vmem>>, vector<16xi32>,
      %gather3A_175 = tpu.vector_load_idx %arg9[%get3A_174] : memref<10112xf32, #tpu.memory_space<vmem>>[vector<16xi32>], vector<16xf32>,
      %add3A_176 = arith.addf %gather3A_171, %gather3A_175 : vector<16xf32>
      %gt3A_177 = arith.constant 0.000000e+00 : f32
      %gt3A_178 = vector.broadcast %gt3A_177 : f32 to vector<16xf32>
      %gt3A_179 = arith.cmpf ogt, %add3A_176, %gt3A_178 : vector<16xf32>
      %mul3A_180 = arith.constant 2.000000e-01 : f32
      %mul3A_181 = vector.broadcast %mul3A_180 : f32 to vector<16xf32>
      %mul3A_182 = arith.mulf %mul3A_181, %add3A_176 : vector<16xf32>
      %select_n3A_183 = arith.select %gt3A_179, %add3A_176, %mul3A_182 : vector<16xi1>, vector<16xf32>
      %exp3A_184 = math.exp %select_n3A_183 : vector<16xf32>
      %swap3A_185 = arith.constant 48 : index
      %swap3A_186 = tpu.vector_load %arg12[%swap3A_185] {strides = array<i32>} : memref<96xf32, #tpu.memory_space<vmem>>, vector<16xf32>,
      tpu.vector_store %arg12[%swap3A_185], %exp3A_184 {strides = array<i32>} : memref<96xf32, #tpu.memory_space<vmem>>, vector<16xf32>,
      %iota3A_187 = tpu.iota {dimensions = array<i32: 0>} : vector<16xi32>
      %add3A_188 = arith.constant 64 : i32
      %add3A_189 = vector.broadcast %add3A_188 : i32 to vector<16xi32>
      %add3A_190 = arith.addi %iota3A_187, %add3A_189 : vector<16xi32>
      %broadcast_in_dim3A_191 = arith.constant 41 : i32
      %broadcast_in_dim3A_192 = vector.broadcast %broadcast_in_dim3A_191 : i32 to vector<16xi32>
      %gather3A_193 = tpu.vector_load_idx %arg10[%add3A_190, %broadcast_in_dim3A_192] : memref<96x128xf32, #tpu.memory_space<vmem>>[vector<16xi32>, vector<16xi32>], vector<16xf32>,
      %get3A_194 = arith.index_cast %add3A_90 : i32 to index
      %get3A_195 = arith.constant 64 : index
      %get3A_196 = tpu.vector_load %arg8[%get3A_194, %get3A_195] {strides = array<i32>} : memref<56x96xi32, #tpu.memory_space<vmem>>, vector<16xi32>,
      %gather3A_197 = tpu.vector_load_idx %arg9[%get3A_196] : memref<10112xf32, #tpu.memory_space<vmem>>[vector<16xi32>], vector<16xf32>,
      %add3A_198 = arith.addf %gather3A_193, %gather3A_197 : vector<16xf32>
      %gt3A_199 = arith.constant 0.000000e+00 : f32
      %gt3A_200 = vector.broadcast %gt3A_199 : f32 to vector<16xf32>
      %gt3A_201 = arith.cmpf ogt, %add3A_198, %gt3A_200 : vector<16xf32>
      %mul3A_202 = arith.constant 2.000000e-01 : f32
      %mul3A_203 = vector.broadcast %mul3A_202 : f32 to vector<16xf32>
      %mul3A_204 = arith.mulf %mul3A_203, %add3A_198 : vector<16xf32>
      %select_n3A_205 = arith.select %gt3A_201, %add3A_198, %mul3A_204 : vector<16xi1>, vector<16xf32>
      %exp3A_206 = math.exp %select_n3A_205 : vector<16xf32>
      %swap3A_207 = arith.constant 64 : index
      %swap3A_208 = tpu.vector_load %arg12[%swap3A_207] {strides = array<i32>} : memref<96xf32, #tpu.memory_space<vmem>>, vector<16xf32>,
      tpu.vector_store %arg12[%swap3A_207], %exp3A_206 {strides = array<i32>} : memref<96xf32, #tpu.memory_space<vmem>>, vector<16xf32>,
      %iota3A_209 = tpu.iota {dimensions = array<i32: 0>} : vector<16xi32>
      %add3A_210 = arith.constant 80 : i32
      %add3A_211 = vector.broadcast %add3A_210 : i32 to vector<16xi32>
      %add3A_212 = arith.addi %iota3A_209, %add3A_211 : vector<16xi32>
      %broadcast_in_dim3A_213 = arith.constant 41 : i32
      %broadcast_in_dim3A_214 = vector.broadcast %broadcast_in_dim3A_213 : i32 to vector<16xi32>
      %gather3A_215 = tpu.vector_load_idx %arg10[%add3A_212, %broadcast_in_dim3A_214] : memref<96x128xf32, #tpu.memory_space<vmem>>[vector<16xi32>, vector<16xi32>], vector<16xf32>,
      %get3A_216 = arith.index_cast %add3A_90 : i32 to index
      %get3A_217 = arith.constant 80 : index
      %get3A_218 = tpu.vector_load %arg8[%get3A_216, %get3A_217] {strides = array<i32>} : memref<56x96xi32, #tpu.memory_space<vmem>>, vector<16xi32>,
      %gather3A_219 = tpu.vector_load_idx %arg9[%get3A_218] : memref<10112xf32, #tpu.memory_space<vmem>>[vector<16xi32>], vector<16xf32>,
      %add3A_220 = arith.addf %gather3A_215, %gather3A_219 : vector<16xf32>
      %gt3A_221 = arith.constant 0.000000e+00 : f32
      %gt3A_222 = vector.broadcast %gt3A_221 : f32 to vector<16xf32>
      %gt3A_223 = arith.cmpf ogt, %add3A_220, %gt3A_222 : vector<16xf32>
      %mul3A_224 = arith.constant 2.000000e-01 : f32
      %mul3A_225 = vector.broadcast %mul3A_224 : f32 to vector<16xf32>
      %mul3A_226 = arith.mulf %mul3A_225, %add3A_220 : vector<16xf32>
      %select_n3A_227 = arith.select %gt3A_223, %add3A_220, %mul3A_226 : vector<16xi1>, vector<16xf32>
      %exp3A_228 = math.exp %select_n3A_227 : vector<16xf32>
      %swap3A_229 = arith.constant 80 : index
      %swap3A_230 = tpu.vector_load %arg12[%swap3A_229] {strides = array<i32>} : memref<96xf32, #tpu.memory_space<vmem>>, vector<16xf32>,
      tpu.vector_store %arg12[%swap3A_229], %exp3A_228 {strides = array<i32>} : memref<96xf32, #tpu.memory_space<vmem>>, vector<16xf32>,
      %scan3A_231 = arith.constant 0 : i32
      %scan3A_232 = arith.constant 96 : i32
      %scan3A_233 = arith.addi %scan3A_231, %scan3A_232 : i32
      %scan3A_234 = arith.constant 1 : i32
      scf.for %scan3A_388 = %scan3A_231 to %scan3A_233 step %scan3A_234  : i32 {
        %mul3A_389 = arith.constant 1 : i32
        %mul3A_390 = arith.muli %scan3A_388, %mul3A_389 : i32
        %add3A_391 = arith.constant 0 : i32
        %add3A_392 = arith.addi %add3A_391, %mul3A_390 : i32
        %broadcast_in_dim3A_393 = arith.constant 0 : i32
        %broadcast_in_dim3A_394 = vector.broadcast %broadcast_in_dim3A_393 : i32 to vector<16xi32>
        %add3A_395 = vector.broadcast %add3A_392 : i32 to vector<16xi32>
        %add3A_396 = arith.addi %broadcast_in_dim3A_394, %add3A_395 : vector<16xi32>
        %gather3A_397 = tpu.vector_load_idx %arg12[%add3A_396] : memref<96xf32, #tpu.memory_space<vmem>>[vector<16xi32>], vector<16xf32>,
        %get3A_398 = arith.index_cast %add3A_392 : i32 to index
        %get3A_399 = arith.constant 0 : index
        %get3A_400 = tpu.vector_load %arg10[%get3A_398, %get3A_399] {strides = array<i32>} : memref<96x128xf32, #tpu.memory_space<vmem>>, vector<16xf32>,
        %mul3A_401 = arith.mulf %get3A_400, %gather3A_397 : vector<16xf32>
        %swap3A_402 = arith.index_cast %add3A_392 : i32 to index
        %swap3A_403 = arith.constant 0 : index
        %swap3A_404 = tpu.vector_load %arg10[%swap3A_402, %swap3A_403] {strides = array<i32>} : memref<96x128xf32, #tpu.memory_space<vmem>>, vector<16xf32>,
        tpu.vector_store %arg10[%swap3A_402, %swap3A_403], %mul3A_401 {strides = array<i32>} : memref<96x128xf32, #tpu.memory_space<vmem>>, vector<16xf32>,
        %get3A_405 = arith.index_cast %add3A_392 : i32 to index
        %get3A_406 = arith.constant 16 : index
        %get3A_407 = tpu.vector_load %arg10[%get3A_405, %get3A_406] {strides = array<i32>} : memref<96x128xf32, #tpu.memory_space<vmem>>, vector<16xf32>,
        %mul3A_408 = arith.mulf %get3A_407, %gather3A_397 : vector<16xf32>
        %swap3A_409 = arith.index_cast %add3A_392 : i32 to index
        %swap3A_410 = arith.constant 16 : index
        %swap3A_411 = tpu.vector_load %arg10[%swap3A_409, %swap3A_410] {strides = array<i32>} : memref<96x128xf32, #tpu.memory_space<vmem>>, vector<16xf32>,
        tpu.vector_store %arg10[%swap3A_409, %swap3A_410], %mul3A_408 {strides = array<i32>} : memref<96x128xf32, #tpu.memory_space<vmem>>, vector<16xf32>,
        %get3A_412 = arith.index_cast %add3A_392 : i32 to index
        %get3A_413 = arith.constant 32 : index
        %get3A_414 = tpu.vector_load %arg10[%get3A_412, %get3A_413] {strides = array<i32>} : memref<96x128xf32, #tpu.memory_space<vmem>>, vector<16xf32>,
        %mul3A_415 = arith.mulf %get3A_414, %gather3A_397 : vector<16xf32>
        %swap3A_416 = arith.index_cast %add3A_392 : i32 to index
        %swap3A_417 = arith.constant 32 : index
        %swap3A_418 = tpu.vector_load %arg10[%swap3A_416, %swap3A_417] {strides = array<i32>} : memref<96x128xf32, #tpu.memory_space<vmem>>, vector<16xf32>,
        tpu.vector_store %arg10[%swap3A_416, %swap3A_417], %mul3A_415 {strides = array<i32>} : memref<96x128xf32, #tpu.memory_space<vmem>>, vector<16xf32>,
      }
      %scan3A_235 = arith.constant 96 : i32
      "tpu.region"() ({
        %run_scoped3A = tpu.sem_alloc : memref<!tpu.dma_semaphore, #tpu.memory_space<semaphore_mem>>
        %dma_start3A_388 = arith.constant 0 : i32
        %dma_start3A_389 = tpu.memref_slice %arg8[%add3A_90, %dma_start3A_388] : memref<56x96xi32, #tpu.memory_space<vmem>> -> memref<1x96xi32, #tpu.memory_space<vmem>>
        %dma_start3A_390 = tpu.memref_squeeze %dma_start3A_389 : memref<1x96xi32, #tpu.memory_space<vmem>> -> memref<96xi32, #tpu.memory_space<vmem>>
        %dma_start3A_391 = arith.constant 0 : i32
        %dma_start3A_392 = arith.constant 0 : i32
        %dma_start3A_393 = tpu.memref_slice %arg13[%dma_start3A_391, %dma_start3A_392] : memref<10112x128xf32, #tpu.memory_space<vmem_shared>> -> memref<10112x128xf32, #tpu.memory_space<vmem_shared>>
        tpu.enqueue_indirect_dma source(%arg10 : memref<96x128xf32, #tpu.memory_space<vmem>>) target(%dma_start3A_393 : memref<10112x128xf32, #tpu.memory_space<vmem_shared>>) offsets(%dma_start3A_390 : memref<96xi32, #tpu.memory_space<vmem>>) semaphore(%run_scoped3A : memref<!tpu.dma_semaphore, #tpu.memory_space<semaphore_mem>>) {add = true}
        %dma_wait3A_394 = arith.constant 0 : i32
        %dma_wait3A_395 = tpu.memref_slice %arg8[%add3A_90, %dma_wait3A_394] : memref<56x96xi32, #tpu.memory_space<vmem>> -> memref<1x96xi32, #tpu.memory_space<vmem>>
        %dma_wait3A_396 = tpu.memref_squeeze %dma_wait3A_395 : memref<1x96xi32, #tpu.memory_space<vmem>> -> memref<96xi32, #tpu.memory_space<vmem>>
        %dma_wait3A_397 = arith.constant 0 : i32
        %dma_wait3A_398 = arith.constant 0 : i32
        %dma_wait3A_399 = tpu.memref_slice %arg13[%dma_wait3A_397, %dma_wait3A_398] : memref<10112x128xf32, #tpu.memory_space<vmem_shared>> -> memref<10112x128xf32, #tpu.memory_space<vmem_shared>>
        tpu.wait_indirect_dma semaphore(%run_scoped3A : memref<!tpu.dma_semaphore, #tpu.memory_space<semaphore_mem>>) src(%arg10 : memref<96x128xf32, #tpu.memory_space<vmem>>) dst(%dma_wait3A_399 : memref<10112x128xf32, #tpu.memory_space<vmem_shared>>)
        tpu.yield
      }) : () -> ()
      %add3A_236 = arith.constant 2 : i32
      %add3A_237 = arith.addi %add3A_90, %add3A_236 : i32
      %lt3A_238 = arith.constant 56 : i32
      %lt3A_239 = arith.cmpi slt, %add3A_237, %lt3A_238 : i32
      %convert_element_type3A_240 = arith.extui %lt3A_239 : i1 to i32
      %cond3A_241 = arith.constant 0 : i32
      %cond3A_242 = arith.cmpi ne, %convert_element_type3A_240, %cond3A_241 : i32
      scf.if %cond3A_242 {
        %add3A_388 = arith.constant 2 : i32
        %add3A_389 = arith.addi %add3A_90, %add3A_388 : i32
        %dma_start3A_390 = arith.constant 0 : i32
        %dma_start3A_391 = tpu.memref_slice %arg7[%add3A_389, %dma_start3A_390] : memref<56x96xi32, #tpu.memory_space<vmem>> -> memref<1x96xi32, #tpu.memory_space<vmem>>
        %dma_start3A_392 = tpu.memref_squeeze %dma_start3A_391 : memref<1x96xi32, #tpu.memory_space<vmem>> -> memref<96xi32, #tpu.memory_space<vmem>>
        %dma_start3A_393 = arith.constant 0 : i32
        %dma_start3A_394 = arith.constant 0 : i32
        %dma_start3A_395 = tpu.memref_slice %arg2[%dma_start3A_393, %dma_start3A_394] : memref<10000x128xf32, #tpu.memory_space<hbm>> -> memref<10000x128xf32, #tpu.memory_space<hbm>>
        tpu.enqueue_indirect_dma source(%dma_start3A_395 : memref<10000x128xf32, #tpu.memory_space<hbm>>) target(%arg10 : memref<96x128xf32, #tpu.memory_space<vmem>>) offsets(%dma_start3A_392 : memref<96xi32, #tpu.memory_space<vmem>>) semaphore(%arg14 : memref<!tpu.dma_semaphore, #tpu.memory_space<semaphore_mem>>)
      } else {
      }
      %dma_wait3A_243 = arith.constant 0 : i32
      %dma_wait3A_244 = tpu.memref_slice %arg7[%add3A_92, %dma_wait3A_243] : memref<56x96xi32, #tpu.memory_space<vmem>> -> memref<1x96xi32, #tpu.memory_space<vmem>>
      %dma_wait3A_245 = tpu.memref_squeeze %dma_wait3A_244 : memref<1x96xi32, #tpu.memory_space<vmem>> -> memref<96xi32, #tpu.memory_space<vmem>>
      %dma_wait3A_246 = arith.constant 0 : i32
      %dma_wait3A_247 = arith.constant 0 : i32
      %dma_wait3A_248 = tpu.memref_slice %arg2[%dma_wait3A_246, %dma_wait3A_247] : memref<10000x128xf32, #tpu.memory_space<hbm>> -> memref<10000x128xf32, #tpu.memory_space<hbm>>
      tpu.wait_indirect_dma semaphore(%arg15 : memref<!tpu.dma_semaphore, #tpu.memory_space<semaphore_mem>>) src(%dma_wait3A_248 : memref<10000x128xf32, #tpu.memory_space<hbm>>) dst(%arg11 : memref<96x128xf32, #tpu.memory_space<vmem>>)
      %add3A_249 = arith.constant 1 : i32
      %add3A_250 = arith.addi %add3A_90, %add3A_249 : i32
      %iota3A_251 = tpu.iota {dimensions = array<i32: 0>} : vector<16xi32>
      %add3A_252 = arith.constant 0 : i32
      %add3A_253 = vector.broadcast %add3A_252 : i32 to vector<16xi32>
      %add3A_254 = arith.addi %iota3A_251, %add3A_253 : vector<16xi32>
      %broadcast_in_dim3A_255 = arith.constant 41 : i32
      %broadcast_in_dim3A_256 = vector.broadcast %broadcast_in_dim3A_255 : i32 to vector<16xi32>
      %gather3A_257 = tpu.vector_load_idx %arg11[%add3A_254, %broadcast_in_dim3A_256] : memref<96x128xf32, #tpu.memory_space<vmem>>[vector<16xi32>, vector<16xi32>], vector<16xf32>,
      %get3A_258 = arith.index_cast %add3A_250 : i32 to index
      %get3A_259 = arith.constant 0 : index
      %get3A_260 = tpu.vector_load %arg8[%get3A_258, %get3A_259] {strides = array<i32>} : memref<56x96xi32, #tpu.memory_space<vmem>>, vector<16xi32>,
      %gather3A_261 = tpu.vector_load_idx %arg9[%get3A_260] : memref<10112xf32, #tpu.memory_space<vmem>>[vector<16xi32>], vector<16xf32>,
      %add3A_262 = arith.addf %gather3A_257, %gather3A_261 : vector<16xf32>
      %gt3A_263 = arith.constant 0.000000e+00 : f32
      %gt3A_264 = vector.broadcast %gt3A_263 : f32 to vector<16xf32>
      %gt3A_265 = arith.cmpf ogt, %add3A_262, %gt3A_264 : vector<16xf32>
      %mul3A_266 = arith.constant 2.000000e-01 : f32
      %mul3A_267 = vector.broadcast %mul3A_266 : f32 to vector<16xf32>
      %mul3A_268 = arith.mulf %mul3A_267, %add3A_262 : vector<16xf32>
      %select_n3A_269 = arith.select %gt3A_265, %add3A_262, %mul3A_268 : vector<16xi1>, vector<16xf32>
      %exp3A_270 = math.exp %select_n3A_269 : vector<16xf32>
      %swap3A_271 = arith.constant 0 : index
      %swap3A_272 = tpu.vector_load %arg12[%swap3A_271] {strides = array<i32>} : memref<96xf32, #tpu.memory_space<vmem>>, vector<16xf32>,
      tpu.vector_store %arg12[%swap3A_271], %exp3A_270 {strides = array<i32>} : memref<96xf32, #tpu.memory_space<vmem>>, vector<16xf32>,
      %iota3A_273 = tpu.iota {dimensions = array<i32: 0>} : vector<16xi32>
      %add3A_274 = arith.constant 16 : i32
      %add3A_275 = vector.broadcast %add3A_274 : i32 to vector<16xi32>
      %add3A_276 = arith.addi %iota3A_273, %add3A_275 : vector<16xi32>
      %broadcast_in_dim3A_277 = arith.constant 41 : i32
      %broadcast_in_dim3A_278 = vector.broadcast %broadcast_in_dim3A_277 : i32 to vector<16xi32>
      %gather3A_279 = tpu.vector_load_idx %arg11[%add3A_276, %broadcast_in_dim3A_278] : memref<96x128xf32, #tpu.memory_space<vmem>>[vector<16xi32>, vector<16xi32>], vector<16xf32>,
      %get3A_280 = arith.index_cast %add3A_250 : i32 to index
      %get3A_281 = arith.constant 16 : index
      %get3A_282 = tpu.vector_load %arg8[%get3A_280, %get3A_281] {strides = array<i32>} : memref<56x96xi32, #tpu.memory_space<vmem>>, vector<16xi32>,
      %gather3A_283 = tpu.vector_load_idx %arg9[%get3A_282] : memref<10112xf32, #tpu.memory_space<vmem>>[vector<16xi32>], vector<16xf32>,
      %add3A_284 = arith.addf %gather3A_279, %gather3A_283 : vector<16xf32>
      %gt3A_285 = arith.constant 0.000000e+00 : f32
      %gt3A_286 = vector.broadcast %gt3A_285 : f32 to vector<16xf32>
      %gt3A_287 = arith.cmpf ogt, %add3A_284, %gt3A_286 : vector<16xf32>
      %mul3A_288 = arith.constant 2.000000e-01 : f32
      %mul3A_289 = vector.broadcast %mul3A_288 : f32 to vector<16xf32>
      %mul3A_290 = arith.mulf %mul3A_289, %add3A_284 : vector<16xf32>
      %select_n3A_291 = arith.select %gt3A_287, %add3A_284, %mul3A_290 : vector<16xi1>, vector<16xf32>
      %exp3A_292 = math.exp %select_n3A_291 : vector<16xf32>
      %swap3A_293 = arith.constant 16 : index
      %swap3A_294 = tpu.vector_load %arg12[%swap3A_293] {strides = array<i32>} : memref<96xf32, #tpu.memory_space<vmem>>, vector<16xf32>,
      tpu.vector_store %arg12[%swap3A_293], %exp3A_292 {strides = array<i32>} : memref<96xf32, #tpu.memory_space<vmem>>, vector<16xf32>,
      %iota3A_295 = tpu.iota {dimensions = array<i32: 0>} : vector<16xi32>
      %add3A_296 = arith.constant 32 : i32
      %add3A_297 = vector.broadcast %add3A_296 : i32 to vector<16xi32>
      %add3A_298 = arith.addi %iota3A_295, %add3A_297 : vector<16xi32>
      %broadcast_in_dim3A_299 = arith.constant 41 : i32
      %broadcast_in_dim3A_300 = vector.broadcast %broadcast_in_dim3A_299 : i32 to vector<16xi32>
      %gather3A_301 = tpu.vector_load_idx %arg11[%add3A_298, %broadcast_in_dim3A_300] : memref<96x128xf32, #tpu.memory_space<vmem>>[vector<16xi32>, vector<16xi32>], vector<16xf32>,
      %get3A_302 = arith.index_cast %add3A_250 : i32 to index
      %get3A_303 = arith.constant 32 : index
      %get3A_304 = tpu.vector_load %arg8[%get3A_302, %get3A_303] {strides = array<i32>} : memref<56x96xi32, #tpu.memory_space<vmem>>, vector<16xi32>,
      %gather3A_305 = tpu.vector_load_idx %arg9[%get3A_304] : memref<10112xf32, #tpu.memory_space<vmem>>[vector<16xi32>], vector<16xf32>,
      %add3A_306 = arith.addf %gather3A_301, %gather3A_305 : vector<16xf32>
      %gt3A_307 = arith.constant 0.000000e+00 : f32
      %gt3A_308 = vector.broadcast %gt3A_307 : f32 to vector<16xf32>
      %gt3A_309 = arith.cmpf ogt, %add3A_306, %gt3A_308 : vector<16xf32>
      %mul3A_310 = arith.constant 2.000000e-01 : f32
      %mul3A_311 = vector.broadcast %mul3A_310 : f32 to vector<16xf32>
      %mul3A_312 = arith.mulf %mul3A_311, %add3A_306 : vector<16xf32>
      %select_n3A_313 = arith.select %gt3A_309, %add3A_306, %mul3A_312 : vector<16xi1>, vector<16xf32>
      %exp3A_314 = math.exp %select_n3A_313 : vector<16xf32>
      %swap3A_315 = arith.constant 32 : index
      %swap3A_316 = tpu.vector_load %arg12[%swap3A_315] {strides = array<i32>} : memref<96xf32, #tpu.memory_space<vmem>>, vector<16xf32>,
      tpu.vector_store %arg12[%swap3A_315], %exp3A_314 {strides = array<i32>} : memref<96xf32, #tpu.memory_space<vmem>>, vector<16xf32>,
      %iota3A_317 = tpu.iota {dimensions = array<i32: 0>} : vector<16xi32>
      %add3A_318 = arith.constant 48 : i32
      %add3A_319 = vector.broadcast %add3A_318 : i32 to vector<16xi32>
      %add3A_320 = arith.addi %iota3A_317, %add3A_319 : vector<16xi32>
      %broadcast_in_dim3A_321 = arith.constant 41 : i32
      %broadcast_in_dim3A_322 = vector.broadcast %broadcast_in_dim3A_321 : i32 to vector<16xi32>
      %gather3A_323 = tpu.vector_load_idx %arg11[%add3A_320, %broadcast_in_dim3A_322] : memref<96x128xf32, #tpu.memory_space<vmem>>[vector<16xi32>, vector<16xi32>], vector<16xf32>,
      %get3A_324 = arith.index_cast %add3A_250 : i32 to index
      %get3A_325 = arith.constant 48 : index
      %get3A_326 = tpu.vector_load %arg8[%get3A_324, %get3A_325] {strides = array<i32>} : memref<56x96xi32, #tpu.memory_space<vmem>>, vector<16xi32>,
      %gather3A_327 = tpu.vector_load_idx %arg9[%get3A_326] : memref<10112xf32, #tpu.memory_space<vmem>>[vector<16xi32>], vector<16xf32>,
      %add3A_328 = arith.addf %gather3A_323, %gather3A_327 : vector<16xf32>
      %gt3A_329 = arith.constant 0.000000e+00 : f32
      %gt3A_330 = vector.broadcast %gt3A_329 : f32 to vector<16xf32>
      %gt3A_331 = arith.cmpf ogt, %add3A_328, %gt3A_330 : vector<16xf32>
      %mul3A_332 = arith.constant 2.000000e-01 : f32
      %mul3A_333 = vector.broadcast %mul3A_332 : f32 to vector<16xf32>
      %mul3A_334 = arith.mulf %mul3A_333, %add3A_328 : vector<16xf32>
      %select_n3A_335 = arith.select %gt3A_331, %add3A_328, %mul3A_334 : vector<16xi1>, vector<16xf32>
      %exp3A_336 = math.exp %select_n3A_335 : vector<16xf32>
      %swap3A_337 = arith.constant 48 : index
      %swap3A_338 = tpu.vector_load %arg12[%swap3A_337] {strides = array<i32>} : memref<96xf32, #tpu.memory_space<vmem>>, vector<16xf32>,
      tpu.vector_store %arg12[%swap3A_337], %exp3A_336 {strides = array<i32>} : memref<96xf32, #tpu.memory_space<vmem>>, vector<16xf32>,
      %iota3A_339 = tpu.iota {dimensions = array<i32: 0>} : vector<16xi32>
      %add3A_340 = arith.constant 64 : i32
      %add3A_341 = vector.broadcast %add3A_340 : i32 to vector<16xi32>
      %add3A_342 = arith.addi %iota3A_339, %add3A_341 : vector<16xi32>
      %broadcast_in_dim3A_343 = arith.constant 41 : i32
      %broadcast_in_dim3A_344 = vector.broadcast %broadcast_in_dim3A_343 : i32 to vector<16xi32>
      %gather3A_345 = tpu.vector_load_idx %arg11[%add3A_342, %broadcast_in_dim3A_344] : memref<96x128xf32, #tpu.memory_space<vmem>>[vector<16xi32>, vector<16xi32>], vector<16xf32>,
      %get3A_346 = arith.index_cast %add3A_250 : i32 to index
      %get3A_347 = arith.constant 64 : index
      %get3A_348 = tpu.vector_load %arg8[%get3A_346, %get3A_347] {strides = array<i32>} : memref<56x96xi32, #tpu.memory_space<vmem>>, vector<16xi32>,
      %gather3A_349 = tpu.vector_load_idx %arg9[%get3A_348] : memref<10112xf32, #tpu.memory_space<vmem>>[vector<16xi32>], vector<16xf32>,
      %add3A_350 = arith.addf %gather3A_345, %gather3A_349 : vector<16xf32>
      %gt3A_351 = arith.constant 0.000000e+00 : f32
      %gt3A_352 = vector.broadcast %gt3A_351 : f32 to vector<16xf32>
      %gt3A_353 = arith.cmpf ogt, %add3A_350, %gt3A_352 : vector<16xf32>
      %mul3A_354 = arith.constant 2.000000e-01 : f32
      %mul3A_355 = vector.broadcast %mul3A_354 : f32 to vector<16xf32>
      %mul3A_356 = arith.mulf %mul3A_355, %add3A_350 : vector<16xf32>
      %select_n3A_357 = arith.select %gt3A_353, %add3A_350, %mul3A_356 : vector<16xi1>, vector<16xf32>
      %exp3A_358 = math.exp %select_n3A_357 : vector<16xf32>
      %swap3A_359 = arith.constant 64 : index
      %swap3A_360 = tpu.vector_load %arg12[%swap3A_359] {strides = array<i32>} : memref<96xf32, #tpu.memory_space<vmem>>, vector<16xf32>,
      tpu.vector_store %arg12[%swap3A_359], %exp3A_358 {strides = array<i32>} : memref<96xf32, #tpu.memory_space<vmem>>, vector<16xf32>,
      %iota3A_361 = tpu.iota {dimensions = array<i32: 0>} : vector<16xi32>
      %add3A_362 = arith.constant 80 : i32
      %add3A_363 = vector.broadcast %add3A_362 : i32 to vector<16xi32>
      %add3A_364 = arith.addi %iota3A_361, %add3A_363 : vector<16xi32>
      %broadcast_in_dim3A_365 = arith.constant 41 : i32
      %broadcast_in_dim3A_366 = vector.broadcast %broadcast_in_dim3A_365 : i32 to vector<16xi32>
      %gather3A_367 = tpu.vector_load_idx %arg11[%add3A_364, %broadcast_in_dim3A_366] : memref<96x128xf32, #tpu.memory_space<vmem>>[vector<16xi32>, vector<16xi32>], vector<16xf32>,
      %get3A_368 = arith.index_cast %add3A_250 : i32 to index
      %get3A_369 = arith.constant 80 : index
      %get3A_370 = tpu.vector_load %arg8[%get3A_368, %get3A_369] {strides = array<i32>} : memref<56x96xi32, #tpu.memory_space<vmem>>, vector<16xi32>,
      %gather3A_371 = tpu.vector_load_idx %arg9[%get3A_370] : memref<10112xf32, #tpu.memory_space<vmem>>[vector<16xi32>], vector<16xf32>,
      %add3A_372 = arith.addf %gather3A_367, %gather3A_371 : vector<16xf32>
      %gt3A_373 = arith.constant 0.000000e+00 : f32
      %gt3A_374 = vector.broadcast %gt3A_373 : f32 to vector<16xf32>
      %gt3A_375 = arith.cmpf ogt, %add3A_372, %gt3A_374 : vector<16xf32>
      %mul3A_376 = arith.constant 2.000000e-01 : f32
      %mul3A_377 = vector.broadcast %mul3A_376 : f32 to vector<16xf32>
      %mul3A_378 = arith.mulf %mul3A_377, %add3A_372 : vector<16xf32>
      %select_n3A_379 = arith.select %gt3A_375, %add3A_372, %mul3A_378 : vector<16xi1>, vector<16xf32>
      %exp3A_380 = math.exp %select_n3A_379 : vector<16xf32>
      %swap3A_381 = arith.constant 80 : index
      %swap3A_382 = tpu.vector_load %arg12[%swap3A_381] {strides = array<i32>} : memref<96xf32, #tpu.memory_space<vmem>>, vector<16xf32>,
      tpu.vector_store %arg12[%swap3A_381], %exp3A_380 {strides = array<i32>} : memref<96xf32, #tpu.memory_space<vmem>>, vector<16xf32>,
      %scan3A_383 = arith.constant 0 : i32
      %scan3A_384 = arith.constant 96 : i32
      %scan3A_385 = arith.addi %scan3A_383, %scan3A_384 : i32
      %scan3A_386 = arith.constant 1 : i32
      scf.for %scan3A_388 = %scan3A_383 to %scan3A_385 step %scan3A_386  : i32 {
        %mul3A_389 = arith.constant 1 : i32
        %mul3A_390 = arith.muli %scan3A_388, %mul3A_389 : i32
        %add3A_391 = arith.constant 0 : i32
        %add3A_392 = arith.addi %add3A_391, %mul3A_390 : i32
        %broadcast_in_dim3A_393 = arith.constant 0 : i32
        %broadcast_in_dim3A_394 = vector.broadcast %broadcast_in_dim3A_393 : i32 to vector<16xi32>
        %add3A_395 = vector.broadcast %add3A_392 : i32 to vector<16xi32>
        %add3A_396 = arith.addi %broadcast_in_dim3A_394, %add3A_395 : vector<16xi32>
        %gather3A_397 = tpu.vector_load_idx %arg12[%add3A_396] : memref<96xf32, #tpu.memory_space<vmem>>[vector<16xi32>], vector<16xf32>,
        %get3A_398 = arith.index_cast %add3A_392 : i32 to index
        %get3A_399 = arith.constant 0 : index
        %get3A_400 = tpu.vector_load %arg11[%get3A_398, %get3A_399] {strides = array<i32>} : memref<96x128xf32, #tpu.memory_space<vmem>>, vector<16xf32>,
        %mul3A_401 = arith.mulf %get3A_400, %gather3A_397 : vector<16xf32>
        %swap3A_402 = arith.index_cast %add3A_392 : i32 to index
        %swap3A_403 = arith.constant 0 : index
        %swap3A_404 = tpu.vector_load %arg11[%swap3A_402, %swap3A_403] {strides = array<i32>} : memref<96x128xf32, #tpu.memory_space<vmem>>, vector<16xf32>,
        tpu.vector_store %arg11[%swap3A_402, %swap3A_403], %mul3A_401 {strides = array<i32>} : memref<96x128xf32, #tpu.memory_space<vmem>>, vector<16xf32>,
        %get3A_405 = arith.index_cast %add3A_392 : i32 to index
        %get3A_406 = arith.constant 16 : index
        %get3A_407 = tpu.vector_load %arg11[%get3A_405, %get3A_406] {strides = array<i32>} : memref<96x128xf32, #tpu.memory_space<vmem>>, vector<16xf32>,
        %mul3A_408 = arith.mulf %get3A_407, %gather3A_397 : vector<16xf32>
        %swap3A_409 = arith.index_cast %add3A_392 : i32 to index
        %swap3A_410 = arith.constant 16 : index
        %swap3A_411 = tpu.vector_load %arg11[%swap3A_409, %swap3A_410] {strides = array<i32>} : memref<96x128xf32, #tpu.memory_space<vmem>>, vector<16xf32>,
        tpu.vector_store %arg11[%swap3A_409, %swap3A_410], %mul3A_408 {strides = array<i32>} : memref<96x128xf32, #tpu.memory_space<vmem>>, vector<16xf32>,
        %get3A_412 = arith.index_cast %add3A_392 : i32 to index
        %get3A_413 = arith.constant 32 : index
        %get3A_414 = tpu.vector_load %arg11[%get3A_412, %get3A_413] {strides = array<i32>} : memref<96x128xf32, #tpu.memory_space<vmem>>, vector<16xf32>,
        %mul3A_415 = arith.mulf %get3A_414, %gather3A_397 : vector<16xf32>
        %swap3A_416 = arith.index_cast %add3A_392 : i32 to index
        %swap3A_417 = arith.constant 32 : index
        %swap3A_418 = tpu.vector_load %arg11[%swap3A_416, %swap3A_417] {strides = array<i32>} : memref<96x128xf32, #tpu.memory_space<vmem>>, vector<16xf32>,
        tpu.vector_store %arg11[%swap3A_416, %swap3A_417], %mul3A_415 {strides = array<i32>} : memref<96x128xf32, #tpu.memory_space<vmem>>, vector<16xf32>,
      }
      %scan3A_387 = arith.constant 96 : i32
      "tpu.region"() ({
        %run_scoped3A = tpu.sem_alloc : memref<!tpu.dma_semaphore, #tpu.memory_space<semaphore_mem>>
        %dma_start3A_388 = arith.constant 0 : i32
        %dma_start3A_389 = tpu.memref_slice %arg8[%add3A_250, %dma_start3A_388] : memref<56x96xi32, #tpu.memory_space<vmem>> -> memref<1x96xi32, #tpu.memory_space<vmem>>
        %dma_start3A_390 = tpu.memref_squeeze %dma_start3A_389 : memref<1x96xi32, #tpu.memory_space<vmem>> -> memref<96xi32, #tpu.memory_space<vmem>>
        %dma_start3A_391 = arith.constant 0 : i32
        %dma_start3A_392 = arith.constant 0 : i32
        %dma_start3A_393 = tpu.memref_slice %arg13[%dma_start3A_391, %dma_start3A_392] : memref<10112x128xf32, #tpu.memory_space<vmem_shared>> -> memref<10112x128xf32, #tpu.memory_space<vmem_shared>>
        tpu.enqueue_indirect_dma source(%arg11 : memref<96x128xf32, #tpu.memory_space<vmem>>) target(%dma_start3A_393 : memref<10112x128xf32, #tpu.memory_space<vmem_shared>>) offsets(%dma_start3A_390 : memref<96xi32, #tpu.memory_space<vmem>>) semaphore(%run_scoped3A : memref<!tpu.dma_semaphore, #tpu.memory_space<semaphore_mem>>) {add = true}
        %dma_wait3A_394 = arith.constant 0 : i32
        %dma_wait3A_395 = tpu.memref_slice %arg8[%add3A_250, %dma_wait3A_394] : memref<56x96xi32, #tpu.memory_space<vmem>> -> memref<1x96xi32, #tpu.memory_space<vmem>>
        %dma_wait3A_396 = tpu.memref_squeeze %dma_wait3A_395 : memref<1x96xi32, #tpu.memory_space<vmem>> -> memref<96xi32, #tpu.memory_space<vmem>>
        %dma_wait3A_397 = arith.constant 0 : i32
        %dma_wait3A_398 = arith.constant 0 : i32
        %dma_wait3A_399 = tpu.memref_slice %arg13[%dma_wait3A_397, %dma_wait3A_398] : memref<10112x128xf32, #tpu.memory_space<vmem_shared>> -> memref<10112x128xf32, #tpu.memory_space<vmem_shared>>
        tpu.wait_indirect_dma semaphore(%run_scoped3A : memref<!tpu.dma_semaphore, #tpu.memory_space<semaphore_mem>>) src(%arg11 : memref<96x128xf32, #tpu.memory_space<vmem>>) dst(%dma_wait3A_399 : memref<10112x128xf32, #tpu.memory_space<vmem_shared>>)
        tpu.yield
      }) : () -> ()
    }
    %scan3A_76 = arith.constant 28 : i32
    %barrier3A_77 = arith.constant 0 : index
    tpu.barrier barrier_id(%barrier3A_77)
    %mul3A_78 = arith.constant 632 : i32
    %mul3A_79 = arith.muli %arg1, %mul3A_78 : i32
    %lt3A = arith.constant 15 : i32
    %lt3A_80 = arith.cmpi slt, %arg1, %lt3A : i32
    %convert_element_type3A = arith.extui %lt3A_80 : i1 to i32
    %cond3A = arith.constant 0 : i32
    %cond3A_81 = arith.cmpi ne, %convert_element_type3A, %cond3A : i32
    scf.if %cond3A_81 {
      "tpu.region"() ({
        %run_scoped3A = tpu.sem_alloc : memref<!tpu.dma_semaphore, #tpu.memory_space<semaphore_mem>>
        %dma_start3A_86 = arith.constant 0 : i32
        %dma_start3A_87 = tpu.memref_slice %arg6[%arg0, %mul3A_79, %dma_start3A_86] : memref<2x10000x128xf32, #tpu.memory_space<hbm>> -> memref<1x632x128xf32, #tpu.memory_space<hbm>>
        %dma_start3A_88 = tpu.memref_squeeze %dma_start3A_87 : memref<1x632x128xf32, #tpu.memory_space<hbm>> -> memref<632x128xf32, #tpu.memory_space<hbm>>
        %dma_start3A_89 = arith.constant 0 : i32
        %dma_start3A_90 = tpu.memref_slice %arg13[%mul3A_79, %dma_start3A_89] : memref<10112x128xf32, #tpu.memory_space<vmem_shared>> -> memref<632x128xf32, #tpu.memory_space<vmem_shared>>
        tpu.enqueue_dma source(%dma_start3A_90 : memref<632x128xf32, #tpu.memory_space<vmem_shared>>) target(%dma_start3A_88 : memref<632x128xf32, #tpu.memory_space<hbm>>) target_semaphore(%run_scoped3A : memref<!tpu.dma_semaphore, #tpu.memory_space<semaphore_mem>>)
        %dma_wait3A_91 = arith.constant 0 : i32
        %dma_wait3A_92 = tpu.memref_slice %arg6[%arg0, %mul3A_79, %dma_wait3A_91] : memref<2x10000x128xf32, #tpu.memory_space<hbm>> -> memref<1x632x128xf32, #tpu.memory_space<hbm>>
        %dma_wait3A_93 = tpu.memref_squeeze %dma_wait3A_92 : memref<1x632x128xf32, #tpu.memory_space<hbm>> -> memref<632x128xf32, #tpu.memory_space<hbm>>
        %dma_wait3A_94 = arith.constant 0 : i32
        %dma_wait3A_95 = tpu.memref_slice %arg13[%mul3A_79, %dma_wait3A_94] : memref<10112x128xf32, #tpu.memory_space<vmem_shared>> -> memref<632x128xf32, #tpu.memory_space<vmem_shared>>
        tpu.wait_dma2 semaphore(%run_scoped3A : memref<!tpu.dma_semaphore, #tpu.memory_space<semaphore_mem>>) src(%dma_wait3A_95 : memref<632x128xf32, #tpu.memory_space<vmem_shared>>) dst(%dma_wait3A_93 : memref<632x128xf32, #tpu.memory_space<hbm>>)
        tpu.yield
      }) : () -> ()
    } else {
    }
    %eq3A = arith.constant 15 : i32
    %eq3A_82 = arith.cmpi eq, %arg1, %eq3A : i32
    %convert_element_type3A_83 = arith.extui %eq3A_82 : i1 to i32
    %cond3A_84 = arith.constant 0 : i32
    %cond3A_85 = arith.cmpi ne, %convert_element_type3A_83, %cond3A_84 : i32
    scf.if %cond3A_85 {
      "tpu.region"() ({
        %run_scoped3A = tpu.sem_alloc : memref<!tpu.dma_semaphore, #tpu.memory_space<semaphore_mem>>
        %dma_start3A_86 = arith.constant 9480 : i32
        %dma_start3A_87 = arith.constant 0 : i32
        %dma_start3A_88 = tpu.memref_slice %arg6[%arg0, %dma_start3A_86, %dma_start3A_87] : memref<2x10000x128xf32, #tpu.memory_space<hbm>> -> memref<1x520x128xf32, #tpu.memory_space<hbm>>
        %dma_start3A_89 = tpu.memref_squeeze %dma_start3A_88 : memref<1x520x128xf32, #tpu.memory_space<hbm>> -> memref<520x128xf32, #tpu.memory_space<hbm>>
        %dma_start3A_90 = arith.constant 9480 : i32
        %dma_start3A_91 = arith.constant 0 : i32
        %dma_start3A_92 = tpu.memref_slice %arg13[%dma_start3A_90, %dma_start3A_91] : memref<10112x128xf32, #tpu.memory_space<vmem_shared>> -> memref<520x128xf32, #tpu.memory_space<vmem_shared>>
        tpu.enqueue_dma source(%dma_start3A_92 : memref<520x128xf32, #tpu.memory_space<vmem_shared>>) target(%dma_start3A_89 : memref<520x128xf32, #tpu.memory_space<hbm>>) target_semaphore(%run_scoped3A : memref<!tpu.dma_semaphore, #tpu.memory_space<semaphore_mem>>)
        %dma_wait3A_93 = arith.constant 9480 : i32
        %dma_wait3A_94 = arith.constant 0 : i32
        %dma_wait3A_95 = tpu.memref_slice %arg6[%arg0, %dma_wait3A_93, %dma_wait3A_94] : memref<2x10000x128xf32, #tpu.memory_space<hbm>> -> memref<1x520x128xf32, #tpu.memory_space<hbm>>
        %dma_wait3A_96 = tpu.memref_squeeze %dma_wait3A_95 : memref<1x520x128xf32, #tpu.memory_space<hbm>> -> memref<520x128xf32, #tpu.memory_space<hbm>>
        %dma_wait3A_97 = arith.constant 9480 : i32
        %dma_wait3A_98 = arith.constant 0 : i32
        %dma_wait3A_99 = tpu.memref_slice %arg13[%dma_wait3A_97, %dma_wait3A_98] : memref<10112x128xf32, #tpu.memory_space<vmem_shared>> -> memref<520x128xf32, #tpu.memory_space<vmem_shared>>
        tpu.wait_dma2 semaphore(%run_scoped3A : memref<!tpu.dma_semaphore, #tpu.memory_space<semaphore_mem>>) src(%dma_wait3A_99 : memref<520x128xf32, #tpu.memory_space<vmem_shared>>) dst(%dma_wait3A_96 : memref<520x128xf32, #tpu.memory_space<hbm>>)
        tpu.yield
      }) : () -> ()
    } else {
    }
    return
  }
}

module attributes {stable_mosaic.version = 14 : i64} {
  func.func @_tc_first_body(%arg0: i32, %arg1: memref<1000x256xf32, #tpu.memory_space<vmem>>, %arg2: memref<256x128xf32, #tpu.memory_space<vmem>>, %arg3: memref<8x128xf32, #tpu.memory_space<vmem>>, %arg4: memref<1000x128xf32, #tpu.memory_space<vmem>>, %arg5: memref<10x1000xf32, #tpu.memory_space<vmem>>) attributes {dimension_semantics = [#tpu.dimension_semantics<arbitrary>], iteration_bounds = array<i64: 10>, scalar_prefetch = 0 : i64, scratch_operands = 0 : i64, tpu.core_type = #tpu.core_type<tc>, window_params = [{transform_indices = @transform_0, window_bounds = array<i64: 1000, 256>}, {pipeline_mode = #tpu.pipeline_mode<synchronous>, transform_indices = @transform_1, window_bounds = array<i64: 256, 128>}, {pipeline_mode = #tpu.pipeline_mode<synchronous>, transform_indices = @transform_2, window_bounds = array<i64: 8, 128>}, {transform_indices = @transform_3, window_bounds = array<i64: 1000, 128>}, {pipeline_mode = #tpu.pipeline_mode<synchronous>, transform_indices = @transform_4, window_bounds = array<i64: 10, 1000>}]} {
    %get3A = arith.constant 0 : index
    %get3A_0 = arith.constant 0 : index
    %get3A_1 = vector.load %arg1[%get3A, %get3A_0] : memref<1000x256xf32, #tpu.memory_space<vmem>>, vector<1000x256xf32>
    %get3A_2 = arith.constant 0 : index
    %get3A_3 = arith.constant 0 : index
    %get3A_4 = vector.load %arg2[%get3A_2, %get3A_3] : memref<256x128xf32, #tpu.memory_space<vmem>>, vector<256x128xf32>
    %dot_general3A = arith.constant dense<0.000000e+00> : vector<1000x128xf32>
    %dot_general3A_5 = tpu.matmul %get3A_1, %get3A_4, %dot_general3A {dimension_numbers = #tpu.dot_dimension_numbers<[1], [0], [0], [1], [0, 0, 1, 1], [], []>, transpose_lhs_hint = false} : vector<1000x256xf32>, vector<256x128xf32>, vector<1000x128xf32> -> vector<1000x128xf32>
    %iota3A = tpu.iota {dimensions = array<i32: 1>} : vector<1000x128xi32>
    %get3A_6 = arith.constant 0 : index
    %get3A_7 = arith.constant 0 : index
    %get3A_8 = vector.load %arg3[%get3A_6, %get3A_7] : memref<8x128xf32, #tpu.memory_space<vmem>>, vector<1x128xf32>
    %mul3A = vector.broadcast %get3A_8 : vector<1x128xf32> to vector<1000x128xf32>
    %mul3A_9 = arith.mulf %dot_general3A_5, %mul3A : vector<1000x128xf32>
    %reduce_sum3A = arith.constant dense<0.000000e+00> : vector<1000xf32>
    %reduce_sum3A_10 = vector.multi_reduction <add>, %mul3A_9, %reduce_sum3A [1] : vector<1000x128xf32> to vector<1000xf32>
    %broadcast_in_dim3A = vector.shape_cast %reduce_sum3A_10 : vector<1000xf32> to vector<1000x1xf32>
    %eq3A = arith.constant 100 : i32
    %eq3A_11 = vector.broadcast %eq3A : i32 to vector<1000x128xi32>
    %eq3A_12 = arith.cmpi eq, %iota3A, %eq3A_11 : vector<1000x128xi32>
    %convert_element_type3A = arith.extui %eq3A_12 : vector<1000x128xi1> to vector<1000x128xi32>
    %convert_element_type3A_13 = arith.sitofp %convert_element_type3A : vector<1000x128xi32> to vector<1000x128xf32>
    %add3A = arith.addf %dot_general3A_5, %convert_element_type3A_13 : vector<1000x128xf32>
    %eq3A_14 = arith.constant 101 : i32
    %eq3A_15 = vector.broadcast %eq3A_14 : i32 to vector<1000x128xi32>
    %eq3A_16 = arith.cmpi eq, %iota3A, %eq3A_15 : vector<1000x128xi32>
    %convert_element_type3A_17 = arith.extui %eq3A_16 : vector<1000x128xi1> to vector<1000x128xi32>
    %convert_element_type3A_18 = arith.sitofp %convert_element_type3A_17 : vector<1000x128xi32> to vector<1000x128xf32>
    %mul3A_19 = vector.broadcast %broadcast_in_dim3A : vector<1000x1xf32> to vector<1000x128xf32>
    %mul3A_20 = arith.mulf %mul3A_19, %convert_element_type3A_18 : vector<1000x128xf32>
    %add3A_21 = arith.addf %add3A, %mul3A_20 : vector<1000x128xf32>
    %swap3A = arith.constant 0 : index
    %swap3A_22 = arith.constant 0 : index
    %swap3A_23 = vector.load %arg4[%swap3A, %swap3A_22] : memref<1000x128xf32, #tpu.memory_space<vmem>>, vector<1000x128xf32>
    tpu.vector_store %arg4[%swap3A, %swap3A_22], %add3A_21 {strides = array<i32>} : memref<1000x128xf32, #tpu.memory_space<vmem>>, vector<1000x128xf32>,
    %get3A_24 = arith.constant 1 : index
    %get3A_25 = arith.constant 0 : index
    %get3A_26 = vector.load %arg3[%get3A_24, %get3A_25] : memref<8x128xf32, #tpu.memory_space<vmem>>, vector<1x128xf32>
    %mul3A_27 = vector.broadcast %get3A_26 : vector<1x128xf32> to vector<1000x128xf32>
    %mul3A_28 = arith.mulf %dot_general3A_5, %mul3A_27 : vector<1000x128xf32>
    %reduce_sum3A_29 = arith.constant dense<0.000000e+00> : vector<1000xf32>
    %reduce_sum3A_30 = vector.multi_reduction <add>, %mul3A_28, %reduce_sum3A_29 [1] : vector<1000x128xf32> to vector<1000xf32>
    %swap3A_31 = arith.index_cast %arg0 : i32 to index
    %swap3A_32 = arith.constant 0 : index
    %swap3A_33 = vector.load %arg5[%swap3A_31, %swap3A_32] : memref<10x1000xf32, #tpu.memory_space<vmem>>, vector<1x1000xf32>
    %swap3A_34 = vector.shape_cast %swap3A_33 : vector<1x1000xf32> to vector<1000xf32>
    %swap3A_35 = vector.shape_cast %reduce_sum3A_30 : vector<1000xf32> to vector<1x1000xf32>
    tpu.vector_store %arg5[%swap3A_31, %swap3A_32], %swap3A_35 {strides = array<i32>} : memref<10x1000xf32, #tpu.memory_space<vmem>>, vector<1x1000xf32>,
    return
  }
  func.func @transform_0(%arg0: i32) -> (i32, i32) {
    %c0_i32 = arith.constant 0 : i32
    %c0_i32_0 = arith.constant 0 : i32
    return %arg0, %c0_i32 : i32, i32
  }
  func.func @transform_1(%arg0: i32) -> (i32, i32) {
    %c0_i32 = arith.constant 0 : i32
    %c0_i32_0 = arith.constant 0 : i32
    %c0_i32_1 = arith.constant 0 : i32
    return %c0_i32, %c0_i32_0 : i32, i32
  }
  func.func @transform_2(%arg0: i32) -> (i32, i32) {
    %c0_i32 = arith.constant 0 : i32
    %c0_i32_0 = arith.constant 0 : i32
    %c0_i32_1 = arith.constant 0 : i32
    return %c0_i32, %c0_i32_0 : i32, i32
  }
  func.func @transform_3(%arg0: i32) -> (i32, i32) {
    %c0_i32 = arith.constant 0 : i32
    %c0_i32_0 = arith.constant 0 : i32
    return %arg0, %c0_i32 : i32, i32
  }
  func.func @transform_4(%arg0: i32) -> (i32, i32) {
    %c0_i32 = arith.constant 0 : i32
    %c0_i32_0 = arith.constant 0 : i32
    %c0_i32_1 = arith.constant 0 : i32
    return %c0_i32, %c0_i32_0 : i32, i32
  }
}

module attributes {stable_mosaic.version = 14 : i64} {
  func.func @_tc_mid_body(%arg0: i32, %arg1: memref<2x1000x128xf32, #tpu.memory_space<vmem>>, %arg2: memref<8x128xf32, #tpu.memory_space<vmem>>, %arg3: memref<128x128xf32, #tpu.memory_space<vmem>>, %arg4: memref<8x128xf32, #tpu.memory_space<vmem>>, %arg5: memref<1000x128xf32, #tpu.memory_space<vmem>>, %arg6: memref<10x1000xf32, #tpu.memory_space<vmem>>) attributes {dimension_semantics = [#tpu.dimension_semantics<arbitrary>], iteration_bounds = array<i64: 10>, scalar_prefetch = 0 : i64, scratch_operands = 0 : i64, tpu.core_type = #tpu.core_type<tc>, window_params = [{transform_indices = @transform_0, window_bounds = array<i64: 2, 1000, 128>}, {pipeline_mode = #tpu.pipeline_mode<synchronous>, transform_indices = @transform_1, window_bounds = array<i64: 8, 128>}, {pipeline_mode = #tpu.pipeline_mode<synchronous>, transform_indices = @transform_2, window_bounds = array<i64: 128, 128>}, {pipeline_mode = #tpu.pipeline_mode<synchronous>, transform_indices = @transform_3, window_bounds = array<i64: 8, 128>}, {transform_indices = @transform_4, window_bounds = array<i64: 1000, 128>}, {pipeline_mode = #tpu.pipeline_mode<synchronous>, transform_indices = @transform_5, window_bounds = array<i64: 10, 1000>}]} {
    %get3A = arith.constant 0 : index
    %get3A_0 = arith.constant 0 : index
    %get3A_1 = arith.constant 0 : index
    %get3A_2 = vector.load %arg1[%get3A, %get3A_0, %get3A_1] : memref<2x1000x128xf32, #tpu.memory_space<vmem>>, vector<1x1000x128xf32>
    %get3A_3 = vector.shape_cast %get3A_2 : vector<1x1000x128xf32> to vector<1000x128xf32>
    %get3A_4 = arith.constant 1 : index
    %get3A_5 = arith.constant 0 : index
    %get3A_6 = arith.constant 0 : index
    %get3A_7 = vector.load %arg1[%get3A_4, %get3A_5, %get3A_6] : memref<2x1000x128xf32, #tpu.memory_space<vmem>>, vector<1x1000x128xf32>
    %get3A_8 = vector.shape_cast %get3A_7 : vector<1x1000x128xf32> to vector<1000x128xf32>
    %add3A = arith.addf %get3A_3, %get3A_8 : vector<1000x128xf32>
    %iota3A = tpu.iota {dimensions = array<i32: 1>} : vector<1000x128xi32>
    %eq3A = arith.constant 100 : i32
    %eq3A_9 = vector.broadcast %eq3A : i32 to vector<1000x128xi32>
    %eq3A_10 = arith.cmpi eq, %iota3A, %eq3A_9 : vector<1000x128xi32>
    %jit3A = arith.constant 0.000000e+00 : f32
    %broadcast_in_dim3A = vector.broadcast %jit3A : f32 to vector<1000x128xf32>
    %select_n3A = arith.select %eq3A_10, %add3A, %broadcast_in_dim3A : vector<1000x128xi1>, vector<1000x128xf32>
    %reduce_sum3A = arith.constant dense<0.000000e+00> : vector<1000xf32>
    %reduce_sum3A_11 = vector.multi_reduction <add>, %select_n3A, %reduce_sum3A [1] : vector<1000x128xf32> to vector<1000xf32>
    %broadcast_in_dim3A_12 = vector.shape_cast %reduce_sum3A_11 : vector<1000xf32> to vector<1000x1xf32>
    %add3A_13 = arith.constant 1.000000e-16 : f32
    %add3A_14 = vector.broadcast %add3A_13 : f32 to vector<1000x1xf32>
    %add3A_15 = arith.addf %broadcast_in_dim3A_12, %add3A_14 : vector<1000x1xf32>
    %div3A = vector.broadcast %add3A_15 : vector<1000x1xf32> to vector<1000x128xf32>
    %div3A_16 = arith.divf %add3A, %div3A : vector<1000x128xf32>
    %get3A_17 = arith.constant 0 : index
    %get3A_18 = arith.constant 0 : index
    %get3A_19 = vector.load %arg2[%get3A_17, %get3A_18] : memref<8x128xf32, #tpu.memory_space<vmem>>, vector<1x128xf32>
    %add3A_20 = vector.broadcast %get3A_19 : vector<1x128xf32> to vector<1000x128xf32>
    %add3A_21 = arith.addf %div3A_16, %add3A_20 : vector<1000x128xf32>
    %gt3A = arith.constant 0.000000e+00 : f32
    %gt3A_22 = vector.broadcast %gt3A : f32 to vector<1000x128xf32>
    %gt3A_23 = arith.cmpf ogt, %add3A_21, %gt3A_22 : vector<1000x128xf32>
    %min3A = arith.constant 0.000000e+00 : f32
    %min3A_24 = vector.broadcast %min3A : f32 to vector<1000x128xf32>
    %min3A_25 = arith.minimumf %add3A_21, %min3A_24 : vector<1000x128xf32>
    %exp3A = math.exp %min3A_25 : vector<1000x128xf32>
    %sub3A = arith.constant 1.000000e+00 : f32
    %sub3A_26 = vector.broadcast %sub3A : f32 to vector<1000x128xf32>
    %sub3A_27 = arith.subf %exp3A, %sub3A_26 : vector<1000x128xf32>
    %select_n3A_28 = arith.select %gt3A_23, %add3A_21, %sub3A_27 : vector<1000x128xi1>, vector<1000x128xf32>
    %lt3A = arith.constant 100 : i32
    %lt3A_29 = vector.broadcast %lt3A : i32 to vector<1000x128xi32>
    %lt3A_30 = arith.cmpi slt, %iota3A, %lt3A_29 : vector<1000x128xi32>
    %jit3A_31 = arith.constant 0.000000e+00 : f32
    %broadcast_in_dim3A_32 = vector.broadcast %jit3A_31 : f32 to vector<1000x128xf32>
    %select_n3A_33 = arith.select %lt3A_30, %select_n3A_28, %broadcast_in_dim3A_32 : vector<1000x128xi1>, vector<1000x128xf32>
    %get3A_34 = arith.constant 0 : index
    %get3A_35 = arith.constant 0 : index
    %get3A_36 = vector.load %arg3[%get3A_34, %get3A_35] : memref<128x128xf32, #tpu.memory_space<vmem>>, vector<128x128xf32>
    %dot_general3A = arith.constant dense<0.000000e+00> : vector<1000x128xf32>
    %dot_general3A_37 = tpu.matmul %select_n3A_33, %get3A_36, %dot_general3A {dimension_numbers = #tpu.dot_dimension_numbers<[1], [0], [0], [1], [0, 0, 1, 1], [], []>, transpose_lhs_hint = false} : vector<1000x128xf32>, vector<128x128xf32>, vector<1000x128xf32> -> vector<1000x128xf32>
    %get3A_38 = arith.constant 0 : index
    %get3A_39 = arith.constant 0 : index
    %get3A_40 = vector.load %arg4[%get3A_38, %get3A_39] : memref<8x128xf32, #tpu.memory_space<vmem>>, vector<1x128xf32>
    %mul3A = vector.broadcast %get3A_40 : vector<1x128xf32> to vector<1000x128xf32>
    %mul3A_41 = arith.mulf %dot_general3A_37, %mul3A : vector<1000x128xf32>
    %reduce_sum3A_42 = arith.constant dense<0.000000e+00> : vector<1000xf32>
    %reduce_sum3A_43 = vector.multi_reduction <add>, %mul3A_41, %reduce_sum3A_42 [1] : vector<1000x128xf32> to vector<1000xf32>
    %broadcast_in_dim3A_44 = vector.shape_cast %reduce_sum3A_43 : vector<1000xf32> to vector<1000x1xf32>
    %eq3A_45 = arith.constant 32 : i32
    %eq3A_46 = vector.broadcast %eq3A_45 : i32 to vector<1000x128xi32>
    %eq3A_47 = arith.cmpi eq, %iota3A, %eq3A_46 : vector<1000x128xi32>
    %convert_element_type3A = arith.extui %eq3A_47 : vector<1000x128xi1> to vector<1000x128xi32>
    %convert_element_type3A_48 = arith.sitofp %convert_element_type3A : vector<1000x128xi32> to vector<1000x128xf32>
    %add3A_49 = arith.addf %dot_general3A_37, %convert_element_type3A_48 : vector<1000x128xf32>
    %eq3A_50 = arith.constant 33 : i32
    %eq3A_51 = vector.broadcast %eq3A_50 : i32 to vector<1000x128xi32>
    %eq3A_52 = arith.cmpi eq, %iota3A, %eq3A_51 : vector<1000x128xi32>
    %convert_element_type3A_53 = arith.extui %eq3A_52 : vector<1000x128xi1> to vector<1000x128xi32>
    %convert_element_type3A_54 = arith.sitofp %convert_element_type3A_53 : vector<1000x128xi32> to vector<1000x128xf32>
    %mul3A_55 = vector.broadcast %broadcast_in_dim3A_44 : vector<1000x1xf32> to vector<1000x128xf32>
    %mul3A_56 = arith.mulf %mul3A_55, %convert_element_type3A_54 : vector<1000x128xf32>
    %add3A_57 = arith.addf %add3A_49, %mul3A_56 : vector<1000x128xf32>
    %swap3A = arith.constant 0 : index
    %swap3A_58 = arith.constant 0 : index
    %swap3A_59 = vector.load %arg5[%swap3A, %swap3A_58] : memref<1000x128xf32, #tpu.memory_space<vmem>>, vector<1000x128xf32>
    tpu.vector_store %arg5[%swap3A, %swap3A_58], %add3A_57 {strides = array<i32>} : memref<1000x128xf32, #tpu.memory_space<vmem>>, vector<1000x128xf32>,
    %get3A_60 = arith.constant 1 : index
    %get3A_61 = arith.constant 0 : index
    %get3A_62 = vector.load %arg4[%get3A_60, %get3A_61] : memref<8x128xf32, #tpu.memory_space<vmem>>, vector<1x128xf32>
    %mul3A_63 = vector.broadcast %get3A_62 : vector<1x128xf32> to vector<1000x128xf32>
    %mul3A_64 = arith.mulf %dot_general3A_37, %mul3A_63 : vector<1000x128xf32>
    %reduce_sum3A_65 = arith.constant dense<0.000000e+00> : vector<1000xf32>
    %reduce_sum3A_66 = vector.multi_reduction <add>, %mul3A_64, %reduce_sum3A_65 [1] : vector<1000x128xf32> to vector<1000xf32>
    %swap3A_67 = arith.index_cast %arg0 : i32 to index
    %swap3A_68 = arith.constant 0 : index
    %swap3A_69 = vector.load %arg6[%swap3A_67, %swap3A_68] : memref<10x1000xf32, #tpu.memory_space<vmem>>, vector<1x1000xf32>
    %swap3A_70 = vector.shape_cast %swap3A_69 : vector<1x1000xf32> to vector<1000xf32>
    %swap3A_71 = vector.shape_cast %reduce_sum3A_66 : vector<1000xf32> to vector<1x1000xf32>
    tpu.vector_store %arg6[%swap3A_67, %swap3A_68], %swap3A_71 {strides = array<i32>} : memref<10x1000xf32, #tpu.memory_space<vmem>>, vector<1x1000xf32>,
    return
  }
  func.func @transform_0(%arg0: i32) -> (i32, i32, i32) {
    %c0_i32 = arith.constant 0 : i32
    %c0_i32_0 = arith.constant 0 : i32
    %c0_i32_1 = arith.constant 0 : i32
    return %c0_i32, %arg0, %c0_i32_0 : i32, i32, i32
  }
  func.func @transform_1(%arg0: i32) -> (i32, i32) {
    %c0_i32 = arith.constant 0 : i32
    %c0_i32_0 = arith.constant 0 : i32
    %c0_i32_1 = arith.constant 0 : i32
    return %c0_i32, %c0_i32_0 : i32, i32
  }
  func.func @transform_2(%arg0: i32) -> (i32, i32) {
    %c0_i32 = arith.constant 0 : i32
    %c0_i32_0 = arith.constant 0 : i32
    %c0_i32_1 = arith.constant 0 : i32
    return %c0_i32, %c0_i32_0 : i32, i32
  }
  func.func @transform_3(%arg0: i32) -> (i32, i32) {
    %c0_i32 = arith.constant 0 : i32
    %c0_i32_0 = arith.constant 0 : i32
    %c0_i32_1 = arith.constant 0 : i32
    return %c0_i32, %c0_i32_0 : i32, i32
  }
  func.func @transform_4(%arg0: i32) -> (i32, i32) {
    %c0_i32 = arith.constant 0 : i32
    %c0_i32_0 = arith.constant 0 : i32
    return %arg0, %c0_i32 : i32, i32
  }
  func.func @transform_5(%arg0: i32) -> (i32, i32) {
    %c0_i32 = arith.constant 0 : i32
    %c0_i32_0 = arith.constant 0 : i32
    %c0_i32_1 = arith.constant 0 : i32
    return %c0_i32, %c0_i32_0 : i32, i32
  }
}

module attributes {stable_mosaic.version = 14 : i64} {
  func.func @_tc_mid_body(%arg0: i32, %arg1: memref<2x1000x128xf32, #tpu.memory_space<vmem>>, %arg2: memref<8x128xf32, #tpu.memory_space<vmem>>, %arg3: memref<128x128xf32, #tpu.memory_space<vmem>>, %arg4: memref<8x128xf32, #tpu.memory_space<vmem>>, %arg5: memref<1000x128xf32, #tpu.memory_space<vmem>>, %arg6: memref<10x1000xf32, #tpu.memory_space<vmem>>) attributes {dimension_semantics = [#tpu.dimension_semantics<arbitrary>], iteration_bounds = array<i64: 10>, scalar_prefetch = 0 : i64, scratch_operands = 0 : i64, tpu.core_type = #tpu.core_type<tc>, window_params = [{transform_indices = @transform_0, window_bounds = array<i64: 2, 1000, 128>}, {pipeline_mode = #tpu.pipeline_mode<synchronous>, transform_indices = @transform_1, window_bounds = array<i64: 8, 128>}, {pipeline_mode = #tpu.pipeline_mode<synchronous>, transform_indices = @transform_2, window_bounds = array<i64: 128, 128>}, {pipeline_mode = #tpu.pipeline_mode<synchronous>, transform_indices = @transform_3, window_bounds = array<i64: 8, 128>}, {transform_indices = @transform_4, window_bounds = array<i64: 1000, 128>}, {pipeline_mode = #tpu.pipeline_mode<synchronous>, transform_indices = @transform_5, window_bounds = array<i64: 10, 1000>}]} {
    %get3A = arith.constant 0 : index
    %get3A_0 = arith.constant 0 : index
    %get3A_1 = arith.constant 0 : index
    %get3A_2 = vector.load %arg1[%get3A, %get3A_0, %get3A_1] : memref<2x1000x128xf32, #tpu.memory_space<vmem>>, vector<1x1000x128xf32>
    %get3A_3 = vector.shape_cast %get3A_2 : vector<1x1000x128xf32> to vector<1000x128xf32>
    %get3A_4 = arith.constant 1 : index
    %get3A_5 = arith.constant 0 : index
    %get3A_6 = arith.constant 0 : index
    %get3A_7 = vector.load %arg1[%get3A_4, %get3A_5, %get3A_6] : memref<2x1000x128xf32, #tpu.memory_space<vmem>>, vector<1x1000x128xf32>
    %get3A_8 = vector.shape_cast %get3A_7 : vector<1x1000x128xf32> to vector<1000x128xf32>
    %add3A = arith.addf %get3A_3, %get3A_8 : vector<1000x128xf32>
    %iota3A = tpu.iota {dimensions = array<i32: 1>} : vector<1000x128xi32>
    %eq3A = arith.constant 32 : i32
    %eq3A_9 = vector.broadcast %eq3A : i32 to vector<1000x128xi32>
    %eq3A_10 = arith.cmpi eq, %iota3A, %eq3A_9 : vector<1000x128xi32>
    %jit3A = arith.constant 0.000000e+00 : f32
    %broadcast_in_dim3A = vector.broadcast %jit3A : f32 to vector<1000x128xf32>
    %select_n3A = arith.select %eq3A_10, %add3A, %broadcast_in_dim3A : vector<1000x128xi1>, vector<1000x128xf32>
    %reduce_sum3A = arith.constant dense<0.000000e+00> : vector<1000xf32>
    %reduce_sum3A_11 = vector.multi_reduction <add>, %select_n3A, %reduce_sum3A [1] : vector<1000x128xf32> to vector<1000xf32>
    %broadcast_in_dim3A_12 = vector.shape_cast %reduce_sum3A_11 : vector<1000xf32> to vector<1000x1xf32>
    %add3A_13 = arith.constant 1.000000e-16 : f32
    %add3A_14 = vector.broadcast %add3A_13 : f32 to vector<1000x1xf32>
    %add3A_15 = arith.addf %broadcast_in_dim3A_12, %add3A_14 : vector<1000x1xf32>
    %div3A = vector.broadcast %add3A_15 : vector<1000x1xf32> to vector<1000x128xf32>
    %div3A_16 = arith.divf %add3A, %div3A : vector<1000x128xf32>
    %get3A_17 = arith.constant 0 : index
    %get3A_18 = arith.constant 0 : index
    %get3A_19 = vector.load %arg2[%get3A_17, %get3A_18] : memref<8x128xf32, #tpu.memory_space<vmem>>, vector<1x128xf32>
    %add3A_20 = vector.broadcast %get3A_19 : vector<1x128xf32> to vector<1000x128xf32>
    %add3A_21 = arith.addf %div3A_16, %add3A_20 : vector<1000x128xf32>
    %gt3A = arith.constant 0.000000e+00 : f32
    %gt3A_22 = vector.broadcast %gt3A : f32 to vector<1000x128xf32>
    %gt3A_23 = arith.cmpf ogt, %add3A_21, %gt3A_22 : vector<1000x128xf32>
    %min3A = arith.constant 0.000000e+00 : f32
    %min3A_24 = vector.broadcast %min3A : f32 to vector<1000x128xf32>
    %min3A_25 = arith.minimumf %add3A_21, %min3A_24 : vector<1000x128xf32>
    %exp3A = math.exp %min3A_25 : vector<1000x128xf32>
    %sub3A = arith.constant 1.000000e+00 : f32
    %sub3A_26 = vector.broadcast %sub3A : f32 to vector<1000x128xf32>
    %sub3A_27 = arith.subf %exp3A, %sub3A_26 : vector<1000x128xf32>
    %select_n3A_28 = arith.select %gt3A_23, %add3A_21, %sub3A_27 : vector<1000x128xi1>, vector<1000x128xf32>
    %lt3A = arith.constant 32 : i32
    %lt3A_29 = vector.broadcast %lt3A : i32 to vector<1000x128xi32>
    %lt3A_30 = arith.cmpi slt, %iota3A, %lt3A_29 : vector<1000x128xi32>
    %jit3A_31 = arith.constant 0.000000e+00 : f32
    %broadcast_in_dim3A_32 = vector.broadcast %jit3A_31 : f32 to vector<1000x128xf32>
    %select_n3A_33 = arith.select %lt3A_30, %select_n3A_28, %broadcast_in_dim3A_32 : vector<1000x128xi1>, vector<1000x128xf32>
    %get3A_34 = arith.constant 0 : index
    %get3A_35 = arith.constant 0 : index
    %get3A_36 = vector.load %arg3[%get3A_34, %get3A_35] : memref<128x128xf32, #tpu.memory_space<vmem>>, vector<128x128xf32>
    %dot_general3A = arith.constant dense<0.000000e+00> : vector<1000x128xf32>
    %dot_general3A_37 = tpu.matmul %select_n3A_33, %get3A_36, %dot_general3A {dimension_numbers = #tpu.dot_dimension_numbers<[1], [0], [0], [1], [0, 0, 1, 1], [], []>, transpose_lhs_hint = false} : vector<1000x128xf32>, vector<128x128xf32>, vector<1000x128xf32> -> vector<1000x128xf32>
    %get3A_38 = arith.constant 0 : index
    %get3A_39 = arith.constant 0 : index
    %get3A_40 = vector.load %arg4[%get3A_38, %get3A_39] : memref<8x128xf32, #tpu.memory_space<vmem>>, vector<1x128xf32>
    %mul3A = vector.broadcast %get3A_40 : vector<1x128xf32> to vector<1000x128xf32>
    %mul3A_41 = arith.mulf %dot_general3A_37, %mul3A : vector<1000x128xf32>
    %reduce_sum3A_42 = arith.constant dense<0.000000e+00> : vector<1000xf32>
    %reduce_sum3A_43 = vector.multi_reduction <add>, %mul3A_41, %reduce_sum3A_42 [1] : vector<1000x128xf32> to vector<1000xf32>
    %broadcast_in_dim3A_44 = vector.shape_cast %reduce_sum3A_43 : vector<1000xf32> to vector<1000x1xf32>
    %eq3A_45 = arith.constant 40 : i32
    %eq3A_46 = vector.broadcast %eq3A_45 : i32 to vector<1000x128xi32>
    %eq3A_47 = arith.cmpi eq, %iota3A, %eq3A_46 : vector<1000x128xi32>
    %convert_element_type3A = arith.extui %eq3A_47 : vector<1000x128xi1> to vector<1000x128xi32>
    %convert_element_type3A_48 = arith.sitofp %convert_element_type3A : vector<1000x128xi32> to vector<1000x128xf32>
    %add3A_49 = arith.addf %dot_general3A_37, %convert_element_type3A_48 : vector<1000x128xf32>
    %eq3A_50 = arith.constant 41 : i32
    %eq3A_51 = vector.broadcast %eq3A_50 : i32 to vector<1000x128xi32>
    %eq3A_52 = arith.cmpi eq, %iota3A, %eq3A_51 : vector<1000x128xi32>
    %convert_element_type3A_53 = arith.extui %eq3A_52 : vector<1000x128xi1> to vector<1000x128xi32>
    %convert_element_type3A_54 = arith.sitofp %convert_element_type3A_53 : vector<1000x128xi32> to vector<1000x128xf32>
    %mul3A_55 = vector.broadcast %broadcast_in_dim3A_44 : vector<1000x1xf32> to vector<1000x128xf32>
    %mul3A_56 = arith.mulf %mul3A_55, %convert_element_type3A_54 : vector<1000x128xf32>
    %add3A_57 = arith.addf %add3A_49, %mul3A_56 : vector<1000x128xf32>
    %swap3A = arith.constant 0 : index
    %swap3A_58 = arith.constant 0 : index
    %swap3A_59 = vector.load %arg5[%swap3A, %swap3A_58] : memref<1000x128xf32, #tpu.memory_space<vmem>>, vector<1000x128xf32>
    tpu.vector_store %arg5[%swap3A, %swap3A_58], %add3A_57 {strides = array<i32>} : memref<1000x128xf32, #tpu.memory_space<vmem>>, vector<1000x128xf32>,
    %get3A_60 = arith.constant 1 : index
    %get3A_61 = arith.constant 0 : index
    %get3A_62 = vector.load %arg4[%get3A_60, %get3A_61] : memref<8x128xf32, #tpu.memory_space<vmem>>, vector<1x128xf32>
    %mul3A_63 = vector.broadcast %get3A_62 : vector<1x128xf32> to vector<1000x128xf32>
    %mul3A_64 = arith.mulf %dot_general3A_37, %mul3A_63 : vector<1000x128xf32>
    %reduce_sum3A_65 = arith.constant dense<0.000000e+00> : vector<1000xf32>
    %reduce_sum3A_66 = vector.multi_reduction <add>, %mul3A_64, %reduce_sum3A_65 [1] : vector<1000x128xf32> to vector<1000xf32>
    %swap3A_67 = arith.index_cast %arg0 : i32 to index
    %swap3A_68 = arith.constant 0 : index
    %swap3A_69 = vector.load %arg6[%swap3A_67, %swap3A_68] : memref<10x1000xf32, #tpu.memory_space<vmem>>, vector<1x1000xf32>
    %swap3A_70 = vector.shape_cast %swap3A_69 : vector<1x1000xf32> to vector<1000xf32>
    %swap3A_71 = vector.shape_cast %reduce_sum3A_66 : vector<1000xf32> to vector<1x1000xf32>
    tpu.vector_store %arg6[%swap3A_67, %swap3A_68], %swap3A_71 {strides = array<i32>} : memref<10x1000xf32, #tpu.memory_space<vmem>>, vector<1x1000xf32>,
    return
  }
  func.func @transform_0(%arg0: i32) -> (i32, i32, i32) {
    %c0_i32 = arith.constant 0 : i32
    %c0_i32_0 = arith.constant 0 : i32
    %c0_i32_1 = arith.constant 0 : i32
    return %c0_i32, %arg0, %c0_i32_0 : i32, i32, i32
  }
  func.func @transform_1(%arg0: i32) -> (i32, i32) {
    %c0_i32 = arith.constant 0 : i32
    %c0_i32_0 = arith.constant 0 : i32
    %c0_i32_1 = arith.constant 0 : i32
    return %c0_i32, %c0_i32_0 : i32, i32
  }
  func.func @transform_2(%arg0: i32) -> (i32, i32) {
    %c0_i32 = arith.constant 0 : i32
    %c0_i32_0 = arith.constant 0 : i32
    %c0_i32_1 = arith.constant 0 : i32
    return %c0_i32, %c0_i32_0 : i32, i32
  }
  func.func @transform_3(%arg0: i32) -> (i32, i32) {
    %c0_i32 = arith.constant 0 : i32
    %c0_i32_0 = arith.constant 0 : i32
    %c0_i32_1 = arith.constant 0 : i32
    return %c0_i32, %c0_i32_0 : i32, i32
  }
  func.func @transform_4(%arg0: i32) -> (i32, i32) {
    %c0_i32 = arith.constant 0 : i32
    %c0_i32_0 = arith.constant 0 : i32
    return %arg0, %c0_i32 : i32, i32
  }
  func.func @transform_5(%arg0: i32) -> (i32, i32) {
    %c0_i32 = arith.constant 0 : i32
    %c0_i32_0 = arith.constant 0 : i32
    %c0_i32_1 = arith.constant 0 : i32
    return %c0_i32, %c0_i32_0 : i32, i32
  }
}

module attributes {stable_mosaic.version = 14 : i64} {
  func.func @_tc_final_body(%arg0: i32, %arg1: memref<2x1000x128xf32, #tpu.memory_space<vmem>>, %arg2: memref<8x128xf32, #tpu.memory_space<vmem>>, %arg3: memref<1000x40xf32, #tpu.memory_space<vmem>>) attributes {dimension_semantics = [#tpu.dimension_semantics<arbitrary>], iteration_bounds = array<i64: 10>, scalar_prefetch = 0 : i64, scratch_operands = 0 : i64, tpu.core_type = #tpu.core_type<tc>, window_params = [{transform_indices = @transform_0, window_bounds = array<i64: 2, 1000, 128>}, {pipeline_mode = #tpu.pipeline_mode<synchronous>, transform_indices = @transform_1, window_bounds = array<i64: 8, 128>}, {transform_indices = @transform_2, window_bounds = array<i64: 1000, 40>}]} {
    %get3A = arith.constant 0 : index
    %get3A_0 = arith.constant 0 : index
    %get3A_1 = arith.constant 0 : index
    %get3A_2 = vector.load %arg1[%get3A, %get3A_0, %get3A_1] : memref<2x1000x128xf32, #tpu.memory_space<vmem>>, vector<1x1000x128xf32>
    %get3A_3 = vector.shape_cast %get3A_2 : vector<1x1000x128xf32> to vector<1000x128xf32>
    %get3A_4 = arith.constant 1 : index
    %get3A_5 = arith.constant 0 : index
    %get3A_6 = arith.constant 0 : index
    %get3A_7 = vector.load %arg1[%get3A_4, %get3A_5, %get3A_6] : memref<2x1000x128xf32, #tpu.memory_space<vmem>>, vector<1x1000x128xf32>
    %get3A_8 = vector.shape_cast %get3A_7 : vector<1x1000x128xf32> to vector<1000x128xf32>
    %add3A = arith.addf %get3A_3, %get3A_8 : vector<1000x128xf32>
    %iota3A = tpu.iota {dimensions = array<i32: 1>} : vector<1000x128xi32>
    %eq3A = arith.constant 40 : i32
    %eq3A_9 = vector.broadcast %eq3A : i32 to vector<1000x128xi32>
    %eq3A_10 = arith.cmpi eq, %iota3A, %eq3A_9 : vector<1000x128xi32>
    %jit3A = arith.constant 0.000000e+00 : f32
    %broadcast_in_dim3A = vector.broadcast %jit3A : f32 to vector<1000x128xf32>
    %select_n3A = arith.select %eq3A_10, %add3A, %broadcast_in_dim3A : vector<1000x128xi1>, vector<1000x128xf32>
    %reduce_sum3A = arith.constant dense<0.000000e+00> : vector<1000xf32>
    %reduce_sum3A_11 = vector.multi_reduction <add>, %select_n3A, %reduce_sum3A [1] : vector<1000x128xf32> to vector<1000xf32>
    %broadcast_in_dim3A_12 = vector.shape_cast %reduce_sum3A_11 : vector<1000xf32> to vector<1000x1xf32>
    %add3A_13 = arith.constant 1.000000e-16 : f32
    %add3A_14 = vector.broadcast %add3A_13 : f32 to vector<1000x1xf32>
    %add3A_15 = arith.addf %broadcast_in_dim3A_12, %add3A_14 : vector<1000x1xf32>
    %div3A = vector.broadcast %add3A_15 : vector<1000x1xf32> to vector<1000x128xf32>
    %div3A_16 = arith.divf %add3A, %div3A : vector<1000x128xf32>
    %get3A_17 = arith.constant 0 : index
    %get3A_18 = arith.constant 0 : index
    %get3A_19 = vector.load %arg2[%get3A_17, %get3A_18] : memref<8x128xf32, #tpu.memory_space<vmem>>, vector<1x128xf32>
    %add3A_20 = vector.broadcast %get3A_19 : vector<1x128xf32> to vector<1000x128xf32>
    %add3A_21 = arith.addf %div3A_16, %add3A_20 : vector<1000x128xf32>
    %lt3A = arith.constant 40 : i32
    %lt3A_22 = vector.broadcast %lt3A : i32 to vector<1000x128xi32>
    %lt3A_23 = arith.cmpi slt, %iota3A, %lt3A_22 : vector<1000x128xi32>
    %jit3A_24 = arith.constant -3.000000e+38 : f32
    %broadcast_in_dim3A_25 = vector.broadcast %jit3A_24 : f32 to vector<1000x128xf32>
    %select_n3A_26 = arith.select %lt3A_23, %add3A_21, %broadcast_in_dim3A_25 : vector<1000x128xi1>, vector<1000x128xf32>
    %reduce_max3A = arith.constant dense<0xFF800000> : vector<1000xf32>
    %reduce_max3A_27 = vector.multi_reduction <maximumf>, %select_n3A_26, %reduce_max3A [1] : vector<1000x128xf32> to vector<1000xf32>
    %broadcast_in_dim3A_28 = vector.shape_cast %reduce_max3A_27 : vector<1000xf32> to vector<1000x1xf32>
    %sub3A = vector.broadcast %broadcast_in_dim3A_28 : vector<1000x1xf32> to vector<1000x128xf32>
    %sub3A_29 = arith.subf %select_n3A_26, %sub3A : vector<1000x128xf32>
    %exp3A = math.exp %sub3A_29 : vector<1000x128xf32>
    %reduce_sum3A_30 = arith.constant dense<0.000000e+00> : vector<1000xf32>
    %reduce_sum3A_31 = vector.multi_reduction <add>, %exp3A, %reduce_sum3A_30 [1] : vector<1000x128xf32> to vector<1000xf32>
    %broadcast_in_dim3A_32 = vector.shape_cast %reduce_sum3A_31 : vector<1000xf32> to vector<1000x1xf32>
    %div3A_33 = vector.broadcast %broadcast_in_dim3A_32 : vector<1000x1xf32> to vector<1000x128xf32>
    %div3A_34 = arith.divf %exp3A, %div3A_33 : vector<1000x128xf32>
    %slice3A = vector.extract_strided_slice %div3A_34 {offsets = [0, 0], sizes = [1000, 40], strides = [1, 1]} : vector<1000x128xf32> to vector<1000x40xf32>
    %swap3A = arith.constant 0 : index
    %swap3A_35 = arith.constant 0 : index
    %swap3A_36 = vector.load %arg3[%swap3A, %swap3A_35] : memref<1000x40xf32, #tpu.memory_space<vmem>>, vector<1000x40xf32>
    tpu.vector_store %arg3[%swap3A, %swap3A_35], %slice3A {strides = array<i32>} : memref<1000x40xf32, #tpu.memory_space<vmem>>, vector<1000x40xf32>,
    return
  }
  func.func @transform_0(%arg0: i32) -> (i32, i32, i32) {
    %c0_i32 = arith.constant 0 : i32
    %c0_i32_0 = arith.constant 0 : i32
    %c0_i32_1 = arith.constant 0 : i32
    return %c0_i32, %arg0, %c0_i32_0 : i32, i32, i32
  }
  func.func @transform_1(%arg0: i32) -> (i32, i32) {
    %c0_i32 = arith.constant 0 : i32
    %c0_i32_0 = arith.constant 0 : i32
    %c0_i32_1 = arith.constant 0 : i32
    return %c0_i32, %c0_i32_0 : i32, i32
  }
  func.func @transform_2(%arg0: i32) -> (i32, i32) {
    %c0_i32 = arith.constant 0 : i32
    %c0_i32_0 = arith.constant 0 : i32
    return %arg0, %c0_i32 : i32, i32
  }
}

</mosaic_0001>

<sc_bundles>
// kernel: kernel.12.cloned.1.call-start
scs
__scs_entry_jumppad:
0x0: {  	(pc) =	sbr.rel $0x88, $3  }
0x1: {  	(tag) =	ssettag $0x0;
	lr =	simm.s32 $0x1  }
0x2: {  	[smem:$0x3F93] =	sst lr;
	_ =	strace $0xD0000000  }
0x3: {  	_ = 	snop  }
0x4: {  	_ = 	snop  }
0x5: {  	_ = 	snop  }
0x6: {  	_ = 	snop  }
0x7: {  	_ = 	snop  }
__scs_overlays_trampoline_lowered:
0x8: {  	[smem:$0x3FA2] =	sst s0  }
0x9: {  	[smem:$0x3FA3] =	sst s1  }
0xa: {  	[smem:$0x3FA4] =	sst s2  }
0xb: {  	[smem:$0x3FA5] =	sst s3  }
0xc: {  	[smem:$0x3FA6] =	sst s4  }
0xd: {  	[smem:$0x3FA7] =	sst s5  }
0xe: {  	[smem:$0x3FA8] =	sst s6  }
0xf: {  	[smem:$0x3FA9] =	sst s7  }
0x10: {  	[smem:$0x3FAA] =	sst s8  }
0x11: {  	[smem:$0x3FAB] =	sst s9;
	s0 =	simm.s32 @!p0 $0x0  }
0x12: {  	s1 =	sld [smem:$0x3F91];
	s0 =	simm.s32 @p0 $0x1  }
0x13: {  	[smem:$0x3FAC] =	sst s0;
	s0 =	simm.s32 @!p1 $0x0  }
0x14: {  	s2 =	sld [smem:$0x3F90];
	s0 =	simm.s32 @p1 $0x1  }
0x15: {  	[smem:$0x3FAD] =	sst s0;
	s0 =	simm.s32 @!p2 $0x0  }
0x16: {  	s3 =	sld [smem:$0x3FDB];
	s0 =	simm.s32 @p2 $0x1  }
0x17: {  	s4 =	simm.s32 $0x1BF5;
	[smem:$0x3FAF] =	sst s0  }
0x18: {  	s0 =	sld [smem:$0x3F92];
	_ =	swait.ge [sflag:s4], $0x0  }
0x19: {  	s7 =	sld [smem:$0x3F93]  }
0x1a: {  	s8 =	sadd.s32 $0xFFFFE003, lr  }
0x1b: {  	s9 =	sadd.s32 $0xFFFFFEF7, lr;
	s5 =	simm.s32 $0xFFFFFFFF;
	p2 =	slt.u32 s8, $0xFFFFF086  }
0x1c: {  	p1 =	slt.u32 s9, $0xF7A;
	s5 =	simm.s32 @!p2 $0x0  }
0x1d: {  	s5 =	simm.s32 @p1 $0x1;
	p0 =	seq.s32 s7, s2  }
0x1e: {  	s7 =	smul.u32 @!p0 $0xF7A, s2;
	p2 =	seq.s32 @!p0 s5, $0x0  }
0x1f: {  	s9 =	smul.u32 $0xF7A, s1;
	s8 =	simm.s32 @!p0 $0x1BF5;
	p2 =	por !p2, p0  }
0x20: {  	[sflag:s8] =	ssyncset.s32 @!p0 $0xFFFFF086;
	s6 =	sadd.s32 @!p0 s3, s7;
	s7 =	simm.s32 @!p0 $0x108  }
0x21: {  	s3 =	sadd.s32 s3, s9;
	s6 =	sadd.s32 @!p0 $0x88, s6;
	s7 =	simm.s32 @p2 $0x1082  }
0x22: {  	[simem:s7], [sflag:s8] =	dma.local @!p0 [hbm:s6], $0xF7A  }
0x23: {  	s9 =	sor.u32 $0xD0000000, s2;
	s6 =	simm.s32 $0x108;
	_ =	swait.ge @!p0 [sflag:s8], $0x0  }
0x24: {  	s3 =	sadd.s32 $0x88, s3;
	s6 =	simm.s32 @!p1 $0x1082;
	[sflag:s4] =	ssyncset.s32 $0xFFFFF086  }
0x25: {  	[simem:s6], [sflag:s4] =	dma.local [hbm:s3], $0xF7A  }
0x26: {  	[smem:$0x3F93] =	sst s1;
	(tag) =	ssettag s2;
	_ =	strace s9  }
0x27: {  	s1 =	sld [smem:$0x3FA3]  }
0x28: {  	s2 =	sld [smem:$0x3FA4]  }
0x29: {  	s4 =	sld [smem:$0x3FA6]  }
0x2a: {  	p0 =	seq.s32 s5, $0x0;
	s5 =	sld [smem:$0x3FA7]  }
0x2b: {  	s6 =	sld [smem:$0x3FA8]  }
0x2c: {  	s7 =	sld [smem:$0x3FA9]  }
0x2d: {  	s3 =	simm.s32 $0x108;
	s8 =	sld [smem:$0x3FAA]  }
0x2e: {  	s3 =	simm.s32 @!p0 $0x1082;
	s9 =	sld [smem:$0x3FAB]  }
0x2f: {  	lr =	sadd.s32 s0, s3;
	s0 =	sld [smem:$0x3FA2]  }
0x30: {  	s3 =	sld [smem:$0x3FA5]  }
0x31: {  	[smem:$0x3FAE] =	sst s10  }
0x32: {  	s10 =	sld [smem:$0x3FAC];
	_ =	sdelay $0x3  }
0x33: {  	p0 =	seq.s32 s10, $0x1;
	s10 =	sld [smem:$0x3FAE];
	_ =	sdelay $0x3  }
0x34: {  	[smem:$0x3FAE] =	sst s10  }
0x35: {  	s10 =	sld [smem:$0x3FAD];
	_ =	sdelay $0x3  }
0x36: {  	p1 =	seq.s32 s10, $0x1;
	s10 =	sld [smem:$0x3FAE];
	_ =	sdelay $0x3  }
0x37: {  	[smem:$0x3FAE] =	sst s10  }
0x38: {  	s10 =	sld [smem:$0x3FAF]  }
0x39: {  	_ = 	snop;
	(pc) =	sbr.ind lr, $3  }
0x3a: {  	_ = 	snop  }
0x3b: {  	_ = 	snop  }
0x3c: {  	p2 =	seq.s32 s10, $0x1;
	s10 =	sld [smem:$0x3FAE]  }
0x3d: {  	_ =	shalt  }
0x3e: {  	_ =	shalt  }
0x3f: {  	_ =	shalt  }
0x40: {  	_ =	shalt  }
0x41: {  	_ =	shalt  }
0x42: {  	_ =	shalt  }
0x43: {  	_ =	shalt  }
0x44: {  	_ =	shalt  }
0x45: {  	_ =	shalt  }
0x46: {  	_ =	shalt  }
0x47: {  	_ =	shalt  }
0x48: {  	_ =	shalt  }
0x49: {  	_ =	shalt  }
0x4a: {  	_ =	shalt  }
0x4b: {  	_ =	shalt  }
0x4c: {  	_ =	shalt  }
0x4d: {  	_ =	shalt  }
0x4e: {  	_ =	shalt  }
0x4f: {  	_ =	shalt  }
0x50: {  	_ =	shalt  }
0x51: {  	_ =	shalt  }
0x52: {  	_ =	shalt  }
0x53: {  	_ =	shalt  }
0x54: {  	_ =	shalt  }
0x55: {  	_ =	shalt  }
0x56: {  	_ =	shalt  }
0x57: {  	_ =	shalt  }
0x58: {  	_ =	shalt  }
0x59: {  	_ =	shalt  }
0x5a: {  	_ =	shalt  }
0x5b: {  	_ =	shalt  }
0x5c: {  	_ =	shalt  }
0x5d: {  	_ =	shalt  }
0x5e: {  	_ =	shalt  }
0x5f: {  	_ =	shalt  }
0x60: {  	_ =	shalt  }
0x61: {  	_ =	shalt  }
0x62: {  	_ =	shalt  }
0x63: {  	_ =	shalt  }
0x64: {  	_ =	shalt  }
0x65: {  	_ =	shalt  }
0x66: {  	_ =	shalt  }
0x67: {  	_ =	shalt  }
0x68: {  	_ =	shalt  }
0x69: {  	_ =	shalt  }
0x6a: {  	_ =	shalt  }
0x6b: {  	_ =	shalt  }
0x6c: {  	_ =	shalt  }
0x6d: {  	_ =	shalt  }
0x6e: {  	_ =	shalt  }
0x6f: {  	_ =	shalt  }
0x70: {  	_ =	shalt  }
0x71: {  	_ =	shalt  }
0x72: {  	_ =	shalt  }
0x73: {  	_ =	shalt  }
0x74: {  	_ =	shalt  }
0x75: {  	_ =	shalt  }
0x76: {  	_ =	shalt  }
0x77: {  	_ =	shalt  }
0x78: {  	_ =	shalt  }
0x79: {  	_ =	shalt  }
0x7a: {  	_ =	shalt  }
0x7b: {  	_ =	shalt  }
0x7c: {  	_ =	shalt  }
0x7d: {  	_ =	shalt  }
0x7e: {  	_ =	shalt  }
0x7f: {  	_ =	shalt  }
0x80: {  	_ =	shalt  }
0x81: {  	_ =	shalt  }
0x82: {  	_ =	shalt  }
0x83: {  	_ =	shalt  }
0x84: {  	_ =	shalt  }
0x85: {  	_ =	shalt  }
0x86: {  	_ =	shalt  }
0x87: {  	_ =	shalt  }
.Lfunc_end0:
.L_simem_size_0:
called_computation.1_lowered:
.L_overlay_start_0:
0x88: {  	s2 =	sld [smem:$0x3FD9]  }
0x89: {  	s3 =	sld [smem:$0x3FFE];
	_ =	sdelay $0x1  }
0x8a: {  	s1 =	srdreg.scid  }
0x8b: {  	s0 =	sand.u32 $0x1, s1  }
0x8c: {  	s17 =	sshll.u32 s0, $0xA;
	s2 =	sadd.s32 s3, s2  }
0x8d: {  	s2 =	sadd.s32 s2, s17  }
0x8e: {  	[smem:$0x3FBA] =	sst s2  }
0x8f: {  	_ = 	snop  }
0x90: {  	s2 =	sld [smem:$0x3FD0];
	(tm) =	ssettm $0x1  }
0x91: {  	s18 =	sld [smem:$0x3FFB];
	_ =	sdelay $0x3  }
0x92: {  	_ =	strace s18  }
0x93: {  	s3 =	sld [smem:$0x3FFC];
	_ =	sdelay $0x3  }
0x94: {  	_ =	strace s3  }
0x95: {  	s3 =	sld [smem:$0x3FFD];
	_ =	sdelay $0x3  }
0x96: {  	_ =	strace s3  }
0x97: {  	_ =	strace $0x8FFFFFFF  }
0x98: {  	s19 =	sld [smem:$0x3FDB];
	_ =	sdelay $0x1  }
0x99: {  	s4 =	simm.s32 $_scs_section_size  }
0x9a: {  	s5 =	simm.s32 $_size__tile_overlayer_lowered;
	s6 =	simm.s32 $_tile_overlayer_lowered  }
0x9b: {  	s22 =	simm.s32 $0x1BFF;
	s21 =	sshll.u32 s6, $0x1;
	s3 =	sadd.s32 s4, s19  }
0x9c: {  	s7 =	simm.s32 $0x0;
	s20 =	sshll.u32 s5, $0x1;
	s5 =	sadd.s32 s21, s3  }
0x9d: {  	[timem:s7], [sflag:s22] =	dma.local [hbm:s5], s20  }
0x9e: {  	_ =	swait.ge [sflag:s22], s20  }
0x9f: {  	s4 =	ssub.s32 $0x0, s20;
	[sflag:s22] =	ssyncset.done $0x0  }
0xa0: {  	[sflag:s22] =	ssyncadd.s32 s4;
	_ =	sdelay $0x1  }
0xa1: {  	s23 =	simm.s32 $0x1B8B  }
0xa2: {  	_ =	swait.ge [sflag:s23], $0x1  }
0xa3: {  	[sflag:s23] =	ssyncset.done $0x0  }
0xa4: {  	s25 =	simm.s32 $0x1B8E;
	s24 =	sld [smem:$0x3FFE];
	[sflag:s23] =	ssyncadd.s32 $0xFFFFFFFF  }
0xa5: {  	s26 =	simm.s32 $execute0_lowered;
	[smem:$0x3FD2] =	sst s25  }
0xa6: {  	s5 =	sshll.u32 s26, $0x1;
	_ =	strace $0x80000049;
	[dreg:$0x1] =	wrdreg $0xFFFFFFFF  }
0xa7: {  	s28 =	simm.s32 $_size_execute0_lowered;
	s3 =	sadd.s32 s3, s5;
	[dreg:$0x0] =	wrdreg $0x0  }
0xa8: {  	s5 =	sshll.u32 s28, $0x1;
	[dreg:$0x2] =	wrdreg s3  }
0xa9: {  	[dreg:$0x3] =	wrdreg s5  }
0xaa: {  	[dreg:$0x4] =	wrdreg $0xC0  }
0xab: {  	_ =	task [dreg:s7], $0x5FFFF  }
0xac: {  	[dreg:$0x1] =	wrdreg $0xFFFFFFFF  }
0xad: {  	[dreg:$0x0] =	wrdreg $0x60  }
0xae: {  	[dreg:$0x2] =	wrdreg s24  }
0xaf: {  	[dreg:$0x3] =	wrdreg s2  }
0xb0: {  	[dreg:$0x4] =	wrdreg $0xC0000  }
0xb1: {  	[dreg:$0x5] =	wrdreg $0x9  }
0xb2: {  	_ =	task.clear_ibuf [dreg:s7], $0x6FFFF;
	_ =	strace $0x90000049  }
0xb3: {  	s29 =	simm.s32 $0x9;
	_ =	strace $0x8000004B  }
0xb4: {  	_ =	swait.ge [sflag:s29], $0x1  }
0xb5: {  	[sflag:s29] =	ssyncadd.s32 $0xFFFFFFFF  }
0xb6: {  	_ =	strace $0x9000004B  }
0xb7: {  	_ =	sfence  }
0xb8: {  	s30 =	sld [smem:$0x0];
	_ =	sdelay $0x2  }
0xb9: {  	s31 =	sshll.u32 s1, $0xD;
	s1 =	sshrl.u32 s1, $0x2  }
0xba: {  	s3 =	sand.u32 $0x4000, s31;
	s1 =	sadd.s32 s1, s30  }
0xbb: {  	s0 =	sor.u32 s3, s0;
	s1 =	sshll.u32 s1, $0x11  }
0xbc: {  	s0 =	sor.u32 s1, s0  }
0xbd: {  	s0 =	sadd.s32 $0x8F2B, s0  }
0xbe: {  	[sflag:s0] =	ssyncadd.remote.s32 $0x1  }
0xbf: {  	_ =	sfence.sel $0xFFFF  }
0xc0: {  	[dreg:$0x0] =	wrdreg $0xFFFFFFFF;
	(pc) =	sbr.abs _section_cstart, $3  }
0xc1: {  	[dreg:$0x1] =	wrdreg $0xFFFFFFFF  }
0xc2: {  	_ =	task.clear_ibuf [dreg:s7], $0x2FFFF;
	_ =	strace $0x9FFFFFFF  }
0xc3: {  	(tm) =	ssettm $0x7FFFFFFF  }
tec
execute0_lowered:
.L_overlay_start_1:
0x0: {  	(tag) =	ssettag $0x1  }
0x1: {  	s0 =	rddreg [dreg:$0x0]  }
0x2: {  	s2 =	rddreg [dreg:$0x1]  }
0x3: {  	s1 =	rddreg [dreg:$0x2]  }
0x4: {  	s3 =	srdreg.scid;
	s5 =	simm.s32 $0x0;
	s18 =	stileid.u32  }
0x5: {  	s19 =	simm.s32 $0x5F80;
	s20 =	simm.s32 $0x3;
	s21 =	simm.s32 $0x3800  }
0x6: {  	s22 =	simm.s32 $0x1;
	s23 =	simm.s32 $0x2;
	s24 =	simm.s32 $0x60  }
0x7: {  	s28 =	simm.s32 $0xBF80;
	s29 =	simm.s32 $0x0;
	s30 =	simm.s32 $0x0  }
0x8: {  	s3 =	sand.u32 $0x1, s3;
	[smem:$0x7FF] =	sst s5;
	s7 =	smul.u32 $0x4F000, s18  }
0x9: {  	s6 =	sadd.s32 $0x31200, s0;
	s31 =	smul.u32 $0x13C00, s18;
	p0 =	seq.s32 s18, $0xF  }
0xa: {  	s4 =	sshll.u32 s3, $0x4;
	_ =	strace $0x8000004A;
	[dreg:$0x4] =	wrdreg s6  }
0xb: {  	s26 =	ssub.s32 $0x2, s3;
	s3 =	smul.u32 $0x138800, s3;
	s25 =	sor.u32 s18, s4  }
0xc: {  	s4 =	sadd.s32 $0xA000, s0;
	s9 =	sshrl.u32 s26, $0x1;
	s7 =	sshrl.u32 s7, $0x2  }
0xd: {  	s5 =	smul.u32 $0x380, s25;
	s6 =	ssub.s32 s26, s9;
	s7 =	sadd.s32 s7, s1  }
0xe: {  	s26 =	simm.s32 $0x8F80;
	s9 =	sadd.s32 $0x3000, s7;
	s10 =	sadd.s32 $0x6000, s7  }
0xf: {  	v0 =	vlaneseq.u32;
	s11 =	sadd.s32 $0x9000, s7;
	s12 =	sadd.s32 $0xC000, s7;
	s2 =	sadd.s32 s2, s5  }
0x10: {  	v6 =	vmul.u32 $0x80, v0;
	s8 =	sadd.s32 s5, s0;
	[dreg:$0x5] =	wrdreg s2;
	s2 =	sadd.s32 s31, s3  }
0x11: {  	s0 =	sadd.s32 $0x31800, s0;
	s3 =	sshrl.u32 s3, $0x3;
	s2 =	sshrl.u32 s2, $0x3  }
0x12: {  	v1 =	vor.u32 $0x21, v6;
	s13 =	sadd.s32 $0xF000, s7;
	s15 =	sadd.s32 s0, s2;
	s0 =	sadd.s32 s0, s3  }
0x13: {  	v0 =	vimm.f32 $0.0e+00;
	v2 =	vor.u32 $0x821, v6;
	v3 =	vor.u32 $0x1021, v6;
	s14 =	sadd.s32 $0x12000, s7;
	s16 =	sadd.s32 $0x25080, s0;
	s0 =	sadd.s32 $0x128400, s1  }
0x14: {  	v4 =	vor.u32 $0x1821, v6;
	v5 =	vor.u32 $0x2021, v6;
	v6 =	vor.u32 $0x2821, v6;
	s17 =	smax.u32 s6, $0x1;
	s8 =	sadd.s32 $0x3000, s8;
	s25 =	sshrl.u32 @p0 s0, $0x3  }
.LBB2_1:
0x15: {  	s0 =	simm.s32 $0x0;
	s2 =	rddreg [dreg:$0x5]  }
0x16: {  	[tilespmem:s0], [sflag:$0x1] =	stream.linear.gather [hbm4b:s2+s0], $0x1C00, $0x38;
	[tilespmem:$0x1FC00] =	vst v63  }
0x17: {  	s31 =	simm.s32 $0x1C00  }
0x18: {  	[tilespmem:s31], [sflag:$0x2] =	stream.linear.gather [hbm4b:s8+s0], $0x1C00, $0x38;
	[tilespmem:$0x1FC00] =	vst v63  }
0x19: {  	s2 =	simm.s32 $0x200;
	s0 =	simm.s32 $0x0  }
.LBB2_2:
0x1a: {  	p1 =	sne.s32 s2, $0xBE00;
	[tilespmem:s0+$0x5FF0] =	vst v0  }
0x1b: {  	[tilespmem:s0+$0x5F80] =	vst v0  }
0x1c: {  	[tilespmem:s0+$0x5F90] =	vst v0  }
.Ltmp0:
0x1d: {  	[tilespmem:s0+$0x5FA0] =	vst v0;
	(pc) =	sbr.rel @p1 .LBB2_2-.Ltmp0, $4  }
0x1e: {  	[tilespmem:s0+$0x5FB0] =	vst v0  }
0x1f: {  	[tilespmem:s0+$0x5FC0] =	vst v0  }
0x20: {  	[tilespmem:s0+$0x5FD0] =	vst v0  }
0x21: {  	[tilespmem:s0+$0x5FE0] =	vst v0;
	s0 =	sshra.s32 s2, $0x2;
	s2 =	sadd.s32 $0x200, s2  }
0x22: {  	[tilespmem:s0+$0x5FF0] =	vst v0  }
0x23: {  	[tilespmem:s0+$0x5F80] =	vst v0  }
0x24: {  	[tilespmem:s0+$0x5F90] =	vst v0  }
0x25: {  	[tilespmem:s0+$0x5FA0] =	vst v0  }
0x26: {  	[tilespmem:s0+$0x5FB0] =	vst v0  }
0x27: {  	[tilespmem:s0+$0x5FC0] =	vst v0  }
0x28: {  	[tilespmem:s0+$0x5FD0] =	vst v0  }
0x29: {  	[tilespmem:s0+$0x5FE0] =	vst v0  }
0x2a: {  	[spmem:s7] =	stream.linear.scatter [tilespmem:s19], [sflag:$0x3], $0x3000, $0x38;
	[tilespmem:$0x1FC00] =	vst v63  }
0x2b: {  	_ =	swait.ge [sflag:s20], $0x3000  }
0x2c: {  	[sflag:s20] =	ssyncset.done $0x0  }
0x2d: {  	[sflag:s20] =	ssyncadd.s32 $0xFFFFD000  }
0x2e: {  	[spmem:s9] =	stream.linear.scatter [tilespmem:s19], [sflag:$0x3], $0x3000, $0x38;
	[tilespmem:$0x1FC00] =	vst v63  }
0x2f: {  	_ =	swait.ge [sflag:s20], $0x3000  }
0x30: {  	[sflag:s20] =	ssyncset.done $0x0  }
0x31: {  	[sflag:s20] =	ssyncadd.s32 $0xFFFFD000  }
0x32: {  	[spmem:s10] =	stream.linear.scatter [tilespmem:s19], [sflag:$0x3], $0x3000, $0x38;
	[tilespmem:$0x1FC00] =	vst v63  }
0x33: {  	_ =	swait.ge [sflag:s20], $0x3000  }
0x34: {  	[sflag:s20] =	ssyncset.done $0x0  }
0x35: {  	[sflag:s20] =	ssyncadd.s32 $0xFFFFD000  }
0x36: {  	[spmem:s11] =	stream.linear.scatter [tilespmem:s19], [sflag:$0x3], $0x3000, $0x38;
	[tilespmem:$0x1FC00] =	vst v63  }
0x37: {  	_ =	swait.ge [sflag:s20], $0x3000  }
0x38: {  	[sflag:s20] =	ssyncset.done $0x0  }
0x39: {  	[sflag:s20] =	ssyncadd.s32 $0xFFFFD000  }
0x3a: {  	[spmem:s12] =	stream.linear.scatter [tilespmem:s19], [sflag:$0x3], $0x3000, $0x38;
	[tilespmem:$0x1FC00] =	vst v63  }
0x3b: {  	_ =	swait.ge [sflag:s20], $0x3000  }
0x3c: {  	[sflag:s20] =	ssyncset.done $0x0  }
0x3d: {  	[sflag:s20] =	ssyncadd.s32 $0xFFFFD000  }
0x3e: {  	[spmem:s13] =	stream.linear.scatter [tilespmem:s19], [sflag:$0x3], $0x3000, $0x38;
	[tilespmem:$0x1FC00] =	vst v63  }
0x3f: {  	_ =	swait.ge [sflag:s20], $0x3000  }
0x40: {  	[sflag:s20] =	ssyncset.done $0x0  }
0x41: {  	[sflag:s20] =	ssyncadd.s32 $0xFFFFD000  }
0x42: {  	[spmem:s14] =	stream.linear.scatter [tilespmem:s19], [sflag:$0x3], $0x1C00, $0x38;
	[tilespmem:$0x1FC00] =	vst v63  }
0x43: {  	_ =	swait.ge [sflag:s20], $0x1C00  }
0x44: {  	[sflag:s20] =	ssyncset.done $0x0  }
0x45: {  	s18 =	rddreg [dreg:$0x4];
	[sflag:s20] =	ssyncadd.s32 $0xFFFFE400  }
0x46: {  	[tilespmem:s21], [sflag:$0x3] =	stream.linear.gather [hbm4b:s18+s30], $0x2710, $0x38;
	[tilespmem:$0x1FC00] =	vst v63  }
0x47: {  	_ =	swait.ge [sflag:s20], $0x2710  }
0x48: {  	[sflag:s20] =	ssyncset.done $0x0  }
0x49: {  	[sflag:s20] =	ssyncadd.s32 $0xFFFFD8F0  }
0x4a: {  	[tilespmem:$0x5F10] =	vst v0  }
0x4b: {  	[tilespmem:$0x5F20] =	vst v0  }
0x4c: {  	[tilespmem:$0x5F30] =	vst v0  }
0x4d: {  	[tilespmem:$0x5F40] =	vst v0  }
0x4e: {  	[tilespmem:$0x5F50] =	vst v0  }
0x4f: {  	[tilespmem:$0x5F60] =	vst v0  }
0x50: {  	[tilespmem:$0x5F70] =	vst v0  }
0x51: {  	_ =	swait.ge [sflag:s22], $0x1C00  }
0x52: {  	[sflag:s22] =	ssyncset.done $0x0  }
0x53: {  	[sflag:s22] =	ssyncadd.s32 $0xFFFFE400  }
0x54: {  	_ =	swait.ge [sflag:s23], $0x1C00  }
0x55: {  	[sflag:s23] =	ssyncset.done $0x0  }
0x56: {  	[sflag:s23] =	ssyncadd.s32 $0xFFFFE400  }
0x57: {  	s31 =	simm.s32 $0x0;
	[bflag:$0x0] =	sbarrier.arrive $0xFFFF  }
0x58: {  	[tilespmem:s19], [sflag:$0x1] =	stream.indirect.gather [hbm4b:s4+s24], $0x80, s30, s24, $0xb8;
	[tilespmem:$0x1FC00] =	vst v63  }
.LBB2_4:
0x59: {  	s18 =	sshll.u32 s31, $0x8  }
0x5a: {  	s0 =	sor.u32 $0x80, s18  }
0x5b: {  	[tilespmem:s26], [sflag:$0x2] =	stream.indirect.gather [hbm4b:s4+s24], $0x80, s0, s24, $0xb8;
	[tilespmem:$0x1FC00] =	vst v63  }
0x5c: {  	_ =	swait.ge [sflag:s22], $0x3000  }
0x5d: {  	[sflag:s22] =	ssyncset.done $0x0  }
0x5e: {  	[sflag:s22] =	ssyncadd.s32 $0xFFFFD000  }
0x5f: {  	v7 =	vld [tilespmem:s18+$0x1C00];
	_ =	sdelay $0x6  }
0x60: {  	v8 =	vld.idx.msk [tilespmem:v1+s19+$0x0], $0xffff  }
0x61: {  	v7 =	vld.idx.msk [tilespmem:v7+s21+$0x0], $0xffff;
	_ =	sdelay $0x4  }
0x62: {  	v7 =	vadd.f32 v7, v8;
	_ =	sdelay $0x1  }
0x63: {  	v8 =	vmul.f32 $2.000000030e-01, v7  }
0x64: {  	vm0 =	vgt.f32 v7, $0.0e+00  }
0x65: {  	v7 =	vsel vm0, v7, v8  }
0x66: {  	v7 =	vmul.f32 $1.442695020e+00, v7;
	_ =	sdelay $0x1  }
0x67: {  	(erf) = vpow2.f32 v7;
	_ =	sdelay $0x8  }
0x68: {  	v7 =	vpop (erf)  }
0x69: {  	[tilespmem:$0xBF80] =	vst v7  }
0x6a: {  	v7 =	vld [tilespmem:s18+$0x1C10];
	_ =	sdelay $0x6  }
0x6b: {  	v8 =	vld.idx.msk [tilespmem:v2+s19+$0x0], $0xffff  }
0x6c: {  	v7 =	vld.idx.msk [tilespmem:v7+s21+$0x0], $0xffff;
	_ =	sdelay $0x4  }
0x6d: {  	v7 =	vadd.f32 v7, v8;
	_ =	sdelay $0x1  }
0x6e: {  	v8 =	vmul.f32 $2.000000030e-01, v7  }
0x6f: {  	vm11 =	vgt.f32 v7, $0.0e+00  }
0x70: {  	v7 =	vsel vm11, v7, v8  }
0x71: {  	v7 =	vmul.f32 $1.442695020e+00, v7;
	_ =	sdelay $0x1  }
0x72: {  	(erf) = vpow2.f32 v7;
	_ =	sdelay $0x8  }
0x73: {  	v7 =	vpop (erf)  }
0x74: {  	[tilespmem:$0xBF90] =	vst v7  }
0x75: {  	v7 =	vld [tilespmem:s18+$0x1C20];
	_ =	sdelay $0x6  }
0x76: {  	v8 =	vld.idx.msk [tilespmem:v3+s19+$0x0], $0xffff  }
0x77: {  	v7 =	vld.idx.msk [tilespmem:v7+s21+$0x0], $0xffff;
	_ =	sdelay $0x4  }
0x78: {  	v7 =	vadd.f32 v7, v8;
	_ =	sdelay $0x1  }
0x79: {  	v8 =	vmul.f32 $2.000000030e-01, v7  }
0x7a: {  	vm12 =	vgt.f32 v7, $0.0e+00  }
0x7b: {  	v7 =	vsel vm12, v7, v8  }
0x7c: {  	v7 =	vmul.f32 $1.442695020e+00, v7;
	_ =	sdelay $0x1  }
0x7d: {  	(erf) = vpow2.f32 v7;
	_ =	sdelay $0x8  }
0x7e: {  	v7 =	vpop (erf)  }
0x7f: {  	[tilespmem:$0xBFA0] =	vst v7  }
0x80: {  	v7 =	vld [tilespmem:s18+$0x1C30];
	_ =	sdelay $0x6  }
0x81: {  	v8 =	vld.idx.msk [tilespmem:v4+s19+$0x0], $0xffff  }
0x82: {  	v7 =	vld.idx.msk [tilespmem:v7+s21+$0x0], $0xffff;
	_ =	sdelay $0x4  }
0x83: {  	v7 =	vadd.f32 v7, v8;
	_ =	sdelay $0x1  }
0x84: {  	v8 =	vmul.f32 $2.000000030e-01, v7  }
0x85: {  	vm13 =	vgt.f32 v7, $0.0e+00  }
0x86: {  	v7 =	vsel vm13, v7, v8  }
0x87: {  	v7 =	vmul.f32 $1.442695020e+00, v7;
	_ =	sdelay $0x1  }
0x88: {  	(erf) = vpow2.f32 v7;
	_ =	sdelay $0x8  }
0x89: {  	v7 =	vpop (erf)  }
0x8a: {  	[tilespmem:$0xBFB0] =	vst v7  }
0x8b: {  	v7 =	vld [tilespmem:s18+$0x1C40];
	_ =	sdelay $0x6  }
0x8c: {  	v8 =	vld.idx.msk [tilespmem:v5+s19+$0x0], $0xffff  }
0x8d: {  	v7 =	vld.idx.msk [tilespmem:v7+s21+$0x0], $0xffff;
	_ =	sdelay $0x4  }
0x8e: {  	v7 =	vadd.f32 v7, v8;
	_ =	sdelay $0x1  }
0x8f: {  	v8 =	vmul.f32 $2.000000030e-01, v7  }
0x90: {  	vm14 =	vgt.f32 v7, $0.0e+00  }
0x91: {  	v7 =	vsel vm14, v7, v8  }
0x92: {  	v7 =	vmul.f32 $1.442695020e+00, v7;
	_ =	sdelay $0x1  }
0x93: {  	(erf) = vpow2.f32 v7;
	_ =	sdelay $0x8  }
0x94: {  	v7 =	vpop (erf)  }
0x95: {  	[tilespmem:$0xBFC0] =	vst v7  }
0x96: {  	v7 =	vld [tilespmem:s18+$0x1C50];
	_ =	sdelay $0x6  }
0x97: {  	v8 =	vld.idx.msk [tilespmem:v6+s19+$0x0], $0xffff  }
0x98: {  	v7 =	vld.idx.msk [tilespmem:v7+s21+$0x0], $0xffff;
	_ =	sdelay $0x4  }
0x99: {  	v7 =	vadd.f32 v7, v8;
	_ =	sdelay $0x1  }
0x9a: {  	v8 =	vmul.f32 $2.000000030e-01, v7  }
0x9b: {  	vm15 =	vgt.f32 v7, $0.0e+00  }
0x9c: {  	v7 =	vsel vm15, v7, v8  }
0x9d: {  	v7 =	vmul.f32 $1.442695020e+00, v7;
	_ =	sdelay $0x1  }
0x9e: {  	(erf) = vpow2.f32 v7;
	_ =	sdelay $0x6  }
0x9f: {  	v7 =	vmov s30;
	_ =	sdelay $0x1  }
0xa0: {  	v8 =	vpop (erf)  }
0xa1: {  	s3 =	simm.s32 $0x5FA0;
	[tilespmem:$0xBFD0] =	vst v8  }
0xa2: {  	v10 =	vld [tilespmem:s3+$0xFFFFFFF0]  }
0xa3: {  	v8 =	vld.idx.msk [tilespmem:v7+s28+$0x0], $0xffff  }
0xa4: {  	v11 =	vld [tilespmem:s3+$0xFFFFFFE0]  }
0xa5: {  	v9 =	vld [tilespmem:s3+$0x0];
	_ =	sdelay $0x2  }
0xa6: {  	s5 =	simm.s32 $0x1  }
0xa7: {  	s6 =	simm.s32 $0x2;
	s2 =	sadd.s32 $0x1C00, s18;
	v7 =	vmov s5;
	s5 =	simm.s32 $0x5FA0;
	v11 =	vmul.f32 v11, v8;
	v10 =	vmul.f32 v10, v8  }
.LBB2_5:
0xa8: {  	p1 =	sne.s32 s6, $0x5F;
	v8 =	vmul.f32 v9, v8  }
0xa9: {  	[tilespmem:s3+$0xFFFFFFE0] =	vst v11  }
0xaa: {  	s3 =	sadd.s32 $0x80, s3;
	[tilespmem:s5+$0xFFFFFFF0] =	vst v10  }
0xab: {  	v10 =	vld [tilespmem:s3+$0xFFFFFFF0];
	[tilespmem:s5+$0x0] =	vst v8;
	s5 =	smov.u32 s3  }
0xac: {  	v8 =	vld.idx.msk [tilespmem:v7+s28+$0x0], $0xffff  }
0xad: {  	v11 =	vld [tilespmem:s3+$0xFFFFFFE0]  }
.Ltmp1:
0xae: {  	v9 =	vld [tilespmem:s3+$0x0];
	(pc) =	sbr.rel @p1 .LBB2_5-.Ltmp1, $2  }
0xaf: {  	_ =	sdelay $0x2  }
0xb0: {  	v7 =	vmov s6;
	s6 =	sadd.s32 $0x1, s6;
	v10 =	vmul.f32 v10, v8;
	v11 =	vmul.f32 v11, v8  }
0xb1: {  	_ = 	snop  }
0xb2: {  	v8 =	vmul.f32 v9, v8;
	[tilespmem:s3+$0xFFFFFFE0] =	vst v11  }
0xb3: {  	s6 =	sadd.s32 $0x80, s3;
	[tilespmem:s5+$0xFFFFFFF0] =	vst v10  }
0xb4: {  	v9 =	vld [tilespmem:s6+$0xFFFFFFF0];
	[tilespmem:s5+$0x0] =	vst v8  }
0xb5: {  	v7 =	vld.idx.msk [tilespmem:v7+s28+$0x0], $0xffff  }
0xb6: {  	v8 =	vld [tilespmem:s6+$0xFFFFFFE0];
	_ =	sdelay $0x1  }
0xb7: {  	v10 =	vld [tilespmem:s6+$0x0];
	_ =	sdelay $0x2  }
0xb8: {  	v8 =	vmul.f32 v8, v7  }
0xb9: {  	v9 =	vmul.f32 v9, v7  }
0xba: {  	v7 =	vmul.f32 v10, v7;
	[tilespmem:s6+$0xFFFFFFE0] =	vst v8  }
0xbb: {  	[tilespmem:s6+$0xFFFFFFF0] =	vst v9  }
0xbc: {  	p1 =	seq.s32 s31, $0x1B;
	[tilespmem:s6+$0x0] =	vst v7  }
0xbd: {  	[spmem:s1] =	stream.indirect.scatter.add.f32 [tilespmem:s19], [sflag:$0x3], $0x80, s2, s24, $0xb8;
	[tilespmem:$0x1FC00] =	vst v63  }
0xbe: {  	s2 =	sshll.u32 @!p1 s31, $0x8;
	_ =	swait.ge [sflag:s20], $0x3000  }
0xbf: {  	s3 =	simm.s32 @!p1 $0x60;
	s2 =	sand.u32 @!p1 $0x3FFFFF00, s2;
	[sflag:s20] =	ssyncset.done $0x0  }
0xc0: {  	s5 =	simm.s32 @!p1 $0x5F80;
	s2 =	sadd.s32 @!p1 $0x100, s2;
	[sflag:s20] =	ssyncadd.s32 $0xFFFFD000  }
0xc1: {  	[tilespmem:s5], [sflag:$0x1] =	stream.indirect.gather @!p1 [hbm4b:s4+s3], $0x80, s2, s3, $0xb8;
	[tilespmem:$0x1FC00] =	vst v63  }
0xc2: {  	_ =	swait.ge [sflag:s23], $0x3000  }
0xc3: {  	[sflag:s23] =	ssyncset.done $0x0  }
0xc4: {  	[sflag:s23] =	ssyncadd.s32 $0xFFFFD000  }
0xc5: {  	v7 =	vld [tilespmem:s0+$0x1C00];
	_ =	sdelay $0x6  }
0xc6: {  	v8 =	vld.idx.msk [tilespmem:v1+s26+$0x0], $0xffff  }
0xc7: {  	v7 =	vld.idx.msk [tilespmem:v7+s21+$0x0], $0xffff;
	_ =	sdelay $0x4  }
0xc8: {  	v7 =	vadd.f32 v7, v8;
	_ =	sdelay $0x1  }
0xc9: {  	v8 =	vmul.f32 $2.000000030e-01, v7  }
0xca: {  	vm0 =	vgt.f32 v7, $0.0e+00  }
0xcb: {  	v7 =	vsel vm0, v7, v8  }
0xcc: {  	v7 =	vmul.f32 $1.442695020e+00, v7;
	_ =	sdelay $0x1  }
0xcd: {  	(erf) = vpow2.f32 v7;
	_ =	sdelay $0x8  }
0xce: {  	v7 =	vpop (erf)  }
0xcf: {  	[tilespmem:$0xBF80] =	vst v7  }
0xd0: {  	v7 =	vld [tilespmem:s18+$0x1C90];
	_ =	sdelay $0x6  }
0xd1: {  	v8 =	vld.idx.msk [tilespmem:v2+s26+$0x0], $0xffff  }
0xd2: {  	v7 =	vld.idx.msk [tilespmem:v7+s21+$0x0], $0xffff;
	_ =	sdelay $0x4  }
0xd3: {  	v7 =	vadd.f32 v7, v8;
	_ =	sdelay $0x1  }
0xd4: {  	v8 =	vmul.f32 $2.000000030e-01, v7  }
0xd5: {  	vm11 =	vgt.f32 v7, $0.0e+00  }
0xd6: {  	v7 =	vsel vm11, v7, v8  }
0xd7: {  	v7 =	vmul.f32 $1.442695020e+00, v7;
	_ =	sdelay $0x1  }
0xd8: {  	(erf) = vpow2.f32 v7;
	_ =	sdelay $0x8  }
0xd9: {  	v7 =	vpop (erf)  }
0xda: {  	[tilespmem:$0xBF90] =	vst v7  }
0xdb: {  	v7 =	vld [tilespmem:s18+$0x1CA0];
	_ =	sdelay $0x6  }
0xdc: {  	v8 =	vld.idx.msk [tilespmem:v3+s26+$0x0], $0xffff  }
0xdd: {  	v7 =	vld.idx.msk [tilespmem:v7+s21+$0x0], $0xffff;
	_ =	sdelay $0x4  }
0xde: {  	v7 =	vadd.f32 v7, v8;
	_ =	sdelay $0x1  }
0xdf: {  	v8 =	vmul.f32 $2.000000030e-01, v7  }
0xe0: {  	vm12 =	vgt.f32 v7, $0.0e+00  }
0xe1: {  	v7 =	vsel vm12, v7, v8  }
0xe2: {  	v7 =	vmul.f32 $1.442695020e+00, v7;
	_ =	sdelay $0x1  }
0xe3: {  	(erf) = vpow2.f32 v7;
	_ =	sdelay $0x8  }
0xe4: {  	v7 =	vpop (erf)  }
0xe5: {  	[tilespmem:$0xBFA0] =	vst v7  }
0xe6: {  	v7 =	vld [tilespmem:s18+$0x1CB0];
	_ =	sdelay $0x6  }
0xe7: {  	v8 =	vld.idx.msk [tilespmem:v4+s26+$0x0], $0xffff  }
0xe8: {  	v7 =	vld.idx.msk [tilespmem:v7+s21+$0x0], $0xffff;
	_ =	sdelay $0x4  }
0xe9: {  	v7 =	vadd.f32 v7, v8;
	_ =	sdelay $0x1  }
0xea: {  	v8 =	vmul.f32 $2.000000030e-01, v7  }
0xeb: {  	vm13 =	vgt.f32 v7, $0.0e+00  }
0xec: {  	v7 =	vsel vm13, v7, v8  }
0xed: {  	v7 =	vmul.f32 $1.442695020e+00, v7;
	_ =	sdelay $0x1  }
0xee: {  	(erf) = vpow2.f32 v7;
	_ =	sdelay $0x8  }
0xef: {  	v7 =	vpop (erf)  }
0xf0: {  	[tilespmem:$0xBFB0] =	vst v7  }
0xf1: {  	v7 =	vld [tilespmem:s18+$0x1CC0];
	_ =	sdelay $0x6  }
0xf2: {  	v8 =	vld.idx.msk [tilespmem:v5+s26+$0x0], $0xffff  }
0xf3: {  	v7 =	vld.idx.msk [tilespmem:v7+s21+$0x0], $0xffff;
	_ =	sdelay $0x4  }
0xf4: {  	v7 =	vadd.f32 v7, v8;
	_ =	sdelay $0x1  }
0xf5: {  	v8 =	vmul.f32 $2.000000030e-01, v7  }
0xf6: {  	vm14 =	vgt.f32 v7, $0.0e+00  }
0xf7: {  	v7 =	vsel vm14, v7, v8  }
0xf8: {  	v7 =	vmul.f32 $1.442695020e+00, v7;
	_ =	sdelay $0x1  }
0xf9: {  	(erf) = vpow2.f32 v7;
	_ =	sdelay $0x8  }
0xfa: {  	v7 =	vpop (erf)  }
0xfb: {  	[tilespmem:$0xBFC0] =	vst v7  }
0xfc: {  	v7 =	vld [tilespmem:s18+$0x1CD0];
	_ =	sdelay $0x6  }
0xfd: {  	v8 =	vld.idx.msk [tilespmem:v6+s26+$0x0], $0xffff  }
0xfe: {  	v7 =	vld.idx.msk [tilespmem:v7+s21+$0x0], $0xffff;
	_ =	sdelay $0x4  }
0xff: {  	v7 =	vadd.f32 v7, v8;
	_ =	sdelay $0x1  }
0x100: {  	v8 =	vmul.f32 $2.000000030e-01, v7  }
0x101: {  	vm15 =	vgt.f32 v7, $0.0e+00  }
0x102: {  	v7 =	vsel vm15, v7, v8  }
0x103: {  	v7 =	vmul.f32 $1.442695020e+00, v7;
	_ =	sdelay $0x1  }
0x104: {  	(erf) = vpow2.f32 v7;
	_ =	sdelay $0x5  }
0x105: {  	s6 =	simm.s32 $0x0  }
0x106: {  	v7 =	vmov s6;
	_ =	sdelay $0x1  }
0x107: {  	v8 =	vpop (erf)  }
0x108: {  	s2 =	simm.s32 $0x8FA0;
	[tilespmem:$0xBFD0] =	vst v8  }
0x109: {  	v10 =	vld [tilespmem:s2+$0xFFFFFFF0]  }
0x10a: {  	v8 =	vld.idx.msk [tilespmem:v7+s28+$0x0], $0xffff  }
0x10b: {  	v11 =	vld [tilespmem:s2+$0xFFFFFFE0]  }
0x10c: {  	v9 =	vld [tilespmem:s2+$0x0];
	_ =	sdelay $0x2  }
0x10d: {  	s18 =	simm.s32 $0x1  }
0x10e: {  	s5 =	simm.s32 $0x2;
	s3 =	simm.s32 $0x8FA0;
	s0 =	sadd.s32 $0x1C00, s0;
	v7 =	vmov s18;
	v11 =	vmul.f32 v11, v8;
	v10 =	vmul.f32 v10, v8  }
.LBB2_7:
0x10f: {  	p1 =	sne.s32 s5, $0x5F;
	v8 =	vmul.f32 v9, v8  }
0x110: {  	[tilespmem:s2+$0xFFFFFFE0] =	vst v11  }
0x111: {  	s2 =	sadd.s32 $0x80, s2;
	[tilespmem:s3+$0xFFFFFFF0] =	vst v10  }
0x112: {  	v10 =	vld [tilespmem:s2+$0xFFFFFFF0];
	[tilespmem:s3+$0x0] =	vst v8;
	s3 =	smov.u32 s2  }
0x113: {  	v8 =	vld.idx.msk [tilespmem:v7+s28+$0x0], $0xffff  }
0x114: {  	v11 =	vld [tilespmem:s2+$0xFFFFFFE0]  }
.Ltmp2:
0x115: {  	v9 =	vld [tilespmem:s2+$0x0];
	(pc) =	sbr.rel @p1 .LBB2_7-.Ltmp2, $2  }
0x116: {  	_ =	sdelay $0x2  }
0x117: {  	v7 =	vmov s5;
	s5 =	sadd.s32 $0x1, s5;
	v10 =	vmul.f32 v10, v8;
	v11 =	vmul.f32 v11, v8  }
0x118: {  	_ = 	snop  }
0x119: {  	v8 =	vmul.f32 v9, v8;
	[tilespmem:s2+$0xFFFFFFE0] =	vst v11  }
0x11a: {  	s18 =	sadd.s32 $0x80, s2;
	[tilespmem:s3+$0xFFFFFFF0] =	vst v10  }
0x11b: {  	v63 =	vld [tilespmem:s18+$0xFFFFFFF0];
	[tilespmem:s3+$0x0] =	vst v8  }
0x11c: {  	v7 =	vld.idx.msk [tilespmem:v7+s28+$0x0], $0xffff  }
0x11d: {  	v8 =	vld [tilespmem:s18+$0xFFFFFFE0];
	_ =	sdelay $0x1  }
0x11e: {  	v10 =	vld [tilespmem:s18+$0x0];
	_ =	sdelay $0x2  }
0x11f: {  	v8 =	vmul.f32 v8, v7  }
0x120: {  	v9 =	vmul.f32 v63, v7  }
0x121: {  	s31 =	sadd.s32 $0x1, s31;
	v7 =	vmul.f32 v10, v7;
	[tilespmem:s18+$0xFFFFFFE0] =	vst v8  }
0x122: {  	p1 =	sne.s32 s31, $0x1C;
	[tilespmem:s18+$0xFFFFFFF0] =	vst v9  }
.Ltmp3:
0x123: {  	[tilespmem:s18+$0x0] =	vst v7;
	(pc) =	sbr.rel @p1 .LBB2_4-.Ltmp3, $4  }
0x124: {  	[spmem:s1] =	stream.indirect.scatter.add.f32 [tilespmem:s26], [sflag:$0x3], $0x80, s0, s24, $0xb8;
	[tilespmem:$0x1FC00] =	vst v63  }
0x125: {  	_ =	swait.ge [sflag:s20], $0x3000  }
0x126: {  	[sflag:s20] =	ssyncset.done $0x0  }
0x127: {  	[sflag:s20] =	ssyncadd.s32 $0xFFFFD000  }
0x128: {  	[bflag:$0x0] =	sbarrier.arrive $0xFFFF;
	s0 =	simm.s32 @p0 $0x1FC3  }
0x129: {  	[hbm:s16], [sflag:s0] =	dma.local @p0 [spmem:s25], $0x2080  }
0x12a: {  	s0 =	simm.s32 @p0 $0x3  }
0x12b: {  	s2 =	stileid.u32;
	s29 =	sadd.s32 $0x1, s29;
	_ =	swait.ge @p0 [sflag:s0], $0x2080  }
0x12c: {  	s2 =	sshll.u32 @!p0 s2, $0x6;
	p1 =	sne.s32 s29, s17;
	[sflag:s0] =	ssyncset.done @p0 $0x0  }
0x12d: {  	[sflag:s0] =	ssyncadd.s32 @p0 $0xFFFFDF80;
	s0 =	sor.u32 @!p0 $0x1C03, s2;
	s2 =	sshrl.u32 @!p0 s7, $0x3  }
0x12e: {  	[hbm:s15], [sflag:s0] =	dma.local @!p0 [spmem:s2], $0x2780  }
.Ltmp4:
0x12f: {  	_ = 	snop;
	(pc) =	sbr.rel @p1 .LBB2_1-.Ltmp4, $4  }
0x130: {  	s0 =	simm.s32 @!p0 $0x3  }
0x131: {  	_ =	swait.ge @!p0 [sflag:s0], $0x2780  }
0x132: {  	[sflag:s0] =	ssyncset.done @!p0 $0x0  }
0x133: {  	[sflag:s0] =	ssyncadd.s32 @!p0 $0xFFFFD880  }
0x134: {  	_ =	sfence.sel $0x180000  }
0x135: {  	[bflag:$0x0] =	sbarrier.arrive $0xFFFF  }
0x136: {  	_ =	strace $0x9000004A  }
0x137: {  	s0 =	stileid.u32;
	[bflag:$0x2] =	sbarrier.arrive $0xFFFF  }
0x138: {  	p0 =	sne.s32 s0, $0x0;
	s0 =	rddreg [dreg:$0x3]  }
0x139: {  	s0 =	sadd.s32 @!p0 $0x100000, s0  }
0x13a: {  	[sflag:s0] =	ssyncadd.tile.s32 @!p0 $0x1;
	_ =	shalt  }
.Lfunc_end2:
_tile_overlayer_lowered:
.L_overlay_start_2:
0x13b: {  	(tag) =	ssettag $0x2  }
0x13c: {  	s0 =	rddreg [dreg:$0x0];
	s2 =	stileid.u32  }
0x13d: {  	s1 =	rddreg [dreg:$0x1];
	p0 =	sne.s32 s2, $0x0  }
0x13e: {  	s3 =	rddreg [dreg:$0x2];
	[bflag:$0x3] =	sbarrier.arrive $0xFFFF;
	s2 =	simm.s32 @!p0 $0x1C03  }
0x13f: {  	[timem:s3], [sflag:s2] =	dma.local @!p0 [hbm:s0], s1  }
0x140: {  	s0 =	simm.s32 @!p0 $0x3  }
0x141: {  	_ =	swait.ge @!p0 [sflag:s0], s1  }
0x142: {  	s1 =	ssub.s32 @!p0 $0x0, s1;
	[sflag:s0] =	ssyncset.done @!p0 $0x0  }
0x143: {  	[sflag:s0] =	ssyncadd.s32 @!p0 s1  }
0x144: {  	[bflag:$0x3] =	sbarrier.arrive $0xFFFF  }
0x145: {  	_ =	shalt  }

// kernel: kernel.15.cloned.1.call-start
scs
__scs_entry_jumppad:
0x0: {  	(pc) =	sbr.rel $0x88, $3  }
0x1: {  	(tag) =	ssettag $0x0;
	lr =	simm.s32 $0x1  }
0x2: {  	[smem:$0x3F93] =	sst lr;
	_ =	strace $0xD0000000  }
0x3: {  	_ = 	snop  }
0x4: {  	_ = 	snop  }
0x5: {  	_ = 	snop  }
0x6: {  	_ = 	snop  }
0x7: {  	_ = 	snop  }
__scs_overlays_trampoline_lowered:
0x8: {  	[smem:$0x3FA2] =	sst s0  }
0x9: {  	[smem:$0x3FA3] =	sst s1  }
0xa: {  	[smem:$0x3FA4] =	sst s2  }
0xb: {  	[smem:$0x3FA5] =	sst s3  }
0xc: {  	[smem:$0x3FA6] =	sst s4  }
0xd: {  	[smem:$0x3FA7] =	sst s5  }
0xe: {  	[smem:$0x3FA8] =	sst s6  }
0xf: {  	[smem:$0x3FA9] =	sst s7  }
0x10: {  	[smem:$0x3FAA] =	sst s8  }
0x11: {  	[smem:$0x3FAB] =	sst s9;
	s0 =	simm.s32 @!p0 $0x0  }
0x12: {  	s1 =	sld [smem:$0x3F91];
	s0 =	simm.s32 @p0 $0x1  }
0x13: {  	[smem:$0x3FAC] =	sst s0;
	s0 =	simm.s32 @!p1 $0x0  }
0x14: {  	s2 =	sld [smem:$0x3F90];
	s0 =	simm.s32 @p1 $0x1  }
0x15: {  	[smem:$0x3FAD] =	sst s0;
	s0 =	simm.s32 @!p2 $0x0  }
0x16: {  	s3 =	sld [smem:$0x3FDB];
	s0 =	simm.s32 @p2 $0x1  }
0x17: {  	s4 =	simm.s32 $0x1BF5;
	[smem:$0x3FAF] =	sst s0  }
0x18: {  	s0 =	sld [smem:$0x3F92];
	_ =	swait.ge [sflag:s4], $0x0  }
0x19: {  	s7 =	sld [smem:$0x3F93]  }
0x1a: {  	s8 =	sadd.s32 $0xFFFFE003, lr  }
0x1b: {  	s9 =	sadd.s32 $0xFFFFFEF7, lr;
	s5 =	simm.s32 $0xFFFFFFFF;
	p2 =	slt.u32 s8, $0xFFFFF086  }
0x1c: {  	p1 =	slt.u32 s9, $0xF7A;
	s5 =	simm.s32 @!p2 $0x0  }
0x1d: {  	s5 =	simm.s32 @p1 $0x1;
	p0 =	seq.s32 s7, s2  }
0x1e: {  	s7 =	smul.u32 @!p0 $0xF7A, s2;
	p2 =	seq.s32 @!p0 s5, $0x0  }
0x1f: {  	s9 =	smul.u32 $0xF7A, s1;
	s8 =	simm.s32 @!p0 $0x1BF5;
	p2 =	por !p2, p0  }
0x20: {  	[sflag:s8] =	ssyncset.s32 @!p0 $0xFFFFF086;
	s6 =	sadd.s32 @!p0 s3, s7;
	s7 =	simm.s32 @!p0 $0x108  }
0x21: {  	s3 =	sadd.s32 s3, s9;
	s6 =	sadd.s32 @!p0 $0x88, s6;
	s7 =	simm.s32 @p2 $0x1082  }
0x22: {  	[simem:s7], [sflag:s8] =	dma.local @!p0 [hbm:s6], $0xF7A  }
0x23: {  	s9 =	sor.u32 $0xD0000000, s2;
	s6 =	simm.s32 $0x108;
	_ =	swait.ge @!p0 [sflag:s8], $0x0  }
0x24: {  	s3 =	sadd.s32 $0x88, s3;
	s6 =	simm.s32 @!p1 $0x1082;
	[sflag:s4] =	ssyncset.s32 $0xFFFFF086  }
0x25: {  	[simem:s6], [sflag:s4] =	dma.local [hbm:s3], $0xF7A  }
0x26: {  	[smem:$0x3F93] =	sst s1;
	(tag) =	ssettag s2;
	_ =	strace s9  }
0x27: {  	s1 =	sld [smem:$0x3FA3]  }
0x28: {  	s2 =	sld [smem:$0x3FA4]  }
0x29: {  	s4 =	sld [smem:$0x3FA6]  }
0x2a: {  	p0 =	seq.s32 s5, $0x0;
	s5 =	sld [smem:$0x3FA7]  }
0x2b: {  	s6 =	sld [smem:$0x3FA8]  }
0x2c: {  	s7 =	sld [smem:$0x3FA9]  }
0x2d: {  	s3 =	simm.s32 $0x108;
	s8 =	sld [smem:$0x3FAA]  }
0x2e: {  	s3 =	simm.s32 @!p0 $0x1082;
	s9 =	sld [smem:$0x3FAB]  }
0x2f: {  	lr =	sadd.s32 s0, s3;
	s0 =	sld [smem:$0x3FA2]  }
0x30: {  	s3 =	sld [smem:$0x3FA5]  }
0x31: {  	[smem:$0x3FAE] =	sst s10  }
0x32: {  	s10 =	sld [smem:$0x3FAC];
	_ =	sdelay $0x3  }
0x33: {  	p0 =	seq.s32 s10, $0x1;
	s10 =	sld [smem:$0x3FAE];
	_ =	sdelay $0x3  }
0x34: {  	[smem:$0x3FAE] =	sst s10  }
0x35: {  	s10 =	sld [smem:$0x3FAD];
	_ =	sdelay $0x3  }
0x36: {  	p1 =	seq.s32 s10, $0x1;
	s10 =	sld [smem:$0x3FAE];
	_ =	sdelay $0x3  }
0x37: {  	[smem:$0x3FAE] =	sst s10  }
0x38: {  	s10 =	sld [smem:$0x3FAF]  }
0x39: {  	_ = 	snop;
	(pc) =	sbr.ind lr, $3  }
0x3a: {  	_ = 	snop  }
0x3b: {  	_ = 	snop  }
0x3c: {  	p2 =	seq.s32 s10, $0x1;
	s10 =	sld [smem:$0x3FAE]  }
0x3d: {  	_ =	shalt  }
0x3e: {  	_ =	shalt  }
0x3f: {  	_ =	shalt  }
0x40: {  	_ =	shalt  }
0x41: {  	_ =	shalt  }
0x42: {  	_ =	shalt  }
0x43: {  	_ =	shalt  }
0x44: {  	_ =	shalt  }
0x45: {  	_ =	shalt  }
0x46: {  	_ =	shalt  }
0x47: {  	_ =	shalt  }
0x48: {  	_ =	shalt  }
0x49: {  	_ =	shalt  }
0x4a: {  	_ =	shalt  }
0x4b: {  	_ =	shalt  }
0x4c: {  	_ =	shalt  }
0x4d: {  	_ =	shalt  }
0x4e: {  	_ =	shalt  }
0x4f: {  	_ =	shalt  }
0x50: {  	_ =	shalt  }
0x51: {  	_ =	shalt  }
0x52: {  	_ =	shalt  }
0x53: {  	_ =	shalt  }
0x54: {  	_ =	shalt  }
0x55: {  	_ =	shalt  }
0x56: {  	_ =	shalt  }
0x57: {  	_ =	shalt  }
0x58: {  	_ =	shalt  }
0x59: {  	_ =	shalt  }
0x5a: {  	_ =	shalt  }
0x5b: {  	_ =	shalt  }
0x5c: {  	_ =	shalt  }
0x5d: {  	_ =	shalt  }
0x5e: {  	_ =	shalt  }
0x5f: {  	_ =	shalt  }
0x60: {  	_ =	shalt  }
0x61: {  	_ =	shalt  }
0x62: {  	_ =	shalt  }
0x63: {  	_ =	shalt  }
0x64: {  	_ =	shalt  }
0x65: {  	_ =	shalt  }
0x66: {  	_ =	shalt  }
0x67: {  	_ =	shalt  }
0x68: {  	_ =	shalt  }
0x69: {  	_ =	shalt  }
0x6a: {  	_ =	shalt  }
0x6b: {  	_ =	shalt  }
0x6c: {  	_ =	shalt  }
0x6d: {  	_ =	shalt  }
0x6e: {  	_ =	shalt  }
0x6f: {  	_ =	shalt  }
0x70: {  	_ =	shalt  }
0x71: {  	_ =	shalt  }
0x72: {  	_ =	shalt  }
0x73: {  	_ =	shalt  }
0x74: {  	_ =	shalt  }
0x75: {  	_ =	shalt  }
0x76: {  	_ =	shalt  }
0x77: {  	_ =	shalt  }
0x78: {  	_ =	shalt  }
0x79: {  	_ =	shalt  }
0x7a: {  	_ =	shalt  }
0x7b: {  	_ =	shalt  }
0x7c: {  	_ =	shalt  }
0x7d: {  	_ =	shalt  }
0x7e: {  	_ =	shalt  }
0x7f: {  	_ =	shalt  }
0x80: {  	_ =	shalt  }
0x81: {  	_ =	shalt  }
0x82: {  	_ =	shalt  }
0x83: {  	_ =	shalt  }
0x84: {  	_ =	shalt  }
0x85: {  	_ =	shalt  }
0x86: {  	_ =	shalt  }
0x87: {  	_ =	shalt  }
.Lfunc_end0:
.L_simem_size_0:
called_computation.2_lowered:
.L_overlay_start_0:
0x88: {  	s2 =	sld [smem:$0x3FD9]  }
0x89: {  	s3 =	sld [smem:$0x3FFE];
	_ =	sdelay $0x1  }
0x8a: {  	s1 =	srdreg.scid  }
0x8b: {  	s0 =	sand.u32 $0x1, s1  }
0x8c: {  	s17 =	sshll.u32 s0, $0xA;
	s2 =	sadd.s32 s3, s2  }
0x8d: {  	s2 =	sadd.s32 s2, s17  }
0x8e: {  	[smem:$0x3FBA] =	sst s2  }
0x8f: {  	_ = 	snop  }
0x90: {  	s2 =	sld [smem:$0x3FD0];
	(tm) =	ssettm $0x1  }
0x91: {  	s18 =	sld [smem:$0x3FFB];
	_ =	sdelay $0x3  }
0x92: {  	_ =	strace s18  }
0x93: {  	s3 =	sld [smem:$0x3FFC];
	_ =	sdelay $0x3  }
0x94: {  	_ =	strace s3  }
0x95: {  	s3 =	sld [smem:$0x3FFD];
	_ =	sdelay $0x3  }
0x96: {  	_ =	strace s3  }
0x97: {  	_ =	strace $0x8FFFFFFF  }
0x98: {  	s19 =	sld [smem:$0x3FDB];
	_ =	sdelay $0x1  }
0x99: {  	s4 =	simm.s32 $_scs_section_size  }
0x9a: {  	s5 =	simm.s32 $_size__tile_overlayer_lowered;
	s6 =	simm.s32 $_tile_overlayer_lowered  }
0x9b: {  	s22 =	simm.s32 $0x1BFF;
	s21 =	sshll.u32 s6, $0x1;
	s3 =	sadd.s32 s4, s19  }
0x9c: {  	s7 =	simm.s32 $0x0;
	s20 =	sshll.u32 s5, $0x1;
	s5 =	sadd.s32 s21, s3  }
0x9d: {  	[timem:s7], [sflag:s22] =	dma.local [hbm:s5], s20  }
0x9e: {  	_ =	swait.ge [sflag:s22], s20  }
0x9f: {  	s4 =	ssub.s32 $0x0, s20;
	[sflag:s22] =	ssyncset.done $0x0  }
0xa0: {  	[sflag:s22] =	ssyncadd.s32 s4;
	_ =	sdelay $0x1  }
0xa1: {  	s23 =	simm.s32 $0x1B8B  }
0xa2: {  	_ =	swait.ge [sflag:s23], $0x1  }
0xa3: {  	[sflag:s23] =	ssyncset.done $0x0  }
0xa4: {  	s25 =	simm.s32 $0x1B8E;
	s24 =	sld [smem:$0x3FFE];
	[sflag:s23] =	ssyncadd.s32 $0xFFFFFFFF  }
0xa5: {  	s26 =	simm.s32 $execute0_lowered;
	[smem:$0x3FD2] =	sst s25  }
0xa6: {  	s5 =	sshll.u32 s26, $0x1;
	_ =	strace $0x8000004C;
	[dreg:$0x1] =	wrdreg $0xFFFFFFFF  }
0xa7: {  	s28 =	simm.s32 $_size_execute0_lowered;
	s3 =	sadd.s32 s3, s5;
	[dreg:$0x0] =	wrdreg $0x0  }
0xa8: {  	s5 =	sshll.u32 s28, $0x1;
	[dreg:$0x2] =	wrdreg s3  }
0xa9: {  	[dreg:$0x3] =	wrdreg s5  }
0xaa: {  	[dreg:$0x4] =	wrdreg $0xC0  }
0xab: {  	_ =	task [dreg:s7], $0x5FFFF  }
0xac: {  	[dreg:$0x1] =	wrdreg $0xFFFFFFFF  }
0xad: {  	[dreg:$0x0] =	wrdreg $0x60  }
0xae: {  	[dreg:$0x2] =	wrdreg s24  }
0xaf: {  	[dreg:$0x3] =	wrdreg s2  }
0xb0: {  	[dreg:$0x4] =	wrdreg $0xC0000  }
0xb1: {  	[dreg:$0x5] =	wrdreg $0x9  }
0xb2: {  	_ =	task.clear_ibuf [dreg:s7], $0x6FFFF;
	_ =	strace $0x9000004C  }
0xb3: {  	s29 =	simm.s32 $0x9;
	_ =	strace $0x8000004E  }
0xb4: {  	_ =	swait.ge [sflag:s29], $0x1  }
0xb5: {  	[sflag:s29] =	ssyncadd.s32 $0xFFFFFFFF  }
0xb6: {  	_ =	strace $0x9000004E  }
0xb7: {  	_ =	sfence  }
0xb8: {  	s30 =	sld [smem:$0x0];
	_ =	sdelay $0x2  }
0xb9: {  	s31 =	sshll.u32 s1, $0xD;
	s1 =	sshrl.u32 s1, $0x2  }
0xba: {  	s3 =	sand.u32 $0x4000, s31;
	s1 =	sadd.s32 s1, s30  }
0xbb: {  	s0 =	sor.u32 s3, s0;
	s1 =	sshll.u32 s1, $0x11  }
0xbc: {  	s0 =	sor.u32 s1, s0  }
0xbd: {  	s0 =	sadd.s32 $0x8F2B, s0  }
0xbe: {  	[sflag:s0] =	ssyncadd.remote.s32 $0x1  }
0xbf: {  	_ =	sfence.sel $0xFFFF  }
0xc0: {  	[dreg:$0x0] =	wrdreg $0xFFFFFFFF;
	(pc) =	sbr.abs _section_cstart, $3  }
0xc1: {  	[dreg:$0x1] =	wrdreg $0xFFFFFFFF  }
0xc2: {  	_ =	task.clear_ibuf [dreg:s7], $0x2FFFF;
	_ =	strace $0x9FFFFFFF  }
0xc3: {  	(tm) =	ssettm $0x7FFFFFFF  }
tec
execute0_lowered:
.L_overlay_start_1:
0x0: {  	(tag) =	ssettag $0x1  }
0x1: {  	s0 =	rddreg [dreg:$0x0]  }
0x2: {  	s2 =	rddreg [dreg:$0x1]  }
0x3: {  	s1 =	rddreg [dreg:$0x2]  }
0x4: {  	s3 =	srdreg.scid;
	s5 =	simm.s32 $0x0;
	s18 =	stileid.u32  }
0x5: {  	s19 =	simm.s32 $0x5F80;
	s20 =	simm.s32 $0x3;
	s21 =	simm.s32 $0x3800  }
0x6: {  	s22 =	simm.s32 $0x1;
	s23 =	simm.s32 $0x2;
	s24 =	simm.s32 $0x60  }
0x7: {  	s28 =	simm.s32 $0xBF80;
	s29 =	simm.s32 $0x0;
	s30 =	simm.s32 $0x0  }
0x8: {  	s3 =	sand.u32 $0x1, s3;
	[smem:$0x7FF] =	sst s5;
	s7 =	smul.u32 $0x4F000, s18  }
0x9: {  	s6 =	sadd.s32 $0x31200, s0;
	s31 =	smul.u32 $0x13C00, s18;
	p0 =	seq.s32 s18, $0xF  }
0xa: {  	s4 =	sshll.u32 s3, $0x4;
	_ =	strace $0x8000004D;
	[dreg:$0x4] =	wrdreg s6  }
0xb: {  	s26 =	ssub.s32 $0x2, s3;
	s3 =	smul.u32 $0x138800, s3;
	s25 =	sor.u32 s18, s4  }
0xc: {  	s4 =	sadd.s32 $0xA000, s0;
	s9 =	sshrl.u32 s26, $0x1;
	s7 =	sshrl.u32 s7, $0x2  }
0xd: {  	s5 =	smul.u32 $0x380, s25;
	s6 =	ssub.s32 s26, s9;
	s7 =	sadd.s32 s7, s1  }
0xe: {  	s26 =	simm.s32 $0x8F80;
	s9 =	sadd.s32 $0x3000, s7;
	s10 =	sadd.s32 $0x6000, s7  }
0xf: {  	v0 =	vlaneseq.u32;
	s11 =	sadd.s32 $0x9000, s7;
	s12 =	sadd.s32 $0xC000, s7;
	s2 =	sadd.s32 s2, s5  }
0x10: {  	v6 =	vmul.u32 $0x80, v0;
	s8 =	sadd.s32 s5, s0;
	[dreg:$0x5] =	wrdreg s2;
	s2 =	sadd.s32 s31, s3  }
0x11: {  	s0 =	sadd.s32 $0x31800, s0;
	s3 =	sshrl.u32 s3, $0x3;
	s2 =	sshrl.u32 s2, $0x3  }
0x12: {  	v1 =	vor.u32 $0x29, v6;
	s13 =	sadd.s32 $0xF000, s7;
	s15 =	sadd.s32 s0, s2;
	s0 =	sadd.s32 s0, s3  }
0x13: {  	v0 =	vimm.f32 $0.0e+00;
	v2 =	vor.u32 $0x829, v6;
	v3 =	vor.u32 $0x1029, v6;
	s14 =	sadd.s32 $0x12000, s7;
	s16 =	sadd.s32 $0x25080, s0;
	s0 =	sadd.s32 $0x128400, s1  }
0x14: {  	v4 =	vor.u32 $0x1829, v6;
	v5 =	vor.u32 $0x2029, v6;
	v6 =	vor.u32 $0x2829, v6;
	s17 =	smax.u32 s6, $0x1;
	s8 =	sadd.s32 $0x3000, s8;
	s25 =	sshrl.u32 @p0 s0, $0x3  }
.LBB2_1:
0x15: {  	s0 =	simm.s32 $0x0;
	s2 =	rddreg [dreg:$0x5]  }
0x16: {  	[tilespmem:s0], [sflag:$0x1] =	stream.linear.gather [hbm4b:s2+s0], $0x1C00, $0x38;
	[tilespmem:$0x1FC00] =	vst v63  }
0x17: {  	s31 =	simm.s32 $0x1C00  }
0x18: {  	[tilespmem:s31], [sflag:$0x2] =	stream.linear.gather [hbm4b:s8+s0], $0x1C00, $0x38;
	[tilespmem:$0x1FC00] =	vst v63  }
0x19: {  	s2 =	simm.s32 $0x200;
	s0 =	simm.s32 $0x0  }
.LBB2_2:
0x1a: {  	p1 =	sne.s32 s2, $0xBE00;
	[tilespmem:s0+$0x5FF0] =	vst v0  }
0x1b: {  	[tilespmem:s0+$0x5F80] =	vst v0  }
0x1c: {  	[tilespmem:s0+$0x5F90] =	vst v0  }
.Ltmp0:
0x1d: {  	[tilespmem:s0+$0x5FA0] =	vst v0;
	(pc) =	sbr.rel @p1 .LBB2_2-.Ltmp0, $4  }
0x1e: {  	[tilespmem:s0+$0x5FB0] =	vst v0  }
0x1f: {  	[tilespmem:s0+$0x5FC0] =	vst v0  }
0x20: {  	[tilespmem:s0+$0x5FD0] =	vst v0  }
0x21: {  	[tilespmem:s0+$0x5FE0] =	vst v0;
	s0 =	sshra.s32 s2, $0x2;
	s2 =	sadd.s32 $0x200, s2  }
0x22: {  	[tilespmem:s0+$0x5FF0] =	vst v0  }
0x23: {  	[tilespmem:s0+$0x5F80] =	vst v0  }
0x24: {  	[tilespmem:s0+$0x5F90] =	vst v0  }
0x25: {  	[tilespmem:s0+$0x5FA0] =	vst v0  }
0x26: {  	[tilespmem:s0+$0x5FB0] =	vst v0  }
0x27: {  	[tilespmem:s0+$0x5FC0] =	vst v0  }
0x28: {  	[tilespmem:s0+$0x5FD0] =	vst v0  }
0x29: {  	[tilespmem:s0+$0x5FE0] =	vst v0  }
0x2a: {  	[spmem:s7] =	stream.linear.scatter [tilespmem:s19], [sflag:$0x3], $0x3000, $0x38;
	[tilespmem:$0x1FC00] =	vst v63  }
0x2b: {  	_ =	swait.ge [sflag:s20], $0x3000  }
0x2c: {  	[sflag:s20] =	ssyncset.done $0x0  }
0x2d: {  	[sflag:s20] =	ssyncadd.s32 $0xFFFFD000  }
0x2e: {  	[spmem:s9] =	stream.linear.scatter [tilespmem:s19], [sflag:$0x3], $0x3000, $0x38;
	[tilespmem:$0x1FC00] =	vst v63  }
0x2f: {  	_ =	swait.ge [sflag:s20], $0x3000  }
0x30: {  	[sflag:s20] =	ssyncset.done $0x0  }
0x31: {  	[sflag:s20] =	ssyncadd.s32 $0xFFFFD000  }
0x32: {  	[spmem:s10] =	stream.linear.scatter [tilespmem:s19], [sflag:$0x3], $0x3000, $0x38;
	[tilespmem:$0x1FC00] =	vst v63  }
0x33: {  	_ =	swait.ge [sflag:s20], $0x3000  }
0x34: {  	[sflag:s20] =	ssyncset.done $0x0  }
0x35: {  	[sflag:s20] =	ssyncadd.s32 $0xFFFFD000  }
0x36: {  	[spmem:s11] =	stream.linear.scatter [tilespmem:s19], [sflag:$0x3], $0x3000, $0x38;
	[tilespmem:$0x1FC00] =	vst v63  }
0x37: {  	_ =	swait.ge [sflag:s20], $0x3000  }
0x38: {  	[sflag:s20] =	ssyncset.done $0x0  }
0x39: {  	[sflag:s20] =	ssyncadd.s32 $0xFFFFD000  }
0x3a: {  	[spmem:s12] =	stream.linear.scatter [tilespmem:s19], [sflag:$0x3], $0x3000, $0x38;
	[tilespmem:$0x1FC00] =	vst v63  }
0x3b: {  	_ =	swait.ge [sflag:s20], $0x3000  }
0x3c: {  	[sflag:s20] =	ssyncset.done $0x0  }
0x3d: {  	[sflag:s20] =	ssyncadd.s32 $0xFFFFD000  }
0x3e: {  	[spmem:s13] =	stream.linear.scatter [tilespmem:s19], [sflag:$0x3], $0x3000, $0x38;
	[tilespmem:$0x1FC00] =	vst v63  }
0x3f: {  	_ =	swait.ge [sflag:s20], $0x3000  }
0x40: {  	[sflag:s20] =	ssyncset.done $0x0  }
0x41: {  	[sflag:s20] =	ssyncadd.s32 $0xFFFFD000  }
0x42: {  	[spmem:s14] =	stream.linear.scatter [tilespmem:s19], [sflag:$0x3], $0x1C00, $0x38;
	[tilespmem:$0x1FC00] =	vst v63  }
0x43: {  	_ =	swait.ge [sflag:s20], $0x1C00  }
0x44: {  	[sflag:s20] =	ssyncset.done $0x0  }
0x45: {  	s18 =	rddreg [dreg:$0x4];
	[sflag:s20] =	ssyncadd.s32 $0xFFFFE400  }
0x46: {  	[tilespmem:s21], [sflag:$0x3] =	stream.linear.gather [hbm4b:s18+s30], $0x2710, $0x38;
	[tilespmem:$0x1FC00] =	vst v63  }
0x47: {  	_ =	swait.ge [sflag:s20], $0x2710  }
0x48: {  	[sflag:s20] =	ssyncset.done $0x0  }
0x49: {  	[sflag:s20] =	ssyncadd.s32 $0xFFFFD8F0  }
0x4a: {  	[tilespmem:$0x5F10] =	vst v0  }
0x4b: {  	[tilespmem:$0x5F20] =	vst v0  }
0x4c: {  	[tilespmem:$0x5F30] =	vst v0  }
0x4d: {  	[tilespmem:$0x5F40] =	vst v0  }
0x4e: {  	[tilespmem:$0x5F50] =	vst v0  }
0x4f: {  	[tilespmem:$0x5F60] =	vst v0  }
0x50: {  	[tilespmem:$0x5F70] =	vst v0  }
0x51: {  	_ =	swait.ge [sflag:s22], $0x1C00  }
0x52: {  	[sflag:s22] =	ssyncset.done $0x0  }
0x53: {  	[sflag:s22] =	ssyncadd.s32 $0xFFFFE400  }
0x54: {  	_ =	swait.ge [sflag:s23], $0x1C00  }
0x55: {  	[sflag:s23] =	ssyncset.done $0x0  }
0x56: {  	[sflag:s23] =	ssyncadd.s32 $0xFFFFE400  }
0x57: {  	s31 =	simm.s32 $0x0;
	[bflag:$0x0] =	sbarrier.arrive $0xFFFF  }
0x58: {  	[tilespmem:s19], [sflag:$0x1] =	stream.indirect.gather [hbm4b:s4+s24], $0x80, s30, s24, $0xb8;
	[tilespmem:$0x1FC00] =	vst v63  }
.LBB2_4:
0x59: {  	s18 =	sshll.u32 s31, $0x8  }
0x5a: {  	s0 =	sor.u32 $0x80, s18  }
0x5b: {  	[tilespmem:s26], [sflag:$0x2] =	stream.indirect.gather [hbm4b:s4+s24], $0x80, s0, s24, $0xb8;
	[tilespmem:$0x1FC00] =	vst v63  }
0x5c: {  	_ =	swait.ge [sflag:s22], $0x3000  }
0x5d: {  	[sflag:s22] =	ssyncset.done $0x0  }
0x5e: {  	[sflag:s22] =	ssyncadd.s32 $0xFFFFD000  }
0x5f: {  	v7 =	vld [tilespmem:s18+$0x1C00];
	_ =	sdelay $0x6  }
0x60: {  	v8 =	vld.idx.msk [tilespmem:v1+s19+$0x0], $0xffff  }
0x61: {  	v7 =	vld.idx.msk [tilespmem:v7+s21+$0x0], $0xffff;
	_ =	sdelay $0x4  }
0x62: {  	v7 =	vadd.f32 v7, v8;
	_ =	sdelay $0x1  }
0x63: {  	v8 =	vmul.f32 $2.000000030e-01, v7  }
0x64: {  	vm0 =	vgt.f32 v7, $0.0e+00  }
0x65: {  	v7 =	vsel vm0, v7, v8  }
0x66: {  	v7 =	vmul.f32 $1.442695020e+00, v7;
	_ =	sdelay $0x1  }
0x67: {  	(erf) = vpow2.f32 v7;
	_ =	sdelay $0x8  }
0x68: {  	v7 =	vpop (erf)  }
0x69: {  	[tilespmem:$0xBF80] =	vst v7  }
0x6a: {  	v7 =	vld [tilespmem:s18+$0x1C10];
	_ =	sdelay $0x6  }
0x6b: {  	v8 =	vld.idx.msk [tilespmem:v2+s19+$0x0], $0xffff  }
0x6c: {  	v7 =	vld.idx.msk [tilespmem:v7+s21+$0x0], $0xffff;
	_ =	sdelay $0x4  }
0x6d: {  	v7 =	vadd.f32 v7, v8;
	_ =	sdelay $0x1  }
0x6e: {  	v8 =	vmul.f32 $2.000000030e-01, v7  }
0x6f: {  	vm11 =	vgt.f32 v7, $0.0e+00  }
0x70: {  	v7 =	vsel vm11, v7, v8  }
0x71: {  	v7 =	vmul.f32 $1.442695020e+00, v7;
	_ =	sdelay $0x1  }
0x72: {  	(erf) = vpow2.f32 v7;
	_ =	sdelay $0x8  }
0x73: {  	v7 =	vpop (erf)  }
0x74: {  	[tilespmem:$0xBF90] =	vst v7  }
0x75: {  	v7 =	vld [tilespmem:s18+$0x1C20];
	_ =	sdelay $0x6  }
0x76: {  	v8 =	vld.idx.msk [tilespmem:v3+s19+$0x0], $0xffff  }
0x77: {  	v7 =	vld.idx.msk [tilespmem:v7+s21+$0x0], $0xffff;
	_ =	sdelay $0x4  }
0x78: {  	v7 =	vadd.f32 v7, v8;
	_ =	sdelay $0x1  }
0x79: {  	v8 =	vmul.f32 $2.000000030e-01, v7  }
0x7a: {  	vm12 =	vgt.f32 v7, $0.0e+00  }
0x7b: {  	v7 =	vsel vm12, v7, v8  }
0x7c: {  	v7 =	vmul.f32 $1.442695020e+00, v7;
	_ =	sdelay $0x1  }
0x7d: {  	(erf) = vpow2.f32 v7;
	_ =	sdelay $0x8  }
0x7e: {  	v7 =	vpop (erf)  }
0x7f: {  	[tilespmem:$0xBFA0] =	vst v7  }
0x80: {  	v7 =	vld [tilespmem:s18+$0x1C30];
	_ =	sdelay $0x6  }
0x81: {  	v8 =	vld.idx.msk [tilespmem:v4+s19+$0x0], $0xffff  }
0x82: {  	v7 =	vld.idx.msk [tilespmem:v7+s21+$0x0], $0xffff;
	_ =	sdelay $0x4  }
0x83: {  	v7 =	vadd.f32 v7, v8;
	_ =	sdelay $0x1  }
0x84: {  	v8 =	vmul.f32 $2.000000030e-01, v7  }
0x85: {  	vm13 =	vgt.f32 v7, $0.0e+00  }
0x86: {  	v7 =	vsel vm13, v7, v8  }
0x87: {  	v7 =	vmul.f32 $1.442695020e+00, v7;
	_ =	sdelay $0x1  }
0x88: {  	(erf) = vpow2.f32 v7;
	_ =	sdelay $0x8  }
0x89: {  	v7 =	vpop (erf)  }
0x8a: {  	[tilespmem:$0xBFB0] =	vst v7  }
0x8b: {  	v7 =	vld [tilespmem:s18+$0x1C40];
	_ =	sdelay $0x6  }
0x8c: {  	v8 =	vld.idx.msk [tilespmem:v5+s19+$0x0], $0xffff  }
0x8d: {  	v7 =	vld.idx.msk [tilespmem:v7+s21+$0x0], $0xffff;
	_ =	sdelay $0x4  }
0x8e: {  	v7 =	vadd.f32 v7, v8;
	_ =	sdelay $0x1  }
0x8f: {  	v8 =	vmul.f32 $2.000000030e-01, v7  }
0x90: {  	vm14 =	vgt.f32 v7, $0.0e+00  }
0x91: {  	v7 =	vsel vm14, v7, v8  }
0x92: {  	v7 =	vmul.f32 $1.442695020e+00, v7;
	_ =	sdelay $0x1  }
0x93: {  	(erf) = vpow2.f32 v7;
	_ =	sdelay $0x8  }
0x94: {  	v7 =	vpop (erf)  }
0x95: {  	[tilespmem:$0xBFC0] =	vst v7  }
0x96: {  	v7 =	vld [tilespmem:s18+$0x1C50];
	_ =	sdelay $0x6  }
0x97: {  	v8 =	vld.idx.msk [tilespmem:v6+s19+$0x0], $0xffff  }
0x98: {  	v7 =	vld.idx.msk [tilespmem:v7+s21+$0x0], $0xffff;
	_ =	sdelay $0x4  }
0x99: {  	v7 =	vadd.f32 v7, v8;
	_ =	sdelay $0x1  }
0x9a: {  	v8 =	vmul.f32 $2.000000030e-01, v7  }
0x9b: {  	vm15 =	vgt.f32 v7, $0.0e+00  }
0x9c: {  	v7 =	vsel vm15, v7, v8  }
0x9d: {  	v7 =	vmul.f32 $1.442695020e+00, v7;
	_ =	sdelay $0x1  }
0x9e: {  	(erf) = vpow2.f32 v7;
	_ =	sdelay $0x6  }
0x9f: {  	v7 =	vmov s30;
	_ =	sdelay $0x1  }
0xa0: {  	v8 =	vpop (erf)  }
0xa1: {  	s3 =	simm.s32 $0x5FA0;
	[tilespmem:$0xBFD0] =	vst v8  }
0xa2: {  	v10 =	vld [tilespmem:s3+$0xFFFFFFF0]  }
0xa3: {  	v8 =	vld.idx.msk [tilespmem:v7+s28+$0x0], $0xffff  }
0xa4: {  	v11 =	vld [tilespmem:s3+$0xFFFFFFE0]  }
0xa5: {  	v9 =	vld [tilespmem:s3+$0x0];
	_ =	sdelay $0x2  }
0xa6: {  	s5 =	simm.s32 $0x1  }
0xa7: {  	s6 =	simm.s32 $0x2;
	s2 =	sadd.s32 $0x1C00, s18;
	v7 =	vmov s5;
	s5 =	simm.s32 $0x5FA0;
	v11 =	vmul.f32 v11, v8;
	v10 =	vmul.f32 v10, v8  }
.LBB2_5:
0xa8: {  	p1 =	sne.s32 s6, $0x5F;
	v8 =	vmul.f32 v9, v8  }
0xa9: {  	[tilespmem:s3+$0xFFFFFFE0] =	vst v11  }
0xaa: {  	s3 =	sadd.s32 $0x80, s3;
	[tilespmem:s5+$0xFFFFFFF0] =	vst v10  }
0xab: {  	v10 =	vld [tilespmem:s3+$0xFFFFFFF0];
	[tilespmem:s5+$0x0] =	vst v8;
	s5 =	smov.u32 s3  }
0xac: {  	v8 =	vld.idx.msk [tilespmem:v7+s28+$0x0], $0xffff  }
0xad: {  	v11 =	vld [tilespmem:s3+$0xFFFFFFE0]  }
.Ltmp1:
0xae: {  	v9 =	vld [tilespmem:s3+$0x0];
	(pc) =	sbr.rel @p1 .LBB2_5-.Ltmp1, $2  }
0xaf: {  	_ =	sdelay $0x2  }
0xb0: {  	v7 =	vmov s6;
	s6 =	sadd.s32 $0x1, s6;
	v10 =	vmul.f32 v10, v8;
	v11 =	vmul.f32 v11, v8  }
0xb1: {  	_ = 	snop  }
0xb2: {  	v8 =	vmul.f32 v9, v8;
	[tilespmem:s3+$0xFFFFFFE0] =	vst v11  }
0xb3: {  	s6 =	sadd.s32 $0x80, s3;
	[tilespmem:s5+$0xFFFFFFF0] =	vst v10  }
0xb4: {  	v9 =	vld [tilespmem:s6+$0xFFFFFFF0];
	[tilespmem:s5+$0x0] =	vst v8  }
0xb5: {  	v7 =	vld.idx.msk [tilespmem:v7+s28+$0x0], $0xffff  }
0xb6: {  	v8 =	vld [tilespmem:s6+$0xFFFFFFE0];
	_ =	sdelay $0x1  }
0xb7: {  	v10 =	vld [tilespmem:s6+$0x0];
	_ =	sdelay $0x2  }
0xb8: {  	v8 =	vmul.f32 v8, v7  }
0xb9: {  	v9 =	vmul.f32 v9, v7  }
0xba: {  	v7 =	vmul.f32 v10, v7;
	[tilespmem:s6+$0xFFFFFFE0] =	vst v8  }
0xbb: {  	[tilespmem:s6+$0xFFFFFFF0] =	vst v9  }
0xbc: {  	p1 =	seq.s32 s31, $0x1B;
	[tilespmem:s6+$0x0] =	vst v7  }
0xbd: {  	[spmem:s1] =	stream.indirect.scatter.add.f32 [tilespmem:s19], [sflag:$0x3], $0x80, s2, s24, $0xb8;
	[tilespmem:$0x1FC00] =	vst v63  }
0xbe: {  	s2 =	sshll.u32 @!p1 s31, $0x8;
	_ =	swait.ge [sflag:s20], $0x3000  }
0xbf: {  	s3 =	simm.s32 @!p1 $0x60;
	s2 =	sand.u32 @!p1 $0x3FFFFF00, s2;
	[sflag:s20] =	ssyncset.done $0x0  }
0xc0: {  	s5 =	simm.s32 @!p1 $0x5F80;
	s2 =	sadd.s32 @!p1 $0x100, s2;
	[sflag:s20] =	ssyncadd.s32 $0xFFFFD000  }
0xc1: {  	[tilespmem:s5], [sflag:$0x1] =	stream.indirect.gather @!p1 [hbm4b:s4+s3], $0x80, s2, s3, $0xb8;
	[tilespmem:$0x1FC00] =	vst v63  }
0xc2: {  	_ =	swait.ge [sflag:s23], $0x3000  }
0xc3: {  	[sflag:s23] =	ssyncset.done $0x0  }
0xc4: {  	[sflag:s23] =	ssyncadd.s32 $0xFFFFD000  }
0xc5: {  	v7 =	vld [tilespmem:s0+$0x1C00];
	_ =	sdelay $0x6  }
0xc6: {  	v8 =	vld.idx.msk [tilespmem:v1+s26+$0x0], $0xffff  }
0xc7: {  	v7 =	vld.idx.msk [tilespmem:v7+s21+$0x0], $0xffff;
	_ =	sdelay $0x4  }
0xc8: {  	v7 =	vadd.f32 v7, v8;
	_ =	sdelay $0x1  }
0xc9: {  	v8 =	vmul.f32 $2.000000030e-01, v7  }
0xca: {  	vm0 =	vgt.f32 v7, $0.0e+00  }
0xcb: {  	v7 =	vsel vm0, v7, v8  }
0xcc: {  	v7 =	vmul.f32 $1.442695020e+00, v7;
	_ =	sdelay $0x1  }
0xcd: {  	(erf) = vpow2.f32 v7;
	_ =	sdelay $0x8  }
0xce: {  	v7 =	vpop (erf)  }
0xcf: {  	[tilespmem:$0xBF80] =	vst v7  }
0xd0: {  	v7 =	vld [tilespmem:s18+$0x1C90];
	_ =	sdelay $0x6  }
0xd1: {  	v8 =	vld.idx.msk [tilespmem:v2+s26+$0x0], $0xffff  }
0xd2: {  	v7 =	vld.idx.msk [tilespmem:v7+s21+$0x0], $0xffff;
	_ =	sdelay $0x4  }
0xd3: {  	v7 =	vadd.f32 v7, v8;
	_ =	sdelay $0x1  }
0xd4: {  	v8 =	vmul.f32 $2.000000030e-01, v7  }
0xd5: {  	vm11 =	vgt.f32 v7, $0.0e+00  }
0xd6: {  	v7 =	vsel vm11, v7, v8  }
0xd7: {  	v7 =	vmul.f32 $1.442695020e+00, v7;
	_ =	sdelay $0x1  }
0xd8: {  	(erf) = vpow2.f32 v7;
	_ =	sdelay $0x8  }
0xd9: {  	v7 =	vpop (erf)  }
0xda: {  	[tilespmem:$0xBF90] =	vst v7  }
0xdb: {  	v7 =	vld [tilespmem:s18+$0x1CA0];
	_ =	sdelay $0x6  }
0xdc: {  	v8 =	vld.idx.msk [tilespmem:v3+s26+$0x0], $0xffff  }
0xdd: {  	v7 =	vld.idx.msk [tilespmem:v7+s21+$0x0], $0xffff;
	_ =	sdelay $0x4  }
0xde: {  	v7 =	vadd.f32 v7, v8;
	_ =	sdelay $0x1  }
0xdf: {  	v8 =	vmul.f32 $2.000000030e-01, v7  }
0xe0: {  	vm12 =	vgt.f32 v7, $0.0e+00  }
0xe1: {  	v7 =	vsel vm12, v7, v8  }
0xe2: {  	v7 =	vmul.f32 $1.442695020e+00, v7;
	_ =	sdelay $0x1  }
0xe3: {  	(erf) = vpow2.f32 v7;
	_ =	sdelay $0x8  }
0xe4: {  	v7 =	vpop (erf)  }
0xe5: {  	[tilespmem:$0xBFA0] =	vst v7  }
0xe6: {  	v7 =	vld [tilespmem:s18+$0x1CB0];
	_ =	sdelay $0x6  }
0xe7: {  	v8 =	vld.idx.msk [tilespmem:v4+s26+$0x0], $0xffff  }
0xe8: {  	v7 =	vld.idx.msk [tilespmem:v7+s21+$0x0], $0xffff;
	_ =	sdelay $0x4  }
0xe9: {  	v7 =	vadd.f32 v7, v8;
	_ =	sdelay $0x1  }
0xea: {  	v8 =	vmul.f32 $2.000000030e-01, v7  }
0xeb: {  	vm13 =	vgt.f32 v7, $0.0e+00  }
0xec: {  	v7 =	vsel vm13, v7, v8  }
0xed: {  	v7 =	vmul.f32 $1.442695020e+00, v7;
	_ =	sdelay $0x1  }
0xee: {  	(erf) = vpow2.f32 v7;
	_ =	sdelay $0x8  }
0xef: {  	v7 =	vpop (erf)  }
0xf0: {  	[tilespmem:$0xBFB0] =	vst v7  }
0xf1: {  	v7 =	vld [tilespmem:s18+$0x1CC0];
	_ =	sdelay $0x6  }
0xf2: {  	v8 =	vld.idx.msk [tilespmem:v5+s26+$0x0], $0xffff  }
0xf3: {  	v7 =	vld.idx.msk [tilespmem:v7+s21+$0x0], $0xffff;
	_ =	sdelay $0x4  }
0xf4: {  	v7 =	vadd.f32 v7, v8;
	_ =	sdelay $0x1  }
0xf5: {  	v8 =	vmul.f32 $2.000000030e-01, v7  }
0xf6: {  	vm14 =	vgt.f32 v7, $0.0e+00  }
0xf7: {  	v7 =	vsel vm14, v7, v8  }
0xf8: {  	v7 =	vmul.f32 $1.442695020e+00, v7;
	_ =	sdelay $0x1  }
0xf9: {  	(erf) = vpow2.f32 v7;
	_ =	sdelay $0x8  }
0xfa: {  	v7 =	vpop (erf)  }
0xfb: {  	[tilespmem:$0xBFC0] =	vst v7  }
0xfc: {  	v7 =	vld [tilespmem:s18+$0x1CD0];
	_ =	sdelay $0x6  }
0xfd: {  	v8 =	vld.idx.msk [tilespmem:v6+s26+$0x0], $0xffff  }
0xfe: {  	v7 =	vld.idx.msk [tilespmem:v7+s21+$0x0], $0xffff;
	_ =	sdelay $0x4  }
0xff: {  	v7 =	vadd.f32 v7, v8;
	_ =	sdelay $0x1  }
0x100: {  	v8 =	vmul.f32 $2.000000030e-01, v7  }
0x101: {  	vm15 =	vgt.f32 v7, $0.0e+00  }
0x102: {  	v7 =	vsel vm15, v7, v8  }
0x103: {  	v7 =	vmul.f32 $1.442695020e+00, v7;
	_ =	sdelay $0x1  }
0x104: {  	(erf) = vpow2.f32 v7;
	_ =	sdelay $0x5  }
0x105: {  	s6 =	simm.s32 $0x0  }
0x106: {  	v7 =	vmov s6;
	_ =	sdelay $0x1  }
0x107: {  	v8 =	vpop (erf)  }
0x108: {  	s2 =	simm.s32 $0x8FA0;
	[tilespmem:$0xBFD0] =	vst v8  }
0x109: {  	v10 =	vld [tilespmem:s2+$0xFFFFFFF0]  }
0x10a: {  	v8 =	vld.idx.msk [tilespmem:v7+s28+$0x0], $0xffff  }
0x10b: {  	v11 =	vld [tilespmem:s2+$0xFFFFFFE0]  }
0x10c: {  	v9 =	vld [tilespmem:s2+$0x0];
	_ =	sdelay $0x2  }
0x10d: {  	s18 =	simm.s32 $0x1  }
0x10e: {  	s5 =	simm.s32 $0x2;
	s3 =	simm.s32 $0x8FA0;
	s0 =	sadd.s32 $0x1C00, s0;
	v7 =	vmov s18;
	v11 =	vmul.f32 v11, v8;
	v10 =	vmul.f32 v10, v8  }
.LBB2_7:
0x10f: {  	p1 =	sne.s32 s5, $0x5F;
	v8 =	vmul.f32 v9, v8  }
0x110: {  	[tilespmem:s2+$0xFFFFFFE0] =	vst v11  }
0x111: {  	s2 =	sadd.s32 $0x80, s2;
	[tilespmem:s3+$0xFFFFFFF0] =	vst v10  }
0x112: {  	v10 =	vld [tilespmem:s2+$0xFFFFFFF0];
	[tilespmem:s3+$0x0] =	vst v8;
	s3 =	smov.u32 s2  }
0x113: {  	v8 =	vld.idx.msk [tilespmem:v7+s28+$0x0], $0xffff  }
0x114: {  	v11 =	vld [tilespmem:s2+$0xFFFFFFE0]  }
.Ltmp2:
0x115: {  	v9 =	vld [tilespmem:s2+$0x0];
	(pc) =	sbr.rel @p1 .LBB2_7-.Ltmp2, $2  }
0x116: {  	_ =	sdelay $0x2  }
0x117: {  	v7 =	vmov s5;
	s5 =	sadd.s32 $0x1, s5;
	v10 =	vmul.f32 v10, v8;
	v11 =	vmul.f32 v11, v8  }
0x118: {  	_ = 	snop  }
0x119: {  	v8 =	vmul.f32 v9, v8;
	[tilespmem:s2+$0xFFFFFFE0] =	vst v11  }
0x11a: {  	s18 =	sadd.s32 $0x80, s2;
	[tilespmem:s3+$0xFFFFFFF0] =	vst v10  }
0x11b: {  	v63 =	vld [tilespmem:s18+$0xFFFFFFF0];
	[tilespmem:s3+$0x0] =	vst v8  }
0x11c: {  	v7 =	vld.idx.msk [tilespmem:v7+s28+$0x0], $0xffff  }
0x11d: {  	v8 =	vld [tilespmem:s18+$0xFFFFFFE0];
	_ =	sdelay $0x1  }
0x11e: {  	v10 =	vld [tilespmem:s18+$0x0];
	_ =	sdelay $0x2  }
0x11f: {  	v8 =	vmul.f32 v8, v7  }
0x120: {  	v9 =	vmul.f32 v63, v7  }
0x121: {  	s31 =	sadd.s32 $0x1, s31;
	v7 =	vmul.f32 v10, v7;
	[tilespmem:s18+$0xFFFFFFE0] =	vst v8  }
0x122: {  	p1 =	sne.s32 s31, $0x1C;
	[tilespmem:s18+$0xFFFFFFF0] =	vst v9  }
.Ltmp3:
0x123: {  	[tilespmem:s18+$0x0] =	vst v7;
	(pc) =	sbr.rel @p1 .LBB2_4-.Ltmp3, $4  }
0x124: {  	[spmem:s1] =	stream.indirect.scatter.add.f32 [tilespmem:s26], [sflag:$0x3], $0x80, s0, s24, $0xb8;
	[tilespmem:$0x1FC00] =	vst v63  }
0x125: {  	_ =	swait.ge [sflag:s20], $0x3000  }
0x126: {  	[sflag:s20] =	ssyncset.done $0x0  }
0x127: {  	[sflag:s20] =	ssyncadd.s32 $0xFFFFD000  }
0x128: {  	[bflag:$0x0] =	sbarrier.arrive $0xFFFF;
	s0 =	simm.s32 @p0 $0x1FC3  }
0x129: {  	[hbm:s16], [sflag:s0] =	dma.local @p0 [spmem:s25], $0x2080  }
0x12a: {  	s0 =	simm.s32 @p0 $0x3  }
0x12b: {  	s2 =	stileid.u32;
	s29 =	sadd.s32 $0x1, s29;
	_ =	swait.ge @p0 [sflag:s0], $0x2080  }
0x12c: {  	s2 =	sshll.u32 @!p0 s2, $0x6;
	p1 =	sne.s32 s29, s17;
	[sflag:s0] =	ssyncset.done @p0 $0x0  }
0x12d: {  	[sflag:s0] =	ssyncadd.s32 @p0 $0xFFFFDF80;
	s0 =	sor.u32 @!p0 $0x1C03, s2;
	s2 =	sshrl.u32 @!p0 s7, $0x3  }
0x12e: {  	[hbm:s15], [sflag:s0] =	dma.local @!p0 [spmem:s2], $0x2780  }
.Ltmp4:
0x12f: {  	_ = 	snop;
	(pc) =	sbr.rel @p1 .LBB2_1-.Ltmp4, $4  }
0x130: {  	s0 =	simm.s32 @!p0 $0x3  }
0x131: {  	_ =	swait.ge @!p0 [sflag:s0], $0x2780  }
0x132: {  	[sflag:s0] =	ssyncset.done @!p0 $0x0  }
0x133: {  	[sflag:s0] =	ssyncadd.s32 @!p0 $0xFFFFD880  }
0x134: {  	_ =	sfence.sel $0x180000  }
0x135: {  	[bflag:$0x0] =	sbarrier.arrive $0xFFFF  }
0x136: {  	_ =	strace $0x9000004D  }
0x137: {  	s0 =	stileid.u32;
	[bflag:$0x2] =	sbarrier.arrive $0xFFFF  }
0x138: {  	p0 =	sne.s32 s0, $0x0;
	s0 =	rddreg [dreg:$0x3]  }
0x139: {  	s0 =	sadd.s32 @!p0 $0x100000, s0  }
0x13a: {  	[sflag:s0] =	ssyncadd.tile.s32 @!p0 $0x1;
	_ =	shalt  }
.Lfunc_end2:
_tile_overlayer_lowered:
.L_overlay_start_2:
0x13b: {  	(tag) =	ssettag $0x2  }
0x13c: {  	s0 =	rddreg [dreg:$0x0];
	s2 =	stileid.u32  }
0x13d: {  	s1 =	rddreg [dreg:$0x1];
	p0 =	sne.s32 s2, $0x0  }
0x13e: {  	s3 =	rddreg [dreg:$0x2];
	[bflag:$0x3] =	sbarrier.arrive $0xFFFF;
	s2 =	simm.s32 @!p0 $0x1C03  }
0x13f: {  	[timem:s3], [sflag:s2] =	dma.local @!p0 [hbm:s0], s1  }
0x140: {  	s0 =	simm.s32 @!p0 $0x3  }
0x141: {  	_ =	swait.ge @!p0 [sflag:s0], s1  }
0x142: {  	s1 =	ssub.s32 @!p0 $0x0, s1;
	[sflag:s0] =	ssyncset.done @!p0 $0x0  }
0x143: {  	[sflag:s0] =	ssyncadd.s32 @!p0 s1  }
0x144: {  	[bflag:$0x3] =	sbarrier.arrive $0xFFFF  }
0x145: {  	_ =	shalt  }

// kernel: kernel.9.cloned.1.call-start
scs
__scs_entry_jumppad:
0x0: {  	(pc) =	sbr.rel $0x88, $3  }
0x1: {  	(tag) =	ssettag $0x0;
	lr =	simm.s32 $0x1  }
0x2: {  	[smem:$0x3F93] =	sst lr;
	_ =	strace $0xD0000000  }
0x3: {  	_ = 	snop  }
0x4: {  	_ = 	snop  }
0x5: {  	_ = 	snop  }
0x6: {  	_ = 	snop  }
0x7: {  	_ = 	snop  }
__scs_overlays_trampoline_lowered:
0x8: {  	[smem:$0x3FA2] =	sst s0  }
0x9: {  	[smem:$0x3FA3] =	sst s1  }
0xa: {  	[smem:$0x3FA4] =	sst s2  }
0xb: {  	[smem:$0x3FA5] =	sst s3  }
0xc: {  	[smem:$0x3FA6] =	sst s4  }
0xd: {  	[smem:$0x3FA7] =	sst s5  }
0xe: {  	[smem:$0x3FA8] =	sst s6  }
0xf: {  	[smem:$0x3FA9] =	sst s7  }
0x10: {  	[smem:$0x3FAA] =	sst s8  }
0x11: {  	[smem:$0x3FAB] =	sst s9;
	s0 =	simm.s32 @!p0 $0x0  }
0x12: {  	s1 =	sld [smem:$0x3F91];
	s0 =	simm.s32 @p0 $0x1  }
0x13: {  	[smem:$0x3FAC] =	sst s0;
	s0 =	simm.s32 @!p1 $0x0  }
0x14: {  	s2 =	sld [smem:$0x3F90];
	s0 =	simm.s32 @p1 $0x1  }
0x15: {  	[smem:$0x3FAD] =	sst s0;
	s0 =	simm.s32 @!p2 $0x0  }
0x16: {  	s3 =	sld [smem:$0x3FDB];
	s0 =	simm.s32 @p2 $0x1  }
0x17: {  	s4 =	simm.s32 $0x1BF5;
	[smem:$0x3FAF] =	sst s0  }
0x18: {  	s0 =	sld [smem:$0x3F92];
	_ =	swait.ge [sflag:s4], $0x0  }
0x19: {  	s7 =	sld [smem:$0x3F93]  }
0x1a: {  	s8 =	sadd.s32 $0xFFFFE003, lr  }
0x1b: {  	s9 =	sadd.s32 $0xFFFFFEF7, lr;
	s5 =	simm.s32 $0xFFFFFFFF;
	p2 =	slt.u32 s8, $0xFFFFF086  }
0x1c: {  	p1 =	slt.u32 s9, $0xF7A;
	s5 =	simm.s32 @!p2 $0x0  }
0x1d: {  	s5 =	simm.s32 @p1 $0x1;
	p0 =	seq.s32 s7, s2  }
0x1e: {  	s7 =	smul.u32 @!p0 $0xF7A, s2;
	p2 =	seq.s32 @!p0 s5, $0x0  }
0x1f: {  	s9 =	smul.u32 $0xF7A, s1;
	s8 =	simm.s32 @!p0 $0x1BF5;
	p2 =	por !p2, p0  }
0x20: {  	[sflag:s8] =	ssyncset.s32 @!p0 $0xFFFFF086;
	s6 =	sadd.s32 @!p0 s3, s7;
	s7 =	simm.s32 @!p0 $0x108  }
0x21: {  	s3 =	sadd.s32 s3, s9;
	s6 =	sadd.s32 @!p0 $0x88, s6;
	s7 =	simm.s32 @p2 $0x1082  }
0x22: {  	[simem:s7], [sflag:s8] =	dma.local @!p0 [hbm:s6], $0xF7A  }
0x23: {  	s9 =	sor.u32 $0xD0000000, s2;
	s6 =	simm.s32 $0x108;
	_ =	swait.ge @!p0 [sflag:s8], $0x0  }
0x24: {  	s3 =	sadd.s32 $0x88, s3;
	s6 =	simm.s32 @!p1 $0x1082;
	[sflag:s4] =	ssyncset.s32 $0xFFFFF086  }
0x25: {  	[simem:s6], [sflag:s4] =	dma.local [hbm:s3], $0xF7A  }
0x26: {  	[smem:$0x3F93] =	sst s1;
	(tag) =	ssettag s2;
	_ =	strace s9  }
0x27: {  	s1 =	sld [smem:$0x3FA3]  }
0x28: {  	s2 =	sld [smem:$0x3FA4]  }
0x29: {  	s4 =	sld [smem:$0x3FA6]  }
0x2a: {  	p0 =	seq.s32 s5, $0x0;
	s5 =	sld [smem:$0x3FA7]  }
0x2b: {  	s6 =	sld [smem:$0x3FA8]  }
0x2c: {  	s7 =	sld [smem:$0x3FA9]  }
0x2d: {  	s3 =	simm.s32 $0x108;
	s8 =	sld [smem:$0x3FAA]  }
0x2e: {  	s3 =	simm.s32 @!p0 $0x1082;
	s9 =	sld [smem:$0x3FAB]  }
0x2f: {  	lr =	sadd.s32 s0, s3;
	s0 =	sld [smem:$0x3FA2]  }
0x30: {  	s3 =	sld [smem:$0x3FA5]  }
0x31: {  	[smem:$0x3FAE] =	sst s10  }
0x32: {  	s10 =	sld [smem:$0x3FAC];
	_ =	sdelay $0x3  }
0x33: {  	p0 =	seq.s32 s10, $0x1;
	s10 =	sld [smem:$0x3FAE];
	_ =	sdelay $0x3  }
0x34: {  	[smem:$0x3FAE] =	sst s10  }
0x35: {  	s10 =	sld [smem:$0x3FAD];
	_ =	sdelay $0x3  }
0x36: {  	p1 =	seq.s32 s10, $0x1;
	s10 =	sld [smem:$0x3FAE];
	_ =	sdelay $0x3  }
0x37: {  	[smem:$0x3FAE] =	sst s10  }
0x38: {  	s10 =	sld [smem:$0x3FAF]  }
0x39: {  	_ = 	snop;
	(pc) =	sbr.ind lr, $3  }
0x3a: {  	_ = 	snop  }
0x3b: {  	_ = 	snop  }
0x3c: {  	p2 =	seq.s32 s10, $0x1;
	s10 =	sld [smem:$0x3FAE]  }
0x3d: {  	_ =	shalt  }
0x3e: {  	_ =	shalt  }
0x3f: {  	_ =	shalt  }
0x40: {  	_ =	shalt  }
0x41: {  	_ =	shalt  }
0x42: {  	_ =	shalt  }
0x43: {  	_ =	shalt  }
0x44: {  	_ =	shalt  }
0x45: {  	_ =	shalt  }
0x46: {  	_ =	shalt  }
0x47: {  	_ =	shalt  }
0x48: {  	_ =	shalt  }
0x49: {  	_ =	shalt  }
0x4a: {  	_ =	shalt  }
0x4b: {  	_ =	shalt  }
0x4c: {  	_ =	shalt  }
0x4d: {  	_ =	shalt  }
0x4e: {  	_ =	shalt  }
0x4f: {  	_ =	shalt  }
0x50: {  	_ =	shalt  }
0x51: {  	_ =	shalt  }
0x52: {  	_ =	shalt  }
0x53: {  	_ =	shalt  }
0x54: {  	_ =	shalt  }
0x55: {  	_ =	shalt  }
0x56: {  	_ =	shalt  }
0x57: {  	_ =	shalt  }
0x58: {  	_ =	shalt  }
0x59: {  	_ =	shalt  }
0x5a: {  	_ =	shalt  }
0x5b: {  	_ =	shalt  }
0x5c: {  	_ =	shalt  }
0x5d: {  	_ =	shalt  }
0x5e: {  	_ =	shalt  }
0x5f: {  	_ =	shalt  }
0x60: {  	_ =	shalt  }
0x61: {  	_ =	shalt  }
0x62: {  	_ =	shalt  }
0x63: {  	_ =	shalt  }
0x64: {  	_ =	shalt  }
0x65: {  	_ =	shalt  }
0x66: {  	_ =	shalt  }
0x67: {  	_ =	shalt  }
0x68: {  	_ =	shalt  }
0x69: {  	_ =	shalt  }
0x6a: {  	_ =	shalt  }
0x6b: {  	_ =	shalt  }
0x6c: {  	_ =	shalt  }
0x6d: {  	_ =	shalt  }
0x6e: {  	_ =	shalt  }
0x6f: {  	_ =	shalt  }
0x70: {  	_ =	shalt  }
0x71: {  	_ =	shalt  }
0x72: {  	_ =	shalt  }
0x73: {  	_ =	shalt  }
0x74: {  	_ =	shalt  }
0x75: {  	_ =	shalt  }
0x76: {  	_ =	shalt  }
0x77: {  	_ =	shalt  }
0x78: {  	_ =	shalt  }
0x79: {  	_ =	shalt  }
0x7a: {  	_ =	shalt  }
0x7b: {  	_ =	shalt  }
0x7c: {  	_ =	shalt  }
0x7d: {  	_ =	shalt  }
0x7e: {  	_ =	shalt  }
0x7f: {  	_ =	shalt  }
0x80: {  	_ =	shalt  }
0x81: {  	_ =	shalt  }
0x82: {  	_ =	shalt  }
0x83: {  	_ =	shalt  }
0x84: {  	_ =	shalt  }
0x85: {  	_ =	shalt  }
0x86: {  	_ =	shalt  }
0x87: {  	_ =	shalt  }
.Lfunc_end0:
.L_simem_size_0:
called_computation_lowered:
.L_overlay_start_0:
0x88: {  	s2 =	sld [smem:$0x3FD9]  }
0x89: {  	s3 =	sld [smem:$0x3FFE];
	_ =	sdelay $0x1  }
0x8a: {  	s1 =	srdreg.scid  }
0x8b: {  	s0 =	sand.u32 $0x1, s1  }
0x8c: {  	s17 =	sshll.u32 s0, $0xA;
	s2 =	sadd.s32 s3, s2  }
0x8d: {  	s2 =	sadd.s32 s2, s17  }
0x8e: {  	[smem:$0x3FBA] =	sst s2  }
0x8f: {  	_ = 	snop  }
0x90: {  	s2 =	sld [smem:$0x3FD0];
	(tm) =	ssettm $0x1  }
0x91: {  	s18 =	sld [smem:$0x3FFB];
	_ =	sdelay $0x3  }
0x92: {  	_ =	strace s18  }
0x93: {  	s3 =	sld [smem:$0x3FFC];
	_ =	sdelay $0x3  }
0x94: {  	_ =	strace s3  }
0x95: {  	s3 =	sld [smem:$0x3FFD];
	_ =	sdelay $0x3  }
0x96: {  	_ =	strace s3  }
0x97: {  	_ =	strace $0x8FFFFFFF  }
0x98: {  	s19 =	sld [smem:$0x3FDB];
	_ =	sdelay $0x1  }
0x99: {  	s4 =	simm.s32 $_scs_section_size  }
0x9a: {  	s5 =	simm.s32 $_size__tile_overlayer_lowered;
	s6 =	simm.s32 $_tile_overlayer_lowered  }
0x9b: {  	s22 =	simm.s32 $0x1BFF;
	s21 =	sshll.u32 s6, $0x1;
	s3 =	sadd.s32 s4, s19  }
0x9c: {  	s7 =	simm.s32 $0x0;
	s20 =	sshll.u32 s5, $0x1;
	s5 =	sadd.s32 s21, s3  }
0x9d: {  	[timem:s7], [sflag:s22] =	dma.local [hbm:s5], s20  }
0x9e: {  	_ =	swait.ge [sflag:s22], s20  }
0x9f: {  	s4 =	ssub.s32 $0x0, s20;
	[sflag:s22] =	ssyncset.done $0x0  }
0xa0: {  	[sflag:s22] =	ssyncadd.s32 s4;
	_ =	sdelay $0x1  }
0xa1: {  	s23 =	simm.s32 $0x1B8B  }
0xa2: {  	_ =	swait.ge [sflag:s23], $0x1  }
0xa3: {  	[sflag:s23] =	ssyncset.done $0x0  }
0xa4: {  	s25 =	simm.s32 $0x1B8E;
	s24 =	sld [smem:$0x3FFE];
	[sflag:s23] =	ssyncadd.s32 $0xFFFFFFFF  }
0xa5: {  	s26 =	simm.s32 $execute0_lowered;
	[smem:$0x3FD2] =	sst s25  }
0xa6: {  	s5 =	sshll.u32 s26, $0x1;
	_ =	strace $0x80000046;
	[dreg:$0x1] =	wrdreg $0xFFFFFFFF  }
0xa7: {  	s28 =	simm.s32 $_size_execute0_lowered;
	s3 =	sadd.s32 s3, s5;
	[dreg:$0x0] =	wrdreg $0x0  }
0xa8: {  	s5 =	sshll.u32 s28, $0x1;
	[dreg:$0x2] =	wrdreg s3  }
0xa9: {  	[dreg:$0x3] =	wrdreg s5  }
0xaa: {  	[dreg:$0x4] =	wrdreg $0xC0  }
0xab: {  	_ =	task [dreg:s7], $0x5FFFF  }
0xac: {  	[dreg:$0x1] =	wrdreg $0xFFFFFFFF  }
0xad: {  	[dreg:$0x0] =	wrdreg $0x60  }
0xae: {  	[dreg:$0x2] =	wrdreg s24  }
0xaf: {  	[dreg:$0x3] =	wrdreg s2  }
0xb0: {  	[dreg:$0x4] =	wrdreg $0xC0000  }
0xb1: {  	[dreg:$0x5] =	wrdreg $0x9  }
0xb2: {  	_ =	task.clear_ibuf [dreg:s7], $0x6FFFF;
	_ =	strace $0x90000046  }
0xb3: {  	s29 =	simm.s32 $0x9;
	_ =	strace $0x80000048  }
0xb4: {  	_ =	swait.ge [sflag:s29], $0x1  }
0xb5: {  	[sflag:s29] =	ssyncadd.s32 $0xFFFFFFFF  }
0xb6: {  	_ =	strace $0x90000048  }
0xb7: {  	_ =	sfence  }
0xb8: {  	s30 =	sld [smem:$0x0];
	_ =	sdelay $0x2  }
0xb9: {  	s31 =	sshll.u32 s1, $0xD;
	s1 =	sshrl.u32 s1, $0x2  }
0xba: {  	s3 =	sand.u32 $0x4000, s31;
	s1 =	sadd.s32 s1, s30  }
0xbb: {  	s0 =	sor.u32 s3, s0;
	s1 =	sshll.u32 s1, $0x11  }
0xbc: {  	s0 =	sor.u32 s1, s0  }
0xbd: {  	s0 =	sadd.s32 $0x8F2B, s0  }
0xbe: {  	[sflag:s0] =	ssyncadd.remote.s32 $0x1  }
0xbf: {  	_ =	sfence.sel $0xFFFF  }
0xc0: {  	[dreg:$0x0] =	wrdreg $0xFFFFFFFF;
	(pc) =	sbr.abs _section_cstart, $3  }
0xc1: {  	[dreg:$0x1] =	wrdreg $0xFFFFFFFF  }
0xc2: {  	_ =	task.clear_ibuf [dreg:s7], $0x2FFFF;
	_ =	strace $0x9FFFFFFF  }
0xc3: {  	(tm) =	ssettm $0x7FFFFFFF  }
tec
execute0_lowered:
.L_overlay_start_1:
0x0: {  	(tag) =	ssettag $0x1  }
0x1: {  	s0 =	rddreg [dreg:$0x0]  }
0x2: {  	s2 =	rddreg [dreg:$0x1]  }
0x3: {  	s1 =	rddreg [dreg:$0x2];
	s3 =	srdreg.scid  }
0x4: {  	s5 =	simm.s32 $0x0;
	s18 =	stileid.u32;
	s19 =	simm.s32 $0x5F80  }
0x5: {  	s20 =	simm.s32 $0x3;
	s21 =	simm.s32 $0x3800;
	s22 =	simm.s32 $0x1  }
0x6: {  	s23 =	simm.s32 $0x2;
	s28 =	simm.s32 $0xBF80;
	s29 =	simm.s32 $0x0  }
0x7: {  	s30 =	simm.s32 $0x0;
	s3 =	sand.u32 $0x1, s3;
	s7 =	smul.u32 $0x4F000, s18  }
0x8: {  	[smem:$0x7FF] =	sst s5;
	s6 =	sadd.s32 $0x31200, s0;
	s26 =	smul.u32 $0x13C00, s18  }
0x9: {  	p0 =	seq.s32 s18, $0xF;
	s4 =	sshll.u32 s3, $0x4;
	_ =	strace $0x80000047  }
0xa: {  	[dreg:$0x4] =	wrdreg s6;
	s25 =	ssub.s32 $0x2, s3;
	s3 =	smul.u32 $0x138800, s3  }
0xb: {  	s24 =	sor.u32 s18, s4;
	s4 =	sadd.s32 $0xA000, s0;
	s7 =	sshrl.u32 s7, $0x2  }
0xc: {  	s9 =	sshrl.u32 s25, $0x1;
	s5 =	smul.u32 $0x380, s24;
	s7 =	sadd.s32 s7, s1  }
0xd: {  	s6 =	ssub.s32 s25, s9;
	s24 =	simm.s32 $0x60;
	s9 =	sadd.s32 $0x3000, s7  }
0xe: {  	s10 =	sadd.s32 $0x6000, s7;
	s11 =	sadd.s32 $0x9000, s7;
	s12 =	sadd.s32 $0xC000, s7  }
0xf: {  	v0 =	vlaneseq.u32;
	s13 =	sadd.s32 $0xF000, s7;
	s14 =	sadd.s32 $0x12000, s7;
	s2 =	sadd.s32 s2, s5  }
0x10: {  	v6 =	vmul.u32 $0x80, v0;
	s8 =	sadd.s32 s5, s0;
	[dreg:$0x5] =	wrdreg s2;
	s2 =	sadd.s32 s26, s3  }
0x11: {  	s0 =	sadd.s32 $0x31800, s0;
	s3 =	sshrl.u32 s3, $0x3;
	s2 =	sshrl.u32 s2, $0x3  }
0x12: {  	v1 =	vor.u32 $0x65, v6;
	s17 =	smax.u32 s6, $0x1;
	s15 =	sadd.s32 s0, s2;
	s0 =	sadd.s32 s0, s3  }
0x13: {  	v0 =	vimm.f32 $0.0e+00;
	v2 =	vor.u32 $0x865, v6;
	v3 =	vor.u32 $0x1065, v6;
	s31 =	sadd.s32 $0x3000, s8;
	s16 =	sadd.s32 $0x25080, s0;
	s0 =	sadd.s32 $0x128400, s1  }
0x14: {  	v4 =	vor.u32 $0x1865, v6;
	v5 =	vor.u32 $0x2065, v6;
	v6 =	vor.u32 $0x2865, v6;
	s26 =	simm.s32 $0x8F80;
	[dreg:$0x6] =	wrdreg s31;
	s25 =	sshrl.u32 @p0 s0, $0x3  }
.LBB2_1:
0x15: {  	s0 =	simm.s32 $0x0;
	s2 =	rddreg [dreg:$0x5]  }
0x16: {  	[tilespmem:s0], [sflag:$0x1] =	stream.linear.gather [hbm4b:s2+s0], $0x1C00, $0x38;
	[tilespmem:$0x1FC00] =	vst v63  }
0x17: {  	s31 =	rddreg [dreg:$0x6];
	s3 =	simm.s32 $0x1C00  }
0x18: {  	[tilespmem:s3], [sflag:$0x2] =	stream.linear.gather [hbm4b:s31+s0], $0x1C00, $0x38;
	[tilespmem:$0x1FC00] =	vst v63  }
0x19: {  	s2 =	simm.s32 $0x200;
	s0 =	simm.s32 $0x0  }
.LBB2_2:
0x1a: {  	p1 =	sne.s32 s2, $0xBE00;
	[tilespmem:s0+$0x5FF0] =	vst v0  }
0x1b: {  	[tilespmem:s0+$0x5F80] =	vst v0  }
0x1c: {  	[tilespmem:s0+$0x5F90] =	vst v0  }
.Ltmp0:
0x1d: {  	[tilespmem:s0+$0x5FA0] =	vst v0;
	(pc) =	sbr.rel @p1 .LBB2_2-.Ltmp0, $4  }
0x1e: {  	[tilespmem:s0+$0x5FB0] =	vst v0  }
0x1f: {  	[tilespmem:s0+$0x5FC0] =	vst v0  }
0x20: {  	[tilespmem:s0+$0x5FD0] =	vst v0  }
0x21: {  	[tilespmem:s0+$0x5FE0] =	vst v0;
	s0 =	sshra.s32 s2, $0x2;
	s2 =	sadd.s32 $0x200, s2  }
0x22: {  	[tilespmem:s0+$0x5FF0] =	vst v0  }
0x23: {  	[tilespmem:s0+$0x5F80] =	vst v0  }
0x24: {  	[tilespmem:s0+$0x5F90] =	vst v0  }
0x25: {  	[tilespmem:s0+$0x5FA0] =	vst v0  }
0x26: {  	[tilespmem:s0+$0x5FB0] =	vst v0  }
0x27: {  	[tilespmem:s0+$0x5FC0] =	vst v0  }
0x28: {  	[tilespmem:s0+$0x5FD0] =	vst v0  }
0x29: {  	[tilespmem:s0+$0x5FE0] =	vst v0  }
0x2a: {  	[spmem:s7] =	stream.linear.scatter [tilespmem:s19], [sflag:$0x3], $0x3000, $0x38;
	[tilespmem:$0x1FC00] =	vst v63  }
0x2b: {  	_ =	swait.ge [sflag:s20], $0x3000  }
0x2c: {  	[sflag:s20] =	ssyncset.done $0x0  }
0x2d: {  	[sflag:s20] =	ssyncadd.s32 $0xFFFFD000  }
0x2e: {  	[spmem:s9] =	stream.linear.scatter [tilespmem:s19], [sflag:$0x3], $0x3000, $0x38;
	[tilespmem:$0x1FC00] =	vst v63  }
0x2f: {  	_ =	swait.ge [sflag:s20], $0x3000  }
0x30: {  	[sflag:s20] =	ssyncset.done $0x0  }
0x31: {  	[sflag:s20] =	ssyncadd.s32 $0xFFFFD000  }
0x32: {  	[spmem:s10] =	stream.linear.scatter [tilespmem:s19], [sflag:$0x3], $0x3000, $0x38;
	[tilespmem:$0x1FC00] =	vst v63  }
0x33: {  	_ =	swait.ge [sflag:s20], $0x3000  }
0x34: {  	[sflag:s20] =	ssyncset.done $0x0  }
0x35: {  	[sflag:s20] =	ssyncadd.s32 $0xFFFFD000  }
0x36: {  	[spmem:s11] =	stream.linear.scatter [tilespmem:s19], [sflag:$0x3], $0x3000, $0x38;
	[tilespmem:$0x1FC00] =	vst v63  }
0x37: {  	_ =	swait.ge [sflag:s20], $0x3000  }
0x38: {  	[sflag:s20] =	ssyncset.done $0x0  }
0x39: {  	[sflag:s20] =	ssyncadd.s32 $0xFFFFD000  }
0x3a: {  	[spmem:s12] =	stream.linear.scatter [tilespmem:s19], [sflag:$0x3], $0x3000, $0x38;
	[tilespmem:$0x1FC00] =	vst v63  }
0x3b: {  	_ =	swait.ge [sflag:s20], $0x3000  }
0x3c: {  	[sflag:s20] =	ssyncset.done $0x0  }
0x3d: {  	[sflag:s20] =	ssyncadd.s32 $0xFFFFD000  }
0x3e: {  	[spmem:s13] =	stream.linear.scatter [tilespmem:s19], [sflag:$0x3], $0x3000, $0x38;
	[tilespmem:$0x1FC00] =	vst v63  }
0x3f: {  	_ =	swait.ge [sflag:s20], $0x3000  }
0x40: {  	[sflag:s20] =	ssyncset.done $0x0  }
0x41: {  	[sflag:s20] =	ssyncadd.s32 $0xFFFFD000  }
0x42: {  	[spmem:s14] =	stream.linear.scatter [tilespmem:s19], [sflag:$0x3], $0x1C00, $0x38;
	[tilespmem:$0x1FC00] =	vst v63  }
0x43: {  	_ =	swait.ge [sflag:s20], $0x1C00  }
0x44: {  	[sflag:s20] =	ssyncset.done $0x0  }
0x45: {  	s18 =	rddreg [dreg:$0x4];
	[sflag:s20] =	ssyncadd.s32 $0xFFFFE400  }
0x46: {  	[tilespmem:s21], [sflag:$0x3] =	stream.linear.gather [hbm4b:s18+s30], $0x2710, $0x38;
	[tilespmem:$0x1FC00] =	vst v63  }
0x47: {  	_ =	swait.ge [sflag:s20], $0x2710  }
0x48: {  	[sflag:s20] =	ssyncset.done $0x0  }
0x49: {  	[sflag:s20] =	ssyncadd.s32 $0xFFFFD8F0  }
0x4a: {  	[tilespmem:$0x5F10] =	vst v0  }
0x4b: {  	[tilespmem:$0x5F20] =	vst v0  }
0x4c: {  	[tilespmem:$0x5F30] =	vst v0  }
0x4d: {  	[tilespmem:$0x5F40] =	vst v0  }
0x4e: {  	[tilespmem:$0x5F50] =	vst v0  }
0x4f: {  	[tilespmem:$0x5F60] =	vst v0  }
0x50: {  	[tilespmem:$0x5F70] =	vst v0  }
0x51: {  	_ =	swait.ge [sflag:s22], $0x1C00  }
0x52: {  	[sflag:s22] =	ssyncset.done $0x0  }
0x53: {  	[sflag:s22] =	ssyncadd.s32 $0xFFFFE400  }
0x54: {  	_ =	swait.ge [sflag:s23], $0x1C00  }
0x55: {  	[sflag:s23] =	ssyncset.done $0x0  }
0x56: {  	[sflag:s23] =	ssyncadd.s32 $0xFFFFE400  }
0x57: {  	s31 =	simm.s32 $0x0;
	[bflag:$0x0] =	sbarrier.arrive $0xFFFF  }
0x58: {  	[tilespmem:s19], [sflag:$0x1] =	stream.indirect.gather [hbm4b:s4+s24], $0x80, s30, s24, $0xb8;
	[tilespmem:$0x1FC00] =	vst v63  }
.LBB2_4:
0x59: {  	s18 =	sshll.u32 s31, $0x8  }
0x5a: {  	s0 =	sor.u32 $0x80, s18  }
0x5b: {  	[tilespmem:s26], [sflag:$0x2] =	stream.indirect.gather [hbm4b:s4+s24], $0x80, s0, s24, $0xb8;
	[tilespmem:$0x1FC00] =	vst v63  }
0x5c: {  	_ =	swait.ge [sflag:s22], $0x3000  }
0x5d: {  	[sflag:s22] =	ssyncset.done $0x0  }
0x5e: {  	[sflag:s22] =	ssyncadd.s32 $0xFFFFD000  }
0x5f: {  	v7 =	vld [tilespmem:s18+$0x1C00];
	_ =	sdelay $0x6  }
0x60: {  	v8 =	vld.idx.msk [tilespmem:v1+s19+$0x0], $0xffff  }
0x61: {  	v7 =	vld.idx.msk [tilespmem:v7+s21+$0x0], $0xffff;
	_ =	sdelay $0x4  }
0x62: {  	v7 =	vadd.f32 v7, v8;
	_ =	sdelay $0x1  }
0x63: {  	v8 =	vmul.f32 $2.000000030e-01, v7  }
0x64: {  	vm0 =	vgt.f32 v7, $0.0e+00  }
0x65: {  	v7 =	vsel vm0, v7, v8  }
0x66: {  	v7 =	vmul.f32 $1.442695020e+00, v7;
	_ =	sdelay $0x1  }
0x67: {  	(erf) = vpow2.f32 v7;
	_ =	sdelay $0x8  }
0x68: {  	v7 =	vpop (erf)  }
0x69: {  	[tilespmem:$0xBF80] =	vst v7  }
0x6a: {  	v7 =	vld [tilespmem:s18+$0x1C10];
	_ =	sdelay $0x6  }
0x6b: {  	v8 =	vld.idx.msk [tilespmem:v2+s19+$0x0], $0xffff  }
0x6c: {  	v7 =	vld.idx.msk [tilespmem:v7+s21+$0x0], $0xffff;
	_ =	sdelay $0x4  }
0x6d: {  	v7 =	vadd.f32 v7, v8;
	_ =	sdelay $0x1  }
0x6e: {  	v8 =	vmul.f32 $2.000000030e-01, v7  }
0x6f: {  	vm11 =	vgt.f32 v7, $0.0e+00  }
0x70: {  	v7 =	vsel vm11, v7, v8  }
0x71: {  	v7 =	vmul.f32 $1.442695020e+00, v7;
	_ =	sdelay $0x1  }
0x72: {  	(erf) = vpow2.f32 v7;
	_ =	sdelay $0x8  }
0x73: {  	v7 =	vpop (erf)  }
0x74: {  	[tilespmem:$0xBF90] =	vst v7  }
0x75: {  	v7 =	vld [tilespmem:s18+$0x1C20];
	_ =	sdelay $0x6  }
0x76: {  	v8 =	vld.idx.msk [tilespmem:v3+s19+$0x0], $0xffff  }
0x77: {  	v7 =	vld.idx.msk [tilespmem:v7+s21+$0x0], $0xffff;
	_ =	sdelay $0x4  }
0x78: {  	v7 =	vadd.f32 v7, v8;
	_ =	sdelay $0x1  }
0x79: {  	v8 =	vmul.f32 $2.000000030e-01, v7  }
0x7a: {  	vm12 =	vgt.f32 v7, $0.0e+00  }
0x7b: {  	v7 =	vsel vm12, v7, v8  }
0x7c: {  	v7 =	vmul.f32 $1.442695020e+00, v7;
	_ =	sdelay $0x1  }
0x7d: {  	(erf) = vpow2.f32 v7;
	_ =	sdelay $0x8  }
0x7e: {  	v7 =	vpop (erf)  }
0x7f: {  	[tilespmem:$0xBFA0] =	vst v7  }
0x80: {  	v7 =	vld [tilespmem:s18+$0x1C30];
	_ =	sdelay $0x6  }
0x81: {  	v8 =	vld.idx.msk [tilespmem:v4+s19+$0x0], $0xffff  }
0x82: {  	v7 =	vld.idx.msk [tilespmem:v7+s21+$0x0], $0xffff;
	_ =	sdelay $0x4  }
0x83: {  	v7 =	vadd.f32 v7, v8;
	_ =	sdelay $0x1  }
0x84: {  	v8 =	vmul.f32 $2.000000030e-01, v7  }
0x85: {  	vm13 =	vgt.f32 v7, $0.0e+00  }
0x86: {  	v7 =	vsel vm13, v7, v8  }
0x87: {  	v7 =	vmul.f32 $1.442695020e+00, v7;
	_ =	sdelay $0x1  }
0x88: {  	(erf) = vpow2.f32 v7;
	_ =	sdelay $0x8  }
0x89: {  	v7 =	vpop (erf)  }
0x8a: {  	[tilespmem:$0xBFB0] =	vst v7  }
0x8b: {  	v7 =	vld [tilespmem:s18+$0x1C40];
	_ =	sdelay $0x6  }
0x8c: {  	v8 =	vld.idx.msk [tilespmem:v5+s19+$0x0], $0xffff  }
0x8d: {  	v7 =	vld.idx.msk [tilespmem:v7+s21+$0x0], $0xffff;
	_ =	sdelay $0x4  }
0x8e: {  	v7 =	vadd.f32 v7, v8;
	_ =	sdelay $0x1  }
0x8f: {  	v8 =	vmul.f32 $2.000000030e-01, v7  }
0x90: {  	vm14 =	vgt.f32 v7, $0.0e+00  }
0x91: {  	v7 =	vsel vm14, v7, v8  }
0x92: {  	v7 =	vmul.f32 $1.442695020e+00, v7;
	_ =	sdelay $0x1  }
0x93: {  	(erf) = vpow2.f32 v7;
	_ =	sdelay $0x8  }
0x94: {  	v7 =	vpop (erf)  }
0x95: {  	[tilespmem:$0xBFC0] =	vst v7  }
0x96: {  	v7 =	vld [tilespmem:s18+$0x1C50];
	_ =	sdelay $0x6  }
0x97: {  	v8 =	vld.idx.msk [tilespmem:v6+s19+$0x0], $0xffff  }
0x98: {  	v7 =	vld.idx.msk [tilespmem:v7+s21+$0x0], $0xffff;
	_ =	sdelay $0x4  }
0x99: {  	v7 =	vadd.f32 v7, v8;
	_ =	sdelay $0x1  }
0x9a: {  	v8 =	vmul.f32 $2.000000030e-01, v7  }
0x9b: {  	vm15 =	vgt.f32 v7, $0.0e+00  }
0x9c: {  	v7 =	vsel vm15, v7, v8  }
0x9d: {  	v7 =	vmul.f32 $1.442695020e+00, v7;
	_ =	sdelay $0x1  }
0x9e: {  	(erf) = vpow2.f32 v7;
	_ =	sdelay $0x7  }
0x9f: {  	v7 =	vmov s30  }
0xa0: {  	v8 =	vpop (erf)  }
0xa1: {  	s2 =	simm.s32 $0x5FB0;
	[tilespmem:$0xBFD0] =	vst v8  }
0xa2: {  	v9 =	vld [tilespmem:s2+$0xFFFFFFF0]  }
0xa3: {  	v11 =	vld [tilespmem:s2+$0xFFFFFFD0]  }
0xa4: {  	v7 =	vld.idx.msk [tilespmem:v7+s28+$0x0], $0xffff  }
0xa5: {  	v12 =	vld [tilespmem:s2+$0x30]  }
0xa6: {  	v13 =	vld [tilespmem:s2+$0x20]  }
0xa7: {  	v8 =	vld [tilespmem:s2+$0x0]  }
0xa8: {  	v10 =	vld [tilespmem:s2+$0xFFFFFFE0]  }
0xa9: {  	v14 =	vmul.f32 v11, v7;
	v11 =	vld [tilespmem:s2+$0x10]  }
0xaa: {  	v12 =	vmul.f32 v12, v7  }
0xab: {  	s5 =	simm.s32 $0x1;
	s6 =	simm.s32 $0x5FB0;
	s3 =	sadd.s32 $0x1C00, s18;
	v9 =	vmul.f32 v9, v7;
	v13 =	vmul.f32 v13, v7  }
.LBB2_5:
0xac: {  	p1 =	sne.s32 s5, $0x5F  }
0xad: {  	[tilespmem:s2+$0xFFFFFFD0] =	vst v14;
	v10 =	vmul.f32 v10, v7;
	v8 =	vmul.f32 v8, v7;
	s6 =	sadd.s32 $0x80, s6;
	s8 =	smov.u32 s5;
	s5 =	sadd.s32 $0x1, s5  }
0xae: {  	v7 =	vmul.f32 v11, v7;
	[tilespmem:s2+$0x30] =	vst v12  }
0xaf: {  	v11 =	vmov s8;
	[tilespmem:s2+$0x20] =	vst v13  }
0xb0: {  	[tilespmem:s2+$0x0] =	vst v8  }
0xb1: {  	v13 =	vld [tilespmem:s6+$0xFFFFFFF0];
	[tilespmem:s2+$0x10] =	vst v7  }
0xb2: {  	v12 =	vld [tilespmem:s6+$0xFFFFFFD0];
	[tilespmem:s2+$0xFFFFFFF0] =	vst v9  }
0xb3: {  	v8 =	vld [tilespmem:s6+$0x0];
	[tilespmem:s2+$0xFFFFFFE0] =	vst v10;
	s2 =	smov.u32 s6  }
0xb4: {  	v7 =	vld.idx.msk [tilespmem:v11+s28+$0x0], $0xffff  }
0xb5: {  	v9 =	vld [tilespmem:s6+$0x30]  }
0xb6: {  	v15 =	vld [tilespmem:s6+$0x20]  }
.Ltmp1:
0xb7: {  	v10 =	vld [tilespmem:s6+$0xFFFFFFE0];
	(pc) =	sbr.rel @p1 .LBB2_5-.Ltmp1, $3  }
0xb8: {  	v11 =	vld [tilespmem:s6+$0x10];
	_ =	sdelay $0x1  }
0xb9: {  	v14 =	vmul.f32 v12, v7;
	v12 =	vmul.f32 v9, v7  }
0xba: {  	v9 =	vmul.f32 v13, v7;
	v13 =	vmul.f32 v15, v7  }
0xbb: {  	[tilespmem:s2+$0xFFFFFFD0] =	vst v14  }
0xbc: {  	[tilespmem:s2+$0x30] =	vst v12  }
0xbd: {  	v8 =	vmul.f32 v8, v7;
	[tilespmem:s2+$0x20] =	vst v13  }
0xbe: {  	v11 =	vmul.f32 v11, v7;
	[tilespmem:s2+$0xFFFFFFF0] =	vst v9  }
0xbf: {  	v7 =	vmul.f32 v10, v7;
	[tilespmem:s2+$0x0] =	vst v8  }
0xc0: {  	[tilespmem:s2+$0x10] =	vst v11  }
0xc1: {  	p1 =	seq.s32 s31, $0x1B;
	[tilespmem:s2+$0xFFFFFFE0] =	vst v7  }
0xc2: {  	[spmem:s1] =	stream.indirect.scatter.add.f32 [tilespmem:s19], [sflag:$0x3], $0x80, s3, s24, $0xb8;
	[tilespmem:$0x1FC00] =	vst v63  }
0xc3: {  	s2 =	sshll.u32 @!p1 s31, $0x8;
	_ =	swait.ge [sflag:s20], $0x3000  }
0xc4: {  	s5 =	simm.s32 @!p1 $0x5F80;
	s2 =	sand.u32 @!p1 $0x3FFFFF00, s2;
	[sflag:s20] =	ssyncset.done $0x0  }
0xc5: {  	s3 =	simm.s32 @!p1 $0x60;
	s2 =	sadd.s32 @!p1 $0x100, s2;
	[sflag:s20] =	ssyncadd.s32 $0xFFFFD000  }
0xc6: {  	[tilespmem:s5], [sflag:$0x1] =	stream.indirect.gather @!p1 [hbm4b:s4+s3], $0x80, s2, s3, $0xb8;
	[tilespmem:$0x1FC00] =	vst v63  }
0xc7: {  	_ =	swait.ge [sflag:s23], $0x3000  }
0xc8: {  	[sflag:s23] =	ssyncset.done $0x0  }
0xc9: {  	[sflag:s23] =	ssyncadd.s32 $0xFFFFD000  }
0xca: {  	v7 =	vld [tilespmem:s0+$0x1C00];
	_ =	sdelay $0x6  }
0xcb: {  	v8 =	vld.idx.msk [tilespmem:v1+s26+$0x0], $0xffff  }
0xcc: {  	v7 =	vld.idx.msk [tilespmem:v7+s21+$0x0], $0xffff;
	_ =	sdelay $0x4  }
0xcd: {  	v7 =	vadd.f32 v7, v8;
	_ =	sdelay $0x1  }
0xce: {  	v8 =	vmul.f32 $2.000000030e-01, v7  }
0xcf: {  	vm0 =	vgt.f32 v7, $0.0e+00  }
0xd0: {  	v7 =	vsel vm0, v7, v8  }
0xd1: {  	v7 =	vmul.f32 $1.442695020e+00, v7;
	_ =	sdelay $0x1  }
0xd2: {  	(erf) = vpow2.f32 v7;
	_ =	sdelay $0x8  }
0xd3: {  	v7 =	vpop (erf)  }
0xd4: {  	[tilespmem:$0xBF80] =	vst v7  }
0xd5: {  	v7 =	vld [tilespmem:s18+$0x1C90];
	_ =	sdelay $0x6  }
0xd6: {  	v8 =	vld.idx.msk [tilespmem:v2+s26+$0x0], $0xffff  }
0xd7: {  	v7 =	vld.idx.msk [tilespmem:v7+s21+$0x0], $0xffff;
	_ =	sdelay $0x4  }
0xd8: {  	v7 =	vadd.f32 v7, v8;
	_ =	sdelay $0x1  }
0xd9: {  	v8 =	vmul.f32 $2.000000030e-01, v7  }
0xda: {  	vm11 =	vgt.f32 v7, $0.0e+00  }
0xdb: {  	v7 =	vsel vm11, v7, v8  }
0xdc: {  	v7 =	vmul.f32 $1.442695020e+00, v7;
	_ =	sdelay $0x1  }
0xdd: {  	(erf) = vpow2.f32 v7;
	_ =	sdelay $0x8  }
0xde: {  	v7 =	vpop (erf)  }
0xdf: {  	[tilespmem:$0xBF90] =	vst v7  }
0xe0: {  	v7 =	vld [tilespmem:s18+$0x1CA0];
	_ =	sdelay $0x6  }
0xe1: {  	v8 =	vld.idx.msk [tilespmem:v3+s26+$0x0], $0xffff  }
0xe2: {  	v7 =	vld.idx.msk [tilespmem:v7+s21+$0x0], $0xffff;
	_ =	sdelay $0x4  }
0xe3: {  	v7 =	vadd.f32 v7, v8;
	_ =	sdelay $0x1  }
0xe4: {  	v8 =	vmul.f32 $2.000000030e-01, v7  }
0xe5: {  	vm12 =	vgt.f32 v7, $0.0e+00  }
0xe6: {  	v7 =	vsel vm12, v7, v8  }
0xe7: {  	v7 =	vmul.f32 $1.442695020e+00, v7;
	_ =	sdelay $0x1  }
0xe8: {  	(erf) = vpow2.f32 v7;
	_ =	sdelay $0x8  }
0xe9: {  	v7 =	vpop (erf)  }
0xea: {  	[tilespmem:$0xBFA0] =	vst v7  }
0xeb: {  	v7 =	vld [tilespmem:s18+$0x1CB0];
	_ =	sdelay $0x6  }
0xec: {  	v8 =	vld.idx.msk [tilespmem:v4+s26+$0x0], $0xffff  }
0xed: {  	v7 =	vld.idx.msk [tilespmem:v7+s21+$0x0], $0xffff;
	_ =	sdelay $0x4  }
0xee: {  	v7 =	vadd.f32 v7, v8;
	_ =	sdelay $0x1  }
0xef: {  	v8 =	vmul.f32 $2.000000030e-01, v7  }
0xf0: {  	vm13 =	vgt.f32 v7, $0.0e+00  }
0xf1: {  	v7 =	vsel vm13, v7, v8  }
0xf2: {  	v7 =	vmul.f32 $1.442695020e+00, v7;
	_ =	sdelay $0x1  }
0xf3: {  	(erf) = vpow2.f32 v7;
	_ =	sdelay $0x8  }
0xf4: {  	v7 =	vpop (erf)  }
0xf5: {  	[tilespmem:$0xBFB0] =	vst v7  }
0xf6: {  	v7 =	vld [tilespmem:s18+$0x1CC0];
	_ =	sdelay $0x6  }
0xf7: {  	v8 =	vld.idx.msk [tilespmem:v5+s26+$0x0], $0xffff  }
0xf8: {  	v7 =	vld.idx.msk [tilespmem:v7+s21+$0x0], $0xffff;
	_ =	sdelay $0x4  }
0xf9: {  	v7 =	vadd.f32 v7, v8;
	_ =	sdelay $0x1  }
0xfa: {  	v8 =	vmul.f32 $2.000000030e-01, v7  }
0xfb: {  	vm14 =	vgt.f32 v7, $0.0e+00  }
0xfc: {  	v7 =	vsel vm14, v7, v8  }
0xfd: {  	v7 =	vmul.f32 $1.442695020e+00, v7;
	_ =	sdelay $0x1  }
0xfe: {  	(erf) = vpow2.f32 v7;
	_ =	sdelay $0x8  }
0xff: {  	v7 =	vpop (erf)  }
0x100: {  	[tilespmem:$0xBFC0] =	vst v7  }
0x101: {  	v7 =	vld [tilespmem:s18+$0x1CD0];
	_ =	sdelay $0x6  }
0x102: {  	v8 =	vld.idx.msk [tilespmem:v6+s26+$0x0], $0xffff  }
0x103: {  	v7 =	vld.idx.msk [tilespmem:v7+s21+$0x0], $0xffff;
	_ =	sdelay $0x4  }
0x104: {  	v7 =	vadd.f32 v7, v8;
	_ =	sdelay $0x1  }
0x105: {  	v8 =	vmul.f32 $2.000000030e-01, v7  }
0x106: {  	vm15 =	vgt.f32 v7, $0.0e+00  }
0x107: {  	v7 =	vsel vm15, v7, v8  }
0x108: {  	v7 =	vmul.f32 $1.442695020e+00, v7;
	_ =	sdelay $0x1  }
0x109: {  	(erf) = vpow2.f32 v7;
	_ =	sdelay $0x6  }
0x10a: {  	s18 =	simm.s32 $0x0  }
0x10b: {  	v7 =	vmov s18  }
0x10c: {  	v8 =	vpop (erf)  }
0x10d: {  	s2 =	simm.s32 $0x8FB0;
	[tilespmem:$0xBFD0] =	vst v8  }
0x10e: {  	v9 =	vld [tilespmem:s2+$0xFFFFFFF0]  }
0x10f: {  	v11 =	vld [tilespmem:s2+$0xFFFFFFD0]  }
0x110: {  	v7 =	vld.idx.msk [tilespmem:v7+s28+$0x0], $0xffff  }
0x111: {  	v12 =	vld [tilespmem:s2+$0x30]  }
0x112: {  	v13 =	vld [tilespmem:s2+$0x20]  }
0x113: {  	v8 =	vld [tilespmem:s2+$0x0]  }
0x114: {  	v10 =	vld [tilespmem:s2+$0xFFFFFFE0]  }
0x115: {  	v14 =	vmul.f32 v11, v7;
	v11 =	vld [tilespmem:s2+$0x10]  }
0x116: {  	v12 =	vmul.f32 v12, v7  }
0x117: {  	s3 =	simm.s32 $0x1;
	s5 =	simm.s32 $0x8FB0;
	s0 =	sadd.s32 $0x1C00, s0;
	v9 =	vmul.f32 v9, v7;
	v13 =	vmul.f32 v13, v7  }
.LBB2_7:
0x118: {  	p1 =	sne.s32 s3, $0x5F  }
0x119: {  	[tilespmem:s2+$0xFFFFFFD0] =	vst v14;
	v10 =	vmul.f32 v10, v7;
	v8 =	vmul.f32 v8, v7;
	s5 =	sadd.s32 $0x80, s5;
	s6 =	smov.u32 s3;
	s3 =	sadd.s32 $0x1, s3  }
0x11a: {  	v7 =	vmul.f32 v11, v7;
	[tilespmem:s2+$0x30] =	vst v12  }
0x11b: {  	v11 =	vmov s6;
	[tilespmem:s2+$0x20] =	vst v13  }
0x11c: {  	[tilespmem:s2+$0x0] =	vst v8  }
0x11d: {  	v13 =	vld [tilespmem:s5+$0xFFFFFFF0];
	[tilespmem:s2+$0x10] =	vst v7  }
0x11e: {  	v12 =	vld [tilespmem:s5+$0xFFFFFFD0];
	[tilespmem:s2+$0xFFFFFFF0] =	vst v9  }
0x11f: {  	v8 =	vld [tilespmem:s5+$0x0];
	[tilespmem:s2+$0xFFFFFFE0] =	vst v10;
	s2 =	smov.u32 s5  }
0x120: {  	v7 =	vld.idx.msk [tilespmem:v11+s28+$0x0], $0xffff  }
0x121: {  	v9 =	vld [tilespmem:s5+$0x30]  }
0x122: {  	v15 =	vld [tilespmem:s5+$0x20]  }
.Ltmp2:
0x123: {  	v10 =	vld [tilespmem:s5+$0xFFFFFFE0];
	(pc) =	sbr.rel @p1 .LBB2_7-.Ltmp2, $3  }
0x124: {  	v11 =	vld [tilespmem:s5+$0x10];
	_ =	sdelay $0x1  }
0x125: {  	v14 =	vmul.f32 v12, v7;
	v12 =	vmul.f32 v9, v7  }
0x126: {  	v9 =	vmul.f32 v13, v7;
	v13 =	vmul.f32 v15, v7  }
0x127: {  	[tilespmem:s2+$0xFFFFFFD0] =	vst v14  }
0x128: {  	[tilespmem:s2+$0x30] =	vst v12  }
0x129: {  	v8 =	vmul.f32 v8, v7;
	[tilespmem:s2+$0x20] =	vst v13  }
0x12a: {  	v11 =	vmul.f32 v11, v7;
	[tilespmem:s2+$0xFFFFFFF0] =	vst v9  }
0x12b: {  	s31 =	sadd.s32 $0x1, s31;
	v7 =	vmul.f32 v10, v7;
	[tilespmem:s2+$0x0] =	vst v8  }
0x12c: {  	p1 =	sne.s32 s31, $0x1C;
	[tilespmem:s2+$0x10] =	vst v11  }
.Ltmp3:
0x12d: {  	[tilespmem:s2+$0xFFFFFFE0] =	vst v7;
	(pc) =	sbr.rel @p1 .LBB2_4-.Ltmp3, $4  }
0x12e: {  	[spmem:s1] =	stream.indirect.scatter.add.f32 [tilespmem:s26], [sflag:$0x3], $0x80, s0, s24, $0xb8;
	[tilespmem:$0x1FC00] =	vst v63  }
0x12f: {  	_ =	swait.ge [sflag:s20], $0x3000  }
0x130: {  	[sflag:s20] =	ssyncset.done $0x0  }
0x131: {  	[sflag:s20] =	ssyncadd.s32 $0xFFFFD000  }
0x132: {  	[bflag:$0x0] =	sbarrier.arrive $0xFFFF;
	s0 =	simm.s32 @p0 $0x1FC3  }
0x133: {  	[hbm:s16], [sflag:s0] =	dma.local @p0 [spmem:s25], $0x2080  }
0x134: {  	s0 =	simm.s32 @p0 $0x3  }
0x135: {  	s2 =	stileid.u32;
	s29 =	sadd.s32 $0x1, s29;
	_ =	swait.ge @p0 [sflag:s0], $0x2080  }
0x136: {  	s2 =	sshll.u32 @!p0 s2, $0x6;
	p1 =	sne.s32 s29, s17;
	[sflag:s0] =	ssyncset.done @p0 $0x0  }
0x137: {  	[sflag:s0] =	ssyncadd.s32 @p0 $0xFFFFDF80;
	s0 =	sor.u32 @!p0 $0x1C03, s2;
	s2 =	sshrl.u32 @!p0 s7, $0x3  }
0x138: {  	[hbm:s15], [sflag:s0] =	dma.local @!p0 [spmem:s2], $0x2780  }
.Ltmp4:
0x139: {  	_ = 	snop;
	(pc) =	sbr.rel @p1 .LBB2_1-.Ltmp4, $4  }
0x13a: {  	s0 =	simm.s32 @!p0 $0x3  }
0x13b: {  	_ =	swait.ge @!p0 [sflag:s0], $0x2780  }
0x13c: {  	[sflag:s0] =	ssyncset.done @!p0 $0x0  }
0x13d: {  	[sflag:s0] =	ssyncadd.s32 @!p0 $0xFFFFD880  }
0x13e: {  	_ =	sfence.sel $0x180000  }
0x13f: {  	[bflag:$0x0] =	sbarrier.arrive $0xFFFF  }
0x140: {  	_ =	strace $0x90000047  }
0x141: {  	s0 =	stileid.u32;
	[bflag:$0x2] =	sbarrier.arrive $0xFFFF  }
0x142: {  	p0 =	sne.s32 s0, $0x0;
	s0 =	rddreg [dreg:$0x3]  }
0x143: {  	s0 =	sadd.s32 @!p0 $0x100000, s0  }
0x144: {  	[sflag:s0] =	ssyncadd.tile.s32 @!p0 $0x1;
	_ =	shalt  }
.Lfunc_end2:
_tile_overlayer_lowered:
.L_overlay_start_2:
0x145: {  	(tag) =	ssettag $0x2  }
0x146: {  	s0 =	rddreg [dreg:$0x0];
	s2 =	stileid.u32  }
0x147: {  	s1 =	rddreg [dreg:$0x1];
	p0 =	sne.s32 s2, $0x0  }
0x148: {  	s3 =	rddreg [dreg:$0x2];
	[bflag:$0x3] =	sbarrier.arrive $0xFFFF;
	s2 =	simm.s32 @!p0 $0x1C03  }
0x149: {  	[timem:s3], [sflag:s2] =	dma.local @!p0 [hbm:s0], s1  }
0x14a: {  	s0 =	simm.s32 @!p0 $0x3  }
0x14b: {  	_ =	swait.ge @!p0 [sflag:s0], s1  }
0x14c: {  	s1 =	ssub.s32 @!p0 $0x0, s1;
	[sflag:s0] =	ssyncset.done @!p0 $0x0  }
0x14d: {  	[sflag:s0] =	ssyncadd.s32 @!p0 s1  }
0x14e: {  	[bflag:$0x3] =	sbarrier.arrive $0xFFFF  }
0x14f: {  	_ =	shalt  }

</sc_bundles>
